<compile_context>
chip_gen: v7x
topology: tpu7x:2x2x1
jax: 0.10.2.dev20260603
libtpu: 0.0.44.dev20260713+nightly
codegen_flags: <defaults>
</compile_context>

<pallas_src>
import functools

import jax
import jax.numpy as jnp
from jax import lax
from jax.experimental import pallas as pl
from jax.experimental.pallas import tpu as pltpu
from jax.experimental.pallas import tpu_sc as plsc

B = 4096
D = 64
NUM_GROUPS = 8
DRO_TEMPERATURE = 0.1

ROW_BLOCK = 1024
NUM_BLOCKS = B // ROW_BLOCK
COL_CHUNK = 512
NUM_CHUNKS = B // COL_CHUNK
LOG2E = 1.4426950408889634
LN2 = 0.6931471805599453

SC_WORKERS = 16
PER_W = B // SC_WORKERS
VECS = PER_W // 16


def _sample_loss_body(q_ref, c_ref, cd_ref, out_ref, cms_ref):
    q2 = q_ref[...] * jnp.float32(LOG2E)
    @pl.when(pl.program_id(0) == 0)
    def _():
        c_all = c_ref[...]
        cms_ref[...] = (jnp.zeros((8, 128), jnp.float32)
                        + jnp.max(jnp.sum(c_all * c_all, axis=1)))
    qnormsq = jnp.sum(q2 * q2, axis=1, keepdims=True)
    shift = jnp.sqrt(qnormsq * cms_ref[0:1, 0:1])
    acc = jnp.zeros((ROW_BLOCK, 128), jnp.float32)
    for k in range(NUM_CHUNKS):
        c = c_ref[pl.ds(k * COL_CHUNK, COL_CHUNK), :]
        s = lax.dot_general(q2, c, (((1,), (1,)), ((), ())),
                            preferred_element_type=jnp.float32)
        e = jnp.exp2(s - shift)
        acc = acc + ((e[:, 0:128] + e[:, 128:256])
                     + (e[:, 256:384] + e[:, 384:512]))
    ssum = jnp.sum(acc, axis=1)
    diag2 = jnp.sum(q2 * cd_ref[...], axis=1)
    out_ref[...] = jnp.float32(LN2) * (shift[:, 0] + jnp.log2(ssum) - diag2)


def _sample_loss(q, c):
    out = pl.pallas_call(
        _sample_loss_body,
        grid=(NUM_BLOCKS,),
        in_specs=[
            pl.BlockSpec((ROW_BLOCK, D), lambda i: (i, 0)),
            pl.BlockSpec((B, D), lambda i: (0, 0)),
            pl.BlockSpec((ROW_BLOCK, D), lambda i: (i, 0)),
        ],
        out_specs=pl.BlockSpec((ROW_BLOCK,), lambda i: (i,)),
        out_shape=jax.ShapeDtypeStruct((B,), jnp.float32),
        scratch_shapes=[pltpu.VMEM((8, 128), jnp.float32)],
    )(q, c, c)
    return out


def _dro_body(loss_hbm, gid_hbm, gw_hbm, out_hbm,
              loss_v, gid_v, stage_v, idx_v, shared, red_v, gw_v, out_v):
    cid = lax.axis_index("c")
    sid = lax.axis_index("s")

    @pl.when((cid == 0) & (sid == 0))
    def _():
        red_v[0] = jnp.zeros((16,), jnp.float32)
        red_v[1] = jnp.zeros((16,), jnp.float32)
        pltpu.sync_copy(red_v, shared)

    plsc.subcore_barrier()

    @pl.when(cid == 0)
    def _():
        base = sid * PER_W
        pltpu.sync_copy(loss_hbm.at[pl.ds(base, PER_W)], loss_v)
        pltpu.sync_copy(gid_hbm.at[pl.ds(base, PER_W)], gid_v)
        lane = lax.iota(jnp.int32, 16)
        sums = jnp.zeros((16,), jnp.float32)
        cnts = jnp.zeros((16,), jnp.float32)
        for j in range(VECS):
            v = loss_v[pl.ds(j * 16, 16)]
            g = gid_v[pl.ds(j * 16, 16)]
            for grp in range(NUM_GROUPS):
                msk = g == grp
                sums = sums + jnp.where(
                    lane == grp, jnp.sum(jnp.where(msk, v, 0.0)), 0.0)
                cnts = cnts + jnp.where(
                    lane == grp, jnp.sum(jnp.where(msk, 1.0, 0.0)), 0.0)
        stage_v[0] = sums
        idx_v[...] = jnp.zeros((16,), jnp.int32)
        pltpu.sync_copy(stage_v, shared.at[idx_v.at[pl.ds(0, 1)]], add=True)
        stage_v[0] = cnts
        idx_v[...] = jnp.zeros((16,), jnp.int32) + 1
        pltpu.sync_copy(stage_v, shared.at[idx_v.at[pl.ds(0, 1)]], add=True)

    plsc.subcore_barrier()

    @pl.when((cid == 0) & (sid == 0))
    def _():
        pltpu.sync_copy(shared, red_v)
        pltpu.sync_copy(gw_hbm, gw_v)
        glb = red_v[0] / jnp.maximum(red_v[1], 1.0)
        neww = gw_v[...] * jnp.exp(DRO_TEMPERATURE * glb)
        zero = jnp.zeros((16,), jnp.float32)
        numer = zero + jnp.sum(neww * glb)
        denom = zero + jnp.sum(neww)
        out_v[...] = numer / denom
        pltpu.sync_copy(out_v, out_hbm)


def _dro_reduce(sample_loss, gid, gw16):
    mesh = plsc.VectorSubcoreMesh(core_axis_name="c", subcore_axis_name="s")
    k = functools.partial(
        pl.kernel,
        mesh=mesh,
        compiler_params=pltpu.CompilerParams(needs_layout_passes=False),
        out_type=jax.ShapeDtypeStruct((16,), jnp.float32),
        scratch_types=[
            pltpu.VMEM((PER_W,), jnp.float32),
            pltpu.VMEM((PER_W,), jnp.int32),
            pltpu.VMEM((1, 16), jnp.float32),
            pltpu.VMEM((16,), jnp.int32),
            pltpu.VMEM_SHARED((2, 16), jnp.float32),
            pltpu.VMEM((2, 16), jnp.float32),
            pltpu.VMEM((16,), jnp.float32),
            pltpu.VMEM((16,), jnp.float32),
        ],
    )(_dro_body)
    return k(sample_loss, gid, gw16)


def kernel(query_embeddings, candidate_embeddings, group_identity,
           step_count, group_weights, group_loss):
    q = query_embeddings.astype(jnp.float32)
    c = candidate_embeddings.astype(jnp.float32)
    gid = group_identity.astype(jnp.int32)
    gw16 = jnp.concatenate(
        [group_weights.astype(jnp.float32),
         jnp.zeros((16 - NUM_GROUPS,), jnp.float32)])
    sample_loss = _sample_loss(q, c)
    out16 = _dro_reduce(sample_loss, gid, gw16)
    return out16[0]

# --- scband reference (transcript-rebuilt; emitter-appended) ---
"""Pipeline reference for scband-robust-retrieval-4698694222080 (READ-ONLY COPY).

The authoritative reference and input builder live on the scoring server;
editing this copy changes nothing except your own understanding.
"""

import jax, jax.numpy as jnp
import numpy as np

NUM_GROUPS = 8
DRO_TEMPERATURE = 0.1


def setup_inputs(seed: int = 0) -> dict:
    key = jax.random.key(seed)
    k1, k2, k3 = jax.random.split(key, 3)
    B, D = 4096, 64
    return {
        "query_embeddings": jax.random.normal(k1, (B, D), dtype=jnp.float32),
        "candidate_embeddings": jax.random.normal(k2, (B, D), dtype=jnp.float32),
        "group_identity": jax.random.randint(k3, (B,), 0, NUM_GROUPS),
        "step_count": 1,
        # non-trainable task state (Variables in the keras layer)
        "group_weights": jnp.full((NUM_GROUPS,), 1.0 / NUM_GROUPS, dtype=jnp.float32),
        "group_loss": jnp.ones((NUM_GROUPS,), dtype=jnp.float32),
    }


def reference(query_embeddings, candidate_embeddings, group_identity, step_count, group_weights, group_loss):
    # Two-tower in-batch retrieval: scores[i, j] = <q_i, c_j>; label is the diagonal.
    scores = jnp.matmul(query_embeddings, candidate_embeddings.T)  # [B, B]
    log_probs = jax.nn.log_softmax(scores, axis=-1)
    # Per-sample categorical crossentropy with identity (one-hot diagonal) labels.
    sample_loss = -jnp.diagonal(log_probs)  # [B]
    # Per-group mean loss (group_identity maps each query to one of NUM_GROUPS subgroups).
    ones = jnp.ones_like(sample_loss)
    counts = jax.ops.segment_sum(ones, group_identity, num_segments=NUM_GROUPS)
    group_loss_sum = jax.ops.segment_sum(sample_loss, group_identity, num_segments=NUM_GROUPS)
    group_loss_batch = group_loss_sum / jnp.maximum(counts, 1.0)
    # group-dro exponentiated-gradient reweighting:
    # w_g <- w_g * exp(dro_temperature * L_g), renormalized to a distribution.
    new_weights = group_weights * jnp.exp(DRO_TEMPERATURE * group_loss_batch)
    new_weights = new_weights / jnp.sum(new_weights)
    # Robust loss: weighted sum of per-group losses.
    loss = jnp.sum(jax.lax.stop_gradient(new_weights) * group_loss_batch)
    return loss

if __name__ == "__main__":
    import jax
    _d = setup_inputs()
    print(jax.jit(kernel)(*tuple(_d.values())))

</pallas_src>

<mosaic_0001>
#map = affine_map<(d0, d1) -> (0)>
module attributes {stable_mosaic.version = 14 : i64} {
  func.func @_dro_body(%arg0: i32, %arg1: i32, %arg2: memref<4096xf32, #tpu.memory_space<hbm>>, %arg3: memref<4096xi32, #tpu.memory_space<hbm>>, %arg4: memref<16xf32, #tpu.memory_space<hbm>>, %arg5: memref<16xf32, #tpu.memory_space<hbm>>, %arg6: memref<256xf32, #tpu.memory_space<vmem>>, %arg7: memref<256xi32, #tpu.memory_space<vmem>>, %arg8: memref<1x16xf32, #tpu.memory_space<vmem>>, %arg9: memref<16xi32, #tpu.memory_space<vmem>>, %arg10: memref<2x16xf32, #tpu.memory_space<vmem_shared>>, %arg11: memref<2x16xf32, #tpu.memory_space<vmem>>, %arg12: memref<16xf32, #tpu.memory_space<vmem>>, %arg13: memref<16xf32, #tpu.memory_space<vmem>>) attributes {dimension_semantics = [#tpu.dimension_semantics<core_parallel>, #tpu.dimension_semantics<subcore_parallel>], iteration_bounds = array<i64: 2, 16>, scalar_prefetch = 0 : i64, scratch_operands = 8 : i64, tpu.core_type = #tpu.core_type<sc_vector_subcore>, window_params = [{transform_indices = #map}, {transform_indices = #map}, {transform_indices = #map}, {transform_indices = #map}]} {
    %eq3A = arith.constant 0 : i32
    %eq3A_0 = arith.cmpi eq, %arg0, %eq3A : i32
    %eq3A_1 = arith.constant 0 : i32
    %eq3A_2 = arith.cmpi eq, %arg1, %eq3A_1 : i32
    %and3A = arith.andi %eq3A_0, %eq3A_2 : i1
    %convert_element_type3A = arith.extui %and3A : i1 to i32
    %cond3A = arith.constant 0 : i32
    %cond3A_3 = arith.cmpi ne, %convert_element_type3A, %cond3A : i32
    scf.if %cond3A_3 {
      %broadcast_in_dim3A = arith.constant 0.000000e+00 : f32
      %broadcast_in_dim3A_18 = vector.broadcast %broadcast_in_dim3A : f32 to vector<16xf32>
      %swap3A = arith.constant 0 : i32
      %swap3A_19 = arith.index_cast %swap3A : i32 to index
      %swap3A_20 = arith.constant 0 : index
      %swap3A_21 = tpu.vector_load %arg11[%swap3A_19, %swap3A_20] {strides = array<i32>} : memref<2x16xf32, #tpu.memory_space<vmem>>, vector<16xf32>,
      tpu.vector_store %arg11[%swap3A_19, %swap3A_20], %broadcast_in_dim3A_18 {strides = array<i32>} : memref<2x16xf32, #tpu.memory_space<vmem>>, vector<16xf32>,
      %broadcast_in_dim3A_22 = arith.constant 0.000000e+00 : f32
      %broadcast_in_dim3A_23 = vector.broadcast %broadcast_in_dim3A_22 : f32 to vector<16xf32>
      %swap3A_24 = arith.constant 1 : i32
      %swap3A_25 = arith.index_cast %swap3A_24 : i32 to index
      %swap3A_26 = arith.constant 0 : index
      %swap3A_27 = tpu.vector_load %arg11[%swap3A_25, %swap3A_26] {strides = array<i32>} : memref<2x16xf32, #tpu.memory_space<vmem>>, vector<16xf32>,
      tpu.vector_store %arg11[%swap3A_25, %swap3A_26], %broadcast_in_dim3A_23 {strides = array<i32>} : memref<2x16xf32, #tpu.memory_space<vmem>>, vector<16xf32>,
      "tpu.region"() ({
        %run_scoped3A = tpu.sem_alloc : memref<!tpu.dma_semaphore, #tpu.memory_space<semaphore_mem>>
        tpu.enqueue_dma source(%arg11 : memref<2x16xf32, #tpu.memory_space<vmem>>) target(%arg10 : memref<2x16xf32, #tpu.memory_space<vmem_shared>>) target_semaphore(%run_scoped3A : memref<!tpu.dma_semaphore, #tpu.memory_space<semaphore_mem>>)
        tpu.wait_dma2 semaphore(%run_scoped3A : memref<!tpu.dma_semaphore, #tpu.memory_space<semaphore_mem>>) src(%arg11 : memref<2x16xf32, #tpu.memory_space<vmem>>) dst(%arg10 : memref<2x16xf32, #tpu.memory_space<vmem_shared>>)
        tpu.yield
      }) : () -> ()
    } else {
    }
    %barrier3A = arith.constant 0 : index
    tpu.barrier barrier_id(%barrier3A)
    %eq3A_4 = arith.constant 0 : i32
    %eq3A_5 = arith.cmpi eq, %arg0, %eq3A_4 : i32
    %convert_element_type3A_6 = arith.extui %eq3A_5 : i1 to i32
    %cond3A_7 = arith.constant 0 : i32
    %cond3A_8 = arith.cmpi ne, %convert_element_type3A_6, %cond3A_7 : i32
    scf.if %cond3A_8 {
      %mul3A = arith.constant 256 : i32
      %mul3A_18 = arith.muli %arg1, %mul3A : i32
      "tpu.region"() ({
        %run_scoped3A = tpu.sem_alloc : memref<!tpu.dma_semaphore, #tpu.memory_space<semaphore_mem>>
        %dma_start3A = tpu.memref_slice %arg2[%mul3A_18] : memref<4096xf32, #tpu.memory_space<hbm>> -> memref<256xf32, #tpu.memory_space<hbm>>
        %dma_start3A_4579 = tpu.memref_slice %arg2[%mul3A_18] : memref<4096xf32, #tpu.memory_space<hbm>> -> memref<256xf32, #tpu.memory_space<hbm>>
        tpu.enqueue_dma source(%dma_start3A_4579 : memref<256xf32, #tpu.memory_space<hbm>>) target(%arg6 : memref<256xf32, #tpu.memory_space<vmem>>) target_semaphore(%run_scoped3A : memref<!tpu.dma_semaphore, #tpu.memory_space<semaphore_mem>>)
        %dma_wait3A = tpu.memref_slice %arg2[%mul3A_18] : memref<4096xf32, #tpu.memory_space<hbm>> -> memref<256xf32, #tpu.memory_space<hbm>>
        %dma_wait3A_4580 = tpu.memref_slice %arg2[%mul3A_18] : memref<4096xf32, #tpu.memory_space<hbm>> -> memref<256xf32, #tpu.memory_space<hbm>>
        tpu.wait_dma2 semaphore(%run_scoped3A : memref<!tpu.dma_semaphore, #tpu.memory_space<semaphore_mem>>) src(%dma_wait3A_4580 : memref<256xf32, #tpu.memory_space<hbm>>) dst(%arg6 : memref<256xf32, #tpu.memory_space<vmem>>)
        tpu.yield
      }) : () -> ()
      "tpu.region"() ({
        %run_scoped3A = tpu.sem_alloc : memref<!tpu.dma_semaphore, #tpu.memory_space<semaphore_mem>>
        %dma_start3A = tpu.memref_slice %arg3[%mul3A_18] : memref<4096xi32, #tpu.memory_space<hbm>> -> memref<256xi32, #tpu.memory_space<hbm>>
        %dma_start3A_4579 = tpu.memref_slice %arg3[%mul3A_18] : memref<4096xi32, #tpu.memory_space<hbm>> -> memref<256xi32, #tpu.memory_space<hbm>>
        tpu.enqueue_dma source(%dma_start3A_4579 : memref<256xi32, #tpu.memory_space<hbm>>) target(%arg7 : memref<256xi32, #tpu.memory_space<vmem>>) target_semaphore(%run_scoped3A : memref<!tpu.dma_semaphore, #tpu.memory_space<semaphore_mem>>)
        %dma_wait3A = tpu.memref_slice %arg3[%mul3A_18] : memref<4096xi32, #tpu.memory_space<hbm>> -> memref<256xi32, #tpu.memory_space<hbm>>
        %dma_wait3A_4580 = tpu.memref_slice %arg3[%mul3A_18] : memref<4096xi32, #tpu.memory_space<hbm>> -> memref<256xi32, #tpu.memory_space<hbm>>
        tpu.wait_dma2 semaphore(%run_scoped3A : memref<!tpu.dma_semaphore, #tpu.memory_space<semaphore_mem>>) src(%dma_wait3A_4580 : memref<256xi32, #tpu.memory_space<hbm>>) dst(%arg7 : memref<256xi32, #tpu.memory_space<vmem>>)
        tpu.yield
      }) : () -> ()
      %iota3A = tpu.iota {dimensions = array<i32: 0>} : vector<16xi32>
      %broadcast_in_dim3A = arith.constant 0.000000e+00 : f32
      %broadcast_in_dim3A_19 = vector.broadcast %broadcast_in_dim3A : f32 to vector<16xf32>
      %broadcast_in_dim3A_20 = arith.constant 0.000000e+00 : f32
      %broadcast_in_dim3A_21 = vector.broadcast %broadcast_in_dim3A_20 : f32 to vector<16xf32>
      %get3A = arith.constant 0 : index
      %get3A_22 = tpu.vector_load %arg6[%get3A] {strides = array<i32>} : memref<256xf32, #tpu.memory_space<vmem>>, vector<16xf32>,
      %get3A_23 = arith.constant 0 : index
      %get3A_24 = tpu.vector_load %arg7[%get3A_23] {strides = array<i32>} : memref<256xi32, #tpu.memory_space<vmem>>, vector<16xi32>,
      %eq3A_25 = arith.constant 0 : i32
      %eq3A_26 = vector.broadcast %eq3A_25 : i32 to vector<16xi32>
      %eq3A_27 = arith.cmpi eq, %get3A_24, %eq3A_26 : vector<16xi32>
      %eq3A_28 = arith.constant 0 : i32
      %eq3A_29 = vector.broadcast %eq3A_28 : i32 to vector<16xi32>
      %eq3A_30 = arith.cmpi eq, %iota3A, %eq3A_29 : vector<16xi32>
      %jit3A = arith.constant 0.000000e+00 : f32
      %broadcast_in_dim3A_31 = vector.broadcast %jit3A : f32 to vector<16xf32>
      %select_n3A = arith.select %eq3A_27, %get3A_22, %broadcast_in_dim3A_31 : vector<16xi1>, vector<16xf32>
      %reduce_sum3A = arith.constant true
      %reduce_sum3A_32 = vector.broadcast %reduce_sum3A : i1 to vector<16xi1>
      %reduce_sum3A_33 = tpu.scan <sum>, %select_n3A masked %reduce_sum3A_32 : vector<16xf32>, vector<16xi1> -> vector<16xf32>
      %reduce_sum3A_34 = vector.extract %reduce_sum3A_33[15] : f32 from vector<16xf32>
      %jit3A_35 = arith.constant 0.000000e+00 : f32
      %broadcast_in_dim3A_36 = vector.broadcast %reduce_sum3A_34 : f32 to vector<16xf32>
      %broadcast_in_dim3A_37 = vector.broadcast %jit3A_35 : f32 to vector<16xf32>
      %select_n3A_38 = arith.select %eq3A_30, %broadcast_in_dim3A_36, %broadcast_in_dim3A_37 : vector<16xi1>, vector<16xf32>
      %add3A = arith.addf %broadcast_in_dim3A_19, %select_n3A_38 : vector<16xf32>
      %eq3A_39 = arith.constant 0 : i32
      %eq3A_40 = vector.broadcast %eq3A_39 : i32 to vector<16xi32>
      %eq3A_41 = arith.cmpi eq, %iota3A, %eq3A_40 : vector<16xi32>
      %jit3A_42 = arith.constant 1.000000e+00 : f32
      %jit3A_43 = arith.constant 0.000000e+00 : f32
      %broadcast_in_dim3A_44 = vector.broadcast %jit3A_42 : f32 to vector<16xf32>
      %broadcast_in_dim3A_45 = vector.broadcast %jit3A_43 : f32 to vector<16xf32>
      %select_n3A_46 = arith.select %eq3A_27, %broadcast_in_dim3A_44, %broadcast_in_dim3A_45 : vector<16xi1>, vector<16xf32>
      %reduce_sum3A_47 = arith.constant true
      %reduce_sum3A_48 = vector.broadcast %reduce_sum3A_47 : i1 to vector<16xi1>
      %reduce_sum3A_49 = tpu.scan <sum>, %select_n3A_46 masked %reduce_sum3A_48 : vector<16xf32>, vector<16xi1> -> vector<16xf32>
      %reduce_sum3A_50 = vector.extract %reduce_sum3A_49[15] : f32 from vector<16xf32>
      %jit3A_51 = arith.constant 0.000000e+00 : f32
      %broadcast_in_dim3A_52 = vector.broadcast %reduce_sum3A_50 : f32 to vector<16xf32>
      %broadcast_in_dim3A_53 = vector.broadcast %jit3A_51 : f32 to vector<16xf32>
      %select_n3A_54 = arith.select %eq3A_41, %broadcast_in_dim3A_52, %broadcast_in_dim3A_53 : vector<16xi1>, vector<16xf32>
      %add3A_55 = arith.addf %broadcast_in_dim3A_21, %select_n3A_54 : vector<16xf32>
      %eq3A_56 = arith.constant 1 : i32
      %eq3A_57 = vector.broadcast %eq3A_56 : i32 to vector<16xi32>
      %eq3A_58 = arith.cmpi eq, %get3A_24, %eq3A_57 : vector<16xi32>
      %eq3A_59 = arith.constant 1 : i32
      %eq3A_60 = vector.broadcast %eq3A_59 : i32 to vector<16xi32>
      %eq3A_61 = arith.cmpi eq, %iota3A, %eq3A_60 : vector<16xi32>
      %jit3A_62 = arith.constant 0.000000e+00 : f32
      %broadcast_in_dim3A_63 = vector.broadcast %jit3A_62 : f32 to vector<16xf32>
      %select_n3A_64 = arith.select %eq3A_58, %get3A_22, %broadcast_in_dim3A_63 : vector<16xi1>, vector<16xf32>
      %reduce_sum3A_65 = arith.constant true
      %reduce_sum3A_66 = vector.broadcast %reduce_sum3A_65 : i1 to vector<16xi1>
      %reduce_sum3A_67 = tpu.scan <sum>, %select_n3A_64 masked %reduce_sum3A_66 : vector<16xf32>, vector<16xi1> -> vector<16xf32>
      %reduce_sum3A_68 = vector.extract %reduce_sum3A_67[15] : f32 from vector<16xf32>
      %jit3A_69 = arith.constant 0.000000e+00 : f32
      %broadcast_in_dim3A_70 = vector.broadcast %reduce_sum3A_68 : f32 to vector<16xf32>
      %broadcast_in_dim3A_71 = vector.broadcast %jit3A_69 : f32 to vector<16xf32>
      %select_n3A_72 = arith.select %eq3A_61, %broadcast_in_dim3A_70, %broadcast_in_dim3A_71 : vector<16xi1>, vector<16xf32>
      %add3A_73 = arith.addf %add3A, %select_n3A_72 : vector<16xf32>
      %eq3A_74 = arith.constant 1 : i32
      %eq3A_75 = vector.broadcast %eq3A_74 : i32 to vector<16xi32>
      %eq3A_76 = arith.cmpi eq, %iota3A, %eq3A_75 : vector<16xi32>
      %jit3A_77 = arith.constant 1.000000e+00 : f32
      %jit3A_78 = arith.constant 0.000000e+00 : f32
      %broadcast_in_dim3A_79 = vector.broadcast %jit3A_77 : f32 to vector<16xf32>
      %broadcast_in_dim3A_80 = vector.broadcast %jit3A_78 : f32 to vector<16xf32>
      %select_n3A_81 = arith.select %eq3A_58, %broadcast_in_dim3A_79, %broadcast_in_dim3A_80 : vector<16xi1>, vector<16xf32>
      %reduce_sum3A_82 = arith.constant true
      %reduce_sum3A_83 = vector.broadcast %reduce_sum3A_82 : i1 to vector<16xi1>
      %reduce_sum3A_84 = tpu.scan <sum>, %select_n3A_81 masked %reduce_sum3A_83 : vector<16xf32>, vector<16xi1> -> vector<16xf32>
      %reduce_sum3A_85 = vector.extract %reduce_sum3A_84[15] : f32 from vector<16xf32>
      %jit3A_86 = arith.constant 0.000000e+00 : f32
      %broadcast_in_dim3A_87 = vector.broadcast %reduce_sum3A_85 : f32 to vector<16xf32>
      %broadcast_in_dim3A_88 = vector.broadcast %jit3A_86 : f32 to vector<16xf32>
      %select_n3A_89 = arith.select %eq3A_76, %broadcast_in_dim3A_87, %broadcast_in_dim3A_88 : vector<16xi1>, vector<16xf32>
      %add3A_90 = arith.addf %add3A_55, %select_n3A_89 : vector<16xf32>
      %eq3A_91 = arith.constant 2 : i32
      %eq3A_92 = vector.broadcast %eq3A_91 : i32 to vector<16xi32>
      %eq3A_93 = arith.cmpi eq, %get3A_24, %eq3A_92 : vector<16xi32>
      %eq3A_94 = arith.constant 2 : i32
      %eq3A_95 = vector.broadcast %eq3A_94 : i32 to vector<16xi32>
      %eq3A_96 = arith.cmpi eq, %iota3A, %eq3A_95 : vector<16xi32>
      %jit3A_97 = arith.constant 0.000000e+00 : f32
      %broadcast_in_dim3A_98 = vector.broadcast %jit3A_97 : f32 to vector<16xf32>
      %select_n3A_99 = arith.select %eq3A_93, %get3A_22, %broadcast_in_dim3A_98 : vector<16xi1>, vector<16xf32>
      %reduce_sum3A_100 = arith.constant true
      %reduce_sum3A_101 = vector.broadcast %reduce_sum3A_100 : i1 to vector<16xi1>
      %reduce_sum3A_102 = tpu.scan <sum>, %select_n3A_99 masked %reduce_sum3A_101 : vector<16xf32>, vector<16xi1> -> vector<16xf32>
      %reduce_sum3A_103 = vector.extract %reduce_sum3A_102[15] : f32 from vector<16xf32>
      %jit3A_104 = arith.constant 0.000000e+00 : f32
      %broadcast_in_dim3A_105 = vector.broadcast %reduce_sum3A_103 : f32 to vector<16xf32>
      %broadcast_in_dim3A_106 = vector.broadcast %jit3A_104 : f32 to vector<16xf32>
      %select_n3A_107 = arith.select %eq3A_96, %broadcast_in_dim3A_105, %broadcast_in_dim3A_106 : vector<16xi1>, vector<16xf32>
      %add3A_108 = arith.addf %add3A_73, %select_n3A_107 : vector<16xf32>
      %eq3A_109 = arith.constant 2 : i32
      %eq3A_110 = vector.broadcast %eq3A_109 : i32 to vector<16xi32>
      %eq3A_111 = arith.cmpi eq, %iota3A, %eq3A_110 : vector<16xi32>
      %jit3A_112 = arith.constant 1.000000e+00 : f32
      %jit3A_113 = arith.constant 0.000000e+00 : f32
      %broadcast_in_dim3A_114 = vector.broadcast %jit3A_112 : f32 to vector<16xf32>
      %broadcast_in_dim3A_115 = vector.broadcast %jit3A_113 : f32 to vector<16xf32>
      %select_n3A_116 = arith.select %eq3A_93, %broadcast_in_dim3A_114, %broadcast_in_dim3A_115 : vector<16xi1>, vector<16xf32>
      %reduce_sum3A_117 = arith.constant true
      %reduce_sum3A_118 = vector.broadcast %reduce_sum3A_117 : i1 to vector<16xi1>
      %reduce_sum3A_119 = tpu.scan <sum>, %select_n3A_116 masked %reduce_sum3A_118 : vector<16xf32>, vector<16xi1> -> vector<16xf32>
      %reduce_sum3A_120 = vector.extract %reduce_sum3A_119[15] : f32 from vector<16xf32>
      %jit3A_121 = arith.constant 0.000000e+00 : f32
      %broadcast_in_dim3A_122 = vector.broadcast %reduce_sum3A_120 : f32 to vector<16xf32>
      %broadcast_in_dim3A_123 = vector.broadcast %jit3A_121 : f32 to vector<16xf32>
      %select_n3A_124 = arith.select %eq3A_111, %broadcast_in_dim3A_122, %broadcast_in_dim3A_123 : vector<16xi1>, vector<16xf32>
      %add3A_125 = arith.addf %add3A_90, %select_n3A_124 : vector<16xf32>
      %eq3A_126 = arith.constant 3 : i32
      %eq3A_127 = vector.broadcast %eq3A_126 : i32 to vector<16xi32>
      %eq3A_128 = arith.cmpi eq, %get3A_24, %eq3A_127 : vector<16xi32>
      %eq3A_129 = arith.constant 3 : i32
      %eq3A_130 = vector.broadcast %eq3A_129 : i32 to vector<16xi32>
      %eq3A_131 = arith.cmpi eq, %iota3A, %eq3A_130 : vector<16xi32>
      %jit3A_132 = arith.constant 0.000000e+00 : f32
      %broadcast_in_dim3A_133 = vector.broadcast %jit3A_132 : f32 to vector<16xf32>
      %select_n3A_134 = arith.select %eq3A_128, %get3A_22, %broadcast_in_dim3A_133 : vector<16xi1>, vector<16xf32>
      %reduce_sum3A_135 = arith.constant true
      %reduce_sum3A_136 = vector.broadcast %reduce_sum3A_135 : i1 to vector<16xi1>
      %reduce_sum3A_137 = tpu.scan <sum>, %select_n3A_134 masked %reduce_sum3A_136 : vector<16xf32>, vector<16xi1> -> vector<16xf32>
      %reduce_sum3A_138 = vector.extract %reduce_sum3A_137[15] : f32 from vector<16xf32>
      %jit3A_139 = arith.constant 0.000000e+00 : f32
      %broadcast_in_dim3A_140 = vector.broadcast %reduce_sum3A_138 : f32 to vector<16xf32>
      %broadcast_in_dim3A_141 = vector.broadcast %jit3A_139 : f32 to vector<16xf32>
      %select_n3A_142 = arith.select %eq3A_131, %broadcast_in_dim3A_140, %broadcast_in_dim3A_141 : vector<16xi1>, vector<16xf32>
      %add3A_143 = arith.addf %add3A_108, %select_n3A_142 : vector<16xf32>
      %eq3A_144 = arith.constant 3 : i32
      %eq3A_145 = vector.broadcast %eq3A_144 : i32 to vector<16xi32>
      %eq3A_146 = arith.cmpi eq, %iota3A, %eq3A_145 : vector<16xi32>
      %jit3A_147 = arith.constant 1.000000e+00 : f32
      %jit3A_148 = arith.constant 0.000000e+00 : f32
      %broadcast_in_dim3A_149 = vector.broadcast %jit3A_147 : f32 to vector<16xf32>
      %broadcast_in_dim3A_150 = vector.broadcast %jit3A_148 : f32 to vector<16xf32>
      %select_n3A_151 = arith.select %eq3A_128, %broadcast_in_dim3A_149, %broadcast_in_dim3A_150 : vector<16xi1>, vector<16xf32>
      %reduce_sum3A_152 = arith.constant true
      %reduce_sum3A_153 = vector.broadcast %reduce_sum3A_152 : i1 to vector<16xi1>
      %reduce_sum3A_154 = tpu.scan <sum>, %select_n3A_151 masked %reduce_sum3A_153 : vector<16xf32>, vector<16xi1> -> vector<16xf32>
      %reduce_sum3A_155 = vector.extract %reduce_sum3A_154[15] : f32 from vector<16xf32>
      %jit3A_156 = arith.constant 0.000000e+00 : f32
      %broadcast_in_dim3A_157 = vector.broadcast %reduce_sum3A_155 : f32 to vector<16xf32>
      %broadcast_in_dim3A_158 = vector.broadcast %jit3A_156 : f32 to vector<16xf32>
      %select_n3A_159 = arith.select %eq3A_146, %broadcast_in_dim3A_157, %broadcast_in_dim3A_158 : vector<16xi1>, vector<16xf32>
      %add3A_160 = arith.addf %add3A_125, %select_n3A_159 : vector<16xf32>
      %eq3A_161 = arith.constant 4 : i32
      %eq3A_162 = vector.broadcast %eq3A_161 : i32 to vector<16xi32>
      %eq3A_163 = arith.cmpi eq, %get3A_24, %eq3A_162 : vector<16xi32>
      %eq3A_164 = arith.constant 4 : i32
      %eq3A_165 = vector.broadcast %eq3A_164 : i32 to vector<16xi32>
      %eq3A_166 = arith.cmpi eq, %iota3A, %eq3A_165 : vector<16xi32>
      %jit3A_167 = arith.constant 0.000000e+00 : f32
      %broadcast_in_dim3A_168 = vector.broadcast %jit3A_167 : f32 to vector<16xf32>
      %select_n3A_169 = arith.select %eq3A_163, %get3A_22, %broadcast_in_dim3A_168 : vector<16xi1>, vector<16xf32>
      %reduce_sum3A_170 = arith.constant true
      %reduce_sum3A_171 = vector.broadcast %reduce_sum3A_170 : i1 to vector<16xi1>
      %reduce_sum3A_172 = tpu.scan <sum>, %select_n3A_169 masked %reduce_sum3A_171 : vector<16xf32>, vector<16xi1> -> vector<16xf32>
      %reduce_sum3A_173 = vector.extract %reduce_sum3A_172[15] : f32 from vector<16xf32>
      %jit3A_174 = arith.constant 0.000000e+00 : f32
      %broadcast_in_dim3A_175 = vector.broadcast %reduce_sum3A_173 : f32 to vector<16xf32>
      %broadcast_in_dim3A_176 = vector.broadcast %jit3A_174 : f32 to vector<16xf32>
      %select_n3A_177 = arith.select %eq3A_166, %broadcast_in_dim3A_175, %broadcast_in_dim3A_176 : vector<16xi1>, vector<16xf32>
      %add3A_178 = arith.addf %add3A_143, %select_n3A_177 : vector<16xf32>
      %eq3A_179 = arith.constant 4 : i32
      %eq3A_180 = vector.broadcast %eq3A_179 : i32 to vector<16xi32>
      %eq3A_181 = arith.cmpi eq, %iota3A, %eq3A_180 : vector<16xi32>
      %jit3A_182 = arith.constant 1.000000e+00 : f32
      %jit3A_183 = arith.constant 0.000000e+00 : f32
      %broadcast_in_dim3A_184 = vector.broadcast %jit3A_182 : f32 to vector<16xf32>
      %broadcast_in_dim3A_185 = vector.broadcast %jit3A_183 : f32 to vector<16xf32>
      %select_n3A_186 = arith.select %eq3A_163, %broadcast_in_dim3A_184, %broadcast_in_dim3A_185 : vector<16xi1>, vector<16xf32>
      %reduce_sum3A_187 = arith.constant true
      %reduce_sum3A_188 = vector.broadcast %reduce_sum3A_187 : i1 to vector<16xi1>
      %reduce_sum3A_189 = tpu.scan <sum>, %select_n3A_186 masked %reduce_sum3A_188 : vector<16xf32>, vector<16xi1> -> vector<16xf32>
      %reduce_sum3A_190 = vector.extract %reduce_sum3A_189[15] : f32 from vector<16xf32>
      %jit3A_191 = arith.constant 0.000000e+00 : f32
      %broadcast_in_dim3A_192 = vector.broadcast %reduce_sum3A_190 : f32 to vector<16xf32>
      %broadcast_in_dim3A_193 = vector.broadcast %jit3A_191 : f32 to vector<16xf32>
      %select_n3A_194 = arith.select %eq3A_181, %broadcast_in_dim3A_192, %broadcast_in_dim3A_193 : vector<16xi1>, vector<16xf32>
      %add3A_195 = arith.addf %add3A_160, %select_n3A_194 : vector<16xf32>
      %eq3A_196 = arith.constant 5 : i32
      %eq3A_197 = vector.broadcast %eq3A_196 : i32 to vector<16xi32>
      %eq3A_198 = arith.cmpi eq, %get3A_24, %eq3A_197 : vector<16xi32>
      %eq3A_199 = arith.constant 5 : i32
      %eq3A_200 = vector.broadcast %eq3A_199 : i32 to vector<16xi32>
      %eq3A_201 = arith.cmpi eq, %iota3A, %eq3A_200 : vector<16xi32>
      %jit3A_202 = arith.constant 0.000000e+00 : f32
      %broadcast_in_dim3A_203 = vector.broadcast %jit3A_202 : f32 to vector<16xf32>
      %select_n3A_204 = arith.select %eq3A_198, %get3A_22, %broadcast_in_dim3A_203 : vector<16xi1>, vector<16xf32>
      %reduce_sum3A_205 = arith.constant true
      %reduce_sum3A_206 = vector.broadcast %reduce_sum3A_205 : i1 to vector<16xi1>
      %reduce_sum3A_207 = tpu.scan <sum>, %select_n3A_204 masked %reduce_sum3A_206 : vector<16xf32>, vector<16xi1> -> vector<16xf32>
      %reduce_sum3A_208 = vector.extract %reduce_sum3A_207[15] : f32 from vector<16xf32>
      %jit3A_209 = arith.constant 0.000000e+00 : f32
      %broadcast_in_dim3A_210 = vector.broadcast %reduce_sum3A_208 : f32 to vector<16xf32>
      %broadcast_in_dim3A_211 = vector.broadcast %jit3A_209 : f32 to vector<16xf32>
      %select_n3A_212 = arith.select %eq3A_201, %broadcast_in_dim3A_210, %broadcast_in_dim3A_211 : vector<16xi1>, vector<16xf32>
      %add3A_213 = arith.addf %add3A_178, %select_n3A_212 : vector<16xf32>
      %eq3A_214 = arith.constant 5 : i32
      %eq3A_215 = vector.broadcast %eq3A_214 : i32 to vector<16xi32>
      %eq3A_216 = arith.cmpi eq, %iota3A, %eq3A_215 : vector<16xi32>
      %jit3A_217 = arith.constant 1.000000e+00 : f32
      %jit3A_218 = arith.constant 0.000000e+00 : f32
      %broadcast_in_dim3A_219 = vector.broadcast %jit3A_217 : f32 to vector<16xf32>
      %broadcast_in_dim3A_220 = vector.broadcast %jit3A_218 : f32 to vector<16xf32>
      %select_n3A_221 = arith.select %eq3A_198, %broadcast_in_dim3A_219, %broadcast_in_dim3A_220 : vector<16xi1>, vector<16xf32>
      %reduce_sum3A_222 = arith.constant true
      %reduce_sum3A_223 = vector.broadcast %reduce_sum3A_222 : i1 to vector<16xi1>
      %reduce_sum3A_224 = tpu.scan <sum>, %select_n3A_221 masked %reduce_sum3A_223 : vector<16xf32>, vector<16xi1> -> vector<16xf32>
      %reduce_sum3A_225 = vector.extract %reduce_sum3A_224[15] : f32 from vector<16xf32>
      %jit3A_226 = arith.constant 0.000000e+00 : f32
      %broadcast_in_dim3A_227 = vector.broadcast %reduce_sum3A_225 : f32 to vector<16xf32>
      %broadcast_in_dim3A_228 = vector.broadcast %jit3A_226 : f32 to vector<16xf32>
      %select_n3A_229 = arith.select %eq3A_216, %broadcast_in_dim3A_227, %broadcast_in_dim3A_228 : vector<16xi1>, vector<16xf32>
      %add3A_230 = arith.addf %add3A_195, %select_n3A_229 : vector<16xf32>
      %eq3A_231 = arith.constant 6 : i32
      %eq3A_232 = vector.broadcast %eq3A_231 : i32 to vector<16xi32>
      %eq3A_233 = arith.cmpi eq, %get3A_24, %eq3A_232 : vector<16xi32>
      %eq3A_234 = arith.constant 6 : i32
      %eq3A_235 = vector.broadcast %eq3A_234 : i32 to vector<16xi32>
      %eq3A_236 = arith.cmpi eq, %iota3A, %eq3A_235 : vector<16xi32>
      %jit3A_237 = arith.constant 0.000000e+00 : f32
      %broadcast_in_dim3A_238 = vector.broadcast %jit3A_237 : f32 to vector<16xf32>
      %select_n3A_239 = arith.select %eq3A_233, %get3A_22, %broadcast_in_dim3A_238 : vector<16xi1>, vector<16xf32>
      %reduce_sum3A_240 = arith.constant true
      %reduce_sum3A_241 = vector.broadcast %reduce_sum3A_240 : i1 to vector<16xi1>
      %reduce_sum3A_242 = tpu.scan <sum>, %select_n3A_239 masked %reduce_sum3A_241 : vector<16xf32>, vector<16xi1> -> vector<16xf32>
      %reduce_sum3A_243 = vector.extract %reduce_sum3A_242[15] : f32 from vector<16xf32>
      %jit3A_244 = arith.constant 0.000000e+00 : f32
      %broadcast_in_dim3A_245 = vector.broadcast %reduce_sum3A_243 : f32 to vector<16xf32>
      %broadcast_in_dim3A_246 = vector.broadcast %jit3A_244 : f32 to vector<16xf32>
      %select_n3A_247 = arith.select %eq3A_236, %broadcast_in_dim3A_245, %broadcast_in_dim3A_246 : vector<16xi1>, vector<16xf32>
      %add3A_248 = arith.addf %add3A_213, %select_n3A_247 : vector<16xf32>
      %eq3A_249 = arith.constant 6 : i32
      %eq3A_250 = vector.broadcast %eq3A_249 : i32 to vector<16xi32>
      %eq3A_251 = arith.cmpi eq, %iota3A, %eq3A_250 : vector<16xi32>
      %jit3A_252 = arith.constant 1.000000e+00 : f32
      %jit3A_253 = arith.constant 0.000000e+00 : f32
      %broadcast_in_dim3A_254 = vector.broadcast %jit3A_252 : f32 to vector<16xf32>
      %broadcast_in_dim3A_255 = vector.broadcast %jit3A_253 : f32 to vector<16xf32>
      %select_n3A_256 = arith.select %eq3A_233, %broadcast_in_dim3A_254, %broadcast_in_dim3A_255 : vector<16xi1>, vector<16xf32>
      %reduce_sum3A_257 = arith.constant true
      %reduce_sum3A_258 = vector.broadcast %reduce_sum3A_257 : i1 to vector<16xi1>
      %reduce_sum3A_259 = tpu.scan <sum>, %select_n3A_256 masked %reduce_sum3A_258 : vector<16xf32>, vector<16xi1> -> vector<16xf32>
      %reduce_sum3A_260 = vector.extract %reduce_sum3A_259[15] : f32 from vector<16xf32>
      %jit3A_261 = arith.constant 0.000000e+00 : f32
      %broadcast_in_dim3A_262 = vector.broadcast %reduce_sum3A_260 : f32 to vector<16xf32>
      %broadcast_in_dim3A_263 = vector.broadcast %jit3A_261 : f32 to vector<16xf32>
      %select_n3A_264 = arith.select %eq3A_251, %broadcast_in_dim3A_262, %broadcast_in_dim3A_263 : vector<16xi1>, vector<16xf32>
      %add3A_265 = arith.addf %add3A_230, %select_n3A_264 : vector<16xf32>
      %eq3A_266 = arith.constant 7 : i32
      %eq3A_267 = vector.broadcast %eq3A_266 : i32 to vector<16xi32>
      %eq3A_268 = arith.cmpi eq, %get3A_24, %eq3A_267 : vector<16xi32>
      %eq3A_269 = arith.constant 7 : i32
      %eq3A_270 = vector.broadcast %eq3A_269 : i32 to vector<16xi32>
      %eq3A_271 = arith.cmpi eq, %iota3A, %eq3A_270 : vector<16xi32>
      %jit3A_272 = arith.constant 0.000000e+00 : f32
      %broadcast_in_dim3A_273 = vector.broadcast %jit3A_272 : f32 to vector<16xf32>
      %select_n3A_274 = arith.select %eq3A_268, %get3A_22, %broadcast_in_dim3A_273 : vector<16xi1>, vector<16xf32>
      %reduce_sum3A_275 = arith.constant true
      %reduce_sum3A_276 = vector.broadcast %reduce_sum3A_275 : i1 to vector<16xi1>
      %reduce_sum3A_277 = tpu.scan <sum>, %select_n3A_274 masked %reduce_sum3A_276 : vector<16xf32>, vector<16xi1> -> vector<16xf32>
      %reduce_sum3A_278 = vector.extract %reduce_sum3A_277[15] : f32 from vector<16xf32>
      %jit3A_279 = arith.constant 0.000000e+00 : f32
      %broadcast_in_dim3A_280 = vector.broadcast %reduce_sum3A_278 : f32 to vector<16xf32>
      %broadcast_in_dim3A_281 = vector.broadcast %jit3A_279 : f32 to vector<16xf32>
      %select_n3A_282 = arith.select %eq3A_271, %broadcast_in_dim3A_280, %broadcast_in_dim3A_281 : vector<16xi1>, vector<16xf32>
      %add3A_283 = arith.addf %add3A_248, %select_n3A_282 : vector<16xf32>
      %eq3A_284 = arith.constant 7 : i32
      %eq3A_285 = vector.broadcast %eq3A_284 : i32 to vector<16xi32>
      %eq3A_286 = arith.cmpi eq, %iota3A, %eq3A_285 : vector<16xi32>
      %jit3A_287 = arith.constant 1.000000e+00 : f32
      %jit3A_288 = arith.constant 0.000000e+00 : f32
      %broadcast_in_dim3A_289 = vector.broadcast %jit3A_287 : f32 to vector<16xf32>
      %broadcast_in_dim3A_290 = vector.broadcast %jit3A_288 : f32 to vector<16xf32>
      %select_n3A_291 = arith.select %eq3A_268, %broadcast_in_dim3A_289, %broadcast_in_dim3A_290 : vector<16xi1>, vector<16xf32>
      %reduce_sum3A_292 = arith.constant true
      %reduce_sum3A_293 = vector.broadcast %reduce_sum3A_292 : i1 to vector<16xi1>
      %reduce_sum3A_294 = tpu.scan <sum>, %select_n3A_291 masked %reduce_sum3A_293 : vector<16xf32>, vector<16xi1> -> vector<16xf32>
      %reduce_sum3A_295 = vector.extract %reduce_sum3A_294[15] : f32 from vector<16xf32>
      %jit3A_296 = arith.constant 0.000000e+00 : f32
      %broadcast_in_dim3A_297 = vector.broadcast %reduce_sum3A_295 : f32 to vector<16xf32>
      %broadcast_in_dim3A_298 = vector.broadcast %jit3A_296 : f32 to vector<16xf32>
      %select_n3A_299 = arith.select %eq3A_286, %broadcast_in_dim3A_297, %broadcast_in_dim3A_298 : vector<16xi1>, vector<16xf32>
      %add3A_300 = arith.addf %add3A_265, %select_n3A_299 : vector<16xf32>
      %get3A_301 = arith.constant 16 : index
      %get3A_302 = tpu.vector_load %arg6[%get3A_301] {strides = array<i32>} : memref<256xf32, #tpu.memory_space<vmem>>, vector<16xf32>,
      %get3A_303 = arith.constant 16 : index
      %get3A_304 = tpu.vector_load %arg7[%get3A_303] {strides = array<i32>} : memref<256xi32, #tpu.memory_space<vmem>>, vector<16xi32>,
      %eq3A_305 = arith.constant 0 : i32
      %eq3A_306 = vector.broadcast %eq3A_305 : i32 to vector<16xi32>
      %eq3A_307 = arith.cmpi eq, %get3A_304, %eq3A_306 : vector<16xi32>
      %eq3A_308 = arith.constant 0 : i32
      %eq3A_309 = vector.broadcast %eq3A_308 : i32 to vector<16xi32>
      %eq3A_310 = arith.cmpi eq, %iota3A, %eq3A_309 : vector<16xi32>
      %jit3A_311 = arith.constant 0.000000e+00 : f32
      %broadcast_in_dim3A_312 = vector.broadcast %jit3A_311 : f32 to vector<16xf32>
      %select_n3A_313 = arith.select %eq3A_307, %get3A_302, %broadcast_in_dim3A_312 : vector<16xi1>, vector<16xf32>
      %reduce_sum3A_314 = arith.constant true
      %reduce_sum3A_315 = vector.broadcast %reduce_sum3A_314 : i1 to vector<16xi1>
      %reduce_sum3A_316 = tpu.scan <sum>, %select_n3A_313 masked %reduce_sum3A_315 : vector<16xf32>, vector<16xi1> -> vector<16xf32>
      %reduce_sum3A_317 = vector.extract %reduce_sum3A_316[15] : f32 from vector<16xf32>
      %jit3A_318 = arith.constant 0.000000e+00 : f32
      %broadcast_in_dim3A_319 = vector.broadcast %reduce_sum3A_317 : f32 to vector<16xf32>
      %broadcast_in_dim3A_320 = vector.broadcast %jit3A_318 : f32 to vector<16xf32>
      %select_n3A_321 = arith.select %eq3A_310, %broadcast_in_dim3A_319, %broadcast_in_dim3A_320 : vector<16xi1>, vector<16xf32>
      %add3A_322 = arith.addf %add3A_283, %select_n3A_321 : vector<16xf32>
      %eq3A_323 = arith.constant 0 : i32
      %eq3A_324 = vector.broadcast %eq3A_323 : i32 to vector<16xi32>
      %eq3A_325 = arith.cmpi eq, %iota3A, %eq3A_324 : vector<16xi32>
      %jit3A_326 = arith.constant 1.000000e+00 : f32
      %jit3A_327 = arith.constant 0.000000e+00 : f32
      %broadcast_in_dim3A_328 = vector.broadcast %jit3A_326 : f32 to vector<16xf32>
      %broadcast_in_dim3A_329 = vector.broadcast %jit3A_327 : f32 to vector<16xf32>
      %select_n3A_330 = arith.select %eq3A_307, %broadcast_in_dim3A_328, %broadcast_in_dim3A_329 : vector<16xi1>, vector<16xf32>
      %reduce_sum3A_331 = arith.constant true
      %reduce_sum3A_332 = vector.broadcast %reduce_sum3A_331 : i1 to vector<16xi1>
      %reduce_sum3A_333 = tpu.scan <sum>, %select_n3A_330 masked %reduce_sum3A_332 : vector<16xf32>, vector<16xi1> -> vector<16xf32>
      %reduce_sum3A_334 = vector.extract %reduce_sum3A_333[15] : f32 from vector<16xf32>
      %jit3A_335 = arith.constant 0.000000e+00 : f32
      %broadcast_in_dim3A_336 = vector.broadcast %reduce_sum3A_334 : f32 to vector<16xf32>
      %broadcast_in_dim3A_337 = vector.broadcast %jit3A_335 : f32 to vector<16xf32>
      %select_n3A_338 = arith.select %eq3A_325, %broadcast_in_dim3A_336, %broadcast_in_dim3A_337 : vector<16xi1>, vector<16xf32>
      %add3A_339 = arith.addf %add3A_300, %select_n3A_338 : vector<16xf32>
      %eq3A_340 = arith.constant 1 : i32
      %eq3A_341 = vector.broadcast %eq3A_340 : i32 to vector<16xi32>
      %eq3A_342 = arith.cmpi eq, %get3A_304, %eq3A_341 : vector<16xi32>
      %eq3A_343 = arith.constant 1 : i32
      %eq3A_344 = vector.broadcast %eq3A_343 : i32 to vector<16xi32>
      %eq3A_345 = arith.cmpi eq, %iota3A, %eq3A_344 : vector<16xi32>
      %jit3A_346 = arith.constant 0.000000e+00 : f32
      %broadcast_in_dim3A_347 = vector.broadcast %jit3A_346 : f32 to vector<16xf32>
      %select_n3A_348 = arith.select %eq3A_342, %get3A_302, %broadcast_in_dim3A_347 : vector<16xi1>, vector<16xf32>
      %reduce_sum3A_349 = arith.constant true
      %reduce_sum3A_350 = vector.broadcast %reduce_sum3A_349 : i1 to vector<16xi1>
      %reduce_sum3A_351 = tpu.scan <sum>, %select_n3A_348 masked %reduce_sum3A_350 : vector<16xf32>, vector<16xi1> -> vector<16xf32>
      %reduce_sum3A_352 = vector.extract %reduce_sum3A_351[15] : f32 from vector<16xf32>
      %jit3A_353 = arith.constant 0.000000e+00 : f32
      %broadcast_in_dim3A_354 = vector.broadcast %reduce_sum3A_352 : f32 to vector<16xf32>
      %broadcast_in_dim3A_355 = vector.broadcast %jit3A_353 : f32 to vector<16xf32>
      %select_n3A_356 = arith.select %eq3A_345, %broadcast_in_dim3A_354, %broadcast_in_dim3A_355 : vector<16xi1>, vector<16xf32>
      %add3A_357 = arith.addf %add3A_322, %select_n3A_356 : vector<16xf32>
      %eq3A_358 = arith.constant 1 : i32
      %eq3A_359 = vector.broadcast %eq3A_358 : i32 to vector<16xi32>
      %eq3A_360 = arith.cmpi eq, %iota3A, %eq3A_359 : vector<16xi32>
      %jit3A_361 = arith.constant 1.000000e+00 : f32
      %jit3A_362 = arith.constant 0.000000e+00 : f32
      %broadcast_in_dim3A_363 = vector.broadcast %jit3A_361 : f32 to vector<16xf32>
      %broadcast_in_dim3A_364 = vector.broadcast %jit3A_362 : f32 to vector<16xf32>
      %select_n3A_365 = arith.select %eq3A_342, %broadcast_in_dim3A_363, %broadcast_in_dim3A_364 : vector<16xi1>, vector<16xf32>
      %reduce_sum3A_366 = arith.constant true
      %reduce_sum3A_367 = vector.broadcast %reduce_sum3A_366 : i1 to vector<16xi1>
      %reduce_sum3A_368 = tpu.scan <sum>, %select_n3A_365 masked %reduce_sum3A_367 : vector<16xf32>, vector<16xi1> -> vector<16xf32>
      %reduce_sum3A_369 = vector.extract %reduce_sum3A_368[15] : f32 from vector<16xf32>
      %jit3A_370 = arith.constant 0.000000e+00 : f32
      %broadcast_in_dim3A_371 = vector.broadcast %reduce_sum3A_369 : f32 to vector<16xf32>
      %broadcast_in_dim3A_372 = vector.broadcast %jit3A_370 : f32 to vector<16xf32>
      %select_n3A_373 = arith.select %eq3A_360, %broadcast_in_dim3A_371, %broadcast_in_dim3A_372 : vector<16xi1>, vector<16xf32>
      %add3A_374 = arith.addf %add3A_339, %select_n3A_373 : vector<16xf32>
      %eq3A_375 = arith.constant 2 : i32
      %eq3A_376 = vector.broadcast %eq3A_375 : i32 to vector<16xi32>
      %eq3A_377 = arith.cmpi eq, %get3A_304, %eq3A_376 : vector<16xi32>
      %eq3A_378 = arith.constant 2 : i32
      %eq3A_379 = vector.broadcast %eq3A_378 : i32 to vector<16xi32>
      %eq3A_380 = arith.cmpi eq, %iota3A, %eq3A_379 : vector<16xi32>
      %jit3A_381 = arith.constant 0.000000e+00 : f32
      %broadcast_in_dim3A_382 = vector.broadcast %jit3A_381 : f32 to vector<16xf32>
      %select_n3A_383 = arith.select %eq3A_377, %get3A_302, %broadcast_in_dim3A_382 : vector<16xi1>, vector<16xf32>
      %reduce_sum3A_384 = arith.constant true
      %reduce_sum3A_385 = vector.broadcast %reduce_sum3A_384 : i1 to vector<16xi1>
      %reduce_sum3A_386 = tpu.scan <sum>, %select_n3A_383 masked %reduce_sum3A_385 : vector<16xf32>, vector<16xi1> -> vector<16xf32>
      %reduce_sum3A_387 = vector.extract %reduce_sum3A_386[15] : f32 from vector<16xf32>
      %jit3A_388 = arith.constant 0.000000e+00 : f32
      %broadcast_in_dim3A_389 = vector.broadcast %reduce_sum3A_387 : f32 to vector<16xf32>
      %broadcast_in_dim3A_390 = vector.broadcast %jit3A_388 : f32 to vector<16xf32>
      %select_n3A_391 = arith.select %eq3A_380, %broadcast_in_dim3A_389, %broadcast_in_dim3A_390 : vector<16xi1>, vector<16xf32>
      %add3A_392 = arith.addf %add3A_357, %select_n3A_391 : vector<16xf32>
      %eq3A_393 = arith.constant 2 : i32
      %eq3A_394 = vector.broadcast %eq3A_393 : i32 to vector<16xi32>
      %eq3A_395 = arith.cmpi eq, %iota3A, %eq3A_394 : vector<16xi32>
      %jit3A_396 = arith.constant 1.000000e+00 : f32
      %jit3A_397 = arith.constant 0.000000e+00 : f32
      %broadcast_in_dim3A_398 = vector.broadcast %jit3A_396 : f32 to vector<16xf32>
      %broadcast_in_dim3A_399 = vector.broadcast %jit3A_397 : f32 to vector<16xf32>
      %select_n3A_400 = arith.select %eq3A_377, %broadcast_in_dim3A_398, %broadcast_in_dim3A_399 : vector<16xi1>, vector<16xf32>
      %reduce_sum3A_401 = arith.constant true
      %reduce_sum3A_402 = vector.broadcast %reduce_sum3A_401 : i1 to vector<16xi1>
      %reduce_sum3A_403 = tpu.scan <sum>, %select_n3A_400 masked %reduce_sum3A_402 : vector<16xf32>, vector<16xi1> -> vector<16xf32>
      %reduce_sum3A_404 = vector.extract %reduce_sum3A_403[15] : f32 from vector<16xf32>
      %jit3A_405 = arith.constant 0.000000e+00 : f32
      %broadcast_in_dim3A_406 = vector.broadcast %reduce_sum3A_404 : f32 to vector<16xf32>
      %broadcast_in_dim3A_407 = vector.broadcast %jit3A_405 : f32 to vector<16xf32>
      %select_n3A_408 = arith.select %eq3A_395, %broadcast_in_dim3A_406, %broadcast_in_dim3A_407 : vector<16xi1>, vector<16xf32>
      %add3A_409 = arith.addf %add3A_374, %select_n3A_408 : vector<16xf32>
      %eq3A_410 = arith.constant 3 : i32
      %eq3A_411 = vector.broadcast %eq3A_410 : i32 to vector<16xi32>
      %eq3A_412 = arith.cmpi eq, %get3A_304, %eq3A_411 : vector<16xi32>
      %eq3A_413 = arith.constant 3 : i32
      %eq3A_414 = vector.broadcast %eq3A_413 : i32 to vector<16xi32>
      %eq3A_415 = arith.cmpi eq, %iota3A, %eq3A_414 : vector<16xi32>
      %jit3A_416 = arith.constant 0.000000e+00 : f32
      %broadcast_in_dim3A_417 = vector.broadcast %jit3A_416 : f32 to vector<16xf32>
      %select_n3A_418 = arith.select %eq3A_412, %get3A_302, %broadcast_in_dim3A_417 : vector<16xi1>, vector<16xf32>
      %reduce_sum3A_419 = arith.constant true
      %reduce_sum3A_420 = vector.broadcast %reduce_sum3A_419 : i1 to vector<16xi1>
      %reduce_sum3A_421 = tpu.scan <sum>, %select_n3A_418 masked %reduce_sum3A_420 : vector<16xf32>, vector<16xi1> -> vector<16xf32>
      %reduce_sum3A_422 = vector.extract %reduce_sum3A_421[15] : f32 from vector<16xf32>
      %jit3A_423 = arith.constant 0.000000e+00 : f32
      %broadcast_in_dim3A_424 = vector.broadcast %reduce_sum3A_422 : f32 to vector<16xf32>
      %broadcast_in_dim3A_425 = vector.broadcast %jit3A_423 : f32 to vector<16xf32>
      %select_n3A_426 = arith.select %eq3A_415, %broadcast_in_dim3A_424, %broadcast_in_dim3A_425 : vector<16xi1>, vector<16xf32>
      %add3A_427 = arith.addf %add3A_392, %select_n3A_426 : vector<16xf32>
      %eq3A_428 = arith.constant 3 : i32
      %eq3A_429 = vector.broadcast %eq3A_428 : i32 to vector<16xi32>
      %eq3A_430 = arith.cmpi eq, %iota3A, %eq3A_429 : vector<16xi32>
      %jit3A_431 = arith.constant 1.000000e+00 : f32
      %jit3A_432 = arith.constant 0.000000e+00 : f32
      %broadcast_in_dim3A_433 = vector.broadcast %jit3A_431 : f32 to vector<16xf32>
      %broadcast_in_dim3A_434 = vector.broadcast %jit3A_432 : f32 to vector<16xf32>
      %select_n3A_435 = arith.select %eq3A_412, %broadcast_in_dim3A_433, %broadcast_in_dim3A_434 : vector<16xi1>, vector<16xf32>
      %reduce_sum3A_436 = arith.constant true
      %reduce_sum3A_437 = vector.broadcast %reduce_sum3A_436 : i1 to vector<16xi1>
      %reduce_sum3A_438 = tpu.scan <sum>, %select_n3A_435 masked %reduce_sum3A_437 : vector<16xf32>, vector<16xi1> -> vector<16xf32>
      %reduce_sum3A_439 = vector.extract %reduce_sum3A_438[15] : f32 from vector<16xf32>
      %jit3A_440 = arith.constant 0.000000e+00 : f32
      %broadcast_in_dim3A_441 = vector.broadcast %reduce_sum3A_439 : f32 to vector<16xf32>
      %broadcast_in_dim3A_442 = vector.broadcast %jit3A_440 : f32 to vector<16xf32>
      %select_n3A_443 = arith.select %eq3A_430, %broadcast_in_dim3A_441, %broadcast_in_dim3A_442 : vector<16xi1>, vector<16xf32>
      %add3A_444 = arith.addf %add3A_409, %select_n3A_443 : vector<16xf32>
      %eq3A_445 = arith.constant 4 : i32
      %eq3A_446 = vector.broadcast %eq3A_445 : i32 to vector<16xi32>
      %eq3A_447 = arith.cmpi eq, %get3A_304, %eq3A_446 : vector<16xi32>
      %eq3A_448 = arith.constant 4 : i32
      %eq3A_449 = vector.broadcast %eq3A_448 : i32 to vector<16xi32>
      %eq3A_450 = arith.cmpi eq, %iota3A, %eq3A_449 : vector<16xi32>
      %jit3A_451 = arith.constant 0.000000e+00 : f32
      %broadcast_in_dim3A_452 = vector.broadcast %jit3A_451 : f32 to vector<16xf32>
      %select_n3A_453 = arith.select %eq3A_447, %get3A_302, %broadcast_in_dim3A_452 : vector<16xi1>, vector<16xf32>
      %reduce_sum3A_454 = arith.constant true
      %reduce_sum3A_455 = vector.broadcast %reduce_sum3A_454 : i1 to vector<16xi1>
      %reduce_sum3A_456 = tpu.scan <sum>, %select_n3A_453 masked %reduce_sum3A_455 : vector<16xf32>, vector<16xi1> -> vector<16xf32>
      %reduce_sum3A_457 = vector.extract %reduce_sum3A_456[15] : f32 from vector<16xf32>
      %jit3A_458 = arith.constant 0.000000e+00 : f32
      %broadcast_in_dim3A_459 = vector.broadcast %reduce_sum3A_457 : f32 to vector<16xf32>
      %broadcast_in_dim3A_460 = vector.broadcast %jit3A_458 : f32 to vector<16xf32>
      %select_n3A_461 = arith.select %eq3A_450, %broadcast_in_dim3A_459, %broadcast_in_dim3A_460 : vector<16xi1>, vector<16xf32>
      %add3A_462 = arith.addf %add3A_427, %select_n3A_461 : vector<16xf32>
      %eq3A_463 = arith.constant 4 : i32
      %eq3A_464 = vector.broadcast %eq3A_463 : i32 to vector<16xi32>
      %eq3A_465 = arith.cmpi eq, %iota3A, %eq3A_464 : vector<16xi32>
      %jit3A_466 = arith.constant 1.000000e+00 : f32
      %jit3A_467 = arith.constant 0.000000e+00 : f32
      %broadcast_in_dim3A_468 = vector.broadcast %jit3A_466 : f32 to vector<16xf32>
      %broadcast_in_dim3A_469 = vector.broadcast %jit3A_467 : f32 to vector<16xf32>
      %select_n3A_470 = arith.select %eq3A_447, %broadcast_in_dim3A_468, %broadcast_in_dim3A_469 : vector<16xi1>, vector<16xf32>
      %reduce_sum3A_471 = arith.constant true
      %reduce_sum3A_472 = vector.broadcast %reduce_sum3A_471 : i1 to vector<16xi1>
      %reduce_sum3A_473 = tpu.scan <sum>, %select_n3A_470 masked %reduce_sum3A_472 : vector<16xf32>, vector<16xi1> -> vector<16xf32>
      %reduce_sum3A_474 = vector.extract %reduce_sum3A_473[15] : f32 from vector<16xf32>
      %jit3A_475 = arith.constant 0.000000e+00 : f32
      %broadcast_in_dim3A_476 = vector.broadcast %reduce_sum3A_474 : f32 to vector<16xf32>
      %broadcast_in_dim3A_477 = vector.broadcast %jit3A_475 : f32 to vector<16xf32>
      %select_n3A_478 = arith.select %eq3A_465, %broadcast_in_dim3A_476, %broadcast_in_dim3A_477 : vector<16xi1>, vector<16xf32>
      %add3A_479 = arith.addf %add3A_444, %select_n3A_478 : vector<16xf32>
      %eq3A_480 = arith.constant 5 : i32
      %eq3A_481 = vector.broadcast %eq3A_480 : i32 to vector<16xi32>
      %eq3A_482 = arith.cmpi eq, %get3A_304, %eq3A_481 : vector<16xi32>
      %eq3A_483 = arith.constant 5 : i32
      %eq3A_484 = vector.broadcast %eq3A_483 : i32 to vector<16xi32>
      %eq3A_485 = arith.cmpi eq, %iota3A, %eq3A_484 : vector<16xi32>
      %jit3A_486 = arith.constant 0.000000e+00 : f32
      %broadcast_in_dim3A_487 = vector.broadcast %jit3A_486 : f32 to vector<16xf32>
      %select_n3A_488 = arith.select %eq3A_482, %get3A_302, %broadcast_in_dim3A_487 : vector<16xi1>, vector<16xf32>
      %reduce_sum3A_489 = arith.constant true
      %reduce_sum3A_490 = vector.broadcast %reduce_sum3A_489 : i1 to vector<16xi1>
      %reduce_sum3A_491 = tpu.scan <sum>, %select_n3A_488 masked %reduce_sum3A_490 : vector<16xf32>, vector<16xi1> -> vector<16xf32>
      %reduce_sum3A_492 = vector.extract %reduce_sum3A_491[15] : f32 from vector<16xf32>
      %jit3A_493 = arith.constant 0.000000e+00 : f32
      %broadcast_in_dim3A_494 = vector.broadcast %reduce_sum3A_492 : f32 to vector<16xf32>
      %broadcast_in_dim3A_495 = vector.broadcast %jit3A_493 : f32 to vector<16xf32>
      %select_n3A_496 = arith.select %eq3A_485, %broadcast_in_dim3A_494, %broadcast_in_dim3A_495 : vector<16xi1>, vector<16xf32>
      %add3A_497 = arith.addf %add3A_462, %select_n3A_496 : vector<16xf32>
      %eq3A_498 = arith.constant 5 : i32
      %eq3A_499 = vector.broadcast %eq3A_498 : i32 to vector<16xi32>
      %eq3A_500 = arith.cmpi eq, %iota3A, %eq3A_499 : vector<16xi32>
      %jit3A_501 = arith.constant 1.000000e+00 : f32
      %jit3A_502 = arith.constant 0.000000e+00 : f32
      %broadcast_in_dim3A_503 = vector.broadcast %jit3A_501 : f32 to vector<16xf32>
      %broadcast_in_dim3A_504 = vector.broadcast %jit3A_502 : f32 to vector<16xf32>
      %select_n3A_505 = arith.select %eq3A_482, %broadcast_in_dim3A_503, %broadcast_in_dim3A_504 : vector<16xi1>, vector<16xf32>
      %reduce_sum3A_506 = arith.constant true
      %reduce_sum3A_507 = vector.broadcast %reduce_sum3A_506 : i1 to vector<16xi1>
      %reduce_sum3A_508 = tpu.scan <sum>, %select_n3A_505 masked %reduce_sum3A_507 : vector<16xf32>, vector<16xi1> -> vector<16xf32>
      %reduce_sum3A_509 = vector.extract %reduce_sum3A_508[15] : f32 from vector<16xf32>
      %jit3A_510 = arith.constant 0.000000e+00 : f32
      %broadcast_in_dim3A_511 = vector.broadcast %reduce_sum3A_509 : f32 to vector<16xf32>
      %broadcast_in_dim3A_512 = vector.broadcast %jit3A_510 : f32 to vector<16xf32>
      %select_n3A_513 = arith.select %eq3A_500, %broadcast_in_dim3A_511, %broadcast_in_dim3A_512 : vector<16xi1>, vector<16xf32>
      %add3A_514 = arith.addf %add3A_479, %select_n3A_513 : vector<16xf32>
      %eq3A_515 = arith.constant 6 : i32
      %eq3A_516 = vector.broadcast %eq3A_515 : i32 to vector<16xi32>
      %eq3A_517 = arith.cmpi eq, %get3A_304, %eq3A_516 : vector<16xi32>
      %eq3A_518 = arith.constant 6 : i32
      %eq3A_519 = vector.broadcast %eq3A_518 : i32 to vector<16xi32>
      %eq3A_520 = arith.cmpi eq, %iota3A, %eq3A_519 : vector<16xi32>
      %jit3A_521 = arith.constant 0.000000e+00 : f32
      %broadcast_in_dim3A_522 = vector.broadcast %jit3A_521 : f32 to vector<16xf32>
      %select_n3A_523 = arith.select %eq3A_517, %get3A_302, %broadcast_in_dim3A_522 : vector<16xi1>, vector<16xf32>
      %reduce_sum3A_524 = arith.constant true
      %reduce_sum3A_525 = vector.broadcast %reduce_sum3A_524 : i1 to vector<16xi1>
      %reduce_sum3A_526 = tpu.scan <sum>, %select_n3A_523 masked %reduce_sum3A_525 : vector<16xf32>, vector<16xi1> -> vector<16xf32>
      %reduce_sum3A_527 = vector.extract %reduce_sum3A_526[15] : f32 from vector<16xf32>
      %jit3A_528 = arith.constant 0.000000e+00 : f32
      %broadcast_in_dim3A_529 = vector.broadcast %reduce_sum3A_527 : f32 to vector<16xf32>
      %broadcast_in_dim3A_530 = vector.broadcast %jit3A_528 : f32 to vector<16xf32>
      %select_n3A_531 = arith.select %eq3A_520, %broadcast_in_dim3A_529, %broadcast_in_dim3A_530 : vector<16xi1>, vector<16xf32>
      %add3A_532 = arith.addf %add3A_497, %select_n3A_531 : vector<16xf32>
      %eq3A_533 = arith.constant 6 : i32
      %eq3A_534 = vector.broadcast %eq3A_533 : i32 to vector<16xi32>
      %eq3A_535 = arith.cmpi eq, %iota3A, %eq3A_534 : vector<16xi32>
      %jit3A_536 = arith.constant 1.000000e+00 : f32
      %jit3A_537 = arith.constant 0.000000e+00 : f32
      %broadcast_in_dim3A_538 = vector.broadcast %jit3A_536 : f32 to vector<16xf32>
      %broadcast_in_dim3A_539 = vector.broadcast %jit3A_537 : f32 to vector<16xf32>
      %select_n3A_540 = arith.select %eq3A_517, %broadcast_in_dim3A_538, %broadcast_in_dim3A_539 : vector<16xi1>, vector<16xf32>
      %reduce_sum3A_541 = arith.constant true
      %reduce_sum3A_542 = vector.broadcast %reduce_sum3A_541 : i1 to vector<16xi1>
      %reduce_sum3A_543 = tpu.scan <sum>, %select_n3A_540 masked %reduce_sum3A_542 : vector<16xf32>, vector<16xi1> -> vector<16xf32>
      %reduce_sum3A_544 = vector.extract %reduce_sum3A_543[15] : f32 from vector<16xf32>
      %jit3A_545 = arith.constant 0.000000e+00 : f32
      %broadcast_in_dim3A_546 = vector.broadcast %reduce_sum3A_544 : f32 to vector<16xf32>
      %broadcast_in_dim3A_547 = vector.broadcast %jit3A_545 : f32 to vector<16xf32>
      %select_n3A_548 = arith.select %eq3A_535, %broadcast_in_dim3A_546, %broadcast_in_dim3A_547 : vector<16xi1>, vector<16xf32>
      %add3A_549 = arith.addf %add3A_514, %select_n3A_548 : vector<16xf32>
      %eq3A_550 = arith.constant 7 : i32
      %eq3A_551 = vector.broadcast %eq3A_550 : i32 to vector<16xi32>
      %eq3A_552 = arith.cmpi eq, %get3A_304, %eq3A_551 : vector<16xi32>
      %eq3A_553 = arith.constant 7 : i32
      %eq3A_554 = vector.broadcast %eq3A_553 : i32 to vector<16xi32>
      %eq3A_555 = arith.cmpi eq, %iota3A, %eq3A_554 : vector<16xi32>
      %jit3A_556 = arith.constant 0.000000e+00 : f32
      %broadcast_in_dim3A_557 = vector.broadcast %jit3A_556 : f32 to vector<16xf32>
      %select_n3A_558 = arith.select %eq3A_552, %get3A_302, %broadcast_in_dim3A_557 : vector<16xi1>, vector<16xf32>
      %reduce_sum3A_559 = arith.constant true
      %reduce_sum3A_560 = vector.broadcast %reduce_sum3A_559 : i1 to vector<16xi1>
      %reduce_sum3A_561 = tpu.scan <sum>, %select_n3A_558 masked %reduce_sum3A_560 : vector<16xf32>, vector<16xi1> -> vector<16xf32>
      %reduce_sum3A_562 = vector.extract %reduce_sum3A_561[15] : f32 from vector<16xf32>
      %jit3A_563 = arith.constant 0.000000e+00 : f32
      %broadcast_in_dim3A_564 = vector.broadcast %reduce_sum3A_562 : f32 to vector<16xf32>
      %broadcast_in_dim3A_565 = vector.broadcast %jit3A_563 : f32 to vector<16xf32>
      %select_n3A_566 = arith.select %eq3A_555, %broadcast_in_dim3A_564, %broadcast_in_dim3A_565 : vector<16xi1>, vector<16xf32>
      %add3A_567 = arith.addf %add3A_532, %select_n3A_566 : vector<16xf32>
      %eq3A_568 = arith.constant 7 : i32
      %eq3A_569 = vector.broadcast %eq3A_568 : i32 to vector<16xi32>
      %eq3A_570 = arith.cmpi eq, %iota3A, %eq3A_569 : vector<16xi32>
      %jit3A_571 = arith.constant 1.000000e+00 : f32
      %jit3A_572 = arith.constant 0.000000e+00 : f32
      %broadcast_in_dim3A_573 = vector.broadcast %jit3A_571 : f32 to vector<16xf32>
      %broadcast_in_dim3A_574 = vector.broadcast %jit3A_572 : f32 to vector<16xf32>
      %select_n3A_575 = arith.select %eq3A_552, %broadcast_in_dim3A_573, %broadcast_in_dim3A_574 : vector<16xi1>, vector<16xf32>
      %reduce_sum3A_576 = arith.constant true
      %reduce_sum3A_577 = vector.broadcast %reduce_sum3A_576 : i1 to vector<16xi1>
      %reduce_sum3A_578 = tpu.scan <sum>, %select_n3A_575 masked %reduce_sum3A_577 : vector<16xf32>, vector<16xi1> -> vector<16xf32>
      %reduce_sum3A_579 = vector.extract %reduce_sum3A_578[15] : f32 from vector<16xf32>
      %jit3A_580 = arith.constant 0.000000e+00 : f32
      %broadcast_in_dim3A_581 = vector.broadcast %reduce_sum3A_579 : f32 to vector<16xf32>
      %broadcast_in_dim3A_582 = vector.broadcast %jit3A_580 : f32 to vector<16xf32>
      %select_n3A_583 = arith.select %eq3A_570, %broadcast_in_dim3A_581, %broadcast_in_dim3A_582 : vector<16xi1>, vector<16xf32>
      %add3A_584 = arith.addf %add3A_549, %select_n3A_583 : vector<16xf32>
      %get3A_585 = arith.constant 32 : index
      %get3A_586 = tpu.vector_load %arg6[%get3A_585] {strides = array<i32>} : memref<256xf32, #tpu.memory_space<vmem>>, vector<16xf32>,
      %get3A_587 = arith.constant 32 : index
      %get3A_588 = tpu.vector_load %arg7[%get3A_587] {strides = array<i32>} : memref<256xi32, #tpu.memory_space<vmem>>, vector<16xi32>,
      %eq3A_589 = arith.constant 0 : i32
      %eq3A_590 = vector.broadcast %eq3A_589 : i32 to vector<16xi32>
      %eq3A_591 = arith.cmpi eq, %get3A_588, %eq3A_590 : vector<16xi32>
      %eq3A_592 = arith.constant 0 : i32
      %eq3A_593 = vector.broadcast %eq3A_592 : i32 to vector<16xi32>
      %eq3A_594 = arith.cmpi eq, %iota3A, %eq3A_593 : vector<16xi32>
      %jit3A_595 = arith.constant 0.000000e+00 : f32
      %broadcast_in_dim3A_596 = vector.broadcast %jit3A_595 : f32 to vector<16xf32>
      %select_n3A_597 = arith.select %eq3A_591, %get3A_586, %broadcast_in_dim3A_596 : vector<16xi1>, vector<16xf32>
      %reduce_sum3A_598 = arith.constant true
      %reduce_sum3A_599 = vector.broadcast %reduce_sum3A_598 : i1 to vector<16xi1>
      %reduce_sum3A_600 = tpu.scan <sum>, %select_n3A_597 masked %reduce_sum3A_599 : vector<16xf32>, vector<16xi1> -> vector<16xf32>
      %reduce_sum3A_601 = vector.extract %reduce_sum3A_600[15] : f32 from vector<16xf32>
      %jit3A_602 = arith.constant 0.000000e+00 : f32
      %broadcast_in_dim3A_603 = vector.broadcast %reduce_sum3A_601 : f32 to vector<16xf32>
      %broadcast_in_dim3A_604 = vector.broadcast %jit3A_602 : f32 to vector<16xf32>
      %select_n3A_605 = arith.select %eq3A_594, %broadcast_in_dim3A_603, %broadcast_in_dim3A_604 : vector<16xi1>, vector<16xf32>
      %add3A_606 = arith.addf %add3A_567, %select_n3A_605 : vector<16xf32>
      %eq3A_607 = arith.constant 0 : i32
      %eq3A_608 = vector.broadcast %eq3A_607 : i32 to vector<16xi32>
      %eq3A_609 = arith.cmpi eq, %iota3A, %eq3A_608 : vector<16xi32>
      %jit3A_610 = arith.constant 1.000000e+00 : f32
      %jit3A_611 = arith.constant 0.000000e+00 : f32
      %broadcast_in_dim3A_612 = vector.broadcast %jit3A_610 : f32 to vector<16xf32>
      %broadcast_in_dim3A_613 = vector.broadcast %jit3A_611 : f32 to vector<16xf32>
      %select_n3A_614 = arith.select %eq3A_591, %broadcast_in_dim3A_612, %broadcast_in_dim3A_613 : vector<16xi1>, vector<16xf32>
      %reduce_sum3A_615 = arith.constant true
      %reduce_sum3A_616 = vector.broadcast %reduce_sum3A_615 : i1 to vector<16xi1>
      %reduce_sum3A_617 = tpu.scan <sum>, %select_n3A_614 masked %reduce_sum3A_616 : vector<16xf32>, vector<16xi1> -> vector<16xf32>
      %reduce_sum3A_618 = vector.extract %reduce_sum3A_617[15] : f32 from vector<16xf32>
      %jit3A_619 = arith.constant 0.000000e+00 : f32
      %broadcast_in_dim3A_620 = vector.broadcast %reduce_sum3A_618 : f32 to vector<16xf32>
      %broadcast_in_dim3A_621 = vector.broadcast %jit3A_619 : f32 to vector<16xf32>
      %select_n3A_622 = arith.select %eq3A_609, %broadcast_in_dim3A_620, %broadcast_in_dim3A_621 : vector<16xi1>, vector<16xf32>
      %add3A_623 = arith.addf %add3A_584, %select_n3A_622 : vector<16xf32>
      %eq3A_624 = arith.constant 1 : i32
      %eq3A_625 = vector.broadcast %eq3A_624 : i32 to vector<16xi32>
      %eq3A_626 = arith.cmpi eq, %get3A_588, %eq3A_625 : vector<16xi32>
      %eq3A_627 = arith.constant 1 : i32
      %eq3A_628 = vector.broadcast %eq3A_627 : i32 to vector<16xi32>
      %eq3A_629 = arith.cmpi eq, %iota3A, %eq3A_628 : vector<16xi32>
      %jit3A_630 = arith.constant 0.000000e+00 : f32
      %broadcast_in_dim3A_631 = vector.broadcast %jit3A_630 : f32 to vector<16xf32>
      %select_n3A_632 = arith.select %eq3A_626, %get3A_586, %broadcast_in_dim3A_631 : vector<16xi1>, vector<16xf32>
      %reduce_sum3A_633 = arith.constant true
      %reduce_sum3A_634 = vector.broadcast %reduce_sum3A_633 : i1 to vector<16xi1>
      %reduce_sum3A_635 = tpu.scan <sum>, %select_n3A_632 masked %reduce_sum3A_634 : vector<16xf32>, vector<16xi1> -> vector<16xf32>
      %reduce_sum3A_636 = vector.extract %reduce_sum3A_635[15] : f32 from vector<16xf32>
      %jit3A_637 = arith.constant 0.000000e+00 : f32
      %broadcast_in_dim3A_638 = vector.broadcast %reduce_sum3A_636 : f32 to vector<16xf32>
      %broadcast_in_dim3A_639 = vector.broadcast %jit3A_637 : f32 to vector<16xf32>
      %select_n3A_640 = arith.select %eq3A_629, %broadcast_in_dim3A_638, %broadcast_in_dim3A_639 : vector<16xi1>, vector<16xf32>
      %add3A_641 = arith.addf %add3A_606, %select_n3A_640 : vector<16xf32>
      %eq3A_642 = arith.constant 1 : i32
      %eq3A_643 = vector.broadcast %eq3A_642 : i32 to vector<16xi32>
      %eq3A_644 = arith.cmpi eq, %iota3A, %eq3A_643 : vector<16xi32>
      %jit3A_645 = arith.constant 1.000000e+00 : f32
      %jit3A_646 = arith.constant 0.000000e+00 : f32
      %broadcast_in_dim3A_647 = vector.broadcast %jit3A_645 : f32 to vector<16xf32>
      %broadcast_in_dim3A_648 = vector.broadcast %jit3A_646 : f32 to vector<16xf32>
      %select_n3A_649 = arith.select %eq3A_626, %broadcast_in_dim3A_647, %broadcast_in_dim3A_648 : vector<16xi1>, vector<16xf32>
      %reduce_sum3A_650 = arith.constant true
      %reduce_sum3A_651 = vector.broadcast %reduce_sum3A_650 : i1 to vector<16xi1>
      %reduce_sum3A_652 = tpu.scan <sum>, %select_n3A_649 masked %reduce_sum3A_651 : vector<16xf32>, vector<16xi1> -> vector<16xf32>
      %reduce_sum3A_653 = vector.extract %reduce_sum3A_652[15] : f32 from vector<16xf32>
      %jit3A_654 = arith.constant 0.000000e+00 : f32
      %broadcast_in_dim3A_655 = vector.broadcast %reduce_sum3A_653 : f32 to vector<16xf32>
      %broadcast_in_dim3A_656 = vector.broadcast %jit3A_654 : f32 to vector<16xf32>
      %select_n3A_657 = arith.select %eq3A_644, %broadcast_in_dim3A_655, %broadcast_in_dim3A_656 : vector<16xi1>, vector<16xf32>
      %add3A_658 = arith.addf %add3A_623, %select_n3A_657 : vector<16xf32>
      %eq3A_659 = arith.constant 2 : i32
      %eq3A_660 = vector.broadcast %eq3A_659 : i32 to vector<16xi32>
      %eq3A_661 = arith.cmpi eq, %get3A_588, %eq3A_660 : vector<16xi32>
      %eq3A_662 = arith.constant 2 : i32
      %eq3A_663 = vector.broadcast %eq3A_662 : i32 to vector<16xi32>
      %eq3A_664 = arith.cmpi eq, %iota3A, %eq3A_663 : vector<16xi32>
      %jit3A_665 = arith.constant 0.000000e+00 : f32
      %broadcast_in_dim3A_666 = vector.broadcast %jit3A_665 : f32 to vector<16xf32>
      %select_n3A_667 = arith.select %eq3A_661, %get3A_586, %broadcast_in_dim3A_666 : vector<16xi1>, vector<16xf32>
      %reduce_sum3A_668 = arith.constant true
      %reduce_sum3A_669 = vector.broadcast %reduce_sum3A_668 : i1 to vector<16xi1>
      %reduce_sum3A_670 = tpu.scan <sum>, %select_n3A_667 masked %reduce_sum3A_669 : vector<16xf32>, vector<16xi1> -> vector<16xf32>
      %reduce_sum3A_671 = vector.extract %reduce_sum3A_670[15] : f32 from vector<16xf32>
      %jit3A_672 = arith.constant 0.000000e+00 : f32
      %broadcast_in_dim3A_673 = vector.broadcast %reduce_sum3A_671 : f32 to vector<16xf32>
      %broadcast_in_dim3A_674 = vector.broadcast %jit3A_672 : f32 to vector<16xf32>
      %select_n3A_675 = arith.select %eq3A_664, %broadcast_in_dim3A_673, %broadcast_in_dim3A_674 : vector<16xi1>, vector<16xf32>
      %add3A_676 = arith.addf %add3A_641, %select_n3A_675 : vector<16xf32>
      %eq3A_677 = arith.constant 2 : i32
      %eq3A_678 = vector.broadcast %eq3A_677 : i32 to vector<16xi32>
      %eq3A_679 = arith.cmpi eq, %iota3A, %eq3A_678 : vector<16xi32>
      %jit3A_680 = arith.constant 1.000000e+00 : f32
      %jit3A_681 = arith.constant 0.000000e+00 : f32
      %broadcast_in_dim3A_682 = vector.broadcast %jit3A_680 : f32 to vector<16xf32>
      %broadcast_in_dim3A_683 = vector.broadcast %jit3A_681 : f32 to vector<16xf32>
      %select_n3A_684 = arith.select %eq3A_661, %broadcast_in_dim3A_682, %broadcast_in_dim3A_683 : vector<16xi1>, vector<16xf32>
      %reduce_sum3A_685 = arith.constant true
      %reduce_sum3A_686 = vector.broadcast %reduce_sum3A_685 : i1 to vector<16xi1>
      %reduce_sum3A_687 = tpu.scan <sum>, %select_n3A_684 masked %reduce_sum3A_686 : vector<16xf32>, vector<16xi1> -> vector<16xf32>
      %reduce_sum3A_688 = vector.extract %reduce_sum3A_687[15] : f32 from vector<16xf32>
      %jit3A_689 = arith.constant 0.000000e+00 : f32
      %broadcast_in_dim3A_690 = vector.broadcast %reduce_sum3A_688 : f32 to vector<16xf32>
      %broadcast_in_dim3A_691 = vector.broadcast %jit3A_689 : f32 to vector<16xf32>
      %select_n3A_692 = arith.select %eq3A_679, %broadcast_in_dim3A_690, %broadcast_in_dim3A_691 : vector<16xi1>, vector<16xf32>
      %add3A_693 = arith.addf %add3A_658, %select_n3A_692 : vector<16xf32>
      %eq3A_694 = arith.constant 3 : i32
      %eq3A_695 = vector.broadcast %eq3A_694 : i32 to vector<16xi32>
      %eq3A_696 = arith.cmpi eq, %get3A_588, %eq3A_695 : vector<16xi32>
      %eq3A_697 = arith.constant 3 : i32
      %eq3A_698 = vector.broadcast %eq3A_697 : i32 to vector<16xi32>
      %eq3A_699 = arith.cmpi eq, %iota3A, %eq3A_698 : vector<16xi32>
      %jit3A_700 = arith.constant 0.000000e+00 : f32
      %broadcast_in_dim3A_701 = vector.broadcast %jit3A_700 : f32 to vector<16xf32>
      %select_n3A_702 = arith.select %eq3A_696, %get3A_586, %broadcast_in_dim3A_701 : vector<16xi1>, vector<16xf32>
      %reduce_sum3A_703 = arith.constant true
      %reduce_sum3A_704 = vector.broadcast %reduce_sum3A_703 : i1 to vector<16xi1>
      %reduce_sum3A_705 = tpu.scan <sum>, %select_n3A_702 masked %reduce_sum3A_704 : vector<16xf32>, vector<16xi1> -> vector<16xf32>
      %reduce_sum3A_706 = vector.extract %reduce_sum3A_705[15] : f32 from vector<16xf32>
      %jit3A_707 = arith.constant 0.000000e+00 : f32
      %broadcast_in_dim3A_708 = vector.broadcast %reduce_sum3A_706 : f32 to vector<16xf32>
      %broadcast_in_dim3A_709 = vector.broadcast %jit3A_707 : f32 to vector<16xf32>
      %select_n3A_710 = arith.select %eq3A_699, %broadcast_in_dim3A_708, %broadcast_in_dim3A_709 : vector<16xi1>, vector<16xf32>
      %add3A_711 = arith.addf %add3A_676, %select_n3A_710 : vector<16xf32>
      %eq3A_712 = arith.constant 3 : i32
      %eq3A_713 = vector.broadcast %eq3A_712 : i32 to vector<16xi32>
      %eq3A_714 = arith.cmpi eq, %iota3A, %eq3A_713 : vector<16xi32>
      %jit3A_715 = arith.constant 1.000000e+00 : f32
      %jit3A_716 = arith.constant 0.000000e+00 : f32
      %broadcast_in_dim3A_717 = vector.broadcast %jit3A_715 : f32 to vector<16xf32>
      %broadcast_in_dim3A_718 = vector.broadcast %jit3A_716 : f32 to vector<16xf32>
      %select_n3A_719 = arith.select %eq3A_696, %broadcast_in_dim3A_717, %broadcast_in_dim3A_718 : vector<16xi1>, vector<16xf32>
      %reduce_sum3A_720 = arith.constant true
      %reduce_sum3A_721 = vector.broadcast %reduce_sum3A_720 : i1 to vector<16xi1>
      %reduce_sum3A_722 = tpu.scan <sum>, %select_n3A_719 masked %reduce_sum3A_721 : vector<16xf32>, vector<16xi1> -> vector<16xf32>
      %reduce_sum3A_723 = vector.extract %reduce_sum3A_722[15] : f32 from vector<16xf32>
      %jit3A_724 = arith.constant 0.000000e+00 : f32
      %broadcast_in_dim3A_725 = vector.broadcast %reduce_sum3A_723 : f32 to vector<16xf32>
      %broadcast_in_dim3A_726 = vector.broadcast %jit3A_724 : f32 to vector<16xf32>
      %select_n3A_727 = arith.select %eq3A_714, %broadcast_in_dim3A_725, %broadcast_in_dim3A_726 : vector<16xi1>, vector<16xf32>
      %add3A_728 = arith.addf %add3A_693, %select_n3A_727 : vector<16xf32>
      %eq3A_729 = arith.constant 4 : i32
      %eq3A_730 = vector.broadcast %eq3A_729 : i32 to vector<16xi32>
      %eq3A_731 = arith.cmpi eq, %get3A_588, %eq3A_730 : vector<16xi32>
      %eq3A_732 = arith.constant 4 : i32
      %eq3A_733 = vector.broadcast %eq3A_732 : i32 to vector<16xi32>
      %eq3A_734 = arith.cmpi eq, %iota3A, %eq3A_733 : vector<16xi32>
      %jit3A_735 = arith.constant 0.000000e+00 : f32
      %broadcast_in_dim3A_736 = vector.broadcast %jit3A_735 : f32 to vector<16xf32>
      %select_n3A_737 = arith.select %eq3A_731, %get3A_586, %broadcast_in_dim3A_736 : vector<16xi1>, vector<16xf32>
      %reduce_sum3A_738 = arith.constant true
      %reduce_sum3A_739 = vector.broadcast %reduce_sum3A_738 : i1 to vector<16xi1>
      %reduce_sum3A_740 = tpu.scan <sum>, %select_n3A_737 masked %reduce_sum3A_739 : vector<16xf32>, vector<16xi1> -> vector<16xf32>
      %reduce_sum3A_741 = vector.extract %reduce_sum3A_740[15] : f32 from vector<16xf32>
      %jit3A_742 = arith.constant 0.000000e+00 : f32
      %broadcast_in_dim3A_743 = vector.broadcast %reduce_sum3A_741 : f32 to vector<16xf32>
      %broadcast_in_dim3A_744 = vector.broadcast %jit3A_742 : f32 to vector<16xf32>
      %select_n3A_745 = arith.select %eq3A_734, %broadcast_in_dim3A_743, %broadcast_in_dim3A_744 : vector<16xi1>, vector<16xf32>
      %add3A_746 = arith.addf %add3A_711, %select_n3A_745 : vector<16xf32>
      %eq3A_747 = arith.constant 4 : i32
      %eq3A_748 = vector.broadcast %eq3A_747 : i32 to vector<16xi32>
      %eq3A_749 = arith.cmpi eq, %iota3A, %eq3A_748 : vector<16xi32>
      %jit3A_750 = arith.constant 1.000000e+00 : f32
      %jit3A_751 = arith.constant 0.000000e+00 : f32
      %broadcast_in_dim3A_752 = vector.broadcast %jit3A_750 : f32 to vector<16xf32>
      %broadcast_in_dim3A_753 = vector.broadcast %jit3A_751 : f32 to vector<16xf32>
      %select_n3A_754 = arith.select %eq3A_731, %broadcast_in_dim3A_752, %broadcast_in_dim3A_753 : vector<16xi1>, vector<16xf32>
      %reduce_sum3A_755 = arith.constant true
      %reduce_sum3A_756 = vector.broadcast %reduce_sum3A_755 : i1 to vector<16xi1>
      %reduce_sum3A_757 = tpu.scan <sum>, %select_n3A_754 masked %reduce_sum3A_756 : vector<16xf32>, vector<16xi1> -> vector<16xf32>
      %reduce_sum3A_758 = vector.extract %reduce_sum3A_757[15] : f32 from vector<16xf32>
      %jit3A_759 = arith.constant 0.000000e+00 : f32
      %broadcast_in_dim3A_760 = vector.broadcast %reduce_sum3A_758 : f32 to vector<16xf32>
      %broadcast_in_dim3A_761 = vector.broadcast %jit3A_759 : f32 to vector<16xf32>
      %select_n3A_762 = arith.select %eq3A_749, %broadcast_in_dim3A_760, %broadcast_in_dim3A_761 : vector<16xi1>, vector<16xf32>
      %add3A_763 = arith.addf %add3A_728, %select_n3A_762 : vector<16xf32>
      %eq3A_764 = arith.constant 5 : i32
      %eq3A_765 = vector.broadcast %eq3A_764 : i32 to vector<16xi32>
      %eq3A_766 = arith.cmpi eq, %get3A_588, %eq3A_765 : vector<16xi32>
      %eq3A_767 = arith.constant 5 : i32
      %eq3A_768 = vector.broadcast %eq3A_767 : i32 to vector<16xi32>
      %eq3A_769 = arith.cmpi eq, %iota3A, %eq3A_768 : vector<16xi32>
      %jit3A_770 = arith.constant 0.000000e+00 : f32
      %broadcast_in_dim3A_771 = vector.broadcast %jit3A_770 : f32 to vector<16xf32>
      %select_n3A_772 = arith.select %eq3A_766, %get3A_586, %broadcast_in_dim3A_771 : vector<16xi1>, vector<16xf32>
      %reduce_sum3A_773 = arith.constant true
      %reduce_sum3A_774 = vector.broadcast %reduce_sum3A_773 : i1 to vector<16xi1>
      %reduce_sum3A_775 = tpu.scan <sum>, %select_n3A_772 masked %reduce_sum3A_774 : vector<16xf32>, vector<16xi1> -> vector<16xf32>
      %reduce_sum3A_776 = vector.extract %reduce_sum3A_775[15] : f32 from vector<16xf32>
      %jit3A_777 = arith.constant 0.000000e+00 : f32
      %broadcast_in_dim3A_778 = vector.broadcast %reduce_sum3A_776 : f32 to vector<16xf32>
      %broadcast_in_dim3A_779 = vector.broadcast %jit3A_777 : f32 to vector<16xf32>
      %select_n3A_780 = arith.select %eq3A_769, %broadcast_in_dim3A_778, %broadcast_in_dim3A_779 : vector<16xi1>, vector<16xf32>
      %add3A_781 = arith.addf %add3A_746, %select_n3A_780 : vector<16xf32>
      %eq3A_782 = arith.constant 5 : i32
      %eq3A_783 = vector.broadcast %eq3A_782 : i32 to vector<16xi32>
      %eq3A_784 = arith.cmpi eq, %iota3A, %eq3A_783 : vector<16xi32>
      %jit3A_785 = arith.constant 1.000000e+00 : f32
      %jit3A_786 = arith.constant 0.000000e+00 : f32
      %broadcast_in_dim3A_787 = vector.broadcast %jit3A_785 : f32 to vector<16xf32>
      %broadcast_in_dim3A_788 = vector.broadcast %jit3A_786 : f32 to vector<16xf32>
      %select_n3A_789 = arith.select %eq3A_766, %broadcast_in_dim3A_787, %broadcast_in_dim3A_788 : vector<16xi1>, vector<16xf32>
      %reduce_sum3A_790 = arith.constant true
      %reduce_sum3A_791 = vector.broadcast %reduce_sum3A_790 : i1 to vector<16xi1>
      %reduce_sum3A_792 = tpu.scan <sum>, %select_n3A_789 masked %reduce_sum3A_791 : vector<16xf32>, vector<16xi1> -> vector<16xf32>
      %reduce_sum3A_793 = vector.extract %reduce_sum3A_792[15] : f32 from vector<16xf32>
      %jit3A_794 = arith.constant 0.000000e+00 : f32
      %broadcast_in_dim3A_795 = vector.broadcast %reduce_sum3A_793 : f32 to vector<16xf32>
      %broadcast_in_dim3A_796 = vector.broadcast %jit3A_794 : f32 to vector<16xf32>
      %select_n3A_797 = arith.select %eq3A_784, %broadcast_in_dim3A_795, %broadcast_in_dim3A_796 : vector<16xi1>, vector<16xf32>
      %add3A_798 = arith.addf %add3A_763, %select_n3A_797 : vector<16xf32>
      %eq3A_799 = arith.constant 6 : i32
      %eq3A_800 = vector.broadcast %eq3A_799 : i32 to vector<16xi32>
      %eq3A_801 = arith.cmpi eq, %get3A_588, %eq3A_800 : vector<16xi32>
      %eq3A_802 = arith.constant 6 : i32
      %eq3A_803 = vector.broadcast %eq3A_802 : i32 to vector<16xi32>
      %eq3A_804 = arith.cmpi eq, %iota3A, %eq3A_803 : vector<16xi32>
      %jit3A_805 = arith.constant 0.000000e+00 : f32
      %broadcast_in_dim3A_806 = vector.broadcast %jit3A_805 : f32 to vector<16xf32>
      %select_n3A_807 = arith.select %eq3A_801, %get3A_586, %broadcast_in_dim3A_806 : vector<16xi1>, vector<16xf32>
      %reduce_sum3A_808 = arith.constant true
      %reduce_sum3A_809 = vector.broadcast %reduce_sum3A_808 : i1 to vector<16xi1>
      %reduce_sum3A_810 = tpu.scan <sum>, %select_n3A_807 masked %reduce_sum3A_809 : vector<16xf32>, vector<16xi1> -> vector<16xf32>
      %reduce_sum3A_811 = vector.extract %reduce_sum3A_810[15] : f32 from vector<16xf32>
      %jit3A_812 = arith.constant 0.000000e+00 : f32
      %broadcast_in_dim3A_813 = vector.broadcast %reduce_sum3A_811 : f32 to vector<16xf32>
      %broadcast_in_dim3A_814 = vector.broadcast %jit3A_812 : f32 to vector<16xf32>
      %select_n3A_815 = arith.select %eq3A_804, %broadcast_in_dim3A_813, %broadcast_in_dim3A_814 : vector<16xi1>, vector<16xf32>
      %add3A_816 = arith.addf %add3A_781, %select_n3A_815 : vector<16xf32>
      %eq3A_817 = arith.constant 6 : i32
      %eq3A_818 = vector.broadcast %eq3A_817 : i32 to vector<16xi32>
      %eq3A_819 = arith.cmpi eq, %iota3A, %eq3A_818 : vector<16xi32>
      %jit3A_820 = arith.constant 1.000000e+00 : f32
      %jit3A_821 = arith.constant 0.000000e+00 : f32
      %broadcast_in_dim3A_822 = vector.broadcast %jit3A_820 : f32 to vector<16xf32>
      %broadcast_in_dim3A_823 = vector.broadcast %jit3A_821 : f32 to vector<16xf32>
      %select_n3A_824 = arith.select %eq3A_801, %broadcast_in_dim3A_822, %broadcast_in_dim3A_823 : vector<16xi1>, vector<16xf32>
      %reduce_sum3A_825 = arith.constant true
      %reduce_sum3A_826 = vector.broadcast %reduce_sum3A_825 : i1 to vector<16xi1>
      %reduce_sum3A_827 = tpu.scan <sum>, %select_n3A_824 masked %reduce_sum3A_826 : vector<16xf32>, vector<16xi1> -> vector<16xf32>
      %reduce_sum3A_828 = vector.extract %reduce_sum3A_827[15] : f32 from vector<16xf32>
      %jit3A_829 = arith.constant 0.000000e+00 : f32
      %broadcast_in_dim3A_830 = vector.broadcast %reduce_sum3A_828 : f32 to vector<16xf32>
      %broadcast_in_dim3A_831 = vector.broadcast %jit3A_829 : f32 to vector<16xf32>
      %select_n3A_832 = arith.select %eq3A_819, %broadcast_in_dim3A_830, %broadcast_in_dim3A_831 : vector<16xi1>, vector<16xf32>
      %add3A_833 = arith.addf %add3A_798, %select_n3A_832 : vector<16xf32>
      %eq3A_834 = arith.constant 7 : i32
      %eq3A_835 = vector.broadcast %eq3A_834 : i32 to vector<16xi32>
      %eq3A_836 = arith.cmpi eq, %get3A_588, %eq3A_835 : vector<16xi32>
      %eq3A_837 = arith.constant 7 : i32
      %eq3A_838 = vector.broadcast %eq3A_837 : i32 to vector<16xi32>
      %eq3A_839 = arith.cmpi eq, %iota3A, %eq3A_838 : vector<16xi32>
      %jit3A_840 = arith.constant 0.000000e+00 : f32
      %broadcast_in_dim3A_841 = vector.broadcast %jit3A_840 : f32 to vector<16xf32>
      %select_n3A_842 = arith.select %eq3A_836, %get3A_586, %broadcast_in_dim3A_841 : vector<16xi1>, vector<16xf32>
      %reduce_sum3A_843 = arith.constant true
      %reduce_sum3A_844 = vector.broadcast %reduce_sum3A_843 : i1 to vector<16xi1>
      %reduce_sum3A_845 = tpu.scan <sum>, %select_n3A_842 masked %reduce_sum3A_844 : vector<16xf32>, vector<16xi1> -> vector<16xf32>
      %reduce_sum3A_846 = vector.extract %reduce_sum3A_845[15] : f32 from vector<16xf32>
      %jit3A_847 = arith.constant 0.000000e+00 : f32
      %broadcast_in_dim3A_848 = vector.broadcast %reduce_sum3A_846 : f32 to vector<16xf32>
      %broadcast_in_dim3A_849 = vector.broadcast %jit3A_847 : f32 to vector<16xf32>
      %select_n3A_850 = arith.select %eq3A_839, %broadcast_in_dim3A_848, %broadcast_in_dim3A_849 : vector<16xi1>, vector<16xf32>
      %add3A_851 = arith.addf %add3A_816, %select_n3A_850 : vector<16xf32>
      %eq3A_852 = arith.constant 7 : i32
      %eq3A_853 = vector.broadcast %eq3A_852 : i32 to vector<16xi32>
      %eq3A_854 = arith.cmpi eq, %iota3A, %eq3A_853 : vector<16xi32>
      %jit3A_855 = arith.constant 1.000000e+00 : f32
      %jit3A_856 = arith.constant 0.000000e+00 : f32
      %broadcast_in_dim3A_857 = vector.broadcast %jit3A_855 : f32 to vector<16xf32>
      %broadcast_in_dim3A_858 = vector.broadcast %jit3A_856 : f32 to vector<16xf32>
      %select_n3A_859 = arith.select %eq3A_836, %broadcast_in_dim3A_857, %broadcast_in_dim3A_858 : vector<16xi1>, vector<16xf32>
      %reduce_sum3A_860 = arith.constant true
      %reduce_sum3A_861 = vector.broadcast %reduce_sum3A_860 : i1 to vector<16xi1>
      %reduce_sum3A_862 = tpu.scan <sum>, %select_n3A_859 masked %reduce_sum3A_861 : vector<16xf32>, vector<16xi1> -> vector<16xf32>
      %reduce_sum3A_863 = vector.extract %reduce_sum3A_862[15] : f32 from vector<16xf32>
      %jit3A_864 = arith.constant 0.000000e+00 : f32
      %broadcast_in_dim3A_865 = vector.broadcast %reduce_sum3A_863 : f32 to vector<16xf32>
      %broadcast_in_dim3A_866 = vector.broadcast %jit3A_864 : f32 to vector<16xf32>
      %select_n3A_867 = arith.select %eq3A_854, %broadcast_in_dim3A_865, %broadcast_in_dim3A_866 : vector<16xi1>, vector<16xf32>
      %add3A_868 = arith.addf %add3A_833, %select_n3A_867 : vector<16xf32>
      %get3A_869 = arith.constant 48 : index
      %get3A_870 = tpu.vector_load %arg6[%get3A_869] {strides = array<i32>} : memref<256xf32, #tpu.memory_space<vmem>>, vector<16xf32>,
      %get3A_871 = arith.constant 48 : index
      %get3A_872 = tpu.vector_load %arg7[%get3A_871] {strides = array<i32>} : memref<256xi32, #tpu.memory_space<vmem>>, vector<16xi32>,
      %eq3A_873 = arith.constant 0 : i32
      %eq3A_874 = vector.broadcast %eq3A_873 : i32 to vector<16xi32>
      %eq3A_875 = arith.cmpi eq, %get3A_872, %eq3A_874 : vector<16xi32>
      %eq3A_876 = arith.constant 0 : i32
      %eq3A_877 = vector.broadcast %eq3A_876 : i32 to vector<16xi32>
      %eq3A_878 = arith.cmpi eq, %iota3A, %eq3A_877 : vector<16xi32>
      %jit3A_879 = arith.constant 0.000000e+00 : f32
      %broadcast_in_dim3A_880 = vector.broadcast %jit3A_879 : f32 to vector<16xf32>
      %select_n3A_881 = arith.select %eq3A_875, %get3A_870, %broadcast_in_dim3A_880 : vector<16xi1>, vector<16xf32>
      %reduce_sum3A_882 = arith.constant true
      %reduce_sum3A_883 = vector.broadcast %reduce_sum3A_882 : i1 to vector<16xi1>
      %reduce_sum3A_884 = tpu.scan <sum>, %select_n3A_881 masked %reduce_sum3A_883 : vector<16xf32>, vector<16xi1> -> vector<16xf32>
      %reduce_sum3A_885 = vector.extract %reduce_sum3A_884[15] : f32 from vector<16xf32>
      %jit3A_886 = arith.constant 0.000000e+00 : f32
      %broadcast_in_dim3A_887 = vector.broadcast %reduce_sum3A_885 : f32 to vector<16xf32>
      %broadcast_in_dim3A_888 = vector.broadcast %jit3A_886 : f32 to vector<16xf32>
      %select_n3A_889 = arith.select %eq3A_878, %broadcast_in_dim3A_887, %broadcast_in_dim3A_888 : vector<16xi1>, vector<16xf32>
      %add3A_890 = arith.addf %add3A_851, %select_n3A_889 : vector<16xf32>
      %eq3A_891 = arith.constant 0 : i32
      %eq3A_892 = vector.broadcast %eq3A_891 : i32 to vector<16xi32>
      %eq3A_893 = arith.cmpi eq, %iota3A, %eq3A_892 : vector<16xi32>
      %jit3A_894 = arith.constant 1.000000e+00 : f32
      %jit3A_895 = arith.constant 0.000000e+00 : f32
      %broadcast_in_dim3A_896 = vector.broadcast %jit3A_894 : f32 to vector<16xf32>
      %broadcast_in_dim3A_897 = vector.broadcast %jit3A_895 : f32 to vector<16xf32>
      %select_n3A_898 = arith.select %eq3A_875, %broadcast_in_dim3A_896, %broadcast_in_dim3A_897 : vector<16xi1>, vector<16xf32>
      %reduce_sum3A_899 = arith.constant true
      %reduce_sum3A_900 = vector.broadcast %reduce_sum3A_899 : i1 to vector<16xi1>
      %reduce_sum3A_901 = tpu.scan <sum>, %select_n3A_898 masked %reduce_sum3A_900 : vector<16xf32>, vector<16xi1> -> vector<16xf32>
      %reduce_sum3A_902 = vector.extract %reduce_sum3A_901[15] : f32 from vector<16xf32>
      %jit3A_903 = arith.constant 0.000000e+00 : f32
      %broadcast_in_dim3A_904 = vector.broadcast %reduce_sum3A_902 : f32 to vector<16xf32>
      %broadcast_in_dim3A_905 = vector.broadcast %jit3A_903 : f32 to vector<16xf32>
      %select_n3A_906 = arith.select %eq3A_893, %broadcast_in_dim3A_904, %broadcast_in_dim3A_905 : vector<16xi1>, vector<16xf32>
      %add3A_907 = arith.addf %add3A_868, %select_n3A_906 : vector<16xf32>
      %eq3A_908 = arith.constant 1 : i32
      %eq3A_909 = vector.broadcast %eq3A_908 : i32 to vector<16xi32>
      %eq3A_910 = arith.cmpi eq, %get3A_872, %eq3A_909 : vector<16xi32>
      %eq3A_911 = arith.constant 1 : i32
      %eq3A_912 = vector.broadcast %eq3A_911 : i32 to vector<16xi32>
      %eq3A_913 = arith.cmpi eq, %iota3A, %eq3A_912 : vector<16xi32>
      %jit3A_914 = arith.constant 0.000000e+00 : f32
      %broadcast_in_dim3A_915 = vector.broadcast %jit3A_914 : f32 to vector<16xf32>
      %select_n3A_916 = arith.select %eq3A_910, %get3A_870, %broadcast_in_dim3A_915 : vector<16xi1>, vector<16xf32>
      %reduce_sum3A_917 = arith.constant true
      %reduce_sum3A_918 = vector.broadcast %reduce_sum3A_917 : i1 to vector<16xi1>
      %reduce_sum3A_919 = tpu.scan <sum>, %select_n3A_916 masked %reduce_sum3A_918 : vector<16xf32>, vector<16xi1> -> vector<16xf32>
      %reduce_sum3A_920 = vector.extract %reduce_sum3A_919[15] : f32 from vector<16xf32>
      %jit3A_921 = arith.constant 0.000000e+00 : f32
      %broadcast_in_dim3A_922 = vector.broadcast %reduce_sum3A_920 : f32 to vector<16xf32>
      %broadcast_in_dim3A_923 = vector.broadcast %jit3A_921 : f32 to vector<16xf32>
      %select_n3A_924 = arith.select %eq3A_913, %broadcast_in_dim3A_922, %broadcast_in_dim3A_923 : vector<16xi1>, vector<16xf32>
      %add3A_925 = arith.addf %add3A_890, %select_n3A_924 : vector<16xf32>
      %eq3A_926 = arith.constant 1 : i32
      %eq3A_927 = vector.broadcast %eq3A_926 : i32 to vector<16xi32>
      %eq3A_928 = arith.cmpi eq, %iota3A, %eq3A_927 : vector<16xi32>
      %jit3A_929 = arith.constant 1.000000e+00 : f32
      %jit3A_930 = arith.constant 0.000000e+00 : f32
      %broadcast_in_dim3A_931 = vector.broadcast %jit3A_929 : f32 to vector<16xf32>
      %broadcast_in_dim3A_932 = vector.broadcast %jit3A_930 : f32 to vector<16xf32>
      %select_n3A_933 = arith.select %eq3A_910, %broadcast_in_dim3A_931, %broadcast_in_dim3A_932 : vector<16xi1>, vector<16xf32>
      %reduce_sum3A_934 = arith.constant true
      %reduce_sum3A_935 = vector.broadcast %reduce_sum3A_934 : i1 to vector<16xi1>
      %reduce_sum3A_936 = tpu.scan <sum>, %select_n3A_933 masked %reduce_sum3A_935 : vector<16xf32>, vector<16xi1> -> vector<16xf32>
      %reduce_sum3A_937 = vector.extract %reduce_sum3A_936[15] : f32 from vector<16xf32>
      %jit3A_938 = arith.constant 0.000000e+00 : f32
      %broadcast_in_dim3A_939 = vector.broadcast %reduce_sum3A_937 : f32 to vector<16xf32>
      %broadcast_in_dim3A_940 = vector.broadcast %jit3A_938 : f32 to vector<16xf32>
      %select_n3A_941 = arith.select %eq3A_928, %broadcast_in_dim3A_939, %broadcast_in_dim3A_940 : vector<16xi1>, vector<16xf32>
      %add3A_942 = arith.addf %add3A_907, %select_n3A_941 : vector<16xf32>
      %eq3A_943 = arith.constant 2 : i32
      %eq3A_944 = vector.broadcast %eq3A_943 : i32 to vector<16xi32>
      %eq3A_945 = arith.cmpi eq, %get3A_872, %eq3A_944 : vector<16xi32>
      %eq3A_946 = arith.constant 2 : i32
      %eq3A_947 = vector.broadcast %eq3A_946 : i32 to vector<16xi32>
      %eq3A_948 = arith.cmpi eq, %iota3A, %eq3A_947 : vector<16xi32>
      %jit3A_949 = arith.constant 0.000000e+00 : f32
      %broadcast_in_dim3A_950 = vector.broadcast %jit3A_949 : f32 to vector<16xf32>
      %select_n3A_951 = arith.select %eq3A_945, %get3A_870, %broadcast_in_dim3A_950 : vector<16xi1>, vector<16xf32>
      %reduce_sum3A_952 = arith.constant true
      %reduce_sum3A_953 = vector.broadcast %reduce_sum3A_952 : i1 to vector<16xi1>
      %reduce_sum3A_954 = tpu.scan <sum>, %select_n3A_951 masked %reduce_sum3A_953 : vector<16xf32>, vector<16xi1> -> vector<16xf32>
      %reduce_sum3A_955 = vector.extract %reduce_sum3A_954[15] : f32 from vector<16xf32>
      %jit3A_956 = arith.constant 0.000000e+00 : f32
      %broadcast_in_dim3A_957 = vector.broadcast %reduce_sum3A_955 : f32 to vector<16xf32>
      %broadcast_in_dim3A_958 = vector.broadcast %jit3A_956 : f32 to vector<16xf32>
      %select_n3A_959 = arith.select %eq3A_948, %broadcast_in_dim3A_957, %broadcast_in_dim3A_958 : vector<16xi1>, vector<16xf32>
      %add3A_960 = arith.addf %add3A_925, %select_n3A_959 : vector<16xf32>
      %eq3A_961 = arith.constant 2 : i32
      %eq3A_962 = vector.broadcast %eq3A_961 : i32 to vector<16xi32>
      %eq3A_963 = arith.cmpi eq, %iota3A, %eq3A_962 : vector<16xi32>
      %jit3A_964 = arith.constant 1.000000e+00 : f32
      %jit3A_965 = arith.constant 0.000000e+00 : f32
      %broadcast_in_dim3A_966 = vector.broadcast %jit3A_964 : f32 to vector<16xf32>
      %broadcast_in_dim3A_967 = vector.broadcast %jit3A_965 : f32 to vector<16xf32>
      %select_n3A_968 = arith.select %eq3A_945, %broadcast_in_dim3A_966, %broadcast_in_dim3A_967 : vector<16xi1>, vector<16xf32>
      %reduce_sum3A_969 = arith.constant true
      %reduce_sum3A_970 = vector.broadcast %reduce_sum3A_969 : i1 to vector<16xi1>
      %reduce_sum3A_971 = tpu.scan <sum>, %select_n3A_968 masked %reduce_sum3A_970 : vector<16xf32>, vector<16xi1> -> vector<16xf32>
      %reduce_sum3A_972 = vector.extract %reduce_sum3A_971[15] : f32 from vector<16xf32>
      %jit3A_973 = arith.constant 0.000000e+00 : f32
      %broadcast_in_dim3A_974 = vector.broadcast %reduce_sum3A_972 : f32 to vector<16xf32>
      %broadcast_in_dim3A_975 = vector.broadcast %jit3A_973 : f32 to vector<16xf32>
      %select_n3A_976 = arith.select %eq3A_963, %broadcast_in_dim3A_974, %broadcast_in_dim3A_975 : vector<16xi1>, vector<16xf32>
      %add3A_977 = arith.addf %add3A_942, %select_n3A_976 : vector<16xf32>
      %eq3A_978 = arith.constant 3 : i32
      %eq3A_979 = vector.broadcast %eq3A_978 : i32 to vector<16xi32>
      %eq3A_980 = arith.cmpi eq, %get3A_872, %eq3A_979 : vector<16xi32>
      %eq3A_981 = arith.constant 3 : i32
      %eq3A_982 = vector.broadcast %eq3A_981 : i32 to vector<16xi32>
      %eq3A_983 = arith.cmpi eq, %iota3A, %eq3A_982 : vector<16xi32>
      %jit3A_984 = arith.constant 0.000000e+00 : f32
      %broadcast_in_dim3A_985 = vector.broadcast %jit3A_984 : f32 to vector<16xf32>
      %select_n3A_986 = arith.select %eq3A_980, %get3A_870, %broadcast_in_dim3A_985 : vector<16xi1>, vector<16xf32>
      %reduce_sum3A_987 = arith.constant true
      %reduce_sum3A_988 = vector.broadcast %reduce_sum3A_987 : i1 to vector<16xi1>
      %reduce_sum3A_989 = tpu.scan <sum>, %select_n3A_986 masked %reduce_sum3A_988 : vector<16xf32>, vector<16xi1> -> vector<16xf32>
      %reduce_sum3A_990 = vector.extract %reduce_sum3A_989[15] : f32 from vector<16xf32>
      %jit3A_991 = arith.constant 0.000000e+00 : f32
      %broadcast_in_dim3A_992 = vector.broadcast %reduce_sum3A_990 : f32 to vector<16xf32>
      %broadcast_in_dim3A_993 = vector.broadcast %jit3A_991 : f32 to vector<16xf32>
      %select_n3A_994 = arith.select %eq3A_983, %broadcast_in_dim3A_992, %broadcast_in_dim3A_993 : vector<16xi1>, vector<16xf32>
      %add3A_995 = arith.addf %add3A_960, %select_n3A_994 : vector<16xf32>
      %eq3A_996 = arith.constant 3 : i32
      %eq3A_997 = vector.broadcast %eq3A_996 : i32 to vector<16xi32>
      %eq3A_998 = arith.cmpi eq, %iota3A, %eq3A_997 : vector<16xi32>
      %jit3A_999 = arith.constant 1.000000e+00 : f32
      %jit3A_1000 = arith.constant 0.000000e+00 : f32
      %broadcast_in_dim3A_1001 = vector.broadcast %jit3A_999 : f32 to vector<16xf32>
      %broadcast_in_dim3A_1002 = vector.broadcast %jit3A_1000 : f32 to vector<16xf32>
      %select_n3A_1003 = arith.select %eq3A_980, %broadcast_in_dim3A_1001, %broadcast_in_dim3A_1002 : vector<16xi1>, vector<16xf32>
      %reduce_sum3A_1004 = arith.constant true
      %reduce_sum3A_1005 = vector.broadcast %reduce_sum3A_1004 : i1 to vector<16xi1>
      %reduce_sum3A_1006 = tpu.scan <sum>, %select_n3A_1003 masked %reduce_sum3A_1005 : vector<16xf32>, vector<16xi1> -> vector<16xf32>
      %reduce_sum3A_1007 = vector.extract %reduce_sum3A_1006[15] : f32 from vector<16xf32>
      %jit3A_1008 = arith.constant 0.000000e+00 : f32
      %broadcast_in_dim3A_1009 = vector.broadcast %reduce_sum3A_1007 : f32 to vector<16xf32>
      %broadcast_in_dim3A_1010 = vector.broadcast %jit3A_1008 : f32 to vector<16xf32>
      %select_n3A_1011 = arith.select %eq3A_998, %broadcast_in_dim3A_1009, %broadcast_in_dim3A_1010 : vector<16xi1>, vector<16xf32>
      %add3A_1012 = arith.addf %add3A_977, %select_n3A_1011 : vector<16xf32>
      %eq3A_1013 = arith.constant 4 : i32
      %eq3A_1014 = vector.broadcast %eq3A_1013 : i32 to vector<16xi32>
      %eq3A_1015 = arith.cmpi eq, %get3A_872, %eq3A_1014 : vector<16xi32>
      %eq3A_1016 = arith.constant 4 : i32
      %eq3A_1017 = vector.broadcast %eq3A_1016 : i32 to vector<16xi32>
      %eq3A_1018 = arith.cmpi eq, %iota3A, %eq3A_1017 : vector<16xi32>
      %jit3A_1019 = arith.constant 0.000000e+00 : f32
      %broadcast_in_dim3A_1020 = vector.broadcast %jit3A_1019 : f32 to vector<16xf32>
      %select_n3A_1021 = arith.select %eq3A_1015, %get3A_870, %broadcast_in_dim3A_1020 : vector<16xi1>, vector<16xf32>
      %reduce_sum3A_1022 = arith.constant true
      %reduce_sum3A_1023 = vector.broadcast %reduce_sum3A_1022 : i1 to vector<16xi1>
      %reduce_sum3A_1024 = tpu.scan <sum>, %select_n3A_1021 masked %reduce_sum3A_1023 : vector<16xf32>, vector<16xi1> -> vector<16xf32>
      %reduce_sum3A_1025 = vector.extract %reduce_sum3A_1024[15] : f32 from vector<16xf32>
      %jit3A_1026 = arith.constant 0.000000e+00 : f32
      %broadcast_in_dim3A_1027 = vector.broadcast %reduce_sum3A_1025 : f32 to vector<16xf32>
      %broadcast_in_dim3A_1028 = vector.broadcast %jit3A_1026 : f32 to vector<16xf32>
      %select_n3A_1029 = arith.select %eq3A_1018, %broadcast_in_dim3A_1027, %broadcast_in_dim3A_1028 : vector<16xi1>, vector<16xf32>
      %add3A_1030 = arith.addf %add3A_995, %select_n3A_1029 : vector<16xf32>
      %eq3A_1031 = arith.constant 4 : i32
      %eq3A_1032 = vector.broadcast %eq3A_1031 : i32 to vector<16xi32>
      %eq3A_1033 = arith.cmpi eq, %iota3A, %eq3A_1032 : vector<16xi32>
      %jit3A_1034 = arith.constant 1.000000e+00 : f32
      %jit3A_1035 = arith.constant 0.000000e+00 : f32
      %broadcast_in_dim3A_1036 = vector.broadcast %jit3A_1034 : f32 to vector<16xf32>
      %broadcast_in_dim3A_1037 = vector.broadcast %jit3A_1035 : f32 to vector<16xf32>
      %select_n3A_1038 = arith.select %eq3A_1015, %broadcast_in_dim3A_1036, %broadcast_in_dim3A_1037 : vector<16xi1>, vector<16xf32>
      %reduce_sum3A_1039 = arith.constant true
      %reduce_sum3A_1040 = vector.broadcast %reduce_sum3A_1039 : i1 to vector<16xi1>
      %reduce_sum3A_1041 = tpu.scan <sum>, %select_n3A_1038 masked %reduce_sum3A_1040 : vector<16xf32>, vector<16xi1> -> vector<16xf32>
      %reduce_sum3A_1042 = vector.extract %reduce_sum3A_1041[15] : f32 from vector<16xf32>
      %jit3A_1043 = arith.constant 0.000000e+00 : f32
      %broadcast_in_dim3A_1044 = vector.broadcast %reduce_sum3A_1042 : f32 to vector<16xf32>
      %broadcast_in_dim3A_1045 = vector.broadcast %jit3A_1043 : f32 to vector<16xf32>
      %select_n3A_1046 = arith.select %eq3A_1033, %broadcast_in_dim3A_1044, %broadcast_in_dim3A_1045 : vector<16xi1>, vector<16xf32>
      %add3A_1047 = arith.addf %add3A_1012, %select_n3A_1046 : vector<16xf32>
      %eq3A_1048 = arith.constant 5 : i32
      %eq3A_1049 = vector.broadcast %eq3A_1048 : i32 to vector<16xi32>
      %eq3A_1050 = arith.cmpi eq, %get3A_872, %eq3A_1049 : vector<16xi32>
      %eq3A_1051 = arith.constant 5 : i32
      %eq3A_1052 = vector.broadcast %eq3A_1051 : i32 to vector<16xi32>
      %eq3A_1053 = arith.cmpi eq, %iota3A, %eq3A_1052 : vector<16xi32>
      %jit3A_1054 = arith.constant 0.000000e+00 : f32
      %broadcast_in_dim3A_1055 = vector.broadcast %jit3A_1054 : f32 to vector<16xf32>
      %select_n3A_1056 = arith.select %eq3A_1050, %get3A_870, %broadcast_in_dim3A_1055 : vector<16xi1>, vector<16xf32>
      %reduce_sum3A_1057 = arith.constant true
      %reduce_sum3A_1058 = vector.broadcast %reduce_sum3A_1057 : i1 to vector<16xi1>
      %reduce_sum3A_1059 = tpu.scan <sum>, %select_n3A_1056 masked %reduce_sum3A_1058 : vector<16xf32>, vector<16xi1> -> vector<16xf32>
      %reduce_sum3A_1060 = vector.extract %reduce_sum3A_1059[15] : f32 from vector<16xf32>
      %jit3A_1061 = arith.constant 0.000000e+00 : f32
      %broadcast_in_dim3A_1062 = vector.broadcast %reduce_sum3A_1060 : f32 to vector<16xf32>
      %broadcast_in_dim3A_1063 = vector.broadcast %jit3A_1061 : f32 to vector<16xf32>
      %select_n3A_1064 = arith.select %eq3A_1053, %broadcast_in_dim3A_1062, %broadcast_in_dim3A_1063 : vector<16xi1>, vector<16xf32>
      %add3A_1065 = arith.addf %add3A_1030, %select_n3A_1064 : vector<16xf32>
      %eq3A_1066 = arith.constant 5 : i32
      %eq3A_1067 = vector.broadcast %eq3A_1066 : i32 to vector<16xi32>
      %eq3A_1068 = arith.cmpi eq, %iota3A, %eq3A_1067 : vector<16xi32>
      %jit3A_1069 = arith.constant 1.000000e+00 : f32
      %jit3A_1070 = arith.constant 0.000000e+00 : f32
      %broadcast_in_dim3A_1071 = vector.broadcast %jit3A_1069 : f32 to vector<16xf32>
      %broadcast_in_dim3A_1072 = vector.broadcast %jit3A_1070 : f32 to vector<16xf32>
      %select_n3A_1073 = arith.select %eq3A_1050, %broadcast_in_dim3A_1071, %broadcast_in_dim3A_1072 : vector<16xi1>, vector<16xf32>
      %reduce_sum3A_1074 = arith.constant true
      %reduce_sum3A_1075 = vector.broadcast %reduce_sum3A_1074 : i1 to vector<16xi1>
      %reduce_sum3A_1076 = tpu.scan <sum>, %select_n3A_1073 masked %reduce_sum3A_1075 : vector<16xf32>, vector<16xi1> -> vector<16xf32>
      %reduce_sum3A_1077 = vector.extract %reduce_sum3A_1076[15] : f32 from vector<16xf32>
      %jit3A_1078 = arith.constant 0.000000e+00 : f32
      %broadcast_in_dim3A_1079 = vector.broadcast %reduce_sum3A_1077 : f32 to vector<16xf32>
      %broadcast_in_dim3A_1080 = vector.broadcast %jit3A_1078 : f32 to vector<16xf32>
      %select_n3A_1081 = arith.select %eq3A_1068, %broadcast_in_dim3A_1079, %broadcast_in_dim3A_1080 : vector<16xi1>, vector<16xf32>
      %add3A_1082 = arith.addf %add3A_1047, %select_n3A_1081 : vector<16xf32>
      %eq3A_1083 = arith.constant 6 : i32
      %eq3A_1084 = vector.broadcast %eq3A_1083 : i32 to vector<16xi32>
      %eq3A_1085 = arith.cmpi eq, %get3A_872, %eq3A_1084 : vector<16xi32>
      %eq3A_1086 = arith.constant 6 : i32
      %eq3A_1087 = vector.broadcast %eq3A_1086 : i32 to vector<16xi32>
      %eq3A_1088 = arith.cmpi eq, %iota3A, %eq3A_1087 : vector<16xi32>
      %jit3A_1089 = arith.constant 0.000000e+00 : f32
      %broadcast_in_dim3A_1090 = vector.broadcast %jit3A_1089 : f32 to vector<16xf32>
      %select_n3A_1091 = arith.select %eq3A_1085, %get3A_870, %broadcast_in_dim3A_1090 : vector<16xi1>, vector<16xf32>
      %reduce_sum3A_1092 = arith.constant true
      %reduce_sum3A_1093 = vector.broadcast %reduce_sum3A_1092 : i1 to vector<16xi1>
      %reduce_sum3A_1094 = tpu.scan <sum>, %select_n3A_1091 masked %reduce_sum3A_1093 : vector<16xf32>, vector<16xi1> -> vector<16xf32>
      %reduce_sum3A_1095 = vector.extract %reduce_sum3A_1094[15] : f32 from vector<16xf32>
      %jit3A_1096 = arith.constant 0.000000e+00 : f32
      %broadcast_in_dim3A_1097 = vector.broadcast %reduce_sum3A_1095 : f32 to vector<16xf32>
      %broadcast_in_dim3A_1098 = vector.broadcast %jit3A_1096 : f32 to vector<16xf32>
      %select_n3A_1099 = arith.select %eq3A_1088, %broadcast_in_dim3A_1097, %broadcast_in_dim3A_1098 : vector<16xi1>, vector<16xf32>
      %add3A_1100 = arith.addf %add3A_1065, %select_n3A_1099 : vector<16xf32>
      %eq3A_1101 = arith.constant 6 : i32
      %eq3A_1102 = vector.broadcast %eq3A_1101 : i32 to vector<16xi32>
      %eq3A_1103 = arith.cmpi eq, %iota3A, %eq3A_1102 : vector<16xi32>
      %jit3A_1104 = arith.constant 1.000000e+00 : f32
      %jit3A_1105 = arith.constant 0.000000e+00 : f32
      %broadcast_in_dim3A_1106 = vector.broadcast %jit3A_1104 : f32 to vector<16xf32>
      %broadcast_in_dim3A_1107 = vector.broadcast %jit3A_1105 : f32 to vector<16xf32>
      %select_n3A_1108 = arith.select %eq3A_1085, %broadcast_in_dim3A_1106, %broadcast_in_dim3A_1107 : vector<16xi1>, vector<16xf32>
      %reduce_sum3A_1109 = arith.constant true
      %reduce_sum3A_1110 = vector.broadcast %reduce_sum3A_1109 : i1 to vector<16xi1>
      %reduce_sum3A_1111 = tpu.scan <sum>, %select_n3A_1108 masked %reduce_sum3A_1110 : vector<16xf32>, vector<16xi1> -> vector<16xf32>
      %reduce_sum3A_1112 = vector.extract %reduce_sum3A_1111[15] : f32 from vector<16xf32>
      %jit3A_1113 = arith.constant 0.000000e+00 : f32
      %broadcast_in_dim3A_1114 = vector.broadcast %reduce_sum3A_1112 : f32 to vector<16xf32>
      %broadcast_in_dim3A_1115 = vector.broadcast %jit3A_1113 : f32 to vector<16xf32>
      %select_n3A_1116 = arith.select %eq3A_1103, %broadcast_in_dim3A_1114, %broadcast_in_dim3A_1115 : vector<16xi1>, vector<16xf32>
      %add3A_1117 = arith.addf %add3A_1082, %select_n3A_1116 : vector<16xf32>
      %eq3A_1118 = arith.constant 7 : i32
      %eq3A_1119 = vector.broadcast %eq3A_1118 : i32 to vector<16xi32>
      %eq3A_1120 = arith.cmpi eq, %get3A_872, %eq3A_1119 : vector<16xi32>
      %eq3A_1121 = arith.constant 7 : i32
      %eq3A_1122 = vector.broadcast %eq3A_1121 : i32 to vector<16xi32>
      %eq3A_1123 = arith.cmpi eq, %iota3A, %eq3A_1122 : vector<16xi32>
      %jit3A_1124 = arith.constant 0.000000e+00 : f32
      %broadcast_in_dim3A_1125 = vector.broadcast %jit3A_1124 : f32 to vector<16xf32>
      %select_n3A_1126 = arith.select %eq3A_1120, %get3A_870, %broadcast_in_dim3A_1125 : vector<16xi1>, vector<16xf32>
      %reduce_sum3A_1127 = arith.constant true
      %reduce_sum3A_1128 = vector.broadcast %reduce_sum3A_1127 : i1 to vector<16xi1>
      %reduce_sum3A_1129 = tpu.scan <sum>, %select_n3A_1126 masked %reduce_sum3A_1128 : vector<16xf32>, vector<16xi1> -> vector<16xf32>
      %reduce_sum3A_1130 = vector.extract %reduce_sum3A_1129[15] : f32 from vector<16xf32>
      %jit3A_1131 = arith.constant 0.000000e+00 : f32
      %broadcast_in_dim3A_1132 = vector.broadcast %reduce_sum3A_1130 : f32 to vector<16xf32>
      %broadcast_in_dim3A_1133 = vector.broadcast %jit3A_1131 : f32 to vector<16xf32>
      %select_n3A_1134 = arith.select %eq3A_1123, %broadcast_in_dim3A_1132, %broadcast_in_dim3A_1133 : vector<16xi1>, vector<16xf32>
      %add3A_1135 = arith.addf %add3A_1100, %select_n3A_1134 : vector<16xf32>
      %eq3A_1136 = arith.constant 7 : i32
      %eq3A_1137 = vector.broadcast %eq3A_1136 : i32 to vector<16xi32>
      %eq3A_1138 = arith.cmpi eq, %iota3A, %eq3A_1137 : vector<16xi32>
      %jit3A_1139 = arith.constant 1.000000e+00 : f32
      %jit3A_1140 = arith.constant 0.000000e+00 : f32
      %broadcast_in_dim3A_1141 = vector.broadcast %jit3A_1139 : f32 to vector<16xf32>
      %broadcast_in_dim3A_1142 = vector.broadcast %jit3A_1140 : f32 to vector<16xf32>
      %select_n3A_1143 = arith.select %eq3A_1120, %broadcast_in_dim3A_1141, %broadcast_in_dim3A_1142 : vector<16xi1>, vector<16xf32>
      %reduce_sum3A_1144 = arith.constant true
      %reduce_sum3A_1145 = vector.broadcast %reduce_sum3A_1144 : i1 to vector<16xi1>
      %reduce_sum3A_1146 = tpu.scan <sum>, %select_n3A_1143 masked %reduce_sum3A_1145 : vector<16xf32>, vector<16xi1> -> vector<16xf32>
      %reduce_sum3A_1147 = vector.extract %reduce_sum3A_1146[15] : f32 from vector<16xf32>
      %jit3A_1148 = arith.constant 0.000000e+00 : f32
      %broadcast_in_dim3A_1149 = vector.broadcast %reduce_sum3A_1147 : f32 to vector<16xf32>
      %broadcast_in_dim3A_1150 = vector.broadcast %jit3A_1148 : f32 to vector<16xf32>
      %select_n3A_1151 = arith.select %eq3A_1138, %broadcast_in_dim3A_1149, %broadcast_in_dim3A_1150 : vector<16xi1>, vector<16xf32>
      %add3A_1152 = arith.addf %add3A_1117, %select_n3A_1151 : vector<16xf32>
      %get3A_1153 = arith.constant 64 : index
      %get3A_1154 = tpu.vector_load %arg6[%get3A_1153] {strides = array<i32>} : memref<256xf32, #tpu.memory_space<vmem>>, vector<16xf32>,
      %get3A_1155 = arith.constant 64 : index
      %get3A_1156 = tpu.vector_load %arg7[%get3A_1155] {strides = array<i32>} : memref<256xi32, #tpu.memory_space<vmem>>, vector<16xi32>,
      %eq3A_1157 = arith.constant 0 : i32
      %eq3A_1158 = vector.broadcast %eq3A_1157 : i32 to vector<16xi32>
      %eq3A_1159 = arith.cmpi eq, %get3A_1156, %eq3A_1158 : vector<16xi32>
      %eq3A_1160 = arith.constant 0 : i32
      %eq3A_1161 = vector.broadcast %eq3A_1160 : i32 to vector<16xi32>
      %eq3A_1162 = arith.cmpi eq, %iota3A, %eq3A_1161 : vector<16xi32>
      %jit3A_1163 = arith.constant 0.000000e+00 : f32
      %broadcast_in_dim3A_1164 = vector.broadcast %jit3A_1163 : f32 to vector<16xf32>
      %select_n3A_1165 = arith.select %eq3A_1159, %get3A_1154, %broadcast_in_dim3A_1164 : vector<16xi1>, vector<16xf32>
      %reduce_sum3A_1166 = arith.constant true
      %reduce_sum3A_1167 = vector.broadcast %reduce_sum3A_1166 : i1 to vector<16xi1>
      %reduce_sum3A_1168 = tpu.scan <sum>, %select_n3A_1165 masked %reduce_sum3A_1167 : vector<16xf32>, vector<16xi1> -> vector<16xf32>
      %reduce_sum3A_1169 = vector.extract %reduce_sum3A_1168[15] : f32 from vector<16xf32>
      %jit3A_1170 = arith.constant 0.000000e+00 : f32
      %broadcast_in_dim3A_1171 = vector.broadcast %reduce_sum3A_1169 : f32 to vector<16xf32>
      %broadcast_in_dim3A_1172 = vector.broadcast %jit3A_1170 : f32 to vector<16xf32>
      %select_n3A_1173 = arith.select %eq3A_1162, %broadcast_in_dim3A_1171, %broadcast_in_dim3A_1172 : vector<16xi1>, vector<16xf32>
      %add3A_1174 = arith.addf %add3A_1135, %select_n3A_1173 : vector<16xf32>
      %eq3A_1175 = arith.constant 0 : i32
      %eq3A_1176 = vector.broadcast %eq3A_1175 : i32 to vector<16xi32>
      %eq3A_1177 = arith.cmpi eq, %iota3A, %eq3A_1176 : vector<16xi32>
      %jit3A_1178 = arith.constant 1.000000e+00 : f32
      %jit3A_1179 = arith.constant 0.000000e+00 : f32
      %broadcast_in_dim3A_1180 = vector.broadcast %jit3A_1178 : f32 to vector<16xf32>
      %broadcast_in_dim3A_1181 = vector.broadcast %jit3A_1179 : f32 to vector<16xf32>
      %select_n3A_1182 = arith.select %eq3A_1159, %broadcast_in_dim3A_1180, %broadcast_in_dim3A_1181 : vector<16xi1>, vector<16xf32>
      %reduce_sum3A_1183 = arith.constant true
      %reduce_sum3A_1184 = vector.broadcast %reduce_sum3A_1183 : i1 to vector<16xi1>
      %reduce_sum3A_1185 = tpu.scan <sum>, %select_n3A_1182 masked %reduce_sum3A_1184 : vector<16xf32>, vector<16xi1> -> vector<16xf32>
      %reduce_sum3A_1186 = vector.extract %reduce_sum3A_1185[15] : f32 from vector<16xf32>
      %jit3A_1187 = arith.constant 0.000000e+00 : f32
      %broadcast_in_dim3A_1188 = vector.broadcast %reduce_sum3A_1186 : f32 to vector<16xf32>
      %broadcast_in_dim3A_1189 = vector.broadcast %jit3A_1187 : f32 to vector<16xf32>
      %select_n3A_1190 = arith.select %eq3A_1177, %broadcast_in_dim3A_1188, %broadcast_in_dim3A_1189 : vector<16xi1>, vector<16xf32>
      %add3A_1191 = arith.addf %add3A_1152, %select_n3A_1190 : vector<16xf32>
      %eq3A_1192 = arith.constant 1 : i32
      %eq3A_1193 = vector.broadcast %eq3A_1192 : i32 to vector<16xi32>
      %eq3A_1194 = arith.cmpi eq, %get3A_1156, %eq3A_1193 : vector<16xi32>
      %eq3A_1195 = arith.constant 1 : i32
      %eq3A_1196 = vector.broadcast %eq3A_1195 : i32 to vector<16xi32>
      %eq3A_1197 = arith.cmpi eq, %iota3A, %eq3A_1196 : vector<16xi32>
      %jit3A_1198 = arith.constant 0.000000e+00 : f32
      %broadcast_in_dim3A_1199 = vector.broadcast %jit3A_1198 : f32 to vector<16xf32>
      %select_n3A_1200 = arith.select %eq3A_1194, %get3A_1154, %broadcast_in_dim3A_1199 : vector<16xi1>, vector<16xf32>
      %reduce_sum3A_1201 = arith.constant true
      %reduce_sum3A_1202 = vector.broadcast %reduce_sum3A_1201 : i1 to vector<16xi1>
      %reduce_sum3A_1203 = tpu.scan <sum>, %select_n3A_1200 masked %reduce_sum3A_1202 : vector<16xf32>, vector<16xi1> -> vector<16xf32>
      %reduce_sum3A_1204 = vector.extract %reduce_sum3A_1203[15] : f32 from vector<16xf32>
      %jit3A_1205 = arith.constant 0.000000e+00 : f32
      %broadcast_in_dim3A_1206 = vector.broadcast %reduce_sum3A_1204 : f32 to vector<16xf32>
      %broadcast_in_dim3A_1207 = vector.broadcast %jit3A_1205 : f32 to vector<16xf32>
      %select_n3A_1208 = arith.select %eq3A_1197, %broadcast_in_dim3A_1206, %broadcast_in_dim3A_1207 : vector<16xi1>, vector<16xf32>
      %add3A_1209 = arith.addf %add3A_1174, %select_n3A_1208 : vector<16xf32>
      %eq3A_1210 = arith.constant 1 : i32
      %eq3A_1211 = vector.broadcast %eq3A_1210 : i32 to vector<16xi32>
      %eq3A_1212 = arith.cmpi eq, %iota3A, %eq3A_1211 : vector<16xi32>
      %jit3A_1213 = arith.constant 1.000000e+00 : f32
      %jit3A_1214 = arith.constant 0.000000e+00 : f32
      %broadcast_in_dim3A_1215 = vector.broadcast %jit3A_1213 : f32 to vector<16xf32>
      %broadcast_in_dim3A_1216 = vector.broadcast %jit3A_1214 : f32 to vector<16xf32>
      %select_n3A_1217 = arith.select %eq3A_1194, %broadcast_in_dim3A_1215, %broadcast_in_dim3A_1216 : vector<16xi1>, vector<16xf32>
      %reduce_sum3A_1218 = arith.constant true
      %reduce_sum3A_1219 = vector.broadcast %reduce_sum3A_1218 : i1 to vector<16xi1>
      %reduce_sum3A_1220 = tpu.scan <sum>, %select_n3A_1217 masked %reduce_sum3A_1219 : vector<16xf32>, vector<16xi1> -> vector<16xf32>
      %reduce_sum3A_1221 = vector.extract %reduce_sum3A_1220[15] : f32 from vector<16xf32>
      %jit3A_1222 = arith.constant 0.000000e+00 : f32
      %broadcast_in_dim3A_1223 = vector.broadcast %reduce_sum3A_1221 : f32 to vector<16xf32>
      %broadcast_in_dim3A_1224 = vector.broadcast %jit3A_1222 : f32 to vector<16xf32>
      %select_n3A_1225 = arith.select %eq3A_1212, %broadcast_in_dim3A_1223, %broadcast_in_dim3A_1224 : vector<16xi1>, vector<16xf32>
      %add3A_1226 = arith.addf %add3A_1191, %select_n3A_1225 : vector<16xf32>
      %eq3A_1227 = arith.constant 2 : i32
      %eq3A_1228 = vector.broadcast %eq3A_1227 : i32 to vector<16xi32>
      %eq3A_1229 = arith.cmpi eq, %get3A_1156, %eq3A_1228 : vector<16xi32>
      %eq3A_1230 = arith.constant 2 : i32
      %eq3A_1231 = vector.broadcast %eq3A_1230 : i32 to vector<16xi32>
      %eq3A_1232 = arith.cmpi eq, %iota3A, %eq3A_1231 : vector<16xi32>
      %jit3A_1233 = arith.constant 0.000000e+00 : f32
      %broadcast_in_dim3A_1234 = vector.broadcast %jit3A_1233 : f32 to vector<16xf32>
      %select_n3A_1235 = arith.select %eq3A_1229, %get3A_1154, %broadcast_in_dim3A_1234 : vector<16xi1>, vector<16xf32>
      %reduce_sum3A_1236 = arith.constant true
      %reduce_sum3A_1237 = vector.broadcast %reduce_sum3A_1236 : i1 to vector<16xi1>
      %reduce_sum3A_1238 = tpu.scan <sum>, %select_n3A_1235 masked %reduce_sum3A_1237 : vector<16xf32>, vector<16xi1> -> vector<16xf32>
      %reduce_sum3A_1239 = vector.extract %reduce_sum3A_1238[15] : f32 from vector<16xf32>
      %jit3A_1240 = arith.constant 0.000000e+00 : f32
      %broadcast_in_dim3A_1241 = vector.broadcast %reduce_sum3A_1239 : f32 to vector<16xf32>
      %broadcast_in_dim3A_1242 = vector.broadcast %jit3A_1240 : f32 to vector<16xf32>
      %select_n3A_1243 = arith.select %eq3A_1232, %broadcast_in_dim3A_1241, %broadcast_in_dim3A_1242 : vector<16xi1>, vector<16xf32>
      %add3A_1244 = arith.addf %add3A_1209, %select_n3A_1243 : vector<16xf32>
      %eq3A_1245 = arith.constant 2 : i32
      %eq3A_1246 = vector.broadcast %eq3A_1245 : i32 to vector<16xi32>
      %eq3A_1247 = arith.cmpi eq, %iota3A, %eq3A_1246 : vector<16xi32>
      %jit3A_1248 = arith.constant 1.000000e+00 : f32
      %jit3A_1249 = arith.constant 0.000000e+00 : f32
      %broadcast_in_dim3A_1250 = vector.broadcast %jit3A_1248 : f32 to vector<16xf32>
      %broadcast_in_dim3A_1251 = vector.broadcast %jit3A_1249 : f32 to vector<16xf32>
      %select_n3A_1252 = arith.select %eq3A_1229, %broadcast_in_dim3A_1250, %broadcast_in_dim3A_1251 : vector<16xi1>, vector<16xf32>
      %reduce_sum3A_1253 = arith.constant true
      %reduce_sum3A_1254 = vector.broadcast %reduce_sum3A_1253 : i1 to vector<16xi1>
      %reduce_sum3A_1255 = tpu.scan <sum>, %select_n3A_1252 masked %reduce_sum3A_1254 : vector<16xf32>, vector<16xi1> -> vector<16xf32>
      %reduce_sum3A_1256 = vector.extract %reduce_sum3A_1255[15] : f32 from vector<16xf32>
      %jit3A_1257 = arith.constant 0.000000e+00 : f32
      %broadcast_in_dim3A_1258 = vector.broadcast %reduce_sum3A_1256 : f32 to vector<16xf32>
      %broadcast_in_dim3A_1259 = vector.broadcast %jit3A_1257 : f32 to vector<16xf32>
      %select_n3A_1260 = arith.select %eq3A_1247, %broadcast_in_dim3A_1258, %broadcast_in_dim3A_1259 : vector<16xi1>, vector<16xf32>
      %add3A_1261 = arith.addf %add3A_1226, %select_n3A_1260 : vector<16xf32>
      %eq3A_1262 = arith.constant 3 : i32
      %eq3A_1263 = vector.broadcast %eq3A_1262 : i32 to vector<16xi32>
      %eq3A_1264 = arith.cmpi eq, %get3A_1156, %eq3A_1263 : vector<16xi32>
      %eq3A_1265 = arith.constant 3 : i32
      %eq3A_1266 = vector.broadcast %eq3A_1265 : i32 to vector<16xi32>
      %eq3A_1267 = arith.cmpi eq, %iota3A, %eq3A_1266 : vector<16xi32>
      %jit3A_1268 = arith.constant 0.000000e+00 : f32
      %broadcast_in_dim3A_1269 = vector.broadcast %jit3A_1268 : f32 to vector<16xf32>
      %select_n3A_1270 = arith.select %eq3A_1264, %get3A_1154, %broadcast_in_dim3A_1269 : vector<16xi1>, vector<16xf32>
      %reduce_sum3A_1271 = arith.constant true
      %reduce_sum3A_1272 = vector.broadcast %reduce_sum3A_1271 : i1 to vector<16xi1>
      %reduce_sum3A_1273 = tpu.scan <sum>, %select_n3A_1270 masked %reduce_sum3A_1272 : vector<16xf32>, vector<16xi1> -> vector<16xf32>
      %reduce_sum3A_1274 = vector.extract %reduce_sum3A_1273[15] : f32 from vector<16xf32>
      %jit3A_1275 = arith.constant 0.000000e+00 : f32
      %broadcast_in_dim3A_1276 = vector.broadcast %reduce_sum3A_1274 : f32 to vector<16xf32>
      %broadcast_in_dim3A_1277 = vector.broadcast %jit3A_1275 : f32 to vector<16xf32>
      %select_n3A_1278 = arith.select %eq3A_1267, %broadcast_in_dim3A_1276, %broadcast_in_dim3A_1277 : vector<16xi1>, vector<16xf32>
      %add3A_1279 = arith.addf %add3A_1244, %select_n3A_1278 : vector<16xf32>
      %eq3A_1280 = arith.constant 3 : i32
      %eq3A_1281 = vector.broadcast %eq3A_1280 : i32 to vector<16xi32>
      %eq3A_1282 = arith.cmpi eq, %iota3A, %eq3A_1281 : vector<16xi32>
      %jit3A_1283 = arith.constant 1.000000e+00 : f32
      %jit3A_1284 = arith.constant 0.000000e+00 : f32
      %broadcast_in_dim3A_1285 = vector.broadcast %jit3A_1283 : f32 to vector<16xf32>
      %broadcast_in_dim3A_1286 = vector.broadcast %jit3A_1284 : f32 to vector<16xf32>
      %select_n3A_1287 = arith.select %eq3A_1264, %broadcast_in_dim3A_1285, %broadcast_in_dim3A_1286 : vector<16xi1>, vector<16xf32>
      %reduce_sum3A_1288 = arith.constant true
      %reduce_sum3A_1289 = vector.broadcast %reduce_sum3A_1288 : i1 to vector<16xi1>
      %reduce_sum3A_1290 = tpu.scan <sum>, %select_n3A_1287 masked %reduce_sum3A_1289 : vector<16xf32>, vector<16xi1> -> vector<16xf32>
      %reduce_sum3A_1291 = vector.extract %reduce_sum3A_1290[15] : f32 from vector<16xf32>
      %jit3A_1292 = arith.constant 0.000000e+00 : f32
      %broadcast_in_dim3A_1293 = vector.broadcast %reduce_sum3A_1291 : f32 to vector<16xf32>
      %broadcast_in_dim3A_1294 = vector.broadcast %jit3A_1292 : f32 to vector<16xf32>
      %select_n3A_1295 = arith.select %eq3A_1282, %broadcast_in_dim3A_1293, %broadcast_in_dim3A_1294 : vector<16xi1>, vector<16xf32>
      %add3A_1296 = arith.addf %add3A_1261, %select_n3A_1295 : vector<16xf32>
      %eq3A_1297 = arith.constant 4 : i32
      %eq3A_1298 = vector.broadcast %eq3A_1297 : i32 to vector<16xi32>
      %eq3A_1299 = arith.cmpi eq, %get3A_1156, %eq3A_1298 : vector<16xi32>
      %eq3A_1300 = arith.constant 4 : i32
      %eq3A_1301 = vector.broadcast %eq3A_1300 : i32 to vector<16xi32>
      %eq3A_1302 = arith.cmpi eq, %iota3A, %eq3A_1301 : vector<16xi32>
      %jit3A_1303 = arith.constant 0.000000e+00 : f32
      %broadcast_in_dim3A_1304 = vector.broadcast %jit3A_1303 : f32 to vector<16xf32>
      %select_n3A_1305 = arith.select %eq3A_1299, %get3A_1154, %broadcast_in_dim3A_1304 : vector<16xi1>, vector<16xf32>
      %reduce_sum3A_1306 = arith.constant true
      %reduce_sum3A_1307 = vector.broadcast %reduce_sum3A_1306 : i1 to vector<16xi1>
      %reduce_sum3A_1308 = tpu.scan <sum>, %select_n3A_1305 masked %reduce_sum3A_1307 : vector<16xf32>, vector<16xi1> -> vector<16xf32>
      %reduce_sum3A_1309 = vector.extract %reduce_sum3A_1308[15] : f32 from vector<16xf32>
      %jit3A_1310 = arith.constant 0.000000e+00 : f32
      %broadcast_in_dim3A_1311 = vector.broadcast %reduce_sum3A_1309 : f32 to vector<16xf32>
      %broadcast_in_dim3A_1312 = vector.broadcast %jit3A_1310 : f32 to vector<16xf32>
      %select_n3A_1313 = arith.select %eq3A_1302, %broadcast_in_dim3A_1311, %broadcast_in_dim3A_1312 : vector<16xi1>, vector<16xf32>
      %add3A_1314 = arith.addf %add3A_1279, %select_n3A_1313 : vector<16xf32>
      %eq3A_1315 = arith.constant 4 : i32
      %eq3A_1316 = vector.broadcast %eq3A_1315 : i32 to vector<16xi32>
      %eq3A_1317 = arith.cmpi eq, %iota3A, %eq3A_1316 : vector<16xi32>
      %jit3A_1318 = arith.constant 1.000000e+00 : f32
      %jit3A_1319 = arith.constant 0.000000e+00 : f32
      %broadcast_in_dim3A_1320 = vector.broadcast %jit3A_1318 : f32 to vector<16xf32>
      %broadcast_in_dim3A_1321 = vector.broadcast %jit3A_1319 : f32 to vector<16xf32>
      %select_n3A_1322 = arith.select %eq3A_1299, %broadcast_in_dim3A_1320, %broadcast_in_dim3A_1321 : vector<16xi1>, vector<16xf32>
      %reduce_sum3A_1323 = arith.constant true
      %reduce_sum3A_1324 = vector.broadcast %reduce_sum3A_1323 : i1 to vector<16xi1>
      %reduce_sum3A_1325 = tpu.scan <sum>, %select_n3A_1322 masked %reduce_sum3A_1324 : vector<16xf32>, vector<16xi1> -> vector<16xf32>
      %reduce_sum3A_1326 = vector.extract %reduce_sum3A_1325[15] : f32 from vector<16xf32>
      %jit3A_1327 = arith.constant 0.000000e+00 : f32
      %broadcast_in_dim3A_1328 = vector.broadcast %reduce_sum3A_1326 : f32 to vector<16xf32>
      %broadcast_in_dim3A_1329 = vector.broadcast %jit3A_1327 : f32 to vector<16xf32>
      %select_n3A_1330 = arith.select %eq3A_1317, %broadcast_in_dim3A_1328, %broadcast_in_dim3A_1329 : vector<16xi1>, vector<16xf32>
      %add3A_1331 = arith.addf %add3A_1296, %select_n3A_1330 : vector<16xf32>
      %eq3A_1332 = arith.constant 5 : i32
      %eq3A_1333 = vector.broadcast %eq3A_1332 : i32 to vector<16xi32>
      %eq3A_1334 = arith.cmpi eq, %get3A_1156, %eq3A_1333 : vector<16xi32>
      %eq3A_1335 = arith.constant 5 : i32
      %eq3A_1336 = vector.broadcast %eq3A_1335 : i32 to vector<16xi32>
      %eq3A_1337 = arith.cmpi eq, %iota3A, %eq3A_1336 : vector<16xi32>
      %jit3A_1338 = arith.constant 0.000000e+00 : f32
      %broadcast_in_dim3A_1339 = vector.broadcast %jit3A_1338 : f32 to vector<16xf32>
      %select_n3A_1340 = arith.select %eq3A_1334, %get3A_1154, %broadcast_in_dim3A_1339 : vector<16xi1>, vector<16xf32>
      %reduce_sum3A_1341 = arith.constant true
      %reduce_sum3A_1342 = vector.broadcast %reduce_sum3A_1341 : i1 to vector<16xi1>
      %reduce_sum3A_1343 = tpu.scan <sum>, %select_n3A_1340 masked %reduce_sum3A_1342 : vector<16xf32>, vector<16xi1> -> vector<16xf32>
      %reduce_sum3A_1344 = vector.extract %reduce_sum3A_1343[15] : f32 from vector<16xf32>
      %jit3A_1345 = arith.constant 0.000000e+00 : f32
      %broadcast_in_dim3A_1346 = vector.broadcast %reduce_sum3A_1344 : f32 to vector<16xf32>
      %broadcast_in_dim3A_1347 = vector.broadcast %jit3A_1345 : f32 to vector<16xf32>
      %select_n3A_1348 = arith.select %eq3A_1337, %broadcast_in_dim3A_1346, %broadcast_in_dim3A_1347 : vector<16xi1>, vector<16xf32>
      %add3A_1349 = arith.addf %add3A_1314, %select_n3A_1348 : vector<16xf32>
      %eq3A_1350 = arith.constant 5 : i32
      %eq3A_1351 = vector.broadcast %eq3A_1350 : i32 to vector<16xi32>
      %eq3A_1352 = arith.cmpi eq, %iota3A, %eq3A_1351 : vector<16xi32>
      %jit3A_1353 = arith.constant 1.000000e+00 : f32
      %jit3A_1354 = arith.constant 0.000000e+00 : f32
      %broadcast_in_dim3A_1355 = vector.broadcast %jit3A_1353 : f32 to vector<16xf32>
      %broadcast_in_dim3A_1356 = vector.broadcast %jit3A_1354 : f32 to vector<16xf32>
      %select_n3A_1357 = arith.select %eq3A_1334, %broadcast_in_dim3A_1355, %broadcast_in_dim3A_1356 : vector<16xi1>, vector<16xf32>
      %reduce_sum3A_1358 = arith.constant true
      %reduce_sum3A_1359 = vector.broadcast %reduce_sum3A_1358 : i1 to vector<16xi1>
      %reduce_sum3A_1360 = tpu.scan <sum>, %select_n3A_1357 masked %reduce_sum3A_1359 : vector<16xf32>, vector<16xi1> -> vector<16xf32>
      %reduce_sum3A_1361 = vector.extract %reduce_sum3A_1360[15] : f32 from vector<16xf32>
      %jit3A_1362 = arith.constant 0.000000e+00 : f32
      %broadcast_in_dim3A_1363 = vector.broadcast %reduce_sum3A_1361 : f32 to vector<16xf32>
      %broadcast_in_dim3A_1364 = vector.broadcast %jit3A_1362 : f32 to vector<16xf32>
      %select_n3A_1365 = arith.select %eq3A_1352, %broadcast_in_dim3A_1363, %broadcast_in_dim3A_1364 : vector<16xi1>, vector<16xf32>
      %add3A_1366 = arith.addf %add3A_1331, %select_n3A_1365 : vector<16xf32>
      %eq3A_1367 = arith.constant 6 : i32
      %eq3A_1368 = vector.broadcast %eq3A_1367 : i32 to vector<16xi32>
      %eq3A_1369 = arith.cmpi eq, %get3A_1156, %eq3A_1368 : vector<16xi32>
      %eq3A_1370 = arith.constant 6 : i32
      %eq3A_1371 = vector.broadcast %eq3A_1370 : i32 to vector<16xi32>
      %eq3A_1372 = arith.cmpi eq, %iota3A, %eq3A_1371 : vector<16xi32>
      %jit3A_1373 = arith.constant 0.000000e+00 : f32
      %broadcast_in_dim3A_1374 = vector.broadcast %jit3A_1373 : f32 to vector<16xf32>
      %select_n3A_1375 = arith.select %eq3A_1369, %get3A_1154, %broadcast_in_dim3A_1374 : vector<16xi1>, vector<16xf32>
      %reduce_sum3A_1376 = arith.constant true
      %reduce_sum3A_1377 = vector.broadcast %reduce_sum3A_1376 : i1 to vector<16xi1>
      %reduce_sum3A_1378 = tpu.scan <sum>, %select_n3A_1375 masked %reduce_sum3A_1377 : vector<16xf32>, vector<16xi1> -> vector<16xf32>
      %reduce_sum3A_1379 = vector.extract %reduce_sum3A_1378[15] : f32 from vector<16xf32>
      %jit3A_1380 = arith.constant 0.000000e+00 : f32
      %broadcast_in_dim3A_1381 = vector.broadcast %reduce_sum3A_1379 : f32 to vector<16xf32>
      %broadcast_in_dim3A_1382 = vector.broadcast %jit3A_1380 : f32 to vector<16xf32>
      %select_n3A_1383 = arith.select %eq3A_1372, %broadcast_in_dim3A_1381, %broadcast_in_dim3A_1382 : vector<16xi1>, vector<16xf32>
      %add3A_1384 = arith.addf %add3A_1349, %select_n3A_1383 : vector<16xf32>
      %eq3A_1385 = arith.constant 6 : i32
      %eq3A_1386 = vector.broadcast %eq3A_1385 : i32 to vector<16xi32>
      %eq3A_1387 = arith.cmpi eq, %iota3A, %eq3A_1386 : vector<16xi32>
      %jit3A_1388 = arith.constant 1.000000e+00 : f32
      %jit3A_1389 = arith.constant 0.000000e+00 : f32
      %broadcast_in_dim3A_1390 = vector.broadcast %jit3A_1388 : f32 to vector<16xf32>
      %broadcast_in_dim3A_1391 = vector.broadcast %jit3A_1389 : f32 to vector<16xf32>
      %select_n3A_1392 = arith.select %eq3A_1369, %broadcast_in_dim3A_1390, %broadcast_in_dim3A_1391 : vector<16xi1>, vector<16xf32>
      %reduce_sum3A_1393 = arith.constant true
      %reduce_sum3A_1394 = vector.broadcast %reduce_sum3A_1393 : i1 to vector<16xi1>
      %reduce_sum3A_1395 = tpu.scan <sum>, %select_n3A_1392 masked %reduce_sum3A_1394 : vector<16xf32>, vector<16xi1> -> vector<16xf32>
      %reduce_sum3A_1396 = vector.extract %reduce_sum3A_1395[15] : f32 from vector<16xf32>
      %jit3A_1397 = arith.constant 0.000000e+00 : f32
      %broadcast_in_dim3A_1398 = vector.broadcast %reduce_sum3A_1396 : f32 to vector<16xf32>
      %broadcast_in_dim3A_1399 = vector.broadcast %jit3A_1397 : f32 to vector<16xf32>
      %select_n3A_1400 = arith.select %eq3A_1387, %broadcast_in_dim3A_1398, %broadcast_in_dim3A_1399 : vector<16xi1>, vector<16xf32>
      %add3A_1401 = arith.addf %add3A_1366, %select_n3A_1400 : vector<16xf32>
      %eq3A_1402 = arith.constant 7 : i32
      %eq3A_1403 = vector.broadcast %eq3A_1402 : i32 to vector<16xi32>
      %eq3A_1404 = arith.cmpi eq, %get3A_1156, %eq3A_1403 : vector<16xi32>
      %eq3A_1405 = arith.constant 7 : i32
      %eq3A_1406 = vector.broadcast %eq3A_1405 : i32 to vector<16xi32>
      %eq3A_1407 = arith.cmpi eq, %iota3A, %eq3A_1406 : vector<16xi32>
      %jit3A_1408 = arith.constant 0.000000e+00 : f32
      %broadcast_in_dim3A_1409 = vector.broadcast %jit3A_1408 : f32 to vector<16xf32>
      %select_n3A_1410 = arith.select %eq3A_1404, %get3A_1154, %broadcast_in_dim3A_1409 : vector<16xi1>, vector<16xf32>
      %reduce_sum3A_1411 = arith.constant true
      %reduce_sum3A_1412 = vector.broadcast %reduce_sum3A_1411 : i1 to vector<16xi1>
      %reduce_sum3A_1413 = tpu.scan <sum>, %select_n3A_1410 masked %reduce_sum3A_1412 : vector<16xf32>, vector<16xi1> -> vector<16xf32>
      %reduce_sum3A_1414 = vector.extract %reduce_sum3A_1413[15] : f32 from vector<16xf32>
      %jit3A_1415 = arith.constant 0.000000e+00 : f32
      %broadcast_in_dim3A_1416 = vector.broadcast %reduce_sum3A_1414 : f32 to vector<16xf32>
      %broadcast_in_dim3A_1417 = vector.broadcast %jit3A_1415 : f32 to vector<16xf32>
      %select_n3A_1418 = arith.select %eq3A_1407, %broadcast_in_dim3A_1416, %broadcast_in_dim3A_1417 : vector<16xi1>, vector<16xf32>
      %add3A_1419 = arith.addf %add3A_1384, %select_n3A_1418 : vector<16xf32>
      %eq3A_1420 = arith.constant 7 : i32
      %eq3A_1421 = vector.broadcast %eq3A_1420 : i32 to vector<16xi32>
      %eq3A_1422 = arith.cmpi eq, %iota3A, %eq3A_1421 : vector<16xi32>
      %jit3A_1423 = arith.constant 1.000000e+00 : f32
      %jit3A_1424 = arith.constant 0.000000e+00 : f32
      %broadcast_in_dim3A_1425 = vector.broadcast %jit3A_1423 : f32 to vector<16xf32>
      %broadcast_in_dim3A_1426 = vector.broadcast %jit3A_1424 : f32 to vector<16xf32>
      %select_n3A_1427 = arith.select %eq3A_1404, %broadcast_in_dim3A_1425, %broadcast_in_dim3A_1426 : vector<16xi1>, vector<16xf32>
      %reduce_sum3A_1428 = arith.constant true
      %reduce_sum3A_1429 = vector.broadcast %reduce_sum3A_1428 : i1 to vector<16xi1>
      %reduce_sum3A_1430 = tpu.scan <sum>, %select_n3A_1427 masked %reduce_sum3A_1429 : vector<16xf32>, vector<16xi1> -> vector<16xf32>
      %reduce_sum3A_1431 = vector.extract %reduce_sum3A_1430[15] : f32 from vector<16xf32>
      %jit3A_1432 = arith.constant 0.000000e+00 : f32
      %broadcast_in_dim3A_1433 = vector.broadcast %reduce_sum3A_1431 : f32 to vector<16xf32>
      %broadcast_in_dim3A_1434 = vector.broadcast %jit3A_1432 : f32 to vector<16xf32>
      %select_n3A_1435 = arith.select %eq3A_1422, %broadcast_in_dim3A_1433, %broadcast_in_dim3A_1434 : vector<16xi1>, vector<16xf32>
      %add3A_1436 = arith.addf %add3A_1401, %select_n3A_1435 : vector<16xf32>
      %get3A_1437 = arith.constant 80 : index
      %get3A_1438 = tpu.vector_load %arg6[%get3A_1437] {strides = array<i32>} : memref<256xf32, #tpu.memory_space<vmem>>, vector<16xf32>,
      %get3A_1439 = arith.constant 80 : index
      %get3A_1440 = tpu.vector_load %arg7[%get3A_1439] {strides = array<i32>} : memref<256xi32, #tpu.memory_space<vmem>>, vector<16xi32>,
      %eq3A_1441 = arith.constant 0 : i32
      %eq3A_1442 = vector.broadcast %eq3A_1441 : i32 to vector<16xi32>
      %eq3A_1443 = arith.cmpi eq, %get3A_1440, %eq3A_1442 : vector<16xi32>
      %eq3A_1444 = arith.constant 0 : i32
      %eq3A_1445 = vector.broadcast %eq3A_1444 : i32 to vector<16xi32>
      %eq3A_1446 = arith.cmpi eq, %iota3A, %eq3A_1445 : vector<16xi32>
      %jit3A_1447 = arith.constant 0.000000e+00 : f32
      %broadcast_in_dim3A_1448 = vector.broadcast %jit3A_1447 : f32 to vector<16xf32>
      %select_n3A_1449 = arith.select %eq3A_1443, %get3A_1438, %broadcast_in_dim3A_1448 : vector<16xi1>, vector<16xf32>
      %reduce_sum3A_1450 = arith.constant true
      %reduce_sum3A_1451 = vector.broadcast %reduce_sum3A_1450 : i1 to vector<16xi1>
      %reduce_sum3A_1452 = tpu.scan <sum>, %select_n3A_1449 masked %reduce_sum3A_1451 : vector<16xf32>, vector<16xi1> -> vector<16xf32>
      %reduce_sum3A_1453 = vector.extract %reduce_sum3A_1452[15] : f32 from vector<16xf32>
      %jit3A_1454 = arith.constant 0.000000e+00 : f32
      %broadcast_in_dim3A_1455 = vector.broadcast %reduce_sum3A_1453 : f32 to vector<16xf32>
      %broadcast_in_dim3A_1456 = vector.broadcast %jit3A_1454 : f32 to vector<16xf32>
      %select_n3A_1457 = arith.select %eq3A_1446, %broadcast_in_dim3A_1455, %broadcast_in_dim3A_1456 : vector<16xi1>, vector<16xf32>
      %add3A_1458 = arith.addf %add3A_1419, %select_n3A_1457 : vector<16xf32>
      %eq3A_1459 = arith.constant 0 : i32
      %eq3A_1460 = vector.broadcast %eq3A_1459 : i32 to vector<16xi32>
      %eq3A_1461 = arith.cmpi eq, %iota3A, %eq3A_1460 : vector<16xi32>
      %jit3A_1462 = arith.constant 1.000000e+00 : f32
      %jit3A_1463 = arith.constant 0.000000e+00 : f32
      %broadcast_in_dim3A_1464 = vector.broadcast %jit3A_1462 : f32 to vector<16xf32>
      %broadcast_in_dim3A_1465 = vector.broadcast %jit3A_1463 : f32 to vector<16xf32>
      %select_n3A_1466 = arith.select %eq3A_1443, %broadcast_in_dim3A_1464, %broadcast_in_dim3A_1465 : vector<16xi1>, vector<16xf32>
      %reduce_sum3A_1467 = arith.constant true
      %reduce_sum3A_1468 = vector.broadcast %reduce_sum3A_1467 : i1 to vector<16xi1>
      %reduce_sum3A_1469 = tpu.scan <sum>, %select_n3A_1466 masked %reduce_sum3A_1468 : vector<16xf32>, vector<16xi1> -> vector<16xf32>
      %reduce_sum3A_1470 = vector.extract %reduce_sum3A_1469[15] : f32 from vector<16xf32>
      %jit3A_1471 = arith.constant 0.000000e+00 : f32
      %broadcast_in_dim3A_1472 = vector.broadcast %reduce_sum3A_1470 : f32 to vector<16xf32>
      %broadcast_in_dim3A_1473 = vector.broadcast %jit3A_1471 : f32 to vector<16xf32>
      %select_n3A_1474 = arith.select %eq3A_1461, %broadcast_in_dim3A_1472, %broadcast_in_dim3A_1473 : vector<16xi1>, vector<16xf32>
      %add3A_1475 = arith.addf %add3A_1436, %select_n3A_1474 : vector<16xf32>
      %eq3A_1476 = arith.constant 1 : i32
      %eq3A_1477 = vector.broadcast %eq3A_1476 : i32 to vector<16xi32>
      %eq3A_1478 = arith.cmpi eq, %get3A_1440, %eq3A_1477 : vector<16xi32>
      %eq3A_1479 = arith.constant 1 : i32
      %eq3A_1480 = vector.broadcast %eq3A_1479 : i32 to vector<16xi32>
      %eq3A_1481 = arith.cmpi eq, %iota3A, %eq3A_1480 : vector<16xi32>
      %jit3A_1482 = arith.constant 0.000000e+00 : f32
      %broadcast_in_dim3A_1483 = vector.broadcast %jit3A_1482 : f32 to vector<16xf32>
      %select_n3A_1484 = arith.select %eq3A_1478, %get3A_1438, %broadcast_in_dim3A_1483 : vector<16xi1>, vector<16xf32>
      %reduce_sum3A_1485 = arith.constant true
      %reduce_sum3A_1486 = vector.broadcast %reduce_sum3A_1485 : i1 to vector<16xi1>
      %reduce_sum3A_1487 = tpu.scan <sum>, %select_n3A_1484 masked %reduce_sum3A_1486 : vector<16xf32>, vector<16xi1> -> vector<16xf32>
      %reduce_sum3A_1488 = vector.extract %reduce_sum3A_1487[15] : f32 from vector<16xf32>
      %jit3A_1489 = arith.constant 0.000000e+00 : f32
      %broadcast_in_dim3A_1490 = vector.broadcast %reduce_sum3A_1488 : f32 to vector<16xf32>
      %broadcast_in_dim3A_1491 = vector.broadcast %jit3A_1489 : f32 to vector<16xf32>
      %select_n3A_1492 = arith.select %eq3A_1481, %broadcast_in_dim3A_1490, %broadcast_in_dim3A_1491 : vector<16xi1>, vector<16xf32>
      %add3A_1493 = arith.addf %add3A_1458, %select_n3A_1492 : vector<16xf32>
      %eq3A_1494 = arith.constant 1 : i32
      %eq3A_1495 = vector.broadcast %eq3A_1494 : i32 to vector<16xi32>
      %eq3A_1496 = arith.cmpi eq, %iota3A, %eq3A_1495 : vector<16xi32>
      %jit3A_1497 = arith.constant 1.000000e+00 : f32
      %jit3A_1498 = arith.constant 0.000000e+00 : f32
      %broadcast_in_dim3A_1499 = vector.broadcast %jit3A_1497 : f32 to vector<16xf32>
      %broadcast_in_dim3A_1500 = vector.broadcast %jit3A_1498 : f32 to vector<16xf32>
      %select_n3A_1501 = arith.select %eq3A_1478, %broadcast_in_dim3A_1499, %broadcast_in_dim3A_1500 : vector<16xi1>, vector<16xf32>
      %reduce_sum3A_1502 = arith.constant true
      %reduce_sum3A_1503 = vector.broadcast %reduce_sum3A_1502 : i1 to vector<16xi1>
      %reduce_sum3A_1504 = tpu.scan <sum>, %select_n3A_1501 masked %reduce_sum3A_1503 : vector<16xf32>, vector<16xi1> -> vector<16xf32>
      %reduce_sum3A_1505 = vector.extract %reduce_sum3A_1504[15] : f32 from vector<16xf32>
      %jit3A_1506 = arith.constant 0.000000e+00 : f32
      %broadcast_in_dim3A_1507 = vector.broadcast %reduce_sum3A_1505 : f32 to vector<16xf32>
      %broadcast_in_dim3A_1508 = vector.broadcast %jit3A_1506 : f32 to vector<16xf32>
      %select_n3A_1509 = arith.select %eq3A_1496, %broadcast_in_dim3A_1507, %broadcast_in_dim3A_1508 : vector<16xi1>, vector<16xf32>
      %add3A_1510 = arith.addf %add3A_1475, %select_n3A_1509 : vector<16xf32>
      %eq3A_1511 = arith.constant 2 : i32
      %eq3A_1512 = vector.broadcast %eq3A_1511 : i32 to vector<16xi32>
      %eq3A_1513 = arith.cmpi eq, %get3A_1440, %eq3A_1512 : vector<16xi32>
      %eq3A_1514 = arith.constant 2 : i32
      %eq3A_1515 = vector.broadcast %eq3A_1514 : i32 to vector<16xi32>
      %eq3A_1516 = arith.cmpi eq, %iota3A, %eq3A_1515 : vector<16xi32>
      %jit3A_1517 = arith.constant 0.000000e+00 : f32
      %broadcast_in_dim3A_1518 = vector.broadcast %jit3A_1517 : f32 to vector<16xf32>
      %select_n3A_1519 = arith.select %eq3A_1513, %get3A_1438, %broadcast_in_dim3A_1518 : vector<16xi1>, vector<16xf32>
      %reduce_sum3A_1520 = arith.constant true
      %reduce_sum3A_1521 = vector.broadcast %reduce_sum3A_1520 : i1 to vector<16xi1>
      %reduce_sum3A_1522 = tpu.scan <sum>, %select_n3A_1519 masked %reduce_sum3A_1521 : vector<16xf32>, vector<16xi1> -> vector<16xf32>
      %reduce_sum3A_1523 = vector.extract %reduce_sum3A_1522[15] : f32 from vector<16xf32>
      %jit3A_1524 = arith.constant 0.000000e+00 : f32
      %broadcast_in_dim3A_1525 = vector.broadcast %reduce_sum3A_1523 : f32 to vector<16xf32>
      %broadcast_in_dim3A_1526 = vector.broadcast %jit3A_1524 : f32 to vector<16xf32>
      %select_n3A_1527 = arith.select %eq3A_1516, %broadcast_in_dim3A_1525, %broadcast_in_dim3A_1526 : vector<16xi1>, vector<16xf32>
      %add3A_1528 = arith.addf %add3A_1493, %select_n3A_1527 : vector<16xf32>
      %eq3A_1529 = arith.constant 2 : i32
      %eq3A_1530 = vector.broadcast %eq3A_1529 : i32 to vector<16xi32>
      %eq3A_1531 = arith.cmpi eq, %iota3A, %eq3A_1530 : vector<16xi32>
      %jit3A_1532 = arith.constant 1.000000e+00 : f32
      %jit3A_1533 = arith.constant 0.000000e+00 : f32
      %broadcast_in_dim3A_1534 = vector.broadcast %jit3A_1532 : f32 to vector<16xf32>
      %broadcast_in_dim3A_1535 = vector.broadcast %jit3A_1533 : f32 to vector<16xf32>
      %select_n3A_1536 = arith.select %eq3A_1513, %broadcast_in_dim3A_1534, %broadcast_in_dim3A_1535 : vector<16xi1>, vector<16xf32>
      %reduce_sum3A_1537 = arith.constant true
      %reduce_sum3A_1538 = vector.broadcast %reduce_sum3A_1537 : i1 to vector<16xi1>
      %reduce_sum3A_1539 = tpu.scan <sum>, %select_n3A_1536 masked %reduce_sum3A_1538 : vector<16xf32>, vector<16xi1> -> vector<16xf32>
      %reduce_sum3A_1540 = vector.extract %reduce_sum3A_1539[15] : f32 from vector<16xf32>
      %jit3A_1541 = arith.constant 0.000000e+00 : f32
      %broadcast_in_dim3A_1542 = vector.broadcast %reduce_sum3A_1540 : f32 to vector<16xf32>
      %broadcast_in_dim3A_1543 = vector.broadcast %jit3A_1541 : f32 to vector<16xf32>
      %select_n3A_1544 = arith.select %eq3A_1531, %broadcast_in_dim3A_1542, %broadcast_in_dim3A_1543 : vector<16xi1>, vector<16xf32>
      %add3A_1545 = arith.addf %add3A_1510, %select_n3A_1544 : vector<16xf32>
      %eq3A_1546 = arith.constant 3 : i32
      %eq3A_1547 = vector.broadcast %eq3A_1546 : i32 to vector<16xi32>
      %eq3A_1548 = arith.cmpi eq, %get3A_1440, %eq3A_1547 : vector<16xi32>
      %eq3A_1549 = arith.constant 3 : i32
      %eq3A_1550 = vector.broadcast %eq3A_1549 : i32 to vector<16xi32>
      %eq3A_1551 = arith.cmpi eq, %iota3A, %eq3A_1550 : vector<16xi32>
      %jit3A_1552 = arith.constant 0.000000e+00 : f32
      %broadcast_in_dim3A_1553 = vector.broadcast %jit3A_1552 : f32 to vector<16xf32>
      %select_n3A_1554 = arith.select %eq3A_1548, %get3A_1438, %broadcast_in_dim3A_1553 : vector<16xi1>, vector<16xf32>
      %reduce_sum3A_1555 = arith.constant true
      %reduce_sum3A_1556 = vector.broadcast %reduce_sum3A_1555 : i1 to vector<16xi1>
      %reduce_sum3A_1557 = tpu.scan <sum>, %select_n3A_1554 masked %reduce_sum3A_1556 : vector<16xf32>, vector<16xi1> -> vector<16xf32>
      %reduce_sum3A_1558 = vector.extract %reduce_sum3A_1557[15] : f32 from vector<16xf32>
      %jit3A_1559 = arith.constant 0.000000e+00 : f32
      %broadcast_in_dim3A_1560 = vector.broadcast %reduce_sum3A_1558 : f32 to vector<16xf32>
      %broadcast_in_dim3A_1561 = vector.broadcast %jit3A_1559 : f32 to vector<16xf32>
      %select_n3A_1562 = arith.select %eq3A_1551, %broadcast_in_dim3A_1560, %broadcast_in_dim3A_1561 : vector<16xi1>, vector<16xf32>
      %add3A_1563 = arith.addf %add3A_1528, %select_n3A_1562 : vector<16xf32>
      %eq3A_1564 = arith.constant 3 : i32
      %eq3A_1565 = vector.broadcast %eq3A_1564 : i32 to vector<16xi32>
      %eq3A_1566 = arith.cmpi eq, %iota3A, %eq3A_1565 : vector<16xi32>
      %jit3A_1567 = arith.constant 1.000000e+00 : f32
      %jit3A_1568 = arith.constant 0.000000e+00 : f32
      %broadcast_in_dim3A_1569 = vector.broadcast %jit3A_1567 : f32 to vector<16xf32>
      %broadcast_in_dim3A_1570 = vector.broadcast %jit3A_1568 : f32 to vector<16xf32>
      %select_n3A_1571 = arith.select %eq3A_1548, %broadcast_in_dim3A_1569, %broadcast_in_dim3A_1570 : vector<16xi1>, vector<16xf32>
      %reduce_sum3A_1572 = arith.constant true
      %reduce_sum3A_1573 = vector.broadcast %reduce_sum3A_1572 : i1 to vector<16xi1>
      %reduce_sum3A_1574 = tpu.scan <sum>, %select_n3A_1571 masked %reduce_sum3A_1573 : vector<16xf32>, vector<16xi1> -> vector<16xf32>
      %reduce_sum3A_1575 = vector.extract %reduce_sum3A_1574[15] : f32 from vector<16xf32>
      %jit3A_1576 = arith.constant 0.000000e+00 : f32
      %broadcast_in_dim3A_1577 = vector.broadcast %reduce_sum3A_1575 : f32 to vector<16xf32>
      %broadcast_in_dim3A_1578 = vector.broadcast %jit3A_1576 : f32 to vector<16xf32>
      %select_n3A_1579 = arith.select %eq3A_1566, %broadcast_in_dim3A_1577, %broadcast_in_dim3A_1578 : vector<16xi1>, vector<16xf32>
      %add3A_1580 = arith.addf %add3A_1545, %select_n3A_1579 : vector<16xf32>
      %eq3A_1581 = arith.constant 4 : i32
      %eq3A_1582 = vector.broadcast %eq3A_1581 : i32 to vector<16xi32>
      %eq3A_1583 = arith.cmpi eq, %get3A_1440, %eq3A_1582 : vector<16xi32>
      %eq3A_1584 = arith.constant 4 : i32
      %eq3A_1585 = vector.broadcast %eq3A_1584 : i32 to vector<16xi32>
      %eq3A_1586 = arith.cmpi eq, %iota3A, %eq3A_1585 : vector<16xi32>
      %jit3A_1587 = arith.constant 0.000000e+00 : f32
      %broadcast_in_dim3A_1588 = vector.broadcast %jit3A_1587 : f32 to vector<16xf32>
      %select_n3A_1589 = arith.select %eq3A_1583, %get3A_1438, %broadcast_in_dim3A_1588 : vector<16xi1>, vector<16xf32>
      %reduce_sum3A_1590 = arith.constant true
      %reduce_sum3A_1591 = vector.broadcast %reduce_sum3A_1590 : i1 to vector<16xi1>
      %reduce_sum3A_1592 = tpu.scan <sum>, %select_n3A_1589 masked %reduce_sum3A_1591 : vector<16xf32>, vector<16xi1> -> vector<16xf32>
      %reduce_sum3A_1593 = vector.extract %reduce_sum3A_1592[15] : f32 from vector<16xf32>
      %jit3A_1594 = arith.constant 0.000000e+00 : f32
      %broadcast_in_dim3A_1595 = vector.broadcast %reduce_sum3A_1593 : f32 to vector<16xf32>
      %broadcast_in_dim3A_1596 = vector.broadcast %jit3A_1594 : f32 to vector<16xf32>
      %select_n3A_1597 = arith.select %eq3A_1586, %broadcast_in_dim3A_1595, %broadcast_in_dim3A_1596 : vector<16xi1>, vector<16xf32>
      %add3A_1598 = arith.addf %add3A_1563, %select_n3A_1597 : vector<16xf32>
      %eq3A_1599 = arith.constant 4 : i32
      %eq3A_1600 = vector.broadcast %eq3A_1599 : i32 to vector<16xi32>
      %eq3A_1601 = arith.cmpi eq, %iota3A, %eq3A_1600 : vector<16xi32>
      %jit3A_1602 = arith.constant 1.000000e+00 : f32
      %jit3A_1603 = arith.constant 0.000000e+00 : f32
      %broadcast_in_dim3A_1604 = vector.broadcast %jit3A_1602 : f32 to vector<16xf32>
      %broadcast_in_dim3A_1605 = vector.broadcast %jit3A_1603 : f32 to vector<16xf32>
      %select_n3A_1606 = arith.select %eq3A_1583, %broadcast_in_dim3A_1604, %broadcast_in_dim3A_1605 : vector<16xi1>, vector<16xf32>
      %reduce_sum3A_1607 = arith.constant true
      %reduce_sum3A_1608 = vector.broadcast %reduce_sum3A_1607 : i1 to vector<16xi1>
      %reduce_sum3A_1609 = tpu.scan <sum>, %select_n3A_1606 masked %reduce_sum3A_1608 : vector<16xf32>, vector<16xi1> -> vector<16xf32>
      %reduce_sum3A_1610 = vector.extract %reduce_sum3A_1609[15] : f32 from vector<16xf32>
      %jit3A_1611 = arith.constant 0.000000e+00 : f32
      %broadcast_in_dim3A_1612 = vector.broadcast %reduce_sum3A_1610 : f32 to vector<16xf32>
      %broadcast_in_dim3A_1613 = vector.broadcast %jit3A_1611 : f32 to vector<16xf32>
      %select_n3A_1614 = arith.select %eq3A_1601, %broadcast_in_dim3A_1612, %broadcast_in_dim3A_1613 : vector<16xi1>, vector<16xf32>
      %add3A_1615 = arith.addf %add3A_1580, %select_n3A_1614 : vector<16xf32>
      %eq3A_1616 = arith.constant 5 : i32
      %eq3A_1617 = vector.broadcast %eq3A_1616 : i32 to vector<16xi32>
      %eq3A_1618 = arith.cmpi eq, %get3A_1440, %eq3A_1617 : vector<16xi32>
      %eq3A_1619 = arith.constant 5 : i32
      %eq3A_1620 = vector.broadcast %eq3A_1619 : i32 to vector<16xi32>
      %eq3A_1621 = arith.cmpi eq, %iota3A, %eq3A_1620 : vector<16xi32>
      %jit3A_1622 = arith.constant 0.000000e+00 : f32
      %broadcast_in_dim3A_1623 = vector.broadcast %jit3A_1622 : f32 to vector<16xf32>
      %select_n3A_1624 = arith.select %eq3A_1618, %get3A_1438, %broadcast_in_dim3A_1623 : vector<16xi1>, vector<16xf32>
      %reduce_sum3A_1625 = arith.constant true
      %reduce_sum3A_1626 = vector.broadcast %reduce_sum3A_1625 : i1 to vector<16xi1>
      %reduce_sum3A_1627 = tpu.scan <sum>, %select_n3A_1624 masked %reduce_sum3A_1626 : vector<16xf32>, vector<16xi1> -> vector<16xf32>
      %reduce_sum3A_1628 = vector.extract %reduce_sum3A_1627[15] : f32 from vector<16xf32>
      %jit3A_1629 = arith.constant 0.000000e+00 : f32
      %broadcast_in_dim3A_1630 = vector.broadcast %reduce_sum3A_1628 : f32 to vector<16xf32>
      %broadcast_in_dim3A_1631 = vector.broadcast %jit3A_1629 : f32 to vector<16xf32>
      %select_n3A_1632 = arith.select %eq3A_1621, %broadcast_in_dim3A_1630, %broadcast_in_dim3A_1631 : vector<16xi1>, vector<16xf32>
      %add3A_1633 = arith.addf %add3A_1598, %select_n3A_1632 : vector<16xf32>
      %eq3A_1634 = arith.constant 5 : i32
      %eq3A_1635 = vector.broadcast %eq3A_1634 : i32 to vector<16xi32>
      %eq3A_1636 = arith.cmpi eq, %iota3A, %eq3A_1635 : vector<16xi32>
      %jit3A_1637 = arith.constant 1.000000e+00 : f32
      %jit3A_1638 = arith.constant 0.000000e+00 : f32
      %broadcast_in_dim3A_1639 = vector.broadcast %jit3A_1637 : f32 to vector<16xf32>
      %broadcast_in_dim3A_1640 = vector.broadcast %jit3A_1638 : f32 to vector<16xf32>
      %select_n3A_1641 = arith.select %eq3A_1618, %broadcast_in_dim3A_1639, %broadcast_in_dim3A_1640 : vector<16xi1>, vector<16xf32>
      %reduce_sum3A_1642 = arith.constant true
      %reduce_sum3A_1643 = vector.broadcast %reduce_sum3A_1642 : i1 to vector<16xi1>
      %reduce_sum3A_1644 = tpu.scan <sum>, %select_n3A_1641 masked %reduce_sum3A_1643 : vector<16xf32>, vector<16xi1> -> vector<16xf32>
      %reduce_sum3A_1645 = vector.extract %reduce_sum3A_1644[15] : f32 from vector<16xf32>
      %jit3A_1646 = arith.constant 0.000000e+00 : f32
      %broadcast_in_dim3A_1647 = vector.broadcast %reduce_sum3A_1645 : f32 to vector<16xf32>
      %broadcast_in_dim3A_1648 = vector.broadcast %jit3A_1646 : f32 to vector<16xf32>
      %select_n3A_1649 = arith.select %eq3A_1636, %broadcast_in_dim3A_1647, %broadcast_in_dim3A_1648 : vector<16xi1>, vector<16xf32>
      %add3A_1650 = arith.addf %add3A_1615, %select_n3A_1649 : vector<16xf32>
      %eq3A_1651 = arith.constant 6 : i32
      %eq3A_1652 = vector.broadcast %eq3A_1651 : i32 to vector<16xi32>
      %eq3A_1653 = arith.cmpi eq, %get3A_1440, %eq3A_1652 : vector<16xi32>
      %eq3A_1654 = arith.constant 6 : i32
      %eq3A_1655 = vector.broadcast %eq3A_1654 : i32 to vector<16xi32>
      %eq3A_1656 = arith.cmpi eq, %iota3A, %eq3A_1655 : vector<16xi32>
      %jit3A_1657 = arith.constant 0.000000e+00 : f32
      %broadcast_in_dim3A_1658 = vector.broadcast %jit3A_1657 : f32 to vector<16xf32>
      %select_n3A_1659 = arith.select %eq3A_1653, %get3A_1438, %broadcast_in_dim3A_1658 : vector<16xi1>, vector<16xf32>
      %reduce_sum3A_1660 = arith.constant true
      %reduce_sum3A_1661 = vector.broadcast %reduce_sum3A_1660 : i1 to vector<16xi1>
      %reduce_sum3A_1662 = tpu.scan <sum>, %select_n3A_1659 masked %reduce_sum3A_1661 : vector<16xf32>, vector<16xi1> -> vector<16xf32>
      %reduce_sum3A_1663 = vector.extract %reduce_sum3A_1662[15] : f32 from vector<16xf32>
      %jit3A_1664 = arith.constant 0.000000e+00 : f32
      %broadcast_in_dim3A_1665 = vector.broadcast %reduce_sum3A_1663 : f32 to vector<16xf32>
      %broadcast_in_dim3A_1666 = vector.broadcast %jit3A_1664 : f32 to vector<16xf32>
      %select_n3A_1667 = arith.select %eq3A_1656, %broadcast_in_dim3A_1665, %broadcast_in_dim3A_1666 : vector<16xi1>, vector<16xf32>
      %add3A_1668 = arith.addf %add3A_1633, %select_n3A_1667 : vector<16xf32>
      %eq3A_1669 = arith.constant 6 : i32
      %eq3A_1670 = vector.broadcast %eq3A_1669 : i32 to vector<16xi32>
      %eq3A_1671 = arith.cmpi eq, %iota3A, %eq3A_1670 : vector<16xi32>
      %jit3A_1672 = arith.constant 1.000000e+00 : f32
      %jit3A_1673 = arith.constant 0.000000e+00 : f32
      %broadcast_in_dim3A_1674 = vector.broadcast %jit3A_1672 : f32 to vector<16xf32>
      %broadcast_in_dim3A_1675 = vector.broadcast %jit3A_1673 : f32 to vector<16xf32>
      %select_n3A_1676 = arith.select %eq3A_1653, %broadcast_in_dim3A_1674, %broadcast_in_dim3A_1675 : vector<16xi1>, vector<16xf32>
      %reduce_sum3A_1677 = arith.constant true
      %reduce_sum3A_1678 = vector.broadcast %reduce_sum3A_1677 : i1 to vector<16xi1>
      %reduce_sum3A_1679 = tpu.scan <sum>, %select_n3A_1676 masked %reduce_sum3A_1678 : vector<16xf32>, vector<16xi1> -> vector<16xf32>
      %reduce_sum3A_1680 = vector.extract %reduce_sum3A_1679[15] : f32 from vector<16xf32>
      %jit3A_1681 = arith.constant 0.000000e+00 : f32
      %broadcast_in_dim3A_1682 = vector.broadcast %reduce_sum3A_1680 : f32 to vector<16xf32>
      %broadcast_in_dim3A_1683 = vector.broadcast %jit3A_1681 : f32 to vector<16xf32>
      %select_n3A_1684 = arith.select %eq3A_1671, %broadcast_in_dim3A_1682, %broadcast_in_dim3A_1683 : vector<16xi1>, vector<16xf32>
      %add3A_1685 = arith.addf %add3A_1650, %select_n3A_1684 : vector<16xf32>
      %eq3A_1686 = arith.constant 7 : i32
      %eq3A_1687 = vector.broadcast %eq3A_1686 : i32 to vector<16xi32>
      %eq3A_1688 = arith.cmpi eq, %get3A_1440, %eq3A_1687 : vector<16xi32>
      %eq3A_1689 = arith.constant 7 : i32
      %eq3A_1690 = vector.broadcast %eq3A_1689 : i32 to vector<16xi32>
      %eq3A_1691 = arith.cmpi eq, %iota3A, %eq3A_1690 : vector<16xi32>
      %jit3A_1692 = arith.constant 0.000000e+00 : f32
      %broadcast_in_dim3A_1693 = vector.broadcast %jit3A_1692 : f32 to vector<16xf32>
      %select_n3A_1694 = arith.select %eq3A_1688, %get3A_1438, %broadcast_in_dim3A_1693 : vector<16xi1>, vector<16xf32>
      %reduce_sum3A_1695 = arith.constant true
      %reduce_sum3A_1696 = vector.broadcast %reduce_sum3A_1695 : i1 to vector<16xi1>
      %reduce_sum3A_1697 = tpu.scan <sum>, %select_n3A_1694 masked %reduce_sum3A_1696 : vector<16xf32>, vector<16xi1> -> vector<16xf32>
      %reduce_sum3A_1698 = vector.extract %reduce_sum3A_1697[15] : f32 from vector<16xf32>
      %jit3A_1699 = arith.constant 0.000000e+00 : f32
      %broadcast_in_dim3A_1700 = vector.broadcast %reduce_sum3A_1698 : f32 to vector<16xf32>
      %broadcast_in_dim3A_1701 = vector.broadcast %jit3A_1699 : f32 to vector<16xf32>
      %select_n3A_1702 = arith.select %eq3A_1691, %broadcast_in_dim3A_1700, %broadcast_in_dim3A_1701 : vector<16xi1>, vector<16xf32>
      %add3A_1703 = arith.addf %add3A_1668, %select_n3A_1702 : vector<16xf32>
      %eq3A_1704 = arith.constant 7 : i32
      %eq3A_1705 = vector.broadcast %eq3A_1704 : i32 to vector<16xi32>
      %eq3A_1706 = arith.cmpi eq, %iota3A, %eq3A_1705 : vector<16xi32>
      %jit3A_1707 = arith.constant 1.000000e+00 : f32
      %jit3A_1708 = arith.constant 0.000000e+00 : f32
      %broadcast_in_dim3A_1709 = vector.broadcast %jit3A_1707 : f32 to vector<16xf32>
      %broadcast_in_dim3A_1710 = vector.broadcast %jit3A_1708 : f32 to vector<16xf32>
      %select_n3A_1711 = arith.select %eq3A_1688, %broadcast_in_dim3A_1709, %broadcast_in_dim3A_1710 : vector<16xi1>, vector<16xf32>
      %reduce_sum3A_1712 = arith.constant true
      %reduce_sum3A_1713 = vector.broadcast %reduce_sum3A_1712 : i1 to vector<16xi1>
      %reduce_sum3A_1714 = tpu.scan <sum>, %select_n3A_1711 masked %reduce_sum3A_1713 : vector<16xf32>, vector<16xi1> -> vector<16xf32>
      %reduce_sum3A_1715 = vector.extract %reduce_sum3A_1714[15] : f32 from vector<16xf32>
      %jit3A_1716 = arith.constant 0.000000e+00 : f32
      %broadcast_in_dim3A_1717 = vector.broadcast %reduce_sum3A_1715 : f32 to vector<16xf32>
      %broadcast_in_dim3A_1718 = vector.broadcast %jit3A_1716 : f32 to vector<16xf32>
      %select_n3A_1719 = arith.select %eq3A_1706, %broadcast_in_dim3A_1717, %broadcast_in_dim3A_1718 : vector<16xi1>, vector<16xf32>
      %add3A_1720 = arith.addf %add3A_1685, %select_n3A_1719 : vector<16xf32>
      %get3A_1721 = arith.constant 96 : index
      %get3A_1722 = tpu.vector_load %arg6[%get3A_1721] {strides = array<i32>} : memref<256xf32, #tpu.memory_space<vmem>>, vector<16xf32>,
      %get3A_1723 = arith.constant 96 : index
      %get3A_1724 = tpu.vector_load %arg7[%get3A_1723] {strides = array<i32>} : memref<256xi32, #tpu.memory_space<vmem>>, vector<16xi32>,
      %eq3A_1725 = arith.constant 0 : i32
      %eq3A_1726 = vector.broadcast %eq3A_1725 : i32 to vector<16xi32>
      %eq3A_1727 = arith.cmpi eq, %get3A_1724, %eq3A_1726 : vector<16xi32>
      %eq3A_1728 = arith.constant 0 : i32
      %eq3A_1729 = vector.broadcast %eq3A_1728 : i32 to vector<16xi32>
      %eq3A_1730 = arith.cmpi eq, %iota3A, %eq3A_1729 : vector<16xi32>
      %jit3A_1731 = arith.constant 0.000000e+00 : f32
      %broadcast_in_dim3A_1732 = vector.broadcast %jit3A_1731 : f32 to vector<16xf32>
      %select_n3A_1733 = arith.select %eq3A_1727, %get3A_1722, %broadcast_in_dim3A_1732 : vector<16xi1>, vector<16xf32>
      %reduce_sum3A_1734 = arith.constant true
      %reduce_sum3A_1735 = vector.broadcast %reduce_sum3A_1734 : i1 to vector<16xi1>
      %reduce_sum3A_1736 = tpu.scan <sum>, %select_n3A_1733 masked %reduce_sum3A_1735 : vector<16xf32>, vector<16xi1> -> vector<16xf32>
      %reduce_sum3A_1737 = vector.extract %reduce_sum3A_1736[15] : f32 from vector<16xf32>
      %jit3A_1738 = arith.constant 0.000000e+00 : f32
      %broadcast_in_dim3A_1739 = vector.broadcast %reduce_sum3A_1737 : f32 to vector<16xf32>
      %broadcast_in_dim3A_1740 = vector.broadcast %jit3A_1738 : f32 to vector<16xf32>
      %select_n3A_1741 = arith.select %eq3A_1730, %broadcast_in_dim3A_1739, %broadcast_in_dim3A_1740 : vector<16xi1>, vector<16xf32>
      %add3A_1742 = arith.addf %add3A_1703, %select_n3A_1741 : vector<16xf32>
      %eq3A_1743 = arith.constant 0 : i32
      %eq3A_1744 = vector.broadcast %eq3A_1743 : i32 to vector<16xi32>
      %eq3A_1745 = arith.cmpi eq, %iota3A, %eq3A_1744 : vector<16xi32>
      %jit3A_1746 = arith.constant 1.000000e+00 : f32
      %jit3A_1747 = arith.constant 0.000000e+00 : f32
      %broadcast_in_dim3A_1748 = vector.broadcast %jit3A_1746 : f32 to vector<16xf32>
      %broadcast_in_dim3A_1749 = vector.broadcast %jit3A_1747 : f32 to vector<16xf32>
      %select_n3A_1750 = arith.select %eq3A_1727, %broadcast_in_dim3A_1748, %broadcast_in_dim3A_1749 : vector<16xi1>, vector<16xf32>
      %reduce_sum3A_1751 = arith.constant true
      %reduce_sum3A_1752 = vector.broadcast %reduce_sum3A_1751 : i1 to vector<16xi1>
      %reduce_sum3A_1753 = tpu.scan <sum>, %select_n3A_1750 masked %reduce_sum3A_1752 : vector<16xf32>, vector<16xi1> -> vector<16xf32>
      %reduce_sum3A_1754 = vector.extract %reduce_sum3A_1753[15] : f32 from vector<16xf32>
      %jit3A_1755 = arith.constant 0.000000e+00 : f32
      %broadcast_in_dim3A_1756 = vector.broadcast %reduce_sum3A_1754 : f32 to vector<16xf32>
      %broadcast_in_dim3A_1757 = vector.broadcast %jit3A_1755 : f32 to vector<16xf32>
      %select_n3A_1758 = arith.select %eq3A_1745, %broadcast_in_dim3A_1756, %broadcast_in_dim3A_1757 : vector<16xi1>, vector<16xf32>
      %add3A_1759 = arith.addf %add3A_1720, %select_n3A_1758 : vector<16xf32>
      %eq3A_1760 = arith.constant 1 : i32
      %eq3A_1761 = vector.broadcast %eq3A_1760 : i32 to vector<16xi32>
      %eq3A_1762 = arith.cmpi eq, %get3A_1724, %eq3A_1761 : vector<16xi32>
      %eq3A_1763 = arith.constant 1 : i32
      %eq3A_1764 = vector.broadcast %eq3A_1763 : i32 to vector<16xi32>
      %eq3A_1765 = arith.cmpi eq, %iota3A, %eq3A_1764 : vector<16xi32>
      %jit3A_1766 = arith.constant 0.000000e+00 : f32
      %broadcast_in_dim3A_1767 = vector.broadcast %jit3A_1766 : f32 to vector<16xf32>
      %select_n3A_1768 = arith.select %eq3A_1762, %get3A_1722, %broadcast_in_dim3A_1767 : vector<16xi1>, vector<16xf32>
      %reduce_sum3A_1769 = arith.constant true
      %reduce_sum3A_1770 = vector.broadcast %reduce_sum3A_1769 : i1 to vector<16xi1>
      %reduce_sum3A_1771 = tpu.scan <sum>, %select_n3A_1768 masked %reduce_sum3A_1770 : vector<16xf32>, vector<16xi1> -> vector<16xf32>
      %reduce_sum3A_1772 = vector.extract %reduce_sum3A_1771[15] : f32 from vector<16xf32>
      %jit3A_1773 = arith.constant 0.000000e+00 : f32
      %broadcast_in_dim3A_1774 = vector.broadcast %reduce_sum3A_1772 : f32 to vector<16xf32>
      %broadcast_in_dim3A_1775 = vector.broadcast %jit3A_1773 : f32 to vector<16xf32>
      %select_n3A_1776 = arith.select %eq3A_1765, %broadcast_in_dim3A_1774, %broadcast_in_dim3A_1775 : vector<16xi1>, vector<16xf32>
      %add3A_1777 = arith.addf %add3A_1742, %select_n3A_1776 : vector<16xf32>
      %eq3A_1778 = arith.constant 1 : i32
      %eq3A_1779 = vector.broadcast %eq3A_1778 : i32 to vector<16xi32>
      %eq3A_1780 = arith.cmpi eq, %iota3A, %eq3A_1779 : vector<16xi32>
      %jit3A_1781 = arith.constant 1.000000e+00 : f32
      %jit3A_1782 = arith.constant 0.000000e+00 : f32
      %broadcast_in_dim3A_1783 = vector.broadcast %jit3A_1781 : f32 to vector<16xf32>
      %broadcast_in_dim3A_1784 = vector.broadcast %jit3A_1782 : f32 to vector<16xf32>
      %select_n3A_1785 = arith.select %eq3A_1762, %broadcast_in_dim3A_1783, %broadcast_in_dim3A_1784 : vector<16xi1>, vector<16xf32>
      %reduce_sum3A_1786 = arith.constant true
      %reduce_sum3A_1787 = vector.broadcast %reduce_sum3A_1786 : i1 to vector<16xi1>
      %reduce_sum3A_1788 = tpu.scan <sum>, %select_n3A_1785 masked %reduce_sum3A_1787 : vector<16xf32>, vector<16xi1> -> vector<16xf32>
      %reduce_sum3A_1789 = vector.extract %reduce_sum3A_1788[15] : f32 from vector<16xf32>
      %jit3A_1790 = arith.constant 0.000000e+00 : f32
      %broadcast_in_dim3A_1791 = vector.broadcast %reduce_sum3A_1789 : f32 to vector<16xf32>
      %broadcast_in_dim3A_1792 = vector.broadcast %jit3A_1790 : f32 to vector<16xf32>
      %select_n3A_1793 = arith.select %eq3A_1780, %broadcast_in_dim3A_1791, %broadcast_in_dim3A_1792 : vector<16xi1>, vector<16xf32>
      %add3A_1794 = arith.addf %add3A_1759, %select_n3A_1793 : vector<16xf32>
      %eq3A_1795 = arith.constant 2 : i32
      %eq3A_1796 = vector.broadcast %eq3A_1795 : i32 to vector<16xi32>
      %eq3A_1797 = arith.cmpi eq, %get3A_1724, %eq3A_1796 : vector<16xi32>
      %eq3A_1798 = arith.constant 2 : i32
      %eq3A_1799 = vector.broadcast %eq3A_1798 : i32 to vector<16xi32>
      %eq3A_1800 = arith.cmpi eq, %iota3A, %eq3A_1799 : vector<16xi32>
      %jit3A_1801 = arith.constant 0.000000e+00 : f32
      %broadcast_in_dim3A_1802 = vector.broadcast %jit3A_1801 : f32 to vector<16xf32>
      %select_n3A_1803 = arith.select %eq3A_1797, %get3A_1722, %broadcast_in_dim3A_1802 : vector<16xi1>, vector<16xf32>
      %reduce_sum3A_1804 = arith.constant true
      %reduce_sum3A_1805 = vector.broadcast %reduce_sum3A_1804 : i1 to vector<16xi1>
      %reduce_sum3A_1806 = tpu.scan <sum>, %select_n3A_1803 masked %reduce_sum3A_1805 : vector<16xf32>, vector<16xi1> -> vector<16xf32>
      %reduce_sum3A_1807 = vector.extract %reduce_sum3A_1806[15] : f32 from vector<16xf32>
      %jit3A_1808 = arith.constant 0.000000e+00 : f32
      %broadcast_in_dim3A_1809 = vector.broadcast %reduce_sum3A_1807 : f32 to vector<16xf32>
      %broadcast_in_dim3A_1810 = vector.broadcast %jit3A_1808 : f32 to vector<16xf32>
      %select_n3A_1811 = arith.select %eq3A_1800, %broadcast_in_dim3A_1809, %broadcast_in_dim3A_1810 : vector<16xi1>, vector<16xf32>
      %add3A_1812 = arith.addf %add3A_1777, %select_n3A_1811 : vector<16xf32>
      %eq3A_1813 = arith.constant 2 : i32
      %eq3A_1814 = vector.broadcast %eq3A_1813 : i32 to vector<16xi32>
      %eq3A_1815 = arith.cmpi eq, %iota3A, %eq3A_1814 : vector<16xi32>
      %jit3A_1816 = arith.constant 1.000000e+00 : f32
      %jit3A_1817 = arith.constant 0.000000e+00 : f32
      %broadcast_in_dim3A_1818 = vector.broadcast %jit3A_1816 : f32 to vector<16xf32>
      %broadcast_in_dim3A_1819 = vector.broadcast %jit3A_1817 : f32 to vector<16xf32>
      %select_n3A_1820 = arith.select %eq3A_1797, %broadcast_in_dim3A_1818, %broadcast_in_dim3A_1819 : vector<16xi1>, vector<16xf32>
      %reduce_sum3A_1821 = arith.constant true
      %reduce_sum3A_1822 = vector.broadcast %reduce_sum3A_1821 : i1 to vector<16xi1>
      %reduce_sum3A_1823 = tpu.scan <sum>, %select_n3A_1820 masked %reduce_sum3A_1822 : vector<16xf32>, vector<16xi1> -> vector<16xf32>
      %reduce_sum3A_1824 = vector.extract %reduce_sum3A_1823[15] : f32 from vector<16xf32>
      %jit3A_1825 = arith.constant 0.000000e+00 : f32
      %broadcast_in_dim3A_1826 = vector.broadcast %reduce_sum3A_1824 : f32 to vector<16xf32>
      %broadcast_in_dim3A_1827 = vector.broadcast %jit3A_1825 : f32 to vector<16xf32>
      %select_n3A_1828 = arith.select %eq3A_1815, %broadcast_in_dim3A_1826, %broadcast_in_dim3A_1827 : vector<16xi1>, vector<16xf32>
      %add3A_1829 = arith.addf %add3A_1794, %select_n3A_1828 : vector<16xf32>
      %eq3A_1830 = arith.constant 3 : i32
      %eq3A_1831 = vector.broadcast %eq3A_1830 : i32 to vector<16xi32>
      %eq3A_1832 = arith.cmpi eq, %get3A_1724, %eq3A_1831 : vector<16xi32>
      %eq3A_1833 = arith.constant 3 : i32
      %eq3A_1834 = vector.broadcast %eq3A_1833 : i32 to vector<16xi32>
      %eq3A_1835 = arith.cmpi eq, %iota3A, %eq3A_1834 : vector<16xi32>
      %jit3A_1836 = arith.constant 0.000000e+00 : f32
      %broadcast_in_dim3A_1837 = vector.broadcast %jit3A_1836 : f32 to vector<16xf32>
      %select_n3A_1838 = arith.select %eq3A_1832, %get3A_1722, %broadcast_in_dim3A_1837 : vector<16xi1>, vector<16xf32>
      %reduce_sum3A_1839 = arith.constant true
      %reduce_sum3A_1840 = vector.broadcast %reduce_sum3A_1839 : i1 to vector<16xi1>
      %reduce_sum3A_1841 = tpu.scan <sum>, %select_n3A_1838 masked %reduce_sum3A_1840 : vector<16xf32>, vector<16xi1> -> vector<16xf32>
      %reduce_sum3A_1842 = vector.extract %reduce_sum3A_1841[15] : f32 from vector<16xf32>
      %jit3A_1843 = arith.constant 0.000000e+00 : f32
      %broadcast_in_dim3A_1844 = vector.broadcast %reduce_sum3A_1842 : f32 to vector<16xf32>
      %broadcast_in_dim3A_1845 = vector.broadcast %jit3A_1843 : f32 to vector<16xf32>
      %select_n3A_1846 = arith.select %eq3A_1835, %broadcast_in_dim3A_1844, %broadcast_in_dim3A_1845 : vector<16xi1>, vector<16xf32>
      %add3A_1847 = arith.addf %add3A_1812, %select_n3A_1846 : vector<16xf32>
      %eq3A_1848 = arith.constant 3 : i32
      %eq3A_1849 = vector.broadcast %eq3A_1848 : i32 to vector<16xi32>
      %eq3A_1850 = arith.cmpi eq, %iota3A, %eq3A_1849 : vector<16xi32>
      %jit3A_1851 = arith.constant 1.000000e+00 : f32
      %jit3A_1852 = arith.constant 0.000000e+00 : f32
      %broadcast_in_dim3A_1853 = vector.broadcast %jit3A_1851 : f32 to vector<16xf32>
      %broadcast_in_dim3A_1854 = vector.broadcast %jit3A_1852 : f32 to vector<16xf32>
      %select_n3A_1855 = arith.select %eq3A_1832, %broadcast_in_dim3A_1853, %broadcast_in_dim3A_1854 : vector<16xi1>, vector<16xf32>
      %reduce_sum3A_1856 = arith.constant true
      %reduce_sum3A_1857 = vector.broadcast %reduce_sum3A_1856 : i1 to vector<16xi1>
      %reduce_sum3A_1858 = tpu.scan <sum>, %select_n3A_1855 masked %reduce_sum3A_1857 : vector<16xf32>, vector<16xi1> -> vector<16xf32>
      %reduce_sum3A_1859 = vector.extract %reduce_sum3A_1858[15] : f32 from vector<16xf32>
      %jit3A_1860 = arith.constant 0.000000e+00 : f32
      %broadcast_in_dim3A_1861 = vector.broadcast %reduce_sum3A_1859 : f32 to vector<16xf32>
      %broadcast_in_dim3A_1862 = vector.broadcast %jit3A_1860 : f32 to vector<16xf32>
      %select_n3A_1863 = arith.select %eq3A_1850, %broadcast_in_dim3A_1861, %broadcast_in_dim3A_1862 : vector<16xi1>, vector<16xf32>
      %add3A_1864 = arith.addf %add3A_1829, %select_n3A_1863 : vector<16xf32>
      %eq3A_1865 = arith.constant 4 : i32
      %eq3A_1866 = vector.broadcast %eq3A_1865 : i32 to vector<16xi32>
      %eq3A_1867 = arith.cmpi eq, %get3A_1724, %eq3A_1866 : vector<16xi32>
      %eq3A_1868 = arith.constant 4 : i32
      %eq3A_1869 = vector.broadcast %eq3A_1868 : i32 to vector<16xi32>
      %eq3A_1870 = arith.cmpi eq, %iota3A, %eq3A_1869 : vector<16xi32>
      %jit3A_1871 = arith.constant 0.000000e+00 : f32
      %broadcast_in_dim3A_1872 = vector.broadcast %jit3A_1871 : f32 to vector<16xf32>
      %select_n3A_1873 = arith.select %eq3A_1867, %get3A_1722, %broadcast_in_dim3A_1872 : vector<16xi1>, vector<16xf32>
      %reduce_sum3A_1874 = arith.constant true
      %reduce_sum3A_1875 = vector.broadcast %reduce_sum3A_1874 : i1 to vector<16xi1>
      %reduce_sum3A_1876 = tpu.scan <sum>, %select_n3A_1873 masked %reduce_sum3A_1875 : vector<16xf32>, vector<16xi1> -> vector<16xf32>
      %reduce_sum3A_1877 = vector.extract %reduce_sum3A_1876[15] : f32 from vector<16xf32>
      %jit3A_1878 = arith.constant 0.000000e+00 : f32
      %broadcast_in_dim3A_1879 = vector.broadcast %reduce_sum3A_1877 : f32 to vector<16xf32>
      %broadcast_in_dim3A_1880 = vector.broadcast %jit3A_1878 : f32 to vector<16xf32>
      %select_n3A_1881 = arith.select %eq3A_1870, %broadcast_in_dim3A_1879, %broadcast_in_dim3A_1880 : vector<16xi1>, vector<16xf32>
      %add3A_1882 = arith.addf %add3A_1847, %select_n3A_1881 : vector<16xf32>
      %eq3A_1883 = arith.constant 4 : i32
      %eq3A_1884 = vector.broadcast %eq3A_1883 : i32 to vector<16xi32>
      %eq3A_1885 = arith.cmpi eq, %iota3A, %eq3A_1884 : vector<16xi32>
      %jit3A_1886 = arith.constant 1.000000e+00 : f32
      %jit3A_1887 = arith.constant 0.000000e+00 : f32
      %broadcast_in_dim3A_1888 = vector.broadcast %jit3A_1886 : f32 to vector<16xf32>
      %broadcast_in_dim3A_1889 = vector.broadcast %jit3A_1887 : f32 to vector<16xf32>
      %select_n3A_1890 = arith.select %eq3A_1867, %broadcast_in_dim3A_1888, %broadcast_in_dim3A_1889 : vector<16xi1>, vector<16xf32>
      %reduce_sum3A_1891 = arith.constant true
      %reduce_sum3A_1892 = vector.broadcast %reduce_sum3A_1891 : i1 to vector<16xi1>
      %reduce_sum3A_1893 = tpu.scan <sum>, %select_n3A_1890 masked %reduce_sum3A_1892 : vector<16xf32>, vector<16xi1> -> vector<16xf32>
      %reduce_sum3A_1894 = vector.extract %reduce_sum3A_1893[15] : f32 from vector<16xf32>
      %jit3A_1895 = arith.constant 0.000000e+00 : f32
      %broadcast_in_dim3A_1896 = vector.broadcast %reduce_sum3A_1894 : f32 to vector<16xf32>
      %broadcast_in_dim3A_1897 = vector.broadcast %jit3A_1895 : f32 to vector<16xf32>
      %select_n3A_1898 = arith.select %eq3A_1885, %broadcast_in_dim3A_1896, %broadcast_in_dim3A_1897 : vector<16xi1>, vector<16xf32>
      %add3A_1899 = arith.addf %add3A_1864, %select_n3A_1898 : vector<16xf32>
      %eq3A_1900 = arith.constant 5 : i32
      %eq3A_1901 = vector.broadcast %eq3A_1900 : i32 to vector<16xi32>
      %eq3A_1902 = arith.cmpi eq, %get3A_1724, %eq3A_1901 : vector<16xi32>
      %eq3A_1903 = arith.constant 5 : i32
      %eq3A_1904 = vector.broadcast %eq3A_1903 : i32 to vector<16xi32>
      %eq3A_1905 = arith.cmpi eq, %iota3A, %eq3A_1904 : vector<16xi32>
      %jit3A_1906 = arith.constant 0.000000e+00 : f32
      %broadcast_in_dim3A_1907 = vector.broadcast %jit3A_1906 : f32 to vector<16xf32>
      %select_n3A_1908 = arith.select %eq3A_1902, %get3A_1722, %broadcast_in_dim3A_1907 : vector<16xi1>, vector<16xf32>
      %reduce_sum3A_1909 = arith.constant true
      %reduce_sum3A_1910 = vector.broadcast %reduce_sum3A_1909 : i1 to vector<16xi1>
      %reduce_sum3A_1911 = tpu.scan <sum>, %select_n3A_1908 masked %reduce_sum3A_1910 : vector<16xf32>, vector<16xi1> -> vector<16xf32>
      %reduce_sum3A_1912 = vector.extract %reduce_sum3A_1911[15] : f32 from vector<16xf32>
      %jit3A_1913 = arith.constant 0.000000e+00 : f32
      %broadcast_in_dim3A_1914 = vector.broadcast %reduce_sum3A_1912 : f32 to vector<16xf32>
      %broadcast_in_dim3A_1915 = vector.broadcast %jit3A_1913 : f32 to vector<16xf32>
      %select_n3A_1916 = arith.select %eq3A_1905, %broadcast_in_dim3A_1914, %broadcast_in_dim3A_1915 : vector<16xi1>, vector<16xf32>
      %add3A_1917 = arith.addf %add3A_1882, %select_n3A_1916 : vector<16xf32>
      %eq3A_1918 = arith.constant 5 : i32
      %eq3A_1919 = vector.broadcast %eq3A_1918 : i32 to vector<16xi32>
      %eq3A_1920 = arith.cmpi eq, %iota3A, %eq3A_1919 : vector<16xi32>
      %jit3A_1921 = arith.constant 1.000000e+00 : f32
      %jit3A_1922 = arith.constant 0.000000e+00 : f32
      %broadcast_in_dim3A_1923 = vector.broadcast %jit3A_1921 : f32 to vector<16xf32>
      %broadcast_in_dim3A_1924 = vector.broadcast %jit3A_1922 : f32 to vector<16xf32>
      %select_n3A_1925 = arith.select %eq3A_1902, %broadcast_in_dim3A_1923, %broadcast_in_dim3A_1924 : vector<16xi1>, vector<16xf32>
      %reduce_sum3A_1926 = arith.constant true
      %reduce_sum3A_1927 = vector.broadcast %reduce_sum3A_1926 : i1 to vector<16xi1>
      %reduce_sum3A_1928 = tpu.scan <sum>, %select_n3A_1925 masked %reduce_sum3A_1927 : vector<16xf32>, vector<16xi1> -> vector<16xf32>
      %reduce_sum3A_1929 = vector.extract %reduce_sum3A_1928[15] : f32 from vector<16xf32>
      %jit3A_1930 = arith.constant 0.000000e+00 : f32
      %broadcast_in_dim3A_1931 = vector.broadcast %reduce_sum3A_1929 : f32 to vector<16xf32>
      %broadcast_in_dim3A_1932 = vector.broadcast %jit3A_1930 : f32 to vector<16xf32>
      %select_n3A_1933 = arith.select %eq3A_1920, %broadcast_in_dim3A_1931, %broadcast_in_dim3A_1932 : vector<16xi1>, vector<16xf32>
      %add3A_1934 = arith.addf %add3A_1899, %select_n3A_1933 : vector<16xf32>
      %eq3A_1935 = arith.constant 6 : i32
      %eq3A_1936 = vector.broadcast %eq3A_1935 : i32 to vector<16xi32>
      %eq3A_1937 = arith.cmpi eq, %get3A_1724, %eq3A_1936 : vector<16xi32>
      %eq3A_1938 = arith.constant 6 : i32
      %eq3A_1939 = vector.broadcast %eq3A_1938 : i32 to vector<16xi32>
      %eq3A_1940 = arith.cmpi eq, %iota3A, %eq3A_1939 : vector<16xi32>
      %jit3A_1941 = arith.constant 0.000000e+00 : f32
      %broadcast_in_dim3A_1942 = vector.broadcast %jit3A_1941 : f32 to vector<16xf32>
      %select_n3A_1943 = arith.select %eq3A_1937, %get3A_1722, %broadcast_in_dim3A_1942 : vector<16xi1>, vector<16xf32>
      %reduce_sum3A_1944 = arith.constant true
      %reduce_sum3A_1945 = vector.broadcast %reduce_sum3A_1944 : i1 to vector<16xi1>
      %reduce_sum3A_1946 = tpu.scan <sum>, %select_n3A_1943 masked %reduce_sum3A_1945 : vector<16xf32>, vector<16xi1> -> vector<16xf32>
      %reduce_sum3A_1947 = vector.extract %reduce_sum3A_1946[15] : f32 from vector<16xf32>
      %jit3A_1948 = arith.constant 0.000000e+00 : f32
      %broadcast_in_dim3A_1949 = vector.broadcast %reduce_sum3A_1947 : f32 to vector<16xf32>
      %broadcast_in_dim3A_1950 = vector.broadcast %jit3A_1948 : f32 to vector<16xf32>
      %select_n3A_1951 = arith.select %eq3A_1940, %broadcast_in_dim3A_1949, %broadcast_in_dim3A_1950 : vector<16xi1>, vector<16xf32>
      %add3A_1952 = arith.addf %add3A_1917, %select_n3A_1951 : vector<16xf32>
      %eq3A_1953 = arith.constant 6 : i32
      %eq3A_1954 = vector.broadcast %eq3A_1953 : i32 to vector<16xi32>
      %eq3A_1955 = arith.cmpi eq, %iota3A, %eq3A_1954 : vector<16xi32>
      %jit3A_1956 = arith.constant 1.000000e+00 : f32
      %jit3A_1957 = arith.constant 0.000000e+00 : f32
      %broadcast_in_dim3A_1958 = vector.broadcast %jit3A_1956 : f32 to vector<16xf32>
      %broadcast_in_dim3A_1959 = vector.broadcast %jit3A_1957 : f32 to vector<16xf32>
      %select_n3A_1960 = arith.select %eq3A_1937, %broadcast_in_dim3A_1958, %broadcast_in_dim3A_1959 : vector<16xi1>, vector<16xf32>
      %reduce_sum3A_1961 = arith.constant true
      %reduce_sum3A_1962 = vector.broadcast %reduce_sum3A_1961 : i1 to vector<16xi1>
      %reduce_sum3A_1963 = tpu.scan <sum>, %select_n3A_1960 masked %reduce_sum3A_1962 : vector<16xf32>, vector<16xi1> -> vector<16xf32>
      %reduce_sum3A_1964 = vector.extract %reduce_sum3A_1963[15] : f32 from vector<16xf32>
      %jit3A_1965 = arith.constant 0.000000e+00 : f32
      %broadcast_in_dim3A_1966 = vector.broadcast %reduce_sum3A_1964 : f32 to vector<16xf32>
      %broadcast_in_dim3A_1967 = vector.broadcast %jit3A_1965 : f32 to vector<16xf32>
      %select_n3A_1968 = arith.select %eq3A_1955, %broadcast_in_dim3A_1966, %broadcast_in_dim3A_1967 : vector<16xi1>, vector<16xf32>
      %add3A_1969 = arith.addf %add3A_1934, %select_n3A_1968 : vector<16xf32>
      %eq3A_1970 = arith.constant 7 : i32
      %eq3A_1971 = vector.broadcast %eq3A_1970 : i32 to vector<16xi32>
      %eq3A_1972 = arith.cmpi eq, %get3A_1724, %eq3A_1971 : vector<16xi32>
      %eq3A_1973 = arith.constant 7 : i32
      %eq3A_1974 = vector.broadcast %eq3A_1973 : i32 to vector<16xi32>
      %eq3A_1975 = arith.cmpi eq, %iota3A, %eq3A_1974 : vector<16xi32>
      %jit3A_1976 = arith.constant 0.000000e+00 : f32
      %broadcast_in_dim3A_1977 = vector.broadcast %jit3A_1976 : f32 to vector<16xf32>
      %select_n3A_1978 = arith.select %eq3A_1972, %get3A_1722, %broadcast_in_dim3A_1977 : vector<16xi1>, vector<16xf32>
      %reduce_sum3A_1979 = arith.constant true
      %reduce_sum3A_1980 = vector.broadcast %reduce_sum3A_1979 : i1 to vector<16xi1>
      %reduce_sum3A_1981 = tpu.scan <sum>, %select_n3A_1978 masked %reduce_sum3A_1980 : vector<16xf32>, vector<16xi1> -> vector<16xf32>
      %reduce_sum3A_1982 = vector.extract %reduce_sum3A_1981[15] : f32 from vector<16xf32>
      %jit3A_1983 = arith.constant 0.000000e+00 : f32
      %broadcast_in_dim3A_1984 = vector.broadcast %reduce_sum3A_1982 : f32 to vector<16xf32>
      %broadcast_in_dim3A_1985 = vector.broadcast %jit3A_1983 : f32 to vector<16xf32>
      %select_n3A_1986 = arith.select %eq3A_1975, %broadcast_in_dim3A_1984, %broadcast_in_dim3A_1985 : vector<16xi1>, vector<16xf32>
      %add3A_1987 = arith.addf %add3A_1952, %select_n3A_1986 : vector<16xf32>
      %eq3A_1988 = arith.constant 7 : i32
      %eq3A_1989 = vector.broadcast %eq3A_1988 : i32 to vector<16xi32>
      %eq3A_1990 = arith.cmpi eq, %iota3A, %eq3A_1989 : vector<16xi32>
      %jit3A_1991 = arith.constant 1.000000e+00 : f32
      %jit3A_1992 = arith.constant 0.000000e+00 : f32
      %broadcast_in_dim3A_1993 = vector.broadcast %jit3A_1991 : f32 to vector<16xf32>
      %broadcast_in_dim3A_1994 = vector.broadcast %jit3A_1992 : f32 to vector<16xf32>
      %select_n3A_1995 = arith.select %eq3A_1972, %broadcast_in_dim3A_1993, %broadcast_in_dim3A_1994 : vector<16xi1>, vector<16xf32>
      %reduce_sum3A_1996 = arith.constant true
      %reduce_sum3A_1997 = vector.broadcast %reduce_sum3A_1996 : i1 to vector<16xi1>
      %reduce_sum3A_1998 = tpu.scan <sum>, %select_n3A_1995 masked %reduce_sum3A_1997 : vector<16xf32>, vector<16xi1> -> vector<16xf32>
      %reduce_sum3A_1999 = vector.extract %reduce_sum3A_1998[15] : f32 from vector<16xf32>
      %jit3A_2000 = arith.constant 0.000000e+00 : f32
      %broadcast_in_dim3A_2001 = vector.broadcast %reduce_sum3A_1999 : f32 to vector<16xf32>
      %broadcast_in_dim3A_2002 = vector.broadcast %jit3A_2000 : f32 to vector<16xf32>
      %select_n3A_2003 = arith.select %eq3A_1990, %broadcast_in_dim3A_2001, %broadcast_in_dim3A_2002 : vector<16xi1>, vector<16xf32>
      %add3A_2004 = arith.addf %add3A_1969, %select_n3A_2003 : vector<16xf32>
      %get3A_2005 = arith.constant 112 : index
      %get3A_2006 = tpu.vector_load %arg6[%get3A_2005] {strides = array<i32>} : memref<256xf32, #tpu.memory_space<vmem>>, vector<16xf32>,
      %get3A_2007 = arith.constant 112 : index
      %get3A_2008 = tpu.vector_load %arg7[%get3A_2007] {strides = array<i32>} : memref<256xi32, #tpu.memory_space<vmem>>, vector<16xi32>,
      %eq3A_2009 = arith.constant 0 : i32
      %eq3A_2010 = vector.broadcast %eq3A_2009 : i32 to vector<16xi32>
      %eq3A_2011 = arith.cmpi eq, %get3A_2008, %eq3A_2010 : vector<16xi32>
      %eq3A_2012 = arith.constant 0 : i32
      %eq3A_2013 = vector.broadcast %eq3A_2012 : i32 to vector<16xi32>
      %eq3A_2014 = arith.cmpi eq, %iota3A, %eq3A_2013 : vector<16xi32>
      %jit3A_2015 = arith.constant 0.000000e+00 : f32
      %broadcast_in_dim3A_2016 = vector.broadcast %jit3A_2015 : f32 to vector<16xf32>
      %select_n3A_2017 = arith.select %eq3A_2011, %get3A_2006, %broadcast_in_dim3A_2016 : vector<16xi1>, vector<16xf32>
      %reduce_sum3A_2018 = arith.constant true
      %reduce_sum3A_2019 = vector.broadcast %reduce_sum3A_2018 : i1 to vector<16xi1>
      %reduce_sum3A_2020 = tpu.scan <sum>, %select_n3A_2017 masked %reduce_sum3A_2019 : vector<16xf32>, vector<16xi1> -> vector<16xf32>
      %reduce_sum3A_2021 = vector.extract %reduce_sum3A_2020[15] : f32 from vector<16xf32>
      %jit3A_2022 = arith.constant 0.000000e+00 : f32
      %broadcast_in_dim3A_2023 = vector.broadcast %reduce_sum3A_2021 : f32 to vector<16xf32>
      %broadcast_in_dim3A_2024 = vector.broadcast %jit3A_2022 : f32 to vector<16xf32>
      %select_n3A_2025 = arith.select %eq3A_2014, %broadcast_in_dim3A_2023, %broadcast_in_dim3A_2024 : vector<16xi1>, vector<16xf32>
      %add3A_2026 = arith.addf %add3A_1987, %select_n3A_2025 : vector<16xf32>
      %eq3A_2027 = arith.constant 0 : i32
      %eq3A_2028 = vector.broadcast %eq3A_2027 : i32 to vector<16xi32>
      %eq3A_2029 = arith.cmpi eq, %iota3A, %eq3A_2028 : vector<16xi32>
      %jit3A_2030 = arith.constant 1.000000e+00 : f32
      %jit3A_2031 = arith.constant 0.000000e+00 : f32
      %broadcast_in_dim3A_2032 = vector.broadcast %jit3A_2030 : f32 to vector<16xf32>
      %broadcast_in_dim3A_2033 = vector.broadcast %jit3A_2031 : f32 to vector<16xf32>
      %select_n3A_2034 = arith.select %eq3A_2011, %broadcast_in_dim3A_2032, %broadcast_in_dim3A_2033 : vector<16xi1>, vector<16xf32>
      %reduce_sum3A_2035 = arith.constant true
      %reduce_sum3A_2036 = vector.broadcast %reduce_sum3A_2035 : i1 to vector<16xi1>
      %reduce_sum3A_2037 = tpu.scan <sum>, %select_n3A_2034 masked %reduce_sum3A_2036 : vector<16xf32>, vector<16xi1> -> vector<16xf32>
      %reduce_sum3A_2038 = vector.extract %reduce_sum3A_2037[15] : f32 from vector<16xf32>
      %jit3A_2039 = arith.constant 0.000000e+00 : f32
      %broadcast_in_dim3A_2040 = vector.broadcast %reduce_sum3A_2038 : f32 to vector<16xf32>
      %broadcast_in_dim3A_2041 = vector.broadcast %jit3A_2039 : f32 to vector<16xf32>
      %select_n3A_2042 = arith.select %eq3A_2029, %broadcast_in_dim3A_2040, %broadcast_in_dim3A_2041 : vector<16xi1>, vector<16xf32>
      %add3A_2043 = arith.addf %add3A_2004, %select_n3A_2042 : vector<16xf32>
      %eq3A_2044 = arith.constant 1 : i32
      %eq3A_2045 = vector.broadcast %eq3A_2044 : i32 to vector<16xi32>
      %eq3A_2046 = arith.cmpi eq, %get3A_2008, %eq3A_2045 : vector<16xi32>
      %eq3A_2047 = arith.constant 1 : i32
      %eq3A_2048 = vector.broadcast %eq3A_2047 : i32 to vector<16xi32>
      %eq3A_2049 = arith.cmpi eq, %iota3A, %eq3A_2048 : vector<16xi32>
      %jit3A_2050 = arith.constant 0.000000e+00 : f32
      %broadcast_in_dim3A_2051 = vector.broadcast %jit3A_2050 : f32 to vector<16xf32>
      %select_n3A_2052 = arith.select %eq3A_2046, %get3A_2006, %broadcast_in_dim3A_2051 : vector<16xi1>, vector<16xf32>
      %reduce_sum3A_2053 = arith.constant true
      %reduce_sum3A_2054 = vector.broadcast %reduce_sum3A_2053 : i1 to vector<16xi1>
      %reduce_sum3A_2055 = tpu.scan <sum>, %select_n3A_2052 masked %reduce_sum3A_2054 : vector<16xf32>, vector<16xi1> -> vector<16xf32>
      %reduce_sum3A_2056 = vector.extract %reduce_sum3A_2055[15] : f32 from vector<16xf32>
      %jit3A_2057 = arith.constant 0.000000e+00 : f32
      %broadcast_in_dim3A_2058 = vector.broadcast %reduce_sum3A_2056 : f32 to vector<16xf32>
      %broadcast_in_dim3A_2059 = vector.broadcast %jit3A_2057 : f32 to vector<16xf32>
      %select_n3A_2060 = arith.select %eq3A_2049, %broadcast_in_dim3A_2058, %broadcast_in_dim3A_2059 : vector<16xi1>, vector<16xf32>
      %add3A_2061 = arith.addf %add3A_2026, %select_n3A_2060 : vector<16xf32>
      %eq3A_2062 = arith.constant 1 : i32
      %eq3A_2063 = vector.broadcast %eq3A_2062 : i32 to vector<16xi32>
      %eq3A_2064 = arith.cmpi eq, %iota3A, %eq3A_2063 : vector<16xi32>
      %jit3A_2065 = arith.constant 1.000000e+00 : f32
      %jit3A_2066 = arith.constant 0.000000e+00 : f32
      %broadcast_in_dim3A_2067 = vector.broadcast %jit3A_2065 : f32 to vector<16xf32>
      %broadcast_in_dim3A_2068 = vector.broadcast %jit3A_2066 : f32 to vector<16xf32>
      %select_n3A_2069 = arith.select %eq3A_2046, %broadcast_in_dim3A_2067, %broadcast_in_dim3A_2068 : vector<16xi1>, vector<16xf32>
      %reduce_sum3A_2070 = arith.constant true
      %reduce_sum3A_2071 = vector.broadcast %reduce_sum3A_2070 : i1 to vector<16xi1>
      %reduce_sum3A_2072 = tpu.scan <sum>, %select_n3A_2069 masked %reduce_sum3A_2071 : vector<16xf32>, vector<16xi1> -> vector<16xf32>
      %reduce_sum3A_2073 = vector.extract %reduce_sum3A_2072[15] : f32 from vector<16xf32>
      %jit3A_2074 = arith.constant 0.000000e+00 : f32
      %broadcast_in_dim3A_2075 = vector.broadcast %reduce_sum3A_2073 : f32 to vector<16xf32>
      %broadcast_in_dim3A_2076 = vector.broadcast %jit3A_2074 : f32 to vector<16xf32>
      %select_n3A_2077 = arith.select %eq3A_2064, %broadcast_in_dim3A_2075, %broadcast_in_dim3A_2076 : vector<16xi1>, vector<16xf32>
      %add3A_2078 = arith.addf %add3A_2043, %select_n3A_2077 : vector<16xf32>
      %eq3A_2079 = arith.constant 2 : i32
      %eq3A_2080 = vector.broadcast %eq3A_2079 : i32 to vector<16xi32>
      %eq3A_2081 = arith.cmpi eq, %get3A_2008, %eq3A_2080 : vector<16xi32>
      %eq3A_2082 = arith.constant 2 : i32
      %eq3A_2083 = vector.broadcast %eq3A_2082 : i32 to vector<16xi32>
      %eq3A_2084 = arith.cmpi eq, %iota3A, %eq3A_2083 : vector<16xi32>
      %jit3A_2085 = arith.constant 0.000000e+00 : f32
      %broadcast_in_dim3A_2086 = vector.broadcast %jit3A_2085 : f32 to vector<16xf32>
      %select_n3A_2087 = arith.select %eq3A_2081, %get3A_2006, %broadcast_in_dim3A_2086 : vector<16xi1>, vector<16xf32>
      %reduce_sum3A_2088 = arith.constant true
      %reduce_sum3A_2089 = vector.broadcast %reduce_sum3A_2088 : i1 to vector<16xi1>
      %reduce_sum3A_2090 = tpu.scan <sum>, %select_n3A_2087 masked %reduce_sum3A_2089 : vector<16xf32>, vector<16xi1> -> vector<16xf32>
      %reduce_sum3A_2091 = vector.extract %reduce_sum3A_2090[15] : f32 from vector<16xf32>
      %jit3A_2092 = arith.constant 0.000000e+00 : f32
      %broadcast_in_dim3A_2093 = vector.broadcast %reduce_sum3A_2091 : f32 to vector<16xf32>
      %broadcast_in_dim3A_2094 = vector.broadcast %jit3A_2092 : f32 to vector<16xf32>
      %select_n3A_2095 = arith.select %eq3A_2084, %broadcast_in_dim3A_2093, %broadcast_in_dim3A_2094 : vector<16xi1>, vector<16xf32>
      %add3A_2096 = arith.addf %add3A_2061, %select_n3A_2095 : vector<16xf32>
      %eq3A_2097 = arith.constant 2 : i32
      %eq3A_2098 = vector.broadcast %eq3A_2097 : i32 to vector<16xi32>
      %eq3A_2099 = arith.cmpi eq, %iota3A, %eq3A_2098 : vector<16xi32>
      %jit3A_2100 = arith.constant 1.000000e+00 : f32
      %jit3A_2101 = arith.constant 0.000000e+00 : f32
      %broadcast_in_dim3A_2102 = vector.broadcast %jit3A_2100 : f32 to vector<16xf32>
      %broadcast_in_dim3A_2103 = vector.broadcast %jit3A_2101 : f32 to vector<16xf32>
      %select_n3A_2104 = arith.select %eq3A_2081, %broadcast_in_dim3A_2102, %broadcast_in_dim3A_2103 : vector<16xi1>, vector<16xf32>
      %reduce_sum3A_2105 = arith.constant true
      %reduce_sum3A_2106 = vector.broadcast %reduce_sum3A_2105 : i1 to vector<16xi1>
      %reduce_sum3A_2107 = tpu.scan <sum>, %select_n3A_2104 masked %reduce_sum3A_2106 : vector<16xf32>, vector<16xi1> -> vector<16xf32>
      %reduce_sum3A_2108 = vector.extract %reduce_sum3A_2107[15] : f32 from vector<16xf32>
      %jit3A_2109 = arith.constant 0.000000e+00 : f32
      %broadcast_in_dim3A_2110 = vector.broadcast %reduce_sum3A_2108 : f32 to vector<16xf32>
      %broadcast_in_dim3A_2111 = vector.broadcast %jit3A_2109 : f32 to vector<16xf32>
      %select_n3A_2112 = arith.select %eq3A_2099, %broadcast_in_dim3A_2110, %broadcast_in_dim3A_2111 : vector<16xi1>, vector<16xf32>
      %add3A_2113 = arith.addf %add3A_2078, %select_n3A_2112 : vector<16xf32>
      %eq3A_2114 = arith.constant 3 : i32
      %eq3A_2115 = vector.broadcast %eq3A_2114 : i32 to vector<16xi32>
      %eq3A_2116 = arith.cmpi eq, %get3A_2008, %eq3A_2115 : vector<16xi32>
      %eq3A_2117 = arith.constant 3 : i32
      %eq3A_2118 = vector.broadcast %eq3A_2117 : i32 to vector<16xi32>
      %eq3A_2119 = arith.cmpi eq, %iota3A, %eq3A_2118 : vector<16xi32>
      %jit3A_2120 = arith.constant 0.000000e+00 : f32
      %broadcast_in_dim3A_2121 = vector.broadcast %jit3A_2120 : f32 to vector<16xf32>
      %select_n3A_2122 = arith.select %eq3A_2116, %get3A_2006, %broadcast_in_dim3A_2121 : vector<16xi1>, vector<16xf32>
      %reduce_sum3A_2123 = arith.constant true
      %reduce_sum3A_2124 = vector.broadcast %reduce_sum3A_2123 : i1 to vector<16xi1>
      %reduce_sum3A_2125 = tpu.scan <sum>, %select_n3A_2122 masked %reduce_sum3A_2124 : vector<16xf32>, vector<16xi1> -> vector<16xf32>
      %reduce_sum3A_2126 = vector.extract %reduce_sum3A_2125[15] : f32 from vector<16xf32>
      %jit3A_2127 = arith.constant 0.000000e+00 : f32
      %broadcast_in_dim3A_2128 = vector.broadcast %reduce_sum3A_2126 : f32 to vector<16xf32>
      %broadcast_in_dim3A_2129 = vector.broadcast %jit3A_2127 : f32 to vector<16xf32>
      %select_n3A_2130 = arith.select %eq3A_2119, %broadcast_in_dim3A_2128, %broadcast_in_dim3A_2129 : vector<16xi1>, vector<16xf32>
      %add3A_2131 = arith.addf %add3A_2096, %select_n3A_2130 : vector<16xf32>
      %eq3A_2132 = arith.constant 3 : i32
      %eq3A_2133 = vector.broadcast %eq3A_2132 : i32 to vector<16xi32>
      %eq3A_2134 = arith.cmpi eq, %iota3A, %eq3A_2133 : vector<16xi32>
      %jit3A_2135 = arith.constant 1.000000e+00 : f32
      %jit3A_2136 = arith.constant 0.000000e+00 : f32
      %broadcast_in_dim3A_2137 = vector.broadcast %jit3A_2135 : f32 to vector<16xf32>
      %broadcast_in_dim3A_2138 = vector.broadcast %jit3A_2136 : f32 to vector<16xf32>
      %select_n3A_2139 = arith.select %eq3A_2116, %broadcast_in_dim3A_2137, %broadcast_in_dim3A_2138 : vector<16xi1>, vector<16xf32>
      %reduce_sum3A_2140 = arith.constant true
      %reduce_sum3A_2141 = vector.broadcast %reduce_sum3A_2140 : i1 to vector<16xi1>
      %reduce_sum3A_2142 = tpu.scan <sum>, %select_n3A_2139 masked %reduce_sum3A_2141 : vector<16xf32>, vector<16xi1> -> vector<16xf32>
      %reduce_sum3A_2143 = vector.extract %reduce_sum3A_2142[15] : f32 from vector<16xf32>
      %jit3A_2144 = arith.constant 0.000000e+00 : f32
      %broadcast_in_dim3A_2145 = vector.broadcast %reduce_sum3A_2143 : f32 to vector<16xf32>
      %broadcast_in_dim3A_2146 = vector.broadcast %jit3A_2144 : f32 to vector<16xf32>
      %select_n3A_2147 = arith.select %eq3A_2134, %broadcast_in_dim3A_2145, %broadcast_in_dim3A_2146 : vector<16xi1>, vector<16xf32>
      %add3A_2148 = arith.addf %add3A_2113, %select_n3A_2147 : vector<16xf32>
      %eq3A_2149 = arith.constant 4 : i32
      %eq3A_2150 = vector.broadcast %eq3A_2149 : i32 to vector<16xi32>
      %eq3A_2151 = arith.cmpi eq, %get3A_2008, %eq3A_2150 : vector<16xi32>
      %eq3A_2152 = arith.constant 4 : i32
      %eq3A_2153 = vector.broadcast %eq3A_2152 : i32 to vector<16xi32>
      %eq3A_2154 = arith.cmpi eq, %iota3A, %eq3A_2153 : vector<16xi32>
      %jit3A_2155 = arith.constant 0.000000e+00 : f32
      %broadcast_in_dim3A_2156 = vector.broadcast %jit3A_2155 : f32 to vector<16xf32>
      %select_n3A_2157 = arith.select %eq3A_2151, %get3A_2006, %broadcast_in_dim3A_2156 : vector<16xi1>, vector<16xf32>
      %reduce_sum3A_2158 = arith.constant true
      %reduce_sum3A_2159 = vector.broadcast %reduce_sum3A_2158 : i1 to vector<16xi1>
      %reduce_sum3A_2160 = tpu.scan <sum>, %select_n3A_2157 masked %reduce_sum3A_2159 : vector<16xf32>, vector<16xi1> -> vector<16xf32>
      %reduce_sum3A_2161 = vector.extract %reduce_sum3A_2160[15] : f32 from vector<16xf32>
      %jit3A_2162 = arith.constant 0.000000e+00 : f32
      %broadcast_in_dim3A_2163 = vector.broadcast %reduce_sum3A_2161 : f32 to vector<16xf32>
      %broadcast_in_dim3A_2164 = vector.broadcast %jit3A_2162 : f32 to vector<16xf32>
      %select_n3A_2165 = arith.select %eq3A_2154, %broadcast_in_dim3A_2163, %broadcast_in_dim3A_2164 : vector<16xi1>, vector<16xf32>
      %add3A_2166 = arith.addf %add3A_2131, %select_n3A_2165 : vector<16xf32>
      %eq3A_2167 = arith.constant 4 : i32
      %eq3A_2168 = vector.broadcast %eq3A_2167 : i32 to vector<16xi32>
      %eq3A_2169 = arith.cmpi eq, %iota3A, %eq3A_2168 : vector<16xi32>
      %jit3A_2170 = arith.constant 1.000000e+00 : f32
      %jit3A_2171 = arith.constant 0.000000e+00 : f32
      %broadcast_in_dim3A_2172 = vector.broadcast %jit3A_2170 : f32 to vector<16xf32>
      %broadcast_in_dim3A_2173 = vector.broadcast %jit3A_2171 : f32 to vector<16xf32>
      %select_n3A_2174 = arith.select %eq3A_2151, %broadcast_in_dim3A_2172, %broadcast_in_dim3A_2173 : vector<16xi1>, vector<16xf32>
      %reduce_sum3A_2175 = arith.constant true
      %reduce_sum3A_2176 = vector.broadcast %reduce_sum3A_2175 : i1 to vector<16xi1>
      %reduce_sum3A_2177 = tpu.scan <sum>, %select_n3A_2174 masked %reduce_sum3A_2176 : vector<16xf32>, vector<16xi1> -> vector<16xf32>
      %reduce_sum3A_2178 = vector.extract %reduce_sum3A_2177[15] : f32 from vector<16xf32>
      %jit3A_2179 = arith.constant 0.000000e+00 : f32
      %broadcast_in_dim3A_2180 = vector.broadcast %reduce_sum3A_2178 : f32 to vector<16xf32>
      %broadcast_in_dim3A_2181 = vector.broadcast %jit3A_2179 : f32 to vector<16xf32>
      %select_n3A_2182 = arith.select %eq3A_2169, %broadcast_in_dim3A_2180, %broadcast_in_dim3A_2181 : vector<16xi1>, vector<16xf32>
      %add3A_2183 = arith.addf %add3A_2148, %select_n3A_2182 : vector<16xf32>
      %eq3A_2184 = arith.constant 5 : i32
      %eq3A_2185 = vector.broadcast %eq3A_2184 : i32 to vector<16xi32>
      %eq3A_2186 = arith.cmpi eq, %get3A_2008, %eq3A_2185 : vector<16xi32>
      %eq3A_2187 = arith.constant 5 : i32
      %eq3A_2188 = vector.broadcast %eq3A_2187 : i32 to vector<16xi32>
      %eq3A_2189 = arith.cmpi eq, %iota3A, %eq3A_2188 : vector<16xi32>
      %jit3A_2190 = arith.constant 0.000000e+00 : f32
      %broadcast_in_dim3A_2191 = vector.broadcast %jit3A_2190 : f32 to vector<16xf32>
      %select_n3A_2192 = arith.select %eq3A_2186, %get3A_2006, %broadcast_in_dim3A_2191 : vector<16xi1>, vector<16xf32>
      %reduce_sum3A_2193 = arith.constant true
      %reduce_sum3A_2194 = vector.broadcast %reduce_sum3A_2193 : i1 to vector<16xi1>
      %reduce_sum3A_2195 = tpu.scan <sum>, %select_n3A_2192 masked %reduce_sum3A_2194 : vector<16xf32>, vector<16xi1> -> vector<16xf32>
      %reduce_sum3A_2196 = vector.extract %reduce_sum3A_2195[15] : f32 from vector<16xf32>
      %jit3A_2197 = arith.constant 0.000000e+00 : f32
      %broadcast_in_dim3A_2198 = vector.broadcast %reduce_sum3A_2196 : f32 to vector<16xf32>
      %broadcast_in_dim3A_2199 = vector.broadcast %jit3A_2197 : f32 to vector<16xf32>
      %select_n3A_2200 = arith.select %eq3A_2189, %broadcast_in_dim3A_2198, %broadcast_in_dim3A_2199 : vector<16xi1>, vector<16xf32>
      %add3A_2201 = arith.addf %add3A_2166, %select_n3A_2200 : vector<16xf32>
      %eq3A_2202 = arith.constant 5 : i32
      %eq3A_2203 = vector.broadcast %eq3A_2202 : i32 to vector<16xi32>
      %eq3A_2204 = arith.cmpi eq, %iota3A, %eq3A_2203 : vector<16xi32>
      %jit3A_2205 = arith.constant 1.000000e+00 : f32
      %jit3A_2206 = arith.constant 0.000000e+00 : f32
      %broadcast_in_dim3A_2207 = vector.broadcast %jit3A_2205 : f32 to vector<16xf32>
      %broadcast_in_dim3A_2208 = vector.broadcast %jit3A_2206 : f32 to vector<16xf32>
      %select_n3A_2209 = arith.select %eq3A_2186, %broadcast_in_dim3A_2207, %broadcast_in_dim3A_2208 : vector<16xi1>, vector<16xf32>
      %reduce_sum3A_2210 = arith.constant true
      %reduce_sum3A_2211 = vector.broadcast %reduce_sum3A_2210 : i1 to vector<16xi1>
      %reduce_sum3A_2212 = tpu.scan <sum>, %select_n3A_2209 masked %reduce_sum3A_2211 : vector<16xf32>, vector<16xi1> -> vector<16xf32>
      %reduce_sum3A_2213 = vector.extract %reduce_sum3A_2212[15] : f32 from vector<16xf32>
      %jit3A_2214 = arith.constant 0.000000e+00 : f32
      %broadcast_in_dim3A_2215 = vector.broadcast %reduce_sum3A_2213 : f32 to vector<16xf32>
      %broadcast_in_dim3A_2216 = vector.broadcast %jit3A_2214 : f32 to vector<16xf32>
      %select_n3A_2217 = arith.select %eq3A_2204, %broadcast_in_dim3A_2215, %broadcast_in_dim3A_2216 : vector<16xi1>, vector<16xf32>
      %add3A_2218 = arith.addf %add3A_2183, %select_n3A_2217 : vector<16xf32>
      %eq3A_2219 = arith.constant 6 : i32
      %eq3A_2220 = vector.broadcast %eq3A_2219 : i32 to vector<16xi32>
      %eq3A_2221 = arith.cmpi eq, %get3A_2008, %eq3A_2220 : vector<16xi32>
      %eq3A_2222 = arith.constant 6 : i32
      %eq3A_2223 = vector.broadcast %eq3A_2222 : i32 to vector<16xi32>
      %eq3A_2224 = arith.cmpi eq, %iota3A, %eq3A_2223 : vector<16xi32>
      %jit3A_2225 = arith.constant 0.000000e+00 : f32
      %broadcast_in_dim3A_2226 = vector.broadcast %jit3A_2225 : f32 to vector<16xf32>
      %select_n3A_2227 = arith.select %eq3A_2221, %get3A_2006, %broadcast_in_dim3A_2226 : vector<16xi1>, vector<16xf32>
      %reduce_sum3A_2228 = arith.constant true
      %reduce_sum3A_2229 = vector.broadcast %reduce_sum3A_2228 : i1 to vector<16xi1>
      %reduce_sum3A_2230 = tpu.scan <sum>, %select_n3A_2227 masked %reduce_sum3A_2229 : vector<16xf32>, vector<16xi1> -> vector<16xf32>
      %reduce_sum3A_2231 = vector.extract %reduce_sum3A_2230[15] : f32 from vector<16xf32>
      %jit3A_2232 = arith.constant 0.000000e+00 : f32
      %broadcast_in_dim3A_2233 = vector.broadcast %reduce_sum3A_2231 : f32 to vector<16xf32>
      %broadcast_in_dim3A_2234 = vector.broadcast %jit3A_2232 : f32 to vector<16xf32>
      %select_n3A_2235 = arith.select %eq3A_2224, %broadcast_in_dim3A_2233, %broadcast_in_dim3A_2234 : vector<16xi1>, vector<16xf32>
      %add3A_2236 = arith.addf %add3A_2201, %select_n3A_2235 : vector<16xf32>
      %eq3A_2237 = arith.constant 6 : i32
      %eq3A_2238 = vector.broadcast %eq3A_2237 : i32 to vector<16xi32>
      %eq3A_2239 = arith.cmpi eq, %iota3A, %eq3A_2238 : vector<16xi32>
      %jit3A_2240 = arith.constant 1.000000e+00 : f32
      %jit3A_2241 = arith.constant 0.000000e+00 : f32
      %broadcast_in_dim3A_2242 = vector.broadcast %jit3A_2240 : f32 to vector<16xf32>
      %broadcast_in_dim3A_2243 = vector.broadcast %jit3A_2241 : f32 to vector<16xf32>
      %select_n3A_2244 = arith.select %eq3A_2221, %broadcast_in_dim3A_2242, %broadcast_in_dim3A_2243 : vector<16xi1>, vector<16xf32>
      %reduce_sum3A_2245 = arith.constant true
      %reduce_sum3A_2246 = vector.broadcast %reduce_sum3A_2245 : i1 to vector<16xi1>
      %reduce_sum3A_2247 = tpu.scan <sum>, %select_n3A_2244 masked %reduce_sum3A_2246 : vector<16xf32>, vector<16xi1> -> vector<16xf32>
      %reduce_sum3A_2248 = vector.extract %reduce_sum3A_2247[15] : f32 from vector<16xf32>
      %jit3A_2249 = arith.constant 0.000000e+00 : f32
      %broadcast_in_dim3A_2250 = vector.broadcast %reduce_sum3A_2248 : f32 to vector<16xf32>
      %broadcast_in_dim3A_2251 = vector.broadcast %jit3A_2249 : f32 to vector<16xf32>
      %select_n3A_2252 = arith.select %eq3A_2239, %broadcast_in_dim3A_2250, %broadcast_in_dim3A_2251 : vector<16xi1>, vector<16xf32>
      %add3A_2253 = arith.addf %add3A_2218, %select_n3A_2252 : vector<16xf32>
      %eq3A_2254 = arith.constant 7 : i32
      %eq3A_2255 = vector.broadcast %eq3A_2254 : i32 to vector<16xi32>
      %eq3A_2256 = arith.cmpi eq, %get3A_2008, %eq3A_2255 : vector<16xi32>
      %eq3A_2257 = arith.constant 7 : i32
      %eq3A_2258 = vector.broadcast %eq3A_2257 : i32 to vector<16xi32>
      %eq3A_2259 = arith.cmpi eq, %iota3A, %eq3A_2258 : vector<16xi32>
      %jit3A_2260 = arith.constant 0.000000e+00 : f32
      %broadcast_in_dim3A_2261 = vector.broadcast %jit3A_2260 : f32 to vector<16xf32>
      %select_n3A_2262 = arith.select %eq3A_2256, %get3A_2006, %broadcast_in_dim3A_2261 : vector<16xi1>, vector<16xf32>
      %reduce_sum3A_2263 = arith.constant true
      %reduce_sum3A_2264 = vector.broadcast %reduce_sum3A_2263 : i1 to vector<16xi1>
      %reduce_sum3A_2265 = tpu.scan <sum>, %select_n3A_2262 masked %reduce_sum3A_2264 : vector<16xf32>, vector<16xi1> -> vector<16xf32>
      %reduce_sum3A_2266 = vector.extract %reduce_sum3A_2265[15] : f32 from vector<16xf32>
      %jit3A_2267 = arith.constant 0.000000e+00 : f32
      %broadcast_in_dim3A_2268 = vector.broadcast %reduce_sum3A_2266 : f32 to vector<16xf32>
      %broadcast_in_dim3A_2269 = vector.broadcast %jit3A_2267 : f32 to vector<16xf32>
      %select_n3A_2270 = arith.select %eq3A_2259, %broadcast_in_dim3A_2268, %broadcast_in_dim3A_2269 : vector<16xi1>, vector<16xf32>
      %add3A_2271 = arith.addf %add3A_2236, %select_n3A_2270 : vector<16xf32>
      %eq3A_2272 = arith.constant 7 : i32
      %eq3A_2273 = vector.broadcast %eq3A_2272 : i32 to vector<16xi32>
      %eq3A_2274 = arith.cmpi eq, %iota3A, %eq3A_2273 : vector<16xi32>
      %jit3A_2275 = arith.constant 1.000000e+00 : f32
      %jit3A_2276 = arith.constant 0.000000e+00 : f32
      %broadcast_in_dim3A_2277 = vector.broadcast %jit3A_2275 : f32 to vector<16xf32>
      %broadcast_in_dim3A_2278 = vector.broadcast %jit3A_2276 : f32 to vector<16xf32>
      %select_n3A_2279 = arith.select %eq3A_2256, %broadcast_in_dim3A_2277, %broadcast_in_dim3A_2278 : vector<16xi1>, vector<16xf32>
      %reduce_sum3A_2280 = arith.constant true
      %reduce_sum3A_2281 = vector.broadcast %reduce_sum3A_2280 : i1 to vector<16xi1>
      %reduce_sum3A_2282 = tpu.scan <sum>, %select_n3A_2279 masked %reduce_sum3A_2281 : vector<16xf32>, vector<16xi1> -> vector<16xf32>
      %reduce_sum3A_2283 = vector.extract %reduce_sum3A_2282[15] : f32 from vector<16xf32>
      %jit3A_2284 = arith.constant 0.000000e+00 : f32
      %broadcast_in_dim3A_2285 = vector.broadcast %reduce_sum3A_2283 : f32 to vector<16xf32>
      %broadcast_in_dim3A_2286 = vector.broadcast %jit3A_2284 : f32 to vector<16xf32>
      %select_n3A_2287 = arith.select %eq3A_2274, %broadcast_in_dim3A_2285, %broadcast_in_dim3A_2286 : vector<16xi1>, vector<16xf32>
      %add3A_2288 = arith.addf %add3A_2253, %select_n3A_2287 : vector<16xf32>
      %get3A_2289 = arith.constant 128 : index
      %get3A_2290 = tpu.vector_load %arg6[%get3A_2289] {strides = array<i32>} : memref<256xf32, #tpu.memory_space<vmem>>, vector<16xf32>,
      %get3A_2291 = arith.constant 128 : index
      %get3A_2292 = tpu.vector_load %arg7[%get3A_2291] {strides = array<i32>} : memref<256xi32, #tpu.memory_space<vmem>>, vector<16xi32>,
      %eq3A_2293 = arith.constant 0 : i32
      %eq3A_2294 = vector.broadcast %eq3A_2293 : i32 to vector<16xi32>
      %eq3A_2295 = arith.cmpi eq, %get3A_2292, %eq3A_2294 : vector<16xi32>
      %eq3A_2296 = arith.constant 0 : i32
      %eq3A_2297 = vector.broadcast %eq3A_2296 : i32 to vector<16xi32>
      %eq3A_2298 = arith.cmpi eq, %iota3A, %eq3A_2297 : vector<16xi32>
      %jit3A_2299 = arith.constant 0.000000e+00 : f32
      %broadcast_in_dim3A_2300 = vector.broadcast %jit3A_2299 : f32 to vector<16xf32>
      %select_n3A_2301 = arith.select %eq3A_2295, %get3A_2290, %broadcast_in_dim3A_2300 : vector<16xi1>, vector<16xf32>
      %reduce_sum3A_2302 = arith.constant true
      %reduce_sum3A_2303 = vector.broadcast %reduce_sum3A_2302 : i1 to vector<16xi1>
      %reduce_sum3A_2304 = tpu.scan <sum>, %select_n3A_2301 masked %reduce_sum3A_2303 : vector<16xf32>, vector<16xi1> -> vector<16xf32>
      %reduce_sum3A_2305 = vector.extract %reduce_sum3A_2304[15] : f32 from vector<16xf32>
      %jit3A_2306 = arith.constant 0.000000e+00 : f32
      %broadcast_in_dim3A_2307 = vector.broadcast %reduce_sum3A_2305 : f32 to vector<16xf32>
      %broadcast_in_dim3A_2308 = vector.broadcast %jit3A_2306 : f32 to vector<16xf32>
      %select_n3A_2309 = arith.select %eq3A_2298, %broadcast_in_dim3A_2307, %broadcast_in_dim3A_2308 : vector<16xi1>, vector<16xf32>
      %add3A_2310 = arith.addf %add3A_2271, %select_n3A_2309 : vector<16xf32>
      %eq3A_2311 = arith.constant 0 : i32
      %eq3A_2312 = vector.broadcast %eq3A_2311 : i32 to vector<16xi32>
      %eq3A_2313 = arith.cmpi eq, %iota3A, %eq3A_2312 : vector<16xi32>
      %jit3A_2314 = arith.constant 1.000000e+00 : f32
      %jit3A_2315 = arith.constant 0.000000e+00 : f32
      %broadcast_in_dim3A_2316 = vector.broadcast %jit3A_2314 : f32 to vector<16xf32>
      %broadcast_in_dim3A_2317 = vector.broadcast %jit3A_2315 : f32 to vector<16xf32>
      %select_n3A_2318 = arith.select %eq3A_2295, %broadcast_in_dim3A_2316, %broadcast_in_dim3A_2317 : vector<16xi1>, vector<16xf32>
      %reduce_sum3A_2319 = arith.constant true
      %reduce_sum3A_2320 = vector.broadcast %reduce_sum3A_2319 : i1 to vector<16xi1>
      %reduce_sum3A_2321 = tpu.scan <sum>, %select_n3A_2318 masked %reduce_sum3A_2320 : vector<16xf32>, vector<16xi1> -> vector<16xf32>
      %reduce_sum3A_2322 = vector.extract %reduce_sum3A_2321[15] : f32 from vector<16xf32>
      %jit3A_2323 = arith.constant 0.000000e+00 : f32
      %broadcast_in_dim3A_2324 = vector.broadcast %reduce_sum3A_2322 : f32 to vector<16xf32>
      %broadcast_in_dim3A_2325 = vector.broadcast %jit3A_2323 : f32 to vector<16xf32>
      %select_n3A_2326 = arith.select %eq3A_2313, %broadcast_in_dim3A_2324, %broadcast_in_dim3A_2325 : vector<16xi1>, vector<16xf32>
      %add3A_2327 = arith.addf %add3A_2288, %select_n3A_2326 : vector<16xf32>
      %eq3A_2328 = arith.constant 1 : i32
      %eq3A_2329 = vector.broadcast %eq3A_2328 : i32 to vector<16xi32>
      %eq3A_2330 = arith.cmpi eq, %get3A_2292, %eq3A_2329 : vector<16xi32>
      %eq3A_2331 = arith.constant 1 : i32
      %eq3A_2332 = vector.broadcast %eq3A_2331 : i32 to vector<16xi32>
      %eq3A_2333 = arith.cmpi eq, %iota3A, %eq3A_2332 : vector<16xi32>
      %jit3A_2334 = arith.constant 0.000000e+00 : f32
      %broadcast_in_dim3A_2335 = vector.broadcast %jit3A_2334 : f32 to vector<16xf32>
      %select_n3A_2336 = arith.select %eq3A_2330, %get3A_2290, %broadcast_in_dim3A_2335 : vector<16xi1>, vector<16xf32>
      %reduce_sum3A_2337 = arith.constant true
      %reduce_sum3A_2338 = vector.broadcast %reduce_sum3A_2337 : i1 to vector<16xi1>
      %reduce_sum3A_2339 = tpu.scan <sum>, %select_n3A_2336 masked %reduce_sum3A_2338 : vector<16xf32>, vector<16xi1> -> vector<16xf32>
      %reduce_sum3A_2340 = vector.extract %reduce_sum3A_2339[15] : f32 from vector<16xf32>
      %jit3A_2341 = arith.constant 0.000000e+00 : f32
      %broadcast_in_dim3A_2342 = vector.broadcast %reduce_sum3A_2340 : f32 to vector<16xf32>
      %broadcast_in_dim3A_2343 = vector.broadcast %jit3A_2341 : f32 to vector<16xf32>
      %select_n3A_2344 = arith.select %eq3A_2333, %broadcast_in_dim3A_2342, %broadcast_in_dim3A_2343 : vector<16xi1>, vector<16xf32>
      %add3A_2345 = arith.addf %add3A_2310, %select_n3A_2344 : vector<16xf32>
      %eq3A_2346 = arith.constant 1 : i32
      %eq3A_2347 = vector.broadcast %eq3A_2346 : i32 to vector<16xi32>
      %eq3A_2348 = arith.cmpi eq, %iota3A, %eq3A_2347 : vector<16xi32>
      %jit3A_2349 = arith.constant 1.000000e+00 : f32
      %jit3A_2350 = arith.constant 0.000000e+00 : f32
      %broadcast_in_dim3A_2351 = vector.broadcast %jit3A_2349 : f32 to vector<16xf32>
      %broadcast_in_dim3A_2352 = vector.broadcast %jit3A_2350 : f32 to vector<16xf32>
      %select_n3A_2353 = arith.select %eq3A_2330, %broadcast_in_dim3A_2351, %broadcast_in_dim3A_2352 : vector<16xi1>, vector<16xf32>
      %reduce_sum3A_2354 = arith.constant true
      %reduce_sum3A_2355 = vector.broadcast %reduce_sum3A_2354 : i1 to vector<16xi1>
      %reduce_sum3A_2356 = tpu.scan <sum>, %select_n3A_2353 masked %reduce_sum3A_2355 : vector<16xf32>, vector<16xi1> -> vector<16xf32>
      %reduce_sum3A_2357 = vector.extract %reduce_sum3A_2356[15] : f32 from vector<16xf32>
      %jit3A_2358 = arith.constant 0.000000e+00 : f32
      %broadcast_in_dim3A_2359 = vector.broadcast %reduce_sum3A_2357 : f32 to vector<16xf32>
      %broadcast_in_dim3A_2360 = vector.broadcast %jit3A_2358 : f32 to vector<16xf32>
      %select_n3A_2361 = arith.select %eq3A_2348, %broadcast_in_dim3A_2359, %broadcast_in_dim3A_2360 : vector<16xi1>, vector<16xf32>
      %add3A_2362 = arith.addf %add3A_2327, %select_n3A_2361 : vector<16xf32>
      %eq3A_2363 = arith.constant 2 : i32
      %eq3A_2364 = vector.broadcast %eq3A_2363 : i32 to vector<16xi32>
      %eq3A_2365 = arith.cmpi eq, %get3A_2292, %eq3A_2364 : vector<16xi32>
      %eq3A_2366 = arith.constant 2 : i32
      %eq3A_2367 = vector.broadcast %eq3A_2366 : i32 to vector<16xi32>
      %eq3A_2368 = arith.cmpi eq, %iota3A, %eq3A_2367 : vector<16xi32>
      %jit3A_2369 = arith.constant 0.000000e+00 : f32
      %broadcast_in_dim3A_2370 = vector.broadcast %jit3A_2369 : f32 to vector<16xf32>
      %select_n3A_2371 = arith.select %eq3A_2365, %get3A_2290, %broadcast_in_dim3A_2370 : vector<16xi1>, vector<16xf32>
      %reduce_sum3A_2372 = arith.constant true
      %reduce_sum3A_2373 = vector.broadcast %reduce_sum3A_2372 : i1 to vector<16xi1>
      %reduce_sum3A_2374 = tpu.scan <sum>, %select_n3A_2371 masked %reduce_sum3A_2373 : vector<16xf32>, vector<16xi1> -> vector<16xf32>
      %reduce_sum3A_2375 = vector.extract %reduce_sum3A_2374[15] : f32 from vector<16xf32>
      %jit3A_2376 = arith.constant 0.000000e+00 : f32
      %broadcast_in_dim3A_2377 = vector.broadcast %reduce_sum3A_2375 : f32 to vector<16xf32>
      %broadcast_in_dim3A_2378 = vector.broadcast %jit3A_2376 : f32 to vector<16xf32>
      %select_n3A_2379 = arith.select %eq3A_2368, %broadcast_in_dim3A_2377, %broadcast_in_dim3A_2378 : vector<16xi1>, vector<16xf32>
      %add3A_2380 = arith.addf %add3A_2345, %select_n3A_2379 : vector<16xf32>
      %eq3A_2381 = arith.constant 2 : i32
      %eq3A_2382 = vector.broadcast %eq3A_2381 : i32 to vector<16xi32>
      %eq3A_2383 = arith.cmpi eq, %iota3A, %eq3A_2382 : vector<16xi32>
      %jit3A_2384 = arith.constant 1.000000e+00 : f32
      %jit3A_2385 = arith.constant 0.000000e+00 : f32
      %broadcast_in_dim3A_2386 = vector.broadcast %jit3A_2384 : f32 to vector<16xf32>
      %broadcast_in_dim3A_2387 = vector.broadcast %jit3A_2385 : f32 to vector<16xf32>
      %select_n3A_2388 = arith.select %eq3A_2365, %broadcast_in_dim3A_2386, %broadcast_in_dim3A_2387 : vector<16xi1>, vector<16xf32>
      %reduce_sum3A_2389 = arith.constant true
      %reduce_sum3A_2390 = vector.broadcast %reduce_sum3A_2389 : i1 to vector<16xi1>
      %reduce_sum3A_2391 = tpu.scan <sum>, %select_n3A_2388 masked %reduce_sum3A_2390 : vector<16xf32>, vector<16xi1> -> vector<16xf32>
      %reduce_sum3A_2392 = vector.extract %reduce_sum3A_2391[15] : f32 from vector<16xf32>
      %jit3A_2393 = arith.constant 0.000000e+00 : f32
      %broadcast_in_dim3A_2394 = vector.broadcast %reduce_sum3A_2392 : f32 to vector<16xf32>
      %broadcast_in_dim3A_2395 = vector.broadcast %jit3A_2393 : f32 to vector<16xf32>
      %select_n3A_2396 = arith.select %eq3A_2383, %broadcast_in_dim3A_2394, %broadcast_in_dim3A_2395 : vector<16xi1>, vector<16xf32>
      %add3A_2397 = arith.addf %add3A_2362, %select_n3A_2396 : vector<16xf32>
      %eq3A_2398 = arith.constant 3 : i32
      %eq3A_2399 = vector.broadcast %eq3A_2398 : i32 to vector<16xi32>
      %eq3A_2400 = arith.cmpi eq, %get3A_2292, %eq3A_2399 : vector<16xi32>
      %eq3A_2401 = arith.constant 3 : i32
      %eq3A_2402 = vector.broadcast %eq3A_2401 : i32 to vector<16xi32>
      %eq3A_2403 = arith.cmpi eq, %iota3A, %eq3A_2402 : vector<16xi32>
      %jit3A_2404 = arith.constant 0.000000e+00 : f32
      %broadcast_in_dim3A_2405 = vector.broadcast %jit3A_2404 : f32 to vector<16xf32>
      %select_n3A_2406 = arith.select %eq3A_2400, %get3A_2290, %broadcast_in_dim3A_2405 : vector<16xi1>, vector<16xf32>
      %reduce_sum3A_2407 = arith.constant true
      %reduce_sum3A_2408 = vector.broadcast %reduce_sum3A_2407 : i1 to vector<16xi1>
      %reduce_sum3A_2409 = tpu.scan <sum>, %select_n3A_2406 masked %reduce_sum3A_2408 : vector<16xf32>, vector<16xi1> -> vector<16xf32>
      %reduce_sum3A_2410 = vector.extract %reduce_sum3A_2409[15] : f32 from vector<16xf32>
      %jit3A_2411 = arith.constant 0.000000e+00 : f32
      %broadcast_in_dim3A_2412 = vector.broadcast %reduce_sum3A_2410 : f32 to vector<16xf32>
      %broadcast_in_dim3A_2413 = vector.broadcast %jit3A_2411 : f32 to vector<16xf32>
      %select_n3A_2414 = arith.select %eq3A_2403, %broadcast_in_dim3A_2412, %broadcast_in_dim3A_2413 : vector<16xi1>, vector<16xf32>
      %add3A_2415 = arith.addf %add3A_2380, %select_n3A_2414 : vector<16xf32>
      %eq3A_2416 = arith.constant 3 : i32
      %eq3A_2417 = vector.broadcast %eq3A_2416 : i32 to vector<16xi32>
      %eq3A_2418 = arith.cmpi eq, %iota3A, %eq3A_2417 : vector<16xi32>
      %jit3A_2419 = arith.constant 1.000000e+00 : f32
      %jit3A_2420 = arith.constant 0.000000e+00 : f32
      %broadcast_in_dim3A_2421 = vector.broadcast %jit3A_2419 : f32 to vector<16xf32>
      %broadcast_in_dim3A_2422 = vector.broadcast %jit3A_2420 : f32 to vector<16xf32>
      %select_n3A_2423 = arith.select %eq3A_2400, %broadcast_in_dim3A_2421, %broadcast_in_dim3A_2422 : vector<16xi1>, vector<16xf32>
      %reduce_sum3A_2424 = arith.constant true
      %reduce_sum3A_2425 = vector.broadcast %reduce_sum3A_2424 : i1 to vector<16xi1>
      %reduce_sum3A_2426 = tpu.scan <sum>, %select_n3A_2423 masked %reduce_sum3A_2425 : vector<16xf32>, vector<16xi1> -> vector<16xf32>
      %reduce_sum3A_2427 = vector.extract %reduce_sum3A_2426[15] : f32 from vector<16xf32>
      %jit3A_2428 = arith.constant 0.000000e+00 : f32
      %broadcast_in_dim3A_2429 = vector.broadcast %reduce_sum3A_2427 : f32 to vector<16xf32>
      %broadcast_in_dim3A_2430 = vector.broadcast %jit3A_2428 : f32 to vector<16xf32>
      %select_n3A_2431 = arith.select %eq3A_2418, %broadcast_in_dim3A_2429, %broadcast_in_dim3A_2430 : vector<16xi1>, vector<16xf32>
      %add3A_2432 = arith.addf %add3A_2397, %select_n3A_2431 : vector<16xf32>
      %eq3A_2433 = arith.constant 4 : i32
      %eq3A_2434 = vector.broadcast %eq3A_2433 : i32 to vector<16xi32>
      %eq3A_2435 = arith.cmpi eq, %get3A_2292, %eq3A_2434 : vector<16xi32>
      %eq3A_2436 = arith.constant 4 : i32
      %eq3A_2437 = vector.broadcast %eq3A_2436 : i32 to vector<16xi32>
      %eq3A_2438 = arith.cmpi eq, %iota3A, %eq3A_2437 : vector<16xi32>
      %jit3A_2439 = arith.constant 0.000000e+00 : f32
      %broadcast_in_dim3A_2440 = vector.broadcast %jit3A_2439 : f32 to vector<16xf32>
      %select_n3A_2441 = arith.select %eq3A_2435, %get3A_2290, %broadcast_in_dim3A_2440 : vector<16xi1>, vector<16xf32>
      %reduce_sum3A_2442 = arith.constant true
      %reduce_sum3A_2443 = vector.broadcast %reduce_sum3A_2442 : i1 to vector<16xi1>
      %reduce_sum3A_2444 = tpu.scan <sum>, %select_n3A_2441 masked %reduce_sum3A_2443 : vector<16xf32>, vector<16xi1> -> vector<16xf32>
      %reduce_sum3A_2445 = vector.extract %reduce_sum3A_2444[15] : f32 from vector<16xf32>
      %jit3A_2446 = arith.constant 0.000000e+00 : f32
      %broadcast_in_dim3A_2447 = vector.broadcast %reduce_sum3A_2445 : f32 to vector<16xf32>
      %broadcast_in_dim3A_2448 = vector.broadcast %jit3A_2446 : f32 to vector<16xf32>
      %select_n3A_2449 = arith.select %eq3A_2438, %broadcast_in_dim3A_2447, %broadcast_in_dim3A_2448 : vector<16xi1>, vector<16xf32>
      %add3A_2450 = arith.addf %add3A_2415, %select_n3A_2449 : vector<16xf32>
      %eq3A_2451 = arith.constant 4 : i32
      %eq3A_2452 = vector.broadcast %eq3A_2451 : i32 to vector<16xi32>
      %eq3A_2453 = arith.cmpi eq, %iota3A, %eq3A_2452 : vector<16xi32>
      %jit3A_2454 = arith.constant 1.000000e+00 : f32
      %jit3A_2455 = arith.constant 0.000000e+00 : f32
      %broadcast_in_dim3A_2456 = vector.broadcast %jit3A_2454 : f32 to vector<16xf32>
      %broadcast_in_dim3A_2457 = vector.broadcast %jit3A_2455 : f32 to vector<16xf32>
      %select_n3A_2458 = arith.select %eq3A_2435, %broadcast_in_dim3A_2456, %broadcast_in_dim3A_2457 : vector<16xi1>, vector<16xf32>
      %reduce_sum3A_2459 = arith.constant true
      %reduce_sum3A_2460 = vector.broadcast %reduce_sum3A_2459 : i1 to vector<16xi1>
      %reduce_sum3A_2461 = tpu.scan <sum>, %select_n3A_2458 masked %reduce_sum3A_2460 : vector<16xf32>, vector<16xi1> -> vector<16xf32>
      %reduce_sum3A_2462 = vector.extract %reduce_sum3A_2461[15] : f32 from vector<16xf32>
      %jit3A_2463 = arith.constant 0.000000e+00 : f32
      %broadcast_in_dim3A_2464 = vector.broadcast %reduce_sum3A_2462 : f32 to vector<16xf32>
      %broadcast_in_dim3A_2465 = vector.broadcast %jit3A_2463 : f32 to vector<16xf32>
      %select_n3A_2466 = arith.select %eq3A_2453, %broadcast_in_dim3A_2464, %broadcast_in_dim3A_2465 : vector<16xi1>, vector<16xf32>
      %add3A_2467 = arith.addf %add3A_2432, %select_n3A_2466 : vector<16xf32>
      %eq3A_2468 = arith.constant 5 : i32
      %eq3A_2469 = vector.broadcast %eq3A_2468 : i32 to vector<16xi32>
      %eq3A_2470 = arith.cmpi eq, %get3A_2292, %eq3A_2469 : vector<16xi32>
      %eq3A_2471 = arith.constant 5 : i32
      %eq3A_2472 = vector.broadcast %eq3A_2471 : i32 to vector<16xi32>
      %eq3A_2473 = arith.cmpi eq, %iota3A, %eq3A_2472 : vector<16xi32>
      %jit3A_2474 = arith.constant 0.000000e+00 : f32
      %broadcast_in_dim3A_2475 = vector.broadcast %jit3A_2474 : f32 to vector<16xf32>
      %select_n3A_2476 = arith.select %eq3A_2470, %get3A_2290, %broadcast_in_dim3A_2475 : vector<16xi1>, vector<16xf32>
      %reduce_sum3A_2477 = arith.constant true
      %reduce_sum3A_2478 = vector.broadcast %reduce_sum3A_2477 : i1 to vector<16xi1>
      %reduce_sum3A_2479 = tpu.scan <sum>, %select_n3A_2476 masked %reduce_sum3A_2478 : vector<16xf32>, vector<16xi1> -> vector<16xf32>
      %reduce_sum3A_2480 = vector.extract %reduce_sum3A_2479[15] : f32 from vector<16xf32>
      %jit3A_2481 = arith.constant 0.000000e+00 : f32
      %broadcast_in_dim3A_2482 = vector.broadcast %reduce_sum3A_2480 : f32 to vector<16xf32>
      %broadcast_in_dim3A_2483 = vector.broadcast %jit3A_2481 : f32 to vector<16xf32>
      %select_n3A_2484 = arith.select %eq3A_2473, %broadcast_in_dim3A_2482, %broadcast_in_dim3A_2483 : vector<16xi1>, vector<16xf32>
      %add3A_2485 = arith.addf %add3A_2450, %select_n3A_2484 : vector<16xf32>
      %eq3A_2486 = arith.constant 5 : i32
      %eq3A_2487 = vector.broadcast %eq3A_2486 : i32 to vector<16xi32>
      %eq3A_2488 = arith.cmpi eq, %iota3A, %eq3A_2487 : vector<16xi32>
      %jit3A_2489 = arith.constant 1.000000e+00 : f32
      %jit3A_2490 = arith.constant 0.000000e+00 : f32
      %broadcast_in_dim3A_2491 = vector.broadcast %jit3A_2489 : f32 to vector<16xf32>
      %broadcast_in_dim3A_2492 = vector.broadcast %jit3A_2490 : f32 to vector<16xf32>
      %select_n3A_2493 = arith.select %eq3A_2470, %broadcast_in_dim3A_2491, %broadcast_in_dim3A_2492 : vector<16xi1>, vector<16xf32>
      %reduce_sum3A_2494 = arith.constant true
      %reduce_sum3A_2495 = vector.broadcast %reduce_sum3A_2494 : i1 to vector<16xi1>
      %reduce_sum3A_2496 = tpu.scan <sum>, %select_n3A_2493 masked %reduce_sum3A_2495 : vector<16xf32>, vector<16xi1> -> vector<16xf32>
      %reduce_sum3A_2497 = vector.extract %reduce_sum3A_2496[15] : f32 from vector<16xf32>
      %jit3A_2498 = arith.constant 0.000000e+00 : f32
      %broadcast_in_dim3A_2499 = vector.broadcast %reduce_sum3A_2497 : f32 to vector<16xf32>
      %broadcast_in_dim3A_2500 = vector.broadcast %jit3A_2498 : f32 to vector<16xf32>
      %select_n3A_2501 = arith.select %eq3A_2488, %broadcast_in_dim3A_2499, %broadcast_in_dim3A_2500 : vector<16xi1>, vector<16xf32>
      %add3A_2502 = arith.addf %add3A_2467, %select_n3A_2501 : vector<16xf32>
      %eq3A_2503 = arith.constant 6 : i32
      %eq3A_2504 = vector.broadcast %eq3A_2503 : i32 to vector<16xi32>
      %eq3A_2505 = arith.cmpi eq, %get3A_2292, %eq3A_2504 : vector<16xi32>
      %eq3A_2506 = arith.constant 6 : i32
      %eq3A_2507 = vector.broadcast %eq3A_2506 : i32 to vector<16xi32>
      %eq3A_2508 = arith.cmpi eq, %iota3A, %eq3A_2507 : vector<16xi32>
      %jit3A_2509 = arith.constant 0.000000e+00 : f32
      %broadcast_in_dim3A_2510 = vector.broadcast %jit3A_2509 : f32 to vector<16xf32>
      %select_n3A_2511 = arith.select %eq3A_2505, %get3A_2290, %broadcast_in_dim3A_2510 : vector<16xi1>, vector<16xf32>
      %reduce_sum3A_2512 = arith.constant true
      %reduce_sum3A_2513 = vector.broadcast %reduce_sum3A_2512 : i1 to vector<16xi1>
      %reduce_sum3A_2514 = tpu.scan <sum>, %select_n3A_2511 masked %reduce_sum3A_2513 : vector<16xf32>, vector<16xi1> -> vector<16xf32>
      %reduce_sum3A_2515 = vector.extract %reduce_sum3A_2514[15] : f32 from vector<16xf32>
      %jit3A_2516 = arith.constant 0.000000e+00 : f32
      %broadcast_in_dim3A_2517 = vector.broadcast %reduce_sum3A_2515 : f32 to vector<16xf32>
      %broadcast_in_dim3A_2518 = vector.broadcast %jit3A_2516 : f32 to vector<16xf32>
      %select_n3A_2519 = arith.select %eq3A_2508, %broadcast_in_dim3A_2517, %broadcast_in_dim3A_2518 : vector<16xi1>, vector<16xf32>
      %add3A_2520 = arith.addf %add3A_2485, %select_n3A_2519 : vector<16xf32>
      %eq3A_2521 = arith.constant 6 : i32
      %eq3A_2522 = vector.broadcast %eq3A_2521 : i32 to vector<16xi32>
      %eq3A_2523 = arith.cmpi eq, %iota3A, %eq3A_2522 : vector<16xi32>
      %jit3A_2524 = arith.constant 1.000000e+00 : f32
      %jit3A_2525 = arith.constant 0.000000e+00 : f32
      %broadcast_in_dim3A_2526 = vector.broadcast %jit3A_2524 : f32 to vector<16xf32>
      %broadcast_in_dim3A_2527 = vector.broadcast %jit3A_2525 : f32 to vector<16xf32>
      %select_n3A_2528 = arith.select %eq3A_2505, %broadcast_in_dim3A_2526, %broadcast_in_dim3A_2527 : vector<16xi1>, vector<16xf32>
      %reduce_sum3A_2529 = arith.constant true
      %reduce_sum3A_2530 = vector.broadcast %reduce_sum3A_2529 : i1 to vector<16xi1>
      %reduce_sum3A_2531 = tpu.scan <sum>, %select_n3A_2528 masked %reduce_sum3A_2530 : vector<16xf32>, vector<16xi1> -> vector<16xf32>
      %reduce_sum3A_2532 = vector.extract %reduce_sum3A_2531[15] : f32 from vector<16xf32>
      %jit3A_2533 = arith.constant 0.000000e+00 : f32
      %broadcast_in_dim3A_2534 = vector.broadcast %reduce_sum3A_2532 : f32 to vector<16xf32>
      %broadcast_in_dim3A_2535 = vector.broadcast %jit3A_2533 : f32 to vector<16xf32>
      %select_n3A_2536 = arith.select %eq3A_2523, %broadcast_in_dim3A_2534, %broadcast_in_dim3A_2535 : vector<16xi1>, vector<16xf32>
      %add3A_2537 = arith.addf %add3A_2502, %select_n3A_2536 : vector<16xf32>
      %eq3A_2538 = arith.constant 7 : i32
      %eq3A_2539 = vector.broadcast %eq3A_2538 : i32 to vector<16xi32>
      %eq3A_2540 = arith.cmpi eq, %get3A_2292, %eq3A_2539 : vector<16xi32>
      %eq3A_2541 = arith.constant 7 : i32
      %eq3A_2542 = vector.broadcast %eq3A_2541 : i32 to vector<16xi32>
      %eq3A_2543 = arith.cmpi eq, %iota3A, %eq3A_2542 : vector<16xi32>
      %jit3A_2544 = arith.constant 0.000000e+00 : f32
      %broadcast_in_dim3A_2545 = vector.broadcast %jit3A_2544 : f32 to vector<16xf32>
      %select_n3A_2546 = arith.select %eq3A_2540, %get3A_2290, %broadcast_in_dim3A_2545 : vector<16xi1>, vector<16xf32>
      %reduce_sum3A_2547 = arith.constant true
      %reduce_sum3A_2548 = vector.broadcast %reduce_sum3A_2547 : i1 to vector<16xi1>
      %reduce_sum3A_2549 = tpu.scan <sum>, %select_n3A_2546 masked %reduce_sum3A_2548 : vector<16xf32>, vector<16xi1> -> vector<16xf32>
      %reduce_sum3A_2550 = vector.extract %reduce_sum3A_2549[15] : f32 from vector<16xf32>
      %jit3A_2551 = arith.constant 0.000000e+00 : f32
      %broadcast_in_dim3A_2552 = vector.broadcast %reduce_sum3A_2550 : f32 to vector<16xf32>
      %broadcast_in_dim3A_2553 = vector.broadcast %jit3A_2551 : f32 to vector<16xf32>
      %select_n3A_2554 = arith.select %eq3A_2543, %broadcast_in_dim3A_2552, %broadcast_in_dim3A_2553 : vector<16xi1>, vector<16xf32>
      %add3A_2555 = arith.addf %add3A_2520, %select_n3A_2554 : vector<16xf32>
      %eq3A_2556 = arith.constant 7 : i32
      %eq3A_2557 = vector.broadcast %eq3A_2556 : i32 to vector<16xi32>
      %eq3A_2558 = arith.cmpi eq, %iota3A, %eq3A_2557 : vector<16xi32>
      %jit3A_2559 = arith.constant 1.000000e+00 : f32
      %jit3A_2560 = arith.constant 0.000000e+00 : f32
      %broadcast_in_dim3A_2561 = vector.broadcast %jit3A_2559 : f32 to vector<16xf32>
      %broadcast_in_dim3A_2562 = vector.broadcast %jit3A_2560 : f32 to vector<16xf32>
      %select_n3A_2563 = arith.select %eq3A_2540, %broadcast_in_dim3A_2561, %broadcast_in_dim3A_2562 : vector<16xi1>, vector<16xf32>
      %reduce_sum3A_2564 = arith.constant true
      %reduce_sum3A_2565 = vector.broadcast %reduce_sum3A_2564 : i1 to vector<16xi1>
      %reduce_sum3A_2566 = tpu.scan <sum>, %select_n3A_2563 masked %reduce_sum3A_2565 : vector<16xf32>, vector<16xi1> -> vector<16xf32>
      %reduce_sum3A_2567 = vector.extract %reduce_sum3A_2566[15] : f32 from vector<16xf32>
      %jit3A_2568 = arith.constant 0.000000e+00 : f32
      %broadcast_in_dim3A_2569 = vector.broadcast %reduce_sum3A_2567 : f32 to vector<16xf32>
      %broadcast_in_dim3A_2570 = vector.broadcast %jit3A_2568 : f32 to vector<16xf32>
      %select_n3A_2571 = arith.select %eq3A_2558, %broadcast_in_dim3A_2569, %broadcast_in_dim3A_2570 : vector<16xi1>, vector<16xf32>
      %add3A_2572 = arith.addf %add3A_2537, %select_n3A_2571 : vector<16xf32>
      %get3A_2573 = arith.constant 144 : index
      %get3A_2574 = tpu.vector_load %arg6[%get3A_2573] {strides = array<i32>} : memref<256xf32, #tpu.memory_space<vmem>>, vector<16xf32>,
      %get3A_2575 = arith.constant 144 : index
      %get3A_2576 = tpu.vector_load %arg7[%get3A_2575] {strides = array<i32>} : memref<256xi32, #tpu.memory_space<vmem>>, vector<16xi32>,
      %eq3A_2577 = arith.constant 0 : i32
      %eq3A_2578 = vector.broadcast %eq3A_2577 : i32 to vector<16xi32>
      %eq3A_2579 = arith.cmpi eq, %get3A_2576, %eq3A_2578 : vector<16xi32>
      %eq3A_2580 = arith.constant 0 : i32
      %eq3A_2581 = vector.broadcast %eq3A_2580 : i32 to vector<16xi32>
      %eq3A_2582 = arith.cmpi eq, %iota3A, %eq3A_2581 : vector<16xi32>
      %jit3A_2583 = arith.constant 0.000000e+00 : f32
      %broadcast_in_dim3A_2584 = vector.broadcast %jit3A_2583 : f32 to vector<16xf32>
      %select_n3A_2585 = arith.select %eq3A_2579, %get3A_2574, %broadcast_in_dim3A_2584 : vector<16xi1>, vector<16xf32>
      %reduce_sum3A_2586 = arith.constant true
      %reduce_sum3A_2587 = vector.broadcast %reduce_sum3A_2586 : i1 to vector<16xi1>
      %reduce_sum3A_2588 = tpu.scan <sum>, %select_n3A_2585 masked %reduce_sum3A_2587 : vector<16xf32>, vector<16xi1> -> vector<16xf32>
      %reduce_sum3A_2589 = vector.extract %reduce_sum3A_2588[15] : f32 from vector<16xf32>
      %jit3A_2590 = arith.constant 0.000000e+00 : f32
      %broadcast_in_dim3A_2591 = vector.broadcast %reduce_sum3A_2589 : f32 to vector<16xf32>
      %broadcast_in_dim3A_2592 = vector.broadcast %jit3A_2590 : f32 to vector<16xf32>
      %select_n3A_2593 = arith.select %eq3A_2582, %broadcast_in_dim3A_2591, %broadcast_in_dim3A_2592 : vector<16xi1>, vector<16xf32>
      %add3A_2594 = arith.addf %add3A_2555, %select_n3A_2593 : vector<16xf32>
      %eq3A_2595 = arith.constant 0 : i32
      %eq3A_2596 = vector.broadcast %eq3A_2595 : i32 to vector<16xi32>
      %eq3A_2597 = arith.cmpi eq, %iota3A, %eq3A_2596 : vector<16xi32>
      %jit3A_2598 = arith.constant 1.000000e+00 : f32
      %jit3A_2599 = arith.constant 0.000000e+00 : f32
      %broadcast_in_dim3A_2600 = vector.broadcast %jit3A_2598 : f32 to vector<16xf32>
      %broadcast_in_dim3A_2601 = vector.broadcast %jit3A_2599 : f32 to vector<16xf32>
      %select_n3A_2602 = arith.select %eq3A_2579, %broadcast_in_dim3A_2600, %broadcast_in_dim3A_2601 : vector<16xi1>, vector<16xf32>
      %reduce_sum3A_2603 = arith.constant true
      %reduce_sum3A_2604 = vector.broadcast %reduce_sum3A_2603 : i1 to vector<16xi1>
      %reduce_sum3A_2605 = tpu.scan <sum>, %select_n3A_2602 masked %reduce_sum3A_2604 : vector<16xf32>, vector<16xi1> -> vector<16xf32>
      %reduce_sum3A_2606 = vector.extract %reduce_sum3A_2605[15] : f32 from vector<16xf32>
      %jit3A_2607 = arith.constant 0.000000e+00 : f32
      %broadcast_in_dim3A_2608 = vector.broadcast %reduce_sum3A_2606 : f32 to vector<16xf32>
      %broadcast_in_dim3A_2609 = vector.broadcast %jit3A_2607 : f32 to vector<16xf32>
      %select_n3A_2610 = arith.select %eq3A_2597, %broadcast_in_dim3A_2608, %broadcast_in_dim3A_2609 : vector<16xi1>, vector<16xf32>
      %add3A_2611 = arith.addf %add3A_2572, %select_n3A_2610 : vector<16xf32>
      %eq3A_2612 = arith.constant 1 : i32
      %eq3A_2613 = vector.broadcast %eq3A_2612 : i32 to vector<16xi32>
      %eq3A_2614 = arith.cmpi eq, %get3A_2576, %eq3A_2613 : vector<16xi32>
      %eq3A_2615 = arith.constant 1 : i32
      %eq3A_2616 = vector.broadcast %eq3A_2615 : i32 to vector<16xi32>
      %eq3A_2617 = arith.cmpi eq, %iota3A, %eq3A_2616 : vector<16xi32>
      %jit3A_2618 = arith.constant 0.000000e+00 : f32
      %broadcast_in_dim3A_2619 = vector.broadcast %jit3A_2618 : f32 to vector<16xf32>
      %select_n3A_2620 = arith.select %eq3A_2614, %get3A_2574, %broadcast_in_dim3A_2619 : vector<16xi1>, vector<16xf32>
      %reduce_sum3A_2621 = arith.constant true
      %reduce_sum3A_2622 = vector.broadcast %reduce_sum3A_2621 : i1 to vector<16xi1>
      %reduce_sum3A_2623 = tpu.scan <sum>, %select_n3A_2620 masked %reduce_sum3A_2622 : vector<16xf32>, vector<16xi1> -> vector<16xf32>
      %reduce_sum3A_2624 = vector.extract %reduce_sum3A_2623[15] : f32 from vector<16xf32>
      %jit3A_2625 = arith.constant 0.000000e+00 : f32
      %broadcast_in_dim3A_2626 = vector.broadcast %reduce_sum3A_2624 : f32 to vector<16xf32>
      %broadcast_in_dim3A_2627 = vector.broadcast %jit3A_2625 : f32 to vector<16xf32>
      %select_n3A_2628 = arith.select %eq3A_2617, %broadcast_in_dim3A_2626, %broadcast_in_dim3A_2627 : vector<16xi1>, vector<16xf32>
      %add3A_2629 = arith.addf %add3A_2594, %select_n3A_2628 : vector<16xf32>
      %eq3A_2630 = arith.constant 1 : i32
      %eq3A_2631 = vector.broadcast %eq3A_2630 : i32 to vector<16xi32>
      %eq3A_2632 = arith.cmpi eq, %iota3A, %eq3A_2631 : vector<16xi32>
      %jit3A_2633 = arith.constant 1.000000e+00 : f32
      %jit3A_2634 = arith.constant 0.000000e+00 : f32
      %broadcast_in_dim3A_2635 = vector.broadcast %jit3A_2633 : f32 to vector<16xf32>
      %broadcast_in_dim3A_2636 = vector.broadcast %jit3A_2634 : f32 to vector<16xf32>
      %select_n3A_2637 = arith.select %eq3A_2614, %broadcast_in_dim3A_2635, %broadcast_in_dim3A_2636 : vector<16xi1>, vector<16xf32>
      %reduce_sum3A_2638 = arith.constant true
      %reduce_sum3A_2639 = vector.broadcast %reduce_sum3A_2638 : i1 to vector<16xi1>
      %reduce_sum3A_2640 = tpu.scan <sum>, %select_n3A_2637 masked %reduce_sum3A_2639 : vector<16xf32>, vector<16xi1> -> vector<16xf32>
      %reduce_sum3A_2641 = vector.extract %reduce_sum3A_2640[15] : f32 from vector<16xf32>
      %jit3A_2642 = arith.constant 0.000000e+00 : f32
      %broadcast_in_dim3A_2643 = vector.broadcast %reduce_sum3A_2641 : f32 to vector<16xf32>
      %broadcast_in_dim3A_2644 = vector.broadcast %jit3A_2642 : f32 to vector<16xf32>
      %select_n3A_2645 = arith.select %eq3A_2632, %broadcast_in_dim3A_2643, %broadcast_in_dim3A_2644 : vector<16xi1>, vector<16xf32>
      %add3A_2646 = arith.addf %add3A_2611, %select_n3A_2645 : vector<16xf32>
      %eq3A_2647 = arith.constant 2 : i32
      %eq3A_2648 = vector.broadcast %eq3A_2647 : i32 to vector<16xi32>
      %eq3A_2649 = arith.cmpi eq, %get3A_2576, %eq3A_2648 : vector<16xi32>
      %eq3A_2650 = arith.constant 2 : i32
      %eq3A_2651 = vector.broadcast %eq3A_2650 : i32 to vector<16xi32>
      %eq3A_2652 = arith.cmpi eq, %iota3A, %eq3A_2651 : vector<16xi32>
      %jit3A_2653 = arith.constant 0.000000e+00 : f32
      %broadcast_in_dim3A_2654 = vector.broadcast %jit3A_2653 : f32 to vector<16xf32>
      %select_n3A_2655 = arith.select %eq3A_2649, %get3A_2574, %broadcast_in_dim3A_2654 : vector<16xi1>, vector<16xf32>
      %reduce_sum3A_2656 = arith.constant true
      %reduce_sum3A_2657 = vector.broadcast %reduce_sum3A_2656 : i1 to vector<16xi1>
      %reduce_sum3A_2658 = tpu.scan <sum>, %select_n3A_2655 masked %reduce_sum3A_2657 : vector<16xf32>, vector<16xi1> -> vector<16xf32>
      %reduce_sum3A_2659 = vector.extract %reduce_sum3A_2658[15] : f32 from vector<16xf32>
      %jit3A_2660 = arith.constant 0.000000e+00 : f32
      %broadcast_in_dim3A_2661 = vector.broadcast %reduce_sum3A_2659 : f32 to vector<16xf32>
      %broadcast_in_dim3A_2662 = vector.broadcast %jit3A_2660 : f32 to vector<16xf32>
      %select_n3A_2663 = arith.select %eq3A_2652, %broadcast_in_dim3A_2661, %broadcast_in_dim3A_2662 : vector<16xi1>, vector<16xf32>
      %add3A_2664 = arith.addf %add3A_2629, %select_n3A_2663 : vector<16xf32>
      %eq3A_2665 = arith.constant 2 : i32
      %eq3A_2666 = vector.broadcast %eq3A_2665 : i32 to vector<16xi32>
      %eq3A_2667 = arith.cmpi eq, %iota3A, %eq3A_2666 : vector<16xi32>
      %jit3A_2668 = arith.constant 1.000000e+00 : f32
      %jit3A_2669 = arith.constant 0.000000e+00 : f32
      %broadcast_in_dim3A_2670 = vector.broadcast %jit3A_2668 : f32 to vector<16xf32>
      %broadcast_in_dim3A_2671 = vector.broadcast %jit3A_2669 : f32 to vector<16xf32>
      %select_n3A_2672 = arith.select %eq3A_2649, %broadcast_in_dim3A_2670, %broadcast_in_dim3A_2671 : vector<16xi1>, vector<16xf32>
      %reduce_sum3A_2673 = arith.constant true
      %reduce_sum3A_2674 = vector.broadcast %reduce_sum3A_2673 : i1 to vector<16xi1>
      %reduce_sum3A_2675 = tpu.scan <sum>, %select_n3A_2672 masked %reduce_sum3A_2674 : vector<16xf32>, vector<16xi1> -> vector<16xf32>
      %reduce_sum3A_2676 = vector.extract %reduce_sum3A_2675[15] : f32 from vector<16xf32>
      %jit3A_2677 = arith.constant 0.000000e+00 : f32
      %broadcast_in_dim3A_2678 = vector.broadcast %reduce_sum3A_2676 : f32 to vector<16xf32>
      %broadcast_in_dim3A_2679 = vector.broadcast %jit3A_2677 : f32 to vector<16xf32>
      %select_n3A_2680 = arith.select %eq3A_2667, %broadcast_in_dim3A_2678, %broadcast_in_dim3A_2679 : vector<16xi1>, vector<16xf32>
      %add3A_2681 = arith.addf %add3A_2646, %select_n3A_2680 : vector<16xf32>
      %eq3A_2682 = arith.constant 3 : i32
      %eq3A_2683 = vector.broadcast %eq3A_2682 : i32 to vector<16xi32>
      %eq3A_2684 = arith.cmpi eq, %get3A_2576, %eq3A_2683 : vector<16xi32>
      %eq3A_2685 = arith.constant 3 : i32
      %eq3A_2686 = vector.broadcast %eq3A_2685 : i32 to vector<16xi32>
      %eq3A_2687 = arith.cmpi eq, %iota3A, %eq3A_2686 : vector<16xi32>
      %jit3A_2688 = arith.constant 0.000000e+00 : f32
      %broadcast_in_dim3A_2689 = vector.broadcast %jit3A_2688 : f32 to vector<16xf32>
      %select_n3A_2690 = arith.select %eq3A_2684, %get3A_2574, %broadcast_in_dim3A_2689 : vector<16xi1>, vector<16xf32>
      %reduce_sum3A_2691 = arith.constant true
      %reduce_sum3A_2692 = vector.broadcast %reduce_sum3A_2691 : i1 to vector<16xi1>
      %reduce_sum3A_2693 = tpu.scan <sum>, %select_n3A_2690 masked %reduce_sum3A_2692 : vector<16xf32>, vector<16xi1> -> vector<16xf32>
      %reduce_sum3A_2694 = vector.extract %reduce_sum3A_2693[15] : f32 from vector<16xf32>
      %jit3A_2695 = arith.constant 0.000000e+00 : f32
      %broadcast_in_dim3A_2696 = vector.broadcast %reduce_sum3A_2694 : f32 to vector<16xf32>
      %broadcast_in_dim3A_2697 = vector.broadcast %jit3A_2695 : f32 to vector<16xf32>
      %select_n3A_2698 = arith.select %eq3A_2687, %broadcast_in_dim3A_2696, %broadcast_in_dim3A_2697 : vector<16xi1>, vector<16xf32>
      %add3A_2699 = arith.addf %add3A_2664, %select_n3A_2698 : vector<16xf32>
      %eq3A_2700 = arith.constant 3 : i32
      %eq3A_2701 = vector.broadcast %eq3A_2700 : i32 to vector<16xi32>
      %eq3A_2702 = arith.cmpi eq, %iota3A, %eq3A_2701 : vector<16xi32>
      %jit3A_2703 = arith.constant 1.000000e+00 : f32
      %jit3A_2704 = arith.constant 0.000000e+00 : f32
      %broadcast_in_dim3A_2705 = vector.broadcast %jit3A_2703 : f32 to vector<16xf32>
      %broadcast_in_dim3A_2706 = vector.broadcast %jit3A_2704 : f32 to vector<16xf32>
      %select_n3A_2707 = arith.select %eq3A_2684, %broadcast_in_dim3A_2705, %broadcast_in_dim3A_2706 : vector<16xi1>, vector<16xf32>
      %reduce_sum3A_2708 = arith.constant true
      %reduce_sum3A_2709 = vector.broadcast %reduce_sum3A_2708 : i1 to vector<16xi1>
      %reduce_sum3A_2710 = tpu.scan <sum>, %select_n3A_2707 masked %reduce_sum3A_2709 : vector<16xf32>, vector<16xi1> -> vector<16xf32>
      %reduce_sum3A_2711 = vector.extract %reduce_sum3A_2710[15] : f32 from vector<16xf32>
      %jit3A_2712 = arith.constant 0.000000e+00 : f32
      %broadcast_in_dim3A_2713 = vector.broadcast %reduce_sum3A_2711 : f32 to vector<16xf32>
      %broadcast_in_dim3A_2714 = vector.broadcast %jit3A_2712 : f32 to vector<16xf32>
      %select_n3A_2715 = arith.select %eq3A_2702, %broadcast_in_dim3A_2713, %broadcast_in_dim3A_2714 : vector<16xi1>, vector<16xf32>
      %add3A_2716 = arith.addf %add3A_2681, %select_n3A_2715 : vector<16xf32>
      %eq3A_2717 = arith.constant 4 : i32
      %eq3A_2718 = vector.broadcast %eq3A_2717 : i32 to vector<16xi32>
      %eq3A_2719 = arith.cmpi eq, %get3A_2576, %eq3A_2718 : vector<16xi32>
      %eq3A_2720 = arith.constant 4 : i32
      %eq3A_2721 = vector.broadcast %eq3A_2720 : i32 to vector<16xi32>
      %eq3A_2722 = arith.cmpi eq, %iota3A, %eq3A_2721 : vector<16xi32>
      %jit3A_2723 = arith.constant 0.000000e+00 : f32
      %broadcast_in_dim3A_2724 = vector.broadcast %jit3A_2723 : f32 to vector<16xf32>
      %select_n3A_2725 = arith.select %eq3A_2719, %get3A_2574, %broadcast_in_dim3A_2724 : vector<16xi1>, vector<16xf32>
      %reduce_sum3A_2726 = arith.constant true
      %reduce_sum3A_2727 = vector.broadcast %reduce_sum3A_2726 : i1 to vector<16xi1>
      %reduce_sum3A_2728 = tpu.scan <sum>, %select_n3A_2725 masked %reduce_sum3A_2727 : vector<16xf32>, vector<16xi1> -> vector<16xf32>
      %reduce_sum3A_2729 = vector.extract %reduce_sum3A_2728[15] : f32 from vector<16xf32>
      %jit3A_2730 = arith.constant 0.000000e+00 : f32
      %broadcast_in_dim3A_2731 = vector.broadcast %reduce_sum3A_2729 : f32 to vector<16xf32>
      %broadcast_in_dim3A_2732 = vector.broadcast %jit3A_2730 : f32 to vector<16xf32>
      %select_n3A_2733 = arith.select %eq3A_2722, %broadcast_in_dim3A_2731, %broadcast_in_dim3A_2732 : vector<16xi1>, vector<16xf32>
      %add3A_2734 = arith.addf %add3A_2699, %select_n3A_2733 : vector<16xf32>
      %eq3A_2735 = arith.constant 4 : i32
      %eq3A_2736 = vector.broadcast %eq3A_2735 : i32 to vector<16xi32>
      %eq3A_2737 = arith.cmpi eq, %iota3A, %eq3A_2736 : vector<16xi32>
      %jit3A_2738 = arith.constant 1.000000e+00 : f32
      %jit3A_2739 = arith.constant 0.000000e+00 : f32
      %broadcast_in_dim3A_2740 = vector.broadcast %jit3A_2738 : f32 to vector<16xf32>
      %broadcast_in_dim3A_2741 = vector.broadcast %jit3A_2739 : f32 to vector<16xf32>
      %select_n3A_2742 = arith.select %eq3A_2719, %broadcast_in_dim3A_2740, %broadcast_in_dim3A_2741 : vector<16xi1>, vector<16xf32>
      %reduce_sum3A_2743 = arith.constant true
      %reduce_sum3A_2744 = vector.broadcast %reduce_sum3A_2743 : i1 to vector<16xi1>
      %reduce_sum3A_2745 = tpu.scan <sum>, %select_n3A_2742 masked %reduce_sum3A_2744 : vector<16xf32>, vector<16xi1> -> vector<16xf32>
      %reduce_sum3A_2746 = vector.extract %reduce_sum3A_2745[15] : f32 from vector<16xf32>
      %jit3A_2747 = arith.constant 0.000000e+00 : f32
      %broadcast_in_dim3A_2748 = vector.broadcast %reduce_sum3A_2746 : f32 to vector<16xf32>
      %broadcast_in_dim3A_2749 = vector.broadcast %jit3A_2747 : f32 to vector<16xf32>
      %select_n3A_2750 = arith.select %eq3A_2737, %broadcast_in_dim3A_2748, %broadcast_in_dim3A_2749 : vector<16xi1>, vector<16xf32>
      %add3A_2751 = arith.addf %add3A_2716, %select_n3A_2750 : vector<16xf32>
      %eq3A_2752 = arith.constant 5 : i32
      %eq3A_2753 = vector.broadcast %eq3A_2752 : i32 to vector<16xi32>
      %eq3A_2754 = arith.cmpi eq, %get3A_2576, %eq3A_2753 : vector<16xi32>
      %eq3A_2755 = arith.constant 5 : i32
      %eq3A_2756 = vector.broadcast %eq3A_2755 : i32 to vector<16xi32>
      %eq3A_2757 = arith.cmpi eq, %iota3A, %eq3A_2756 : vector<16xi32>
      %jit3A_2758 = arith.constant 0.000000e+00 : f32
      %broadcast_in_dim3A_2759 = vector.broadcast %jit3A_2758 : f32 to vector<16xf32>
      %select_n3A_2760 = arith.select %eq3A_2754, %get3A_2574, %broadcast_in_dim3A_2759 : vector<16xi1>, vector<16xf32>
      %reduce_sum3A_2761 = arith.constant true
      %reduce_sum3A_2762 = vector.broadcast %reduce_sum3A_2761 : i1 to vector<16xi1>
      %reduce_sum3A_2763 = tpu.scan <sum>, %select_n3A_2760 masked %reduce_sum3A_2762 : vector<16xf32>, vector<16xi1> -> vector<16xf32>
      %reduce_sum3A_2764 = vector.extract %reduce_sum3A_2763[15] : f32 from vector<16xf32>
      %jit3A_2765 = arith.constant 0.000000e+00 : f32
      %broadcast_in_dim3A_2766 = vector.broadcast %reduce_sum3A_2764 : f32 to vector<16xf32>
      %broadcast_in_dim3A_2767 = vector.broadcast %jit3A_2765 : f32 to vector<16xf32>
      %select_n3A_2768 = arith.select %eq3A_2757, %broadcast_in_dim3A_2766, %broadcast_in_dim3A_2767 : vector<16xi1>, vector<16xf32>
      %add3A_2769 = arith.addf %add3A_2734, %select_n3A_2768 : vector<16xf32>
      %eq3A_2770 = arith.constant 5 : i32
      %eq3A_2771 = vector.broadcast %eq3A_2770 : i32 to vector<16xi32>
      %eq3A_2772 = arith.cmpi eq, %iota3A, %eq3A_2771 : vector<16xi32>
      %jit3A_2773 = arith.constant 1.000000e+00 : f32
      %jit3A_2774 = arith.constant 0.000000e+00 : f32
      %broadcast_in_dim3A_2775 = vector.broadcast %jit3A_2773 : f32 to vector<16xf32>
      %broadcast_in_dim3A_2776 = vector.broadcast %jit3A_2774 : f32 to vector<16xf32>
      %select_n3A_2777 = arith.select %eq3A_2754, %broadcast_in_dim3A_2775, %broadcast_in_dim3A_2776 : vector<16xi1>, vector<16xf32>
      %reduce_sum3A_2778 = arith.constant true
      %reduce_sum3A_2779 = vector.broadcast %reduce_sum3A_2778 : i1 to vector<16xi1>
      %reduce_sum3A_2780 = tpu.scan <sum>, %select_n3A_2777 masked %reduce_sum3A_2779 : vector<16xf32>, vector<16xi1> -> vector<16xf32>
      %reduce_sum3A_2781 = vector.extract %reduce_sum3A_2780[15] : f32 from vector<16xf32>
      %jit3A_2782 = arith.constant 0.000000e+00 : f32
      %broadcast_in_dim3A_2783 = vector.broadcast %reduce_sum3A_2781 : f32 to vector<16xf32>
      %broadcast_in_dim3A_2784 = vector.broadcast %jit3A_2782 : f32 to vector<16xf32>
      %select_n3A_2785 = arith.select %eq3A_2772, %broadcast_in_dim3A_2783, %broadcast_in_dim3A_2784 : vector<16xi1>, vector<16xf32>
      %add3A_2786 = arith.addf %add3A_2751, %select_n3A_2785 : vector<16xf32>
      %eq3A_2787 = arith.constant 6 : i32
      %eq3A_2788 = vector.broadcast %eq3A_2787 : i32 to vector<16xi32>
      %eq3A_2789 = arith.cmpi eq, %get3A_2576, %eq3A_2788 : vector<16xi32>
      %eq3A_2790 = arith.constant 6 : i32
      %eq3A_2791 = vector.broadcast %eq3A_2790 : i32 to vector<16xi32>
      %eq3A_2792 = arith.cmpi eq, %iota3A, %eq3A_2791 : vector<16xi32>
      %jit3A_2793 = arith.constant 0.000000e+00 : f32
      %broadcast_in_dim3A_2794 = vector.broadcast %jit3A_2793 : f32 to vector<16xf32>
      %select_n3A_2795 = arith.select %eq3A_2789, %get3A_2574, %broadcast_in_dim3A_2794 : vector<16xi1>, vector<16xf32>
      %reduce_sum3A_2796 = arith.constant true
      %reduce_sum3A_2797 = vector.broadcast %reduce_sum3A_2796 : i1 to vector<16xi1>
      %reduce_sum3A_2798 = tpu.scan <sum>, %select_n3A_2795 masked %reduce_sum3A_2797 : vector<16xf32>, vector<16xi1> -> vector<16xf32>
      %reduce_sum3A_2799 = vector.extract %reduce_sum3A_2798[15] : f32 from vector<16xf32>
      %jit3A_2800 = arith.constant 0.000000e+00 : f32
      %broadcast_in_dim3A_2801 = vector.broadcast %reduce_sum3A_2799 : f32 to vector<16xf32>
      %broadcast_in_dim3A_2802 = vector.broadcast %jit3A_2800 : f32 to vector<16xf32>
      %select_n3A_2803 = arith.select %eq3A_2792, %broadcast_in_dim3A_2801, %broadcast_in_dim3A_2802 : vector<16xi1>, vector<16xf32>
      %add3A_2804 = arith.addf %add3A_2769, %select_n3A_2803 : vector<16xf32>
      %eq3A_2805 = arith.constant 6 : i32
      %eq3A_2806 = vector.broadcast %eq3A_2805 : i32 to vector<16xi32>
      %eq3A_2807 = arith.cmpi eq, %iota3A, %eq3A_2806 : vector<16xi32>
      %jit3A_2808 = arith.constant 1.000000e+00 : f32
      %jit3A_2809 = arith.constant 0.000000e+00 : f32
      %broadcast_in_dim3A_2810 = vector.broadcast %jit3A_2808 : f32 to vector<16xf32>
      %broadcast_in_dim3A_2811 = vector.broadcast %jit3A_2809 : f32 to vector<16xf32>
      %select_n3A_2812 = arith.select %eq3A_2789, %broadcast_in_dim3A_2810, %broadcast_in_dim3A_2811 : vector<16xi1>, vector<16xf32>
      %reduce_sum3A_2813 = arith.constant true
      %reduce_sum3A_2814 = vector.broadcast %reduce_sum3A_2813 : i1 to vector<16xi1>
      %reduce_sum3A_2815 = tpu.scan <sum>, %select_n3A_2812 masked %reduce_sum3A_2814 : vector<16xf32>, vector<16xi1> -> vector<16xf32>
      %reduce_sum3A_2816 = vector.extract %reduce_sum3A_2815[15] : f32 from vector<16xf32>
      %jit3A_2817 = arith.constant 0.000000e+00 : f32
      %broadcast_in_dim3A_2818 = vector.broadcast %reduce_sum3A_2816 : f32 to vector<16xf32>
      %broadcast_in_dim3A_2819 = vector.broadcast %jit3A_2817 : f32 to vector<16xf32>
      %select_n3A_2820 = arith.select %eq3A_2807, %broadcast_in_dim3A_2818, %broadcast_in_dim3A_2819 : vector<16xi1>, vector<16xf32>
      %add3A_2821 = arith.addf %add3A_2786, %select_n3A_2820 : vector<16xf32>
      %eq3A_2822 = arith.constant 7 : i32
      %eq3A_2823 = vector.broadcast %eq3A_2822 : i32 to vector<16xi32>
      %eq3A_2824 = arith.cmpi eq, %get3A_2576, %eq3A_2823 : vector<16xi32>
      %eq3A_2825 = arith.constant 7 : i32
      %eq3A_2826 = vector.broadcast %eq3A_2825 : i32 to vector<16xi32>
      %eq3A_2827 = arith.cmpi eq, %iota3A, %eq3A_2826 : vector<16xi32>
      %jit3A_2828 = arith.constant 0.000000e+00 : f32
      %broadcast_in_dim3A_2829 = vector.broadcast %jit3A_2828 : f32 to vector<16xf32>
      %select_n3A_2830 = arith.select %eq3A_2824, %get3A_2574, %broadcast_in_dim3A_2829 : vector<16xi1>, vector<16xf32>
      %reduce_sum3A_2831 = arith.constant true
      %reduce_sum3A_2832 = vector.broadcast %reduce_sum3A_2831 : i1 to vector<16xi1>
      %reduce_sum3A_2833 = tpu.scan <sum>, %select_n3A_2830 masked %reduce_sum3A_2832 : vector<16xf32>, vector<16xi1> -> vector<16xf32>
      %reduce_sum3A_2834 = vector.extract %reduce_sum3A_2833[15] : f32 from vector<16xf32>
      %jit3A_2835 = arith.constant 0.000000e+00 : f32
      %broadcast_in_dim3A_2836 = vector.broadcast %reduce_sum3A_2834 : f32 to vector<16xf32>
      %broadcast_in_dim3A_2837 = vector.broadcast %jit3A_2835 : f32 to vector<16xf32>
      %select_n3A_2838 = arith.select %eq3A_2827, %broadcast_in_dim3A_2836, %broadcast_in_dim3A_2837 : vector<16xi1>, vector<16xf32>
      %add3A_2839 = arith.addf %add3A_2804, %select_n3A_2838 : vector<16xf32>
      %eq3A_2840 = arith.constant 7 : i32
      %eq3A_2841 = vector.broadcast %eq3A_2840 : i32 to vector<16xi32>
      %eq3A_2842 = arith.cmpi eq, %iota3A, %eq3A_2841 : vector<16xi32>
      %jit3A_2843 = arith.constant 1.000000e+00 : f32
      %jit3A_2844 = arith.constant 0.000000e+00 : f32
      %broadcast_in_dim3A_2845 = vector.broadcast %jit3A_2843 : f32 to vector<16xf32>
      %broadcast_in_dim3A_2846 = vector.broadcast %jit3A_2844 : f32 to vector<16xf32>
      %select_n3A_2847 = arith.select %eq3A_2824, %broadcast_in_dim3A_2845, %broadcast_in_dim3A_2846 : vector<16xi1>, vector<16xf32>
      %reduce_sum3A_2848 = arith.constant true
      %reduce_sum3A_2849 = vector.broadcast %reduce_sum3A_2848 : i1 to vector<16xi1>
      %reduce_sum3A_2850 = tpu.scan <sum>, %select_n3A_2847 masked %reduce_sum3A_2849 : vector<16xf32>, vector<16xi1> -> vector<16xf32>
      %reduce_sum3A_2851 = vector.extract %reduce_sum3A_2850[15] : f32 from vector<16xf32>
      %jit3A_2852 = arith.constant 0.000000e+00 : f32
      %broadcast_in_dim3A_2853 = vector.broadcast %reduce_sum3A_2851 : f32 to vector<16xf32>
      %broadcast_in_dim3A_2854 = vector.broadcast %jit3A_2852 : f32 to vector<16xf32>
      %select_n3A_2855 = arith.select %eq3A_2842, %broadcast_in_dim3A_2853, %broadcast_in_dim3A_2854 : vector<16xi1>, vector<16xf32>
      %add3A_2856 = arith.addf %add3A_2821, %select_n3A_2855 : vector<16xf32>
      %get3A_2857 = arith.constant 160 : index
      %get3A_2858 = tpu.vector_load %arg6[%get3A_2857] {strides = array<i32>} : memref<256xf32, #tpu.memory_space<vmem>>, vector<16xf32>,
      %get3A_2859 = arith.constant 160 : index
      %get3A_2860 = tpu.vector_load %arg7[%get3A_2859] {strides = array<i32>} : memref<256xi32, #tpu.memory_space<vmem>>, vector<16xi32>,
      %eq3A_2861 = arith.constant 0 : i32
      %eq3A_2862 = vector.broadcast %eq3A_2861 : i32 to vector<16xi32>
      %eq3A_2863 = arith.cmpi eq, %get3A_2860, %eq3A_2862 : vector<16xi32>
      %eq3A_2864 = arith.constant 0 : i32
      %eq3A_2865 = vector.broadcast %eq3A_2864 : i32 to vector<16xi32>
      %eq3A_2866 = arith.cmpi eq, %iota3A, %eq3A_2865 : vector<16xi32>
      %jit3A_2867 = arith.constant 0.000000e+00 : f32
      %broadcast_in_dim3A_2868 = vector.broadcast %jit3A_2867 : f32 to vector<16xf32>
      %select_n3A_2869 = arith.select %eq3A_2863, %get3A_2858, %broadcast_in_dim3A_2868 : vector<16xi1>, vector<16xf32>
      %reduce_sum3A_2870 = arith.constant true
      %reduce_sum3A_2871 = vector.broadcast %reduce_sum3A_2870 : i1 to vector<16xi1>
      %reduce_sum3A_2872 = tpu.scan <sum>, %select_n3A_2869 masked %reduce_sum3A_2871 : vector<16xf32>, vector<16xi1> -> vector<16xf32>
      %reduce_sum3A_2873 = vector.extract %reduce_sum3A_2872[15] : f32 from vector<16xf32>
      %jit3A_2874 = arith.constant 0.000000e+00 : f32
      %broadcast_in_dim3A_2875 = vector.broadcast %reduce_sum3A_2873 : f32 to vector<16xf32>
      %broadcast_in_dim3A_2876 = vector.broadcast %jit3A_2874 : f32 to vector<16xf32>
      %select_n3A_2877 = arith.select %eq3A_2866, %broadcast_in_dim3A_2875, %broadcast_in_dim3A_2876 : vector<16xi1>, vector<16xf32>
      %add3A_2878 = arith.addf %add3A_2839, %select_n3A_2877 : vector<16xf32>
      %eq3A_2879 = arith.constant 0 : i32
      %eq3A_2880 = vector.broadcast %eq3A_2879 : i32 to vector<16xi32>
      %eq3A_2881 = arith.cmpi eq, %iota3A, %eq3A_2880 : vector<16xi32>
      %jit3A_2882 = arith.constant 1.000000e+00 : f32
      %jit3A_2883 = arith.constant 0.000000e+00 : f32
      %broadcast_in_dim3A_2884 = vector.broadcast %jit3A_2882 : f32 to vector<16xf32>
      %broadcast_in_dim3A_2885 = vector.broadcast %jit3A_2883 : f32 to vector<16xf32>
      %select_n3A_2886 = arith.select %eq3A_2863, %broadcast_in_dim3A_2884, %broadcast_in_dim3A_2885 : vector<16xi1>, vector<16xf32>
      %reduce_sum3A_2887 = arith.constant true
      %reduce_sum3A_2888 = vector.broadcast %reduce_sum3A_2887 : i1 to vector<16xi1>
      %reduce_sum3A_2889 = tpu.scan <sum>, %select_n3A_2886 masked %reduce_sum3A_2888 : vector<16xf32>, vector<16xi1> -> vector<16xf32>
      %reduce_sum3A_2890 = vector.extract %reduce_sum3A_2889[15] : f32 from vector<16xf32>
      %jit3A_2891 = arith.constant 0.000000e+00 : f32
      %broadcast_in_dim3A_2892 = vector.broadcast %reduce_sum3A_2890 : f32 to vector<16xf32>
      %broadcast_in_dim3A_2893 = vector.broadcast %jit3A_2891 : f32 to vector<16xf32>
      %select_n3A_2894 = arith.select %eq3A_2881, %broadcast_in_dim3A_2892, %broadcast_in_dim3A_2893 : vector<16xi1>, vector<16xf32>
      %add3A_2895 = arith.addf %add3A_2856, %select_n3A_2894 : vector<16xf32>
      %eq3A_2896 = arith.constant 1 : i32
      %eq3A_2897 = vector.broadcast %eq3A_2896 : i32 to vector<16xi32>
      %eq3A_2898 = arith.cmpi eq, %get3A_2860, %eq3A_2897 : vector<16xi32>
      %eq3A_2899 = arith.constant 1 : i32
      %eq3A_2900 = vector.broadcast %eq3A_2899 : i32 to vector<16xi32>
      %eq3A_2901 = arith.cmpi eq, %iota3A, %eq3A_2900 : vector<16xi32>
      %jit3A_2902 = arith.constant 0.000000e+00 : f32
      %broadcast_in_dim3A_2903 = vector.broadcast %jit3A_2902 : f32 to vector<16xf32>
      %select_n3A_2904 = arith.select %eq3A_2898, %get3A_2858, %broadcast_in_dim3A_2903 : vector<16xi1>, vector<16xf32>
      %reduce_sum3A_2905 = arith.constant true
      %reduce_sum3A_2906 = vector.broadcast %reduce_sum3A_2905 : i1 to vector<16xi1>
      %reduce_sum3A_2907 = tpu.scan <sum>, %select_n3A_2904 masked %reduce_sum3A_2906 : vector<16xf32>, vector<16xi1> -> vector<16xf32>
      %reduce_sum3A_2908 = vector.extract %reduce_sum3A_2907[15] : f32 from vector<16xf32>
      %jit3A_2909 = arith.constant 0.000000e+00 : f32
      %broadcast_in_dim3A_2910 = vector.broadcast %reduce_sum3A_2908 : f32 to vector<16xf32>
      %broadcast_in_dim3A_2911 = vector.broadcast %jit3A_2909 : f32 to vector<16xf32>
      %select_n3A_2912 = arith.select %eq3A_2901, %broadcast_in_dim3A_2910, %broadcast_in_dim3A_2911 : vector<16xi1>, vector<16xf32>
      %add3A_2913 = arith.addf %add3A_2878, %select_n3A_2912 : vector<16xf32>
      %eq3A_2914 = arith.constant 1 : i32
      %eq3A_2915 = vector.broadcast %eq3A_2914 : i32 to vector<16xi32>
      %eq3A_2916 = arith.cmpi eq, %iota3A, %eq3A_2915 : vector<16xi32>
      %jit3A_2917 = arith.constant 1.000000e+00 : f32
      %jit3A_2918 = arith.constant 0.000000e+00 : f32
      %broadcast_in_dim3A_2919 = vector.broadcast %jit3A_2917 : f32 to vector<16xf32>
      %broadcast_in_dim3A_2920 = vector.broadcast %jit3A_2918 : f32 to vector<16xf32>
      %select_n3A_2921 = arith.select %eq3A_2898, %broadcast_in_dim3A_2919, %broadcast_in_dim3A_2920 : vector<16xi1>, vector<16xf32>
      %reduce_sum3A_2922 = arith.constant true
      %reduce_sum3A_2923 = vector.broadcast %reduce_sum3A_2922 : i1 to vector<16xi1>
      %reduce_sum3A_2924 = tpu.scan <sum>, %select_n3A_2921 masked %reduce_sum3A_2923 : vector<16xf32>, vector<16xi1> -> vector<16xf32>
      %reduce_sum3A_2925 = vector.extract %reduce_sum3A_2924[15] : f32 from vector<16xf32>
      %jit3A_2926 = arith.constant 0.000000e+00 : f32
      %broadcast_in_dim3A_2927 = vector.broadcast %reduce_sum3A_2925 : f32 to vector<16xf32>
      %broadcast_in_dim3A_2928 = vector.broadcast %jit3A_2926 : f32 to vector<16xf32>
      %select_n3A_2929 = arith.select %eq3A_2916, %broadcast_in_dim3A_2927, %broadcast_in_dim3A_2928 : vector<16xi1>, vector<16xf32>
      %add3A_2930 = arith.addf %add3A_2895, %select_n3A_2929 : vector<16xf32>
      %eq3A_2931 = arith.constant 2 : i32
      %eq3A_2932 = vector.broadcast %eq3A_2931 : i32 to vector<16xi32>
      %eq3A_2933 = arith.cmpi eq, %get3A_2860, %eq3A_2932 : vector<16xi32>
      %eq3A_2934 = arith.constant 2 : i32
      %eq3A_2935 = vector.broadcast %eq3A_2934 : i32 to vector<16xi32>
      %eq3A_2936 = arith.cmpi eq, %iota3A, %eq3A_2935 : vector<16xi32>
      %jit3A_2937 = arith.constant 0.000000e+00 : f32
      %broadcast_in_dim3A_2938 = vector.broadcast %jit3A_2937 : f32 to vector<16xf32>
      %select_n3A_2939 = arith.select %eq3A_2933, %get3A_2858, %broadcast_in_dim3A_2938 : vector<16xi1>, vector<16xf32>
      %reduce_sum3A_2940 = arith.constant true
      %reduce_sum3A_2941 = vector.broadcast %reduce_sum3A_2940 : i1 to vector<16xi1>
      %reduce_sum3A_2942 = tpu.scan <sum>, %select_n3A_2939 masked %reduce_sum3A_2941 : vector<16xf32>, vector<16xi1> -> vector<16xf32>
      %reduce_sum3A_2943 = vector.extract %reduce_sum3A_2942[15] : f32 from vector<16xf32>
      %jit3A_2944 = arith.constant 0.000000e+00 : f32
      %broadcast_in_dim3A_2945 = vector.broadcast %reduce_sum3A_2943 : f32 to vector<16xf32>
      %broadcast_in_dim3A_2946 = vector.broadcast %jit3A_2944 : f32 to vector<16xf32>
      %select_n3A_2947 = arith.select %eq3A_2936, %broadcast_in_dim3A_2945, %broadcast_in_dim3A_2946 : vector<16xi1>, vector<16xf32>
      %add3A_2948 = arith.addf %add3A_2913, %select_n3A_2947 : vector<16xf32>
      %eq3A_2949 = arith.constant 2 : i32
      %eq3A_2950 = vector.broadcast %eq3A_2949 : i32 to vector<16xi32>
      %eq3A_2951 = arith.cmpi eq, %iota3A, %eq3A_2950 : vector<16xi32>
      %jit3A_2952 = arith.constant 1.000000e+00 : f32
      %jit3A_2953 = arith.constant 0.000000e+00 : f32
      %broadcast_in_dim3A_2954 = vector.broadcast %jit3A_2952 : f32 to vector<16xf32>
      %broadcast_in_dim3A_2955 = vector.broadcast %jit3A_2953 : f32 to vector<16xf32>
      %select_n3A_2956 = arith.select %eq3A_2933, %broadcast_in_dim3A_2954, %broadcast_in_dim3A_2955 : vector<16xi1>, vector<16xf32>
      %reduce_sum3A_2957 = arith.constant true
      %reduce_sum3A_2958 = vector.broadcast %reduce_sum3A_2957 : i1 to vector<16xi1>
      %reduce_sum3A_2959 = tpu.scan <sum>, %select_n3A_2956 masked %reduce_sum3A_2958 : vector<16xf32>, vector<16xi1> -> vector<16xf32>
      %reduce_sum3A_2960 = vector.extract %reduce_sum3A_2959[15] : f32 from vector<16xf32>
      %jit3A_2961 = arith.constant 0.000000e+00 : f32
      %broadcast_in_dim3A_2962 = vector.broadcast %reduce_sum3A_2960 : f32 to vector<16xf32>
      %broadcast_in_dim3A_2963 = vector.broadcast %jit3A_2961 : f32 to vector<16xf32>
      %select_n3A_2964 = arith.select %eq3A_2951, %broadcast_in_dim3A_2962, %broadcast_in_dim3A_2963 : vector<16xi1>, vector<16xf32>
      %add3A_2965 = arith.addf %add3A_2930, %select_n3A_2964 : vector<16xf32>
      %eq3A_2966 = arith.constant 3 : i32
      %eq3A_2967 = vector.broadcast %eq3A_2966 : i32 to vector<16xi32>
      %eq3A_2968 = arith.cmpi eq, %get3A_2860, %eq3A_2967 : vector<16xi32>
      %eq3A_2969 = arith.constant 3 : i32
      %eq3A_2970 = vector.broadcast %eq3A_2969 : i32 to vector<16xi32>
      %eq3A_2971 = arith.cmpi eq, %iota3A, %eq3A_2970 : vector<16xi32>
      %jit3A_2972 = arith.constant 0.000000e+00 : f32
      %broadcast_in_dim3A_2973 = vector.broadcast %jit3A_2972 : f32 to vector<16xf32>
      %select_n3A_2974 = arith.select %eq3A_2968, %get3A_2858, %broadcast_in_dim3A_2973 : vector<16xi1>, vector<16xf32>
      %reduce_sum3A_2975 = arith.constant true
      %reduce_sum3A_2976 = vector.broadcast %reduce_sum3A_2975 : i1 to vector<16xi1>
      %reduce_sum3A_2977 = tpu.scan <sum>, %select_n3A_2974 masked %reduce_sum3A_2976 : vector<16xf32>, vector<16xi1> -> vector<16xf32>
      %reduce_sum3A_2978 = vector.extract %reduce_sum3A_2977[15] : f32 from vector<16xf32>
      %jit3A_2979 = arith.constant 0.000000e+00 : f32
      %broadcast_in_dim3A_2980 = vector.broadcast %reduce_sum3A_2978 : f32 to vector<16xf32>
      %broadcast_in_dim3A_2981 = vector.broadcast %jit3A_2979 : f32 to vector<16xf32>
      %select_n3A_2982 = arith.select %eq3A_2971, %broadcast_in_dim3A_2980, %broadcast_in_dim3A_2981 : vector<16xi1>, vector<16xf32>
      %add3A_2983 = arith.addf %add3A_2948, %select_n3A_2982 : vector<16xf32>
      %eq3A_2984 = arith.constant 3 : i32
      %eq3A_2985 = vector.broadcast %eq3A_2984 : i32 to vector<16xi32>
      %eq3A_2986 = arith.cmpi eq, %iota3A, %eq3A_2985 : vector<16xi32>
      %jit3A_2987 = arith.constant 1.000000e+00 : f32
      %jit3A_2988 = arith.constant 0.000000e+00 : f32
      %broadcast_in_dim3A_2989 = vector.broadcast %jit3A_2987 : f32 to vector<16xf32>
      %broadcast_in_dim3A_2990 = vector.broadcast %jit3A_2988 : f32 to vector<16xf32>
      %select_n3A_2991 = arith.select %eq3A_2968, %broadcast_in_dim3A_2989, %broadcast_in_dim3A_2990 : vector<16xi1>, vector<16xf32>
      %reduce_sum3A_2992 = arith.constant true
      %reduce_sum3A_2993 = vector.broadcast %reduce_sum3A_2992 : i1 to vector<16xi1>
      %reduce_sum3A_2994 = tpu.scan <sum>, %select_n3A_2991 masked %reduce_sum3A_2993 : vector<16xf32>, vector<16xi1> -> vector<16xf32>
      %reduce_sum3A_2995 = vector.extract %reduce_sum3A_2994[15] : f32 from vector<16xf32>
      %jit3A_2996 = arith.constant 0.000000e+00 : f32
      %broadcast_in_dim3A_2997 = vector.broadcast %reduce_sum3A_2995 : f32 to vector<16xf32>
      %broadcast_in_dim3A_2998 = vector.broadcast %jit3A_2996 : f32 to vector<16xf32>
      %select_n3A_2999 = arith.select %eq3A_2986, %broadcast_in_dim3A_2997, %broadcast_in_dim3A_2998 : vector<16xi1>, vector<16xf32>
      %add3A_3000 = arith.addf %add3A_2965, %select_n3A_2999 : vector<16xf32>
      %eq3A_3001 = arith.constant 4 : i32
      %eq3A_3002 = vector.broadcast %eq3A_3001 : i32 to vector<16xi32>
      %eq3A_3003 = arith.cmpi eq, %get3A_2860, %eq3A_3002 : vector<16xi32>
      %eq3A_3004 = arith.constant 4 : i32
      %eq3A_3005 = vector.broadcast %eq3A_3004 : i32 to vector<16xi32>
      %eq3A_3006 = arith.cmpi eq, %iota3A, %eq3A_3005 : vector<16xi32>
      %jit3A_3007 = arith.constant 0.000000e+00 : f32
      %broadcast_in_dim3A_3008 = vector.broadcast %jit3A_3007 : f32 to vector<16xf32>
      %select_n3A_3009 = arith.select %eq3A_3003, %get3A_2858, %broadcast_in_dim3A_3008 : vector<16xi1>, vector<16xf32>
      %reduce_sum3A_3010 = arith.constant true
      %reduce_sum3A_3011 = vector.broadcast %reduce_sum3A_3010 : i1 to vector<16xi1>
      %reduce_sum3A_3012 = tpu.scan <sum>, %select_n3A_3009 masked %reduce_sum3A_3011 : vector<16xf32>, vector<16xi1> -> vector<16xf32>
      %reduce_sum3A_3013 = vector.extract %reduce_sum3A_3012[15] : f32 from vector<16xf32>
      %jit3A_3014 = arith.constant 0.000000e+00 : f32
      %broadcast_in_dim3A_3015 = vector.broadcast %reduce_sum3A_3013 : f32 to vector<16xf32>
      %broadcast_in_dim3A_3016 = vector.broadcast %jit3A_3014 : f32 to vector<16xf32>
      %select_n3A_3017 = arith.select %eq3A_3006, %broadcast_in_dim3A_3015, %broadcast_in_dim3A_3016 : vector<16xi1>, vector<16xf32>
      %add3A_3018 = arith.addf %add3A_2983, %select_n3A_3017 : vector<16xf32>
      %eq3A_3019 = arith.constant 4 : i32
      %eq3A_3020 = vector.broadcast %eq3A_3019 : i32 to vector<16xi32>
      %eq3A_3021 = arith.cmpi eq, %iota3A, %eq3A_3020 : vector<16xi32>
      %jit3A_3022 = arith.constant 1.000000e+00 : f32
      %jit3A_3023 = arith.constant 0.000000e+00 : f32
      %broadcast_in_dim3A_3024 = vector.broadcast %jit3A_3022 : f32 to vector<16xf32>
      %broadcast_in_dim3A_3025 = vector.broadcast %jit3A_3023 : f32 to vector<16xf32>
      %select_n3A_3026 = arith.select %eq3A_3003, %broadcast_in_dim3A_3024, %broadcast_in_dim3A_3025 : vector<16xi1>, vector<16xf32>
      %reduce_sum3A_3027 = arith.constant true
      %reduce_sum3A_3028 = vector.broadcast %reduce_sum3A_3027 : i1 to vector<16xi1>
      %reduce_sum3A_3029 = tpu.scan <sum>, %select_n3A_3026 masked %reduce_sum3A_3028 : vector<16xf32>, vector<16xi1> -> vector<16xf32>
      %reduce_sum3A_3030 = vector.extract %reduce_sum3A_3029[15] : f32 from vector<16xf32>
      %jit3A_3031 = arith.constant 0.000000e+00 : f32
      %broadcast_in_dim3A_3032 = vector.broadcast %reduce_sum3A_3030 : f32 to vector<16xf32>
      %broadcast_in_dim3A_3033 = vector.broadcast %jit3A_3031 : f32 to vector<16xf32>
      %select_n3A_3034 = arith.select %eq3A_3021, %broadcast_in_dim3A_3032, %broadcast_in_dim3A_3033 : vector<16xi1>, vector<16xf32>
      %add3A_3035 = arith.addf %add3A_3000, %select_n3A_3034 : vector<16xf32>
      %eq3A_3036 = arith.constant 5 : i32
      %eq3A_3037 = vector.broadcast %eq3A_3036 : i32 to vector<16xi32>
      %eq3A_3038 = arith.cmpi eq, %get3A_2860, %eq3A_3037 : vector<16xi32>
      %eq3A_3039 = arith.constant 5 : i32
      %eq3A_3040 = vector.broadcast %eq3A_3039 : i32 to vector<16xi32>
      %eq3A_3041 = arith.cmpi eq, %iota3A, %eq3A_3040 : vector<16xi32>
      %jit3A_3042 = arith.constant 0.000000e+00 : f32
      %broadcast_in_dim3A_3043 = vector.broadcast %jit3A_3042 : f32 to vector<16xf32>
      %select_n3A_3044 = arith.select %eq3A_3038, %get3A_2858, %broadcast_in_dim3A_3043 : vector<16xi1>, vector<16xf32>
      %reduce_sum3A_3045 = arith.constant true
      %reduce_sum3A_3046 = vector.broadcast %reduce_sum3A_3045 : i1 to vector<16xi1>
      %reduce_sum3A_3047 = tpu.scan <sum>, %select_n3A_3044 masked %reduce_sum3A_3046 : vector<16xf32>, vector<16xi1> -> vector<16xf32>
      %reduce_sum3A_3048 = vector.extract %reduce_sum3A_3047[15] : f32 from vector<16xf32>
      %jit3A_3049 = arith.constant 0.000000e+00 : f32
      %broadcast_in_dim3A_3050 = vector.broadcast %reduce_sum3A_3048 : f32 to vector<16xf32>
      %broadcast_in_dim3A_3051 = vector.broadcast %jit3A_3049 : f32 to vector<16xf32>
      %select_n3A_3052 = arith.select %eq3A_3041, %broadcast_in_dim3A_3050, %broadcast_in_dim3A_3051 : vector<16xi1>, vector<16xf32>
      %add3A_3053 = arith.addf %add3A_3018, %select_n3A_3052 : vector<16xf32>
      %eq3A_3054 = arith.constant 5 : i32
      %eq3A_3055 = vector.broadcast %eq3A_3054 : i32 to vector<16xi32>
      %eq3A_3056 = arith.cmpi eq, %iota3A, %eq3A_3055 : vector<16xi32>
      %jit3A_3057 = arith.constant 1.000000e+00 : f32
      %jit3A_3058 = arith.constant 0.000000e+00 : f32
      %broadcast_in_dim3A_3059 = vector.broadcast %jit3A_3057 : f32 to vector<16xf32>
      %broadcast_in_dim3A_3060 = vector.broadcast %jit3A_3058 : f32 to vector<16xf32>
      %select_n3A_3061 = arith.select %eq3A_3038, %broadcast_in_dim3A_3059, %broadcast_in_dim3A_3060 : vector<16xi1>, vector<16xf32>
      %reduce_sum3A_3062 = arith.constant true
      %reduce_sum3A_3063 = vector.broadcast %reduce_sum3A_3062 : i1 to vector<16xi1>
      %reduce_sum3A_3064 = tpu.scan <sum>, %select_n3A_3061 masked %reduce_sum3A_3063 : vector<16xf32>, vector<16xi1> -> vector<16xf32>
      %reduce_sum3A_3065 = vector.extract %reduce_sum3A_3064[15] : f32 from vector<16xf32>
      %jit3A_3066 = arith.constant 0.000000e+00 : f32
      %broadcast_in_dim3A_3067 = vector.broadcast %reduce_sum3A_3065 : f32 to vector<16xf32>
      %broadcast_in_dim3A_3068 = vector.broadcast %jit3A_3066 : f32 to vector<16xf32>
      %select_n3A_3069 = arith.select %eq3A_3056, %broadcast_in_dim3A_3067, %broadcast_in_dim3A_3068 : vector<16xi1>, vector<16xf32>
      %add3A_3070 = arith.addf %add3A_3035, %select_n3A_3069 : vector<16xf32>
      %eq3A_3071 = arith.constant 6 : i32
      %eq3A_3072 = vector.broadcast %eq3A_3071 : i32 to vector<16xi32>
      %eq3A_3073 = arith.cmpi eq, %get3A_2860, %eq3A_3072 : vector<16xi32>
      %eq3A_3074 = arith.constant 6 : i32
      %eq3A_3075 = vector.broadcast %eq3A_3074 : i32 to vector<16xi32>
      %eq3A_3076 = arith.cmpi eq, %iota3A, %eq3A_3075 : vector<16xi32>
      %jit3A_3077 = arith.constant 0.000000e+00 : f32
      %broadcast_in_dim3A_3078 = vector.broadcast %jit3A_3077 : f32 to vector<16xf32>
      %select_n3A_3079 = arith.select %eq3A_3073, %get3A_2858, %broadcast_in_dim3A_3078 : vector<16xi1>, vector<16xf32>
      %reduce_sum3A_3080 = arith.constant true
      %reduce_sum3A_3081 = vector.broadcast %reduce_sum3A_3080 : i1 to vector<16xi1>
      %reduce_sum3A_3082 = tpu.scan <sum>, %select_n3A_3079 masked %reduce_sum3A_3081 : vector<16xf32>, vector<16xi1> -> vector<16xf32>
      %reduce_sum3A_3083 = vector.extract %reduce_sum3A_3082[15] : f32 from vector<16xf32>
      %jit3A_3084 = arith.constant 0.000000e+00 : f32
      %broadcast_in_dim3A_3085 = vector.broadcast %reduce_sum3A_3083 : f32 to vector<16xf32>
      %broadcast_in_dim3A_3086 = vector.broadcast %jit3A_3084 : f32 to vector<16xf32>
      %select_n3A_3087 = arith.select %eq3A_3076, %broadcast_in_dim3A_3085, %broadcast_in_dim3A_3086 : vector<16xi1>, vector<16xf32>
      %add3A_3088 = arith.addf %add3A_3053, %select_n3A_3087 : vector<16xf32>
      %eq3A_3089 = arith.constant 6 : i32
      %eq3A_3090 = vector.broadcast %eq3A_3089 : i32 to vector<16xi32>
      %eq3A_3091 = arith.cmpi eq, %iota3A, %eq3A_3090 : vector<16xi32>
      %jit3A_3092 = arith.constant 1.000000e+00 : f32
      %jit3A_3093 = arith.constant 0.000000e+00 : f32
      %broadcast_in_dim3A_3094 = vector.broadcast %jit3A_3092 : f32 to vector<16xf32>
      %broadcast_in_dim3A_3095 = vector.broadcast %jit3A_3093 : f32 to vector<16xf32>
      %select_n3A_3096 = arith.select %eq3A_3073, %broadcast_in_dim3A_3094, %broadcast_in_dim3A_3095 : vector<16xi1>, vector<16xf32>
      %reduce_sum3A_3097 = arith.constant true
      %reduce_sum3A_3098 = vector.broadcast %reduce_sum3A_3097 : i1 to vector<16xi1>
      %reduce_sum3A_3099 = tpu.scan <sum>, %select_n3A_3096 masked %reduce_sum3A_3098 : vector<16xf32>, vector<16xi1> -> vector<16xf32>
      %reduce_sum3A_3100 = vector.extract %reduce_sum3A_3099[15] : f32 from vector<16xf32>
      %jit3A_3101 = arith.constant 0.000000e+00 : f32
      %broadcast_in_dim3A_3102 = vector.broadcast %reduce_sum3A_3100 : f32 to vector<16xf32>
      %broadcast_in_dim3A_3103 = vector.broadcast %jit3A_3101 : f32 to vector<16xf32>
      %select_n3A_3104 = arith.select %eq3A_3091, %broadcast_in_dim3A_3102, %broadcast_in_dim3A_3103 : vector<16xi1>, vector<16xf32>
      %add3A_3105 = arith.addf %add3A_3070, %select_n3A_3104 : vector<16xf32>
      %eq3A_3106 = arith.constant 7 : i32
      %eq3A_3107 = vector.broadcast %eq3A_3106 : i32 to vector<16xi32>
      %eq3A_3108 = arith.cmpi eq, %get3A_2860, %eq3A_3107 : vector<16xi32>
      %eq3A_3109 = arith.constant 7 : i32
      %eq3A_3110 = vector.broadcast %eq3A_3109 : i32 to vector<16xi32>
      %eq3A_3111 = arith.cmpi eq, %iota3A, %eq3A_3110 : vector<16xi32>
      %jit3A_3112 = arith.constant 0.000000e+00 : f32
      %broadcast_in_dim3A_3113 = vector.broadcast %jit3A_3112 : f32 to vector<16xf32>
      %select_n3A_3114 = arith.select %eq3A_3108, %get3A_2858, %broadcast_in_dim3A_3113 : vector<16xi1>, vector<16xf32>
      %reduce_sum3A_3115 = arith.constant true
      %reduce_sum3A_3116 = vector.broadcast %reduce_sum3A_3115 : i1 to vector<16xi1>
      %reduce_sum3A_3117 = tpu.scan <sum>, %select_n3A_3114 masked %reduce_sum3A_3116 : vector<16xf32>, vector<16xi1> -> vector<16xf32>
      %reduce_sum3A_3118 = vector.extract %reduce_sum3A_3117[15] : f32 from vector<16xf32>
      %jit3A_3119 = arith.constant 0.000000e+00 : f32
      %broadcast_in_dim3A_3120 = vector.broadcast %reduce_sum3A_3118 : f32 to vector<16xf32>
      %broadcast_in_dim3A_3121 = vector.broadcast %jit3A_3119 : f32 to vector<16xf32>
      %select_n3A_3122 = arith.select %eq3A_3111, %broadcast_in_dim3A_3120, %broadcast_in_dim3A_3121 : vector<16xi1>, vector<16xf32>
      %add3A_3123 = arith.addf %add3A_3088, %select_n3A_3122 : vector<16xf32>
      %eq3A_3124 = arith.constant 7 : i32
      %eq3A_3125 = vector.broadcast %eq3A_3124 : i32 to vector<16xi32>
      %eq3A_3126 = arith.cmpi eq, %iota3A, %eq3A_3125 : vector<16xi32>
      %jit3A_3127 = arith.constant 1.000000e+00 : f32
      %jit3A_3128 = arith.constant 0.000000e+00 : f32
      %broadcast_in_dim3A_3129 = vector.broadcast %jit3A_3127 : f32 to vector<16xf32>
      %broadcast_in_dim3A_3130 = vector.broadcast %jit3A_3128 : f32 to vector<16xf32>
      %select_n3A_3131 = arith.select %eq3A_3108, %broadcast_in_dim3A_3129, %broadcast_in_dim3A_3130 : vector<16xi1>, vector<16xf32>
      %reduce_sum3A_3132 = arith.constant true
      %reduce_sum3A_3133 = vector.broadcast %reduce_sum3A_3132 : i1 to vector<16xi1>
      %reduce_sum3A_3134 = tpu.scan <sum>, %select_n3A_3131 masked %reduce_sum3A_3133 : vector<16xf32>, vector<16xi1> -> vector<16xf32>
      %reduce_sum3A_3135 = vector.extract %reduce_sum3A_3134[15] : f32 from vector<16xf32>
      %jit3A_3136 = arith.constant 0.000000e+00 : f32
      %broadcast_in_dim3A_3137 = vector.broadcast %reduce_sum3A_3135 : f32 to vector<16xf32>
      %broadcast_in_dim3A_3138 = vector.broadcast %jit3A_3136 : f32 to vector<16xf32>
      %select_n3A_3139 = arith.select %eq3A_3126, %broadcast_in_dim3A_3137, %broadcast_in_dim3A_3138 : vector<16xi1>, vector<16xf32>
      %add3A_3140 = arith.addf %add3A_3105, %select_n3A_3139 : vector<16xf32>
      %get3A_3141 = arith.constant 176 : index
      %get3A_3142 = tpu.vector_load %arg6[%get3A_3141] {strides = array<i32>} : memref<256xf32, #tpu.memory_space<vmem>>, vector<16xf32>,
      %get3A_3143 = arith.constant 176 : index
      %get3A_3144 = tpu.vector_load %arg7[%get3A_3143] {strides = array<i32>} : memref<256xi32, #tpu.memory_space<vmem>>, vector<16xi32>,
      %eq3A_3145 = arith.constant 0 : i32
      %eq3A_3146 = vector.broadcast %eq3A_3145 : i32 to vector<16xi32>
      %eq3A_3147 = arith.cmpi eq, %get3A_3144, %eq3A_3146 : vector<16xi32>
      %eq3A_3148 = arith.constant 0 : i32
      %eq3A_3149 = vector.broadcast %eq3A_3148 : i32 to vector<16xi32>
      %eq3A_3150 = arith.cmpi eq, %iota3A, %eq3A_3149 : vector<16xi32>
      %jit3A_3151 = arith.constant 0.000000e+00 : f32
      %broadcast_in_dim3A_3152 = vector.broadcast %jit3A_3151 : f32 to vector<16xf32>
      %select_n3A_3153 = arith.select %eq3A_3147, %get3A_3142, %broadcast_in_dim3A_3152 : vector<16xi1>, vector<16xf32>
      %reduce_sum3A_3154 = arith.constant true
      %reduce_sum3A_3155 = vector.broadcast %reduce_sum3A_3154 : i1 to vector<16xi1>
      %reduce_sum3A_3156 = tpu.scan <sum>, %select_n3A_3153 masked %reduce_sum3A_3155 : vector<16xf32>, vector<16xi1> -> vector<16xf32>
      %reduce_sum3A_3157 = vector.extract %reduce_sum3A_3156[15] : f32 from vector<16xf32>
      %jit3A_3158 = arith.constant 0.000000e+00 : f32
      %broadcast_in_dim3A_3159 = vector.broadcast %reduce_sum3A_3157 : f32 to vector<16xf32>
      %broadcast_in_dim3A_3160 = vector.broadcast %jit3A_3158 : f32 to vector<16xf32>
      %select_n3A_3161 = arith.select %eq3A_3150, %broadcast_in_dim3A_3159, %broadcast_in_dim3A_3160 : vector<16xi1>, vector<16xf32>
      %add3A_3162 = arith.addf %add3A_3123, %select_n3A_3161 : vector<16xf32>
      %eq3A_3163 = arith.constant 0 : i32
      %eq3A_3164 = vector.broadcast %eq3A_3163 : i32 to vector<16xi32>
      %eq3A_3165 = arith.cmpi eq, %iota3A, %eq3A_3164 : vector<16xi32>
      %jit3A_3166 = arith.constant 1.000000e+00 : f32
      %jit3A_3167 = arith.constant 0.000000e+00 : f32
      %broadcast_in_dim3A_3168 = vector.broadcast %jit3A_3166 : f32 to vector<16xf32>
      %broadcast_in_dim3A_3169 = vector.broadcast %jit3A_3167 : f32 to vector<16xf32>
      %select_n3A_3170 = arith.select %eq3A_3147, %broadcast_in_dim3A_3168, %broadcast_in_dim3A_3169 : vector<16xi1>, vector<16xf32>
      %reduce_sum3A_3171 = arith.constant true
      %reduce_sum3A_3172 = vector.broadcast %reduce_sum3A_3171 : i1 to vector<16xi1>
      %reduce_sum3A_3173 = tpu.scan <sum>, %select_n3A_3170 masked %reduce_sum3A_3172 : vector<16xf32>, vector<16xi1> -> vector<16xf32>
      %reduce_sum3A_3174 = vector.extract %reduce_sum3A_3173[15] : f32 from vector<16xf32>
      %jit3A_3175 = arith.constant 0.000000e+00 : f32
      %broadcast_in_dim3A_3176 = vector.broadcast %reduce_sum3A_3174 : f32 to vector<16xf32>
      %broadcast_in_dim3A_3177 = vector.broadcast %jit3A_3175 : f32 to vector<16xf32>
      %select_n3A_3178 = arith.select %eq3A_3165, %broadcast_in_dim3A_3176, %broadcast_in_dim3A_3177 : vector<16xi1>, vector<16xf32>
      %add3A_3179 = arith.addf %add3A_3140, %select_n3A_3178 : vector<16xf32>
      %eq3A_3180 = arith.constant 1 : i32
      %eq3A_3181 = vector.broadcast %eq3A_3180 : i32 to vector<16xi32>
      %eq3A_3182 = arith.cmpi eq, %get3A_3144, %eq3A_3181 : vector<16xi32>
      %eq3A_3183 = arith.constant 1 : i32
      %eq3A_3184 = vector.broadcast %eq3A_3183 : i32 to vector<16xi32>
      %eq3A_3185 = arith.cmpi eq, %iota3A, %eq3A_3184 : vector<16xi32>
      %jit3A_3186 = arith.constant 0.000000e+00 : f32
      %broadcast_in_dim3A_3187 = vector.broadcast %jit3A_3186 : f32 to vector<16xf32>
      %select_n3A_3188 = arith.select %eq3A_3182, %get3A_3142, %broadcast_in_dim3A_3187 : vector<16xi1>, vector<16xf32>
      %reduce_sum3A_3189 = arith.constant true
      %reduce_sum3A_3190 = vector.broadcast %reduce_sum3A_3189 : i1 to vector<16xi1>
      %reduce_sum3A_3191 = tpu.scan <sum>, %select_n3A_3188 masked %reduce_sum3A_3190 : vector<16xf32>, vector<16xi1> -> vector<16xf32>
      %reduce_sum3A_3192 = vector.extract %reduce_sum3A_3191[15] : f32 from vector<16xf32>
      %jit3A_3193 = arith.constant 0.000000e+00 : f32
      %broadcast_in_dim3A_3194 = vector.broadcast %reduce_sum3A_3192 : f32 to vector<16xf32>
      %broadcast_in_dim3A_3195 = vector.broadcast %jit3A_3193 : f32 to vector<16xf32>
      %select_n3A_3196 = arith.select %eq3A_3185, %broadcast_in_dim3A_3194, %broadcast_in_dim3A_3195 : vector<16xi1>, vector<16xf32>
      %add3A_3197 = arith.addf %add3A_3162, %select_n3A_3196 : vector<16xf32>
      %eq3A_3198 = arith.constant 1 : i32
      %eq3A_3199 = vector.broadcast %eq3A_3198 : i32 to vector<16xi32>
      %eq3A_3200 = arith.cmpi eq, %iota3A, %eq3A_3199 : vector<16xi32>
      %jit3A_3201 = arith.constant 1.000000e+00 : f32
      %jit3A_3202 = arith.constant 0.000000e+00 : f32
      %broadcast_in_dim3A_3203 = vector.broadcast %jit3A_3201 : f32 to vector<16xf32>
      %broadcast_in_dim3A_3204 = vector.broadcast %jit3A_3202 : f32 to vector<16xf32>
      %select_n3A_3205 = arith.select %eq3A_3182, %broadcast_in_dim3A_3203, %broadcast_in_dim3A_3204 : vector<16xi1>, vector<16xf32>
      %reduce_sum3A_3206 = arith.constant true
      %reduce_sum3A_3207 = vector.broadcast %reduce_sum3A_3206 : i1 to vector<16xi1>
      %reduce_sum3A_3208 = tpu.scan <sum>, %select_n3A_3205 masked %reduce_sum3A_3207 : vector<16xf32>, vector<16xi1> -> vector<16xf32>
      %reduce_sum3A_3209 = vector.extract %reduce_sum3A_3208[15] : f32 from vector<16xf32>
      %jit3A_3210 = arith.constant 0.000000e+00 : f32
      %broadcast_in_dim3A_3211 = vector.broadcast %reduce_sum3A_3209 : f32 to vector<16xf32>
      %broadcast_in_dim3A_3212 = vector.broadcast %jit3A_3210 : f32 to vector<16xf32>
      %select_n3A_3213 = arith.select %eq3A_3200, %broadcast_in_dim3A_3211, %broadcast_in_dim3A_3212 : vector<16xi1>, vector<16xf32>
      %add3A_3214 = arith.addf %add3A_3179, %select_n3A_3213 : vector<16xf32>
      %eq3A_3215 = arith.constant 2 : i32
      %eq3A_3216 = vector.broadcast %eq3A_3215 : i32 to vector<16xi32>
      %eq3A_3217 = arith.cmpi eq, %get3A_3144, %eq3A_3216 : vector<16xi32>
      %eq3A_3218 = arith.constant 2 : i32
      %eq3A_3219 = vector.broadcast %eq3A_3218 : i32 to vector<16xi32>
      %eq3A_3220 = arith.cmpi eq, %iota3A, %eq3A_3219 : vector<16xi32>
      %jit3A_3221 = arith.constant 0.000000e+00 : f32
      %broadcast_in_dim3A_3222 = vector.broadcast %jit3A_3221 : f32 to vector<16xf32>
      %select_n3A_3223 = arith.select %eq3A_3217, %get3A_3142, %broadcast_in_dim3A_3222 : vector<16xi1>, vector<16xf32>
      %reduce_sum3A_3224 = arith.constant true
      %reduce_sum3A_3225 = vector.broadcast %reduce_sum3A_3224 : i1 to vector<16xi1>
      %reduce_sum3A_3226 = tpu.scan <sum>, %select_n3A_3223 masked %reduce_sum3A_3225 : vector<16xf32>, vector<16xi1> -> vector<16xf32>
      %reduce_sum3A_3227 = vector.extract %reduce_sum3A_3226[15] : f32 from vector<16xf32>
      %jit3A_3228 = arith.constant 0.000000e+00 : f32
      %broadcast_in_dim3A_3229 = vector.broadcast %reduce_sum3A_3227 : f32 to vector<16xf32>
      %broadcast_in_dim3A_3230 = vector.broadcast %jit3A_3228 : f32 to vector<16xf32>
      %select_n3A_3231 = arith.select %eq3A_3220, %broadcast_in_dim3A_3229, %broadcast_in_dim3A_3230 : vector<16xi1>, vector<16xf32>
      %add3A_3232 = arith.addf %add3A_3197, %select_n3A_3231 : vector<16xf32>
      %eq3A_3233 = arith.constant 2 : i32
      %eq3A_3234 = vector.broadcast %eq3A_3233 : i32 to vector<16xi32>
      %eq3A_3235 = arith.cmpi eq, %iota3A, %eq3A_3234 : vector<16xi32>
      %jit3A_3236 = arith.constant 1.000000e+00 : f32
      %jit3A_3237 = arith.constant 0.000000e+00 : f32
      %broadcast_in_dim3A_3238 = vector.broadcast %jit3A_3236 : f32 to vector<16xf32>
      %broadcast_in_dim3A_3239 = vector.broadcast %jit3A_3237 : f32 to vector<16xf32>
      %select_n3A_3240 = arith.select %eq3A_3217, %broadcast_in_dim3A_3238, %broadcast_in_dim3A_3239 : vector<16xi1>, vector<16xf32>
      %reduce_sum3A_3241 = arith.constant true
      %reduce_sum3A_3242 = vector.broadcast %reduce_sum3A_3241 : i1 to vector<16xi1>
      %reduce_sum3A_3243 = tpu.scan <sum>, %select_n3A_3240 masked %reduce_sum3A_3242 : vector<16xf32>, vector<16xi1> -> vector<16xf32>
      %reduce_sum3A_3244 = vector.extract %reduce_sum3A_3243[15] : f32 from vector<16xf32>
      %jit3A_3245 = arith.constant 0.000000e+00 : f32
      %broadcast_in_dim3A_3246 = vector.broadcast %reduce_sum3A_3244 : f32 to vector<16xf32>
      %broadcast_in_dim3A_3247 = vector.broadcast %jit3A_3245 : f32 to vector<16xf32>
      %select_n3A_3248 = arith.select %eq3A_3235, %broadcast_in_dim3A_3246, %broadcast_in_dim3A_3247 : vector<16xi1>, vector<16xf32>
      %add3A_3249 = arith.addf %add3A_3214, %select_n3A_3248 : vector<16xf32>
      %eq3A_3250 = arith.constant 3 : i32
      %eq3A_3251 = vector.broadcast %eq3A_3250 : i32 to vector<16xi32>
      %eq3A_3252 = arith.cmpi eq, %get3A_3144, %eq3A_3251 : vector<16xi32>
      %eq3A_3253 = arith.constant 3 : i32
      %eq3A_3254 = vector.broadcast %eq3A_3253 : i32 to vector<16xi32>
      %eq3A_3255 = arith.cmpi eq, %iota3A, %eq3A_3254 : vector<16xi32>
      %jit3A_3256 = arith.constant 0.000000e+00 : f32
      %broadcast_in_dim3A_3257 = vector.broadcast %jit3A_3256 : f32 to vector<16xf32>
      %select_n3A_3258 = arith.select %eq3A_3252, %get3A_3142, %broadcast_in_dim3A_3257 : vector<16xi1>, vector<16xf32>
      %reduce_sum3A_3259 = arith.constant true
      %reduce_sum3A_3260 = vector.broadcast %reduce_sum3A_3259 : i1 to vector<16xi1>
      %reduce_sum3A_3261 = tpu.scan <sum>, %select_n3A_3258 masked %reduce_sum3A_3260 : vector<16xf32>, vector<16xi1> -> vector<16xf32>
      %reduce_sum3A_3262 = vector.extract %reduce_sum3A_3261[15] : f32 from vector<16xf32>
      %jit3A_3263 = arith.constant 0.000000e+00 : f32
      %broadcast_in_dim3A_3264 = vector.broadcast %reduce_sum3A_3262 : f32 to vector<16xf32>
      %broadcast_in_dim3A_3265 = vector.broadcast %jit3A_3263 : f32 to vector<16xf32>
      %select_n3A_3266 = arith.select %eq3A_3255, %broadcast_in_dim3A_3264, %broadcast_in_dim3A_3265 : vector<16xi1>, vector<16xf32>
      %add3A_3267 = arith.addf %add3A_3232, %select_n3A_3266 : vector<16xf32>
      %eq3A_3268 = arith.constant 3 : i32
      %eq3A_3269 = vector.broadcast %eq3A_3268 : i32 to vector<16xi32>
      %eq3A_3270 = arith.cmpi eq, %iota3A, %eq3A_3269 : vector<16xi32>
      %jit3A_3271 = arith.constant 1.000000e+00 : f32
      %jit3A_3272 = arith.constant 0.000000e+00 : f32
      %broadcast_in_dim3A_3273 = vector.broadcast %jit3A_3271 : f32 to vector<16xf32>
      %broadcast_in_dim3A_3274 = vector.broadcast %jit3A_3272 : f32 to vector<16xf32>
      %select_n3A_3275 = arith.select %eq3A_3252, %broadcast_in_dim3A_3273, %broadcast_in_dim3A_3274 : vector<16xi1>, vector<16xf32>
      %reduce_sum3A_3276 = arith.constant true
      %reduce_sum3A_3277 = vector.broadcast %reduce_sum3A_3276 : i1 to vector<16xi1>
      %reduce_sum3A_3278 = tpu.scan <sum>, %select_n3A_3275 masked %reduce_sum3A_3277 : vector<16xf32>, vector<16xi1> -> vector<16xf32>
      %reduce_sum3A_3279 = vector.extract %reduce_sum3A_3278[15] : f32 from vector<16xf32>
      %jit3A_3280 = arith.constant 0.000000e+00 : f32
      %broadcast_in_dim3A_3281 = vector.broadcast %reduce_sum3A_3279 : f32 to vector<16xf32>
      %broadcast_in_dim3A_3282 = vector.broadcast %jit3A_3280 : f32 to vector<16xf32>
      %select_n3A_3283 = arith.select %eq3A_3270, %broadcast_in_dim3A_3281, %broadcast_in_dim3A_3282 : vector<16xi1>, vector<16xf32>
      %add3A_3284 = arith.addf %add3A_3249, %select_n3A_3283 : vector<16xf32>
      %eq3A_3285 = arith.constant 4 : i32
      %eq3A_3286 = vector.broadcast %eq3A_3285 : i32 to vector<16xi32>
      %eq3A_3287 = arith.cmpi eq, %get3A_3144, %eq3A_3286 : vector<16xi32>
      %eq3A_3288 = arith.constant 4 : i32
      %eq3A_3289 = vector.broadcast %eq3A_3288 : i32 to vector<16xi32>
      %eq3A_3290 = arith.cmpi eq, %iota3A, %eq3A_3289 : vector<16xi32>
      %jit3A_3291 = arith.constant 0.000000e+00 : f32
      %broadcast_in_dim3A_3292 = vector.broadcast %jit3A_3291 : f32 to vector<16xf32>
      %select_n3A_3293 = arith.select %eq3A_3287, %get3A_3142, %broadcast_in_dim3A_3292 : vector<16xi1>, vector<16xf32>
      %reduce_sum3A_3294 = arith.constant true
      %reduce_sum3A_3295 = vector.broadcast %reduce_sum3A_3294 : i1 to vector<16xi1>
      %reduce_sum3A_3296 = tpu.scan <sum>, %select_n3A_3293 masked %reduce_sum3A_3295 : vector<16xf32>, vector<16xi1> -> vector<16xf32>
      %reduce_sum3A_3297 = vector.extract %reduce_sum3A_3296[15] : f32 from vector<16xf32>
      %jit3A_3298 = arith.constant 0.000000e+00 : f32
      %broadcast_in_dim3A_3299 = vector.broadcast %reduce_sum3A_3297 : f32 to vector<16xf32>
      %broadcast_in_dim3A_3300 = vector.broadcast %jit3A_3298 : f32 to vector<16xf32>
      %select_n3A_3301 = arith.select %eq3A_3290, %broadcast_in_dim3A_3299, %broadcast_in_dim3A_3300 : vector<16xi1>, vector<16xf32>
      %add3A_3302 = arith.addf %add3A_3267, %select_n3A_3301 : vector<16xf32>
      %eq3A_3303 = arith.constant 4 : i32
      %eq3A_3304 = vector.broadcast %eq3A_3303 : i32 to vector<16xi32>
      %eq3A_3305 = arith.cmpi eq, %iota3A, %eq3A_3304 : vector<16xi32>
      %jit3A_3306 = arith.constant 1.000000e+00 : f32
      %jit3A_3307 = arith.constant 0.000000e+00 : f32
      %broadcast_in_dim3A_3308 = vector.broadcast %jit3A_3306 : f32 to vector<16xf32>
      %broadcast_in_dim3A_3309 = vector.broadcast %jit3A_3307 : f32 to vector<16xf32>
      %select_n3A_3310 = arith.select %eq3A_3287, %broadcast_in_dim3A_3308, %broadcast_in_dim3A_3309 : vector<16xi1>, vector<16xf32>
      %reduce_sum3A_3311 = arith.constant true
      %reduce_sum3A_3312 = vector.broadcast %reduce_sum3A_3311 : i1 to vector<16xi1>
      %reduce_sum3A_3313 = tpu.scan <sum>, %select_n3A_3310 masked %reduce_sum3A_3312 : vector<16xf32>, vector<16xi1> -> vector<16xf32>
      %reduce_sum3A_3314 = vector.extract %reduce_sum3A_3313[15] : f32 from vector<16xf32>
      %jit3A_3315 = arith.constant 0.000000e+00 : f32
      %broadcast_in_dim3A_3316 = vector.broadcast %reduce_sum3A_3314 : f32 to vector<16xf32>
      %broadcast_in_dim3A_3317 = vector.broadcast %jit3A_3315 : f32 to vector<16xf32>
      %select_n3A_3318 = arith.select %eq3A_3305, %broadcast_in_dim3A_3316, %broadcast_in_dim3A_3317 : vector<16xi1>, vector<16xf32>
      %add3A_3319 = arith.addf %add3A_3284, %select_n3A_3318 : vector<16xf32>
      %eq3A_3320 = arith.constant 5 : i32
      %eq3A_3321 = vector.broadcast %eq3A_3320 : i32 to vector<16xi32>
      %eq3A_3322 = arith.cmpi eq, %get3A_3144, %eq3A_3321 : vector<16xi32>
      %eq3A_3323 = arith.constant 5 : i32
      %eq3A_3324 = vector.broadcast %eq3A_3323 : i32 to vector<16xi32>
      %eq3A_3325 = arith.cmpi eq, %iota3A, %eq3A_3324 : vector<16xi32>
      %jit3A_3326 = arith.constant 0.000000e+00 : f32
      %broadcast_in_dim3A_3327 = vector.broadcast %jit3A_3326 : f32 to vector<16xf32>
      %select_n3A_3328 = arith.select %eq3A_3322, %get3A_3142, %broadcast_in_dim3A_3327 : vector<16xi1>, vector<16xf32>
      %reduce_sum3A_3329 = arith.constant true
      %reduce_sum3A_3330 = vector.broadcast %reduce_sum3A_3329 : i1 to vector<16xi1>
      %reduce_sum3A_3331 = tpu.scan <sum>, %select_n3A_3328 masked %reduce_sum3A_3330 : vector<16xf32>, vector<16xi1> -> vector<16xf32>
      %reduce_sum3A_3332 = vector.extract %reduce_sum3A_3331[15] : f32 from vector<16xf32>
      %jit3A_3333 = arith.constant 0.000000e+00 : f32
      %broadcast_in_dim3A_3334 = vector.broadcast %reduce_sum3A_3332 : f32 to vector<16xf32>
      %broadcast_in_dim3A_3335 = vector.broadcast %jit3A_3333 : f32 to vector<16xf32>
      %select_n3A_3336 = arith.select %eq3A_3325, %broadcast_in_dim3A_3334, %broadcast_in_dim3A_3335 : vector<16xi1>, vector<16xf32>
      %add3A_3337 = arith.addf %add3A_3302, %select_n3A_3336 : vector<16xf32>
      %eq3A_3338 = arith.constant 5 : i32
      %eq3A_3339 = vector.broadcast %eq3A_3338 : i32 to vector<16xi32>
      %eq3A_3340 = arith.cmpi eq, %iota3A, %eq3A_3339 : vector<16xi32>
      %jit3A_3341 = arith.constant 1.000000e+00 : f32
      %jit3A_3342 = arith.constant 0.000000e+00 : f32
      %broadcast_in_dim3A_3343 = vector.broadcast %jit3A_3341 : f32 to vector<16xf32>
      %broadcast_in_dim3A_3344 = vector.broadcast %jit3A_3342 : f32 to vector<16xf32>
      %select_n3A_3345 = arith.select %eq3A_3322, %broadcast_in_dim3A_3343, %broadcast_in_dim3A_3344 : vector<16xi1>, vector<16xf32>
      %reduce_sum3A_3346 = arith.constant true
      %reduce_sum3A_3347 = vector.broadcast %reduce_sum3A_3346 : i1 to vector<16xi1>
      %reduce_sum3A_3348 = tpu.scan <sum>, %select_n3A_3345 masked %reduce_sum3A_3347 : vector<16xf32>, vector<16xi1> -> vector<16xf32>
      %reduce_sum3A_3349 = vector.extract %reduce_sum3A_3348[15] : f32 from vector<16xf32>
      %jit3A_3350 = arith.constant 0.000000e+00 : f32
      %broadcast_in_dim3A_3351 = vector.broadcast %reduce_sum3A_3349 : f32 to vector<16xf32>
      %broadcast_in_dim3A_3352 = vector.broadcast %jit3A_3350 : f32 to vector<16xf32>
      %select_n3A_3353 = arith.select %eq3A_3340, %broadcast_in_dim3A_3351, %broadcast_in_dim3A_3352 : vector<16xi1>, vector<16xf32>
      %add3A_3354 = arith.addf %add3A_3319, %select_n3A_3353 : vector<16xf32>
      %eq3A_3355 = arith.constant 6 : i32
      %eq3A_3356 = vector.broadcast %eq3A_3355 : i32 to vector<16xi32>
      %eq3A_3357 = arith.cmpi eq, %get3A_3144, %eq3A_3356 : vector<16xi32>
      %eq3A_3358 = arith.constant 6 : i32
      %eq3A_3359 = vector.broadcast %eq3A_3358 : i32 to vector<16xi32>
      %eq3A_3360 = arith.cmpi eq, %iota3A, %eq3A_3359 : vector<16xi32>
      %jit3A_3361 = arith.constant 0.000000e+00 : f32
      %broadcast_in_dim3A_3362 = vector.broadcast %jit3A_3361 : f32 to vector<16xf32>
      %select_n3A_3363 = arith.select %eq3A_3357, %get3A_3142, %broadcast_in_dim3A_3362 : vector<16xi1>, vector<16xf32>
      %reduce_sum3A_3364 = arith.constant true
      %reduce_sum3A_3365 = vector.broadcast %reduce_sum3A_3364 : i1 to vector<16xi1>
      %reduce_sum3A_3366 = tpu.scan <sum>, %select_n3A_3363 masked %reduce_sum3A_3365 : vector<16xf32>, vector<16xi1> -> vector<16xf32>
      %reduce_sum3A_3367 = vector.extract %reduce_sum3A_3366[15] : f32 from vector<16xf32>
      %jit3A_3368 = arith.constant 0.000000e+00 : f32
      %broadcast_in_dim3A_3369 = vector.broadcast %reduce_sum3A_3367 : f32 to vector<16xf32>
      %broadcast_in_dim3A_3370 = vector.broadcast %jit3A_3368 : f32 to vector<16xf32>
      %select_n3A_3371 = arith.select %eq3A_3360, %broadcast_in_dim3A_3369, %broadcast_in_dim3A_3370 : vector<16xi1>, vector<16xf32>
      %add3A_3372 = arith.addf %add3A_3337, %select_n3A_3371 : vector<16xf32>
      %eq3A_3373 = arith.constant 6 : i32
      %eq3A_3374 = vector.broadcast %eq3A_3373 : i32 to vector<16xi32>
      %eq3A_3375 = arith.cmpi eq, %iota3A, %eq3A_3374 : vector<16xi32>
      %jit3A_3376 = arith.constant 1.000000e+00 : f32
      %jit3A_3377 = arith.constant 0.000000e+00 : f32
      %broadcast_in_dim3A_3378 = vector.broadcast %jit3A_3376 : f32 to vector<16xf32>
      %broadcast_in_dim3A_3379 = vector.broadcast %jit3A_3377 : f32 to vector<16xf32>
      %select_n3A_3380 = arith.select %eq3A_3357, %broadcast_in_dim3A_3378, %broadcast_in_dim3A_3379 : vector<16xi1>, vector<16xf32>
      %reduce_sum3A_3381 = arith.constant true
      %reduce_sum3A_3382 = vector.broadcast %reduce_sum3A_3381 : i1 to vector<16xi1>
      %reduce_sum3A_3383 = tpu.scan <sum>, %select_n3A_3380 masked %reduce_sum3A_3382 : vector<16xf32>, vector<16xi1> -> vector<16xf32>
      %reduce_sum3A_3384 = vector.extract %reduce_sum3A_3383[15] : f32 from vector<16xf32>
      %jit3A_3385 = arith.constant 0.000000e+00 : f32
      %broadcast_in_dim3A_3386 = vector.broadcast %reduce_sum3A_3384 : f32 to vector<16xf32>
      %broadcast_in_dim3A_3387 = vector.broadcast %jit3A_3385 : f32 to vector<16xf32>
      %select_n3A_3388 = arith.select %eq3A_3375, %broadcast_in_dim3A_3386, %broadcast_in_dim3A_3387 : vector<16xi1>, vector<16xf32>
      %add3A_3389 = arith.addf %add3A_3354, %select_n3A_3388 : vector<16xf32>
      %eq3A_3390 = arith.constant 7 : i32
      %eq3A_3391 = vector.broadcast %eq3A_3390 : i32 to vector<16xi32>
      %eq3A_3392 = arith.cmpi eq, %get3A_3144, %eq3A_3391 : vector<16xi32>
      %eq3A_3393 = arith.constant 7 : i32
      %eq3A_3394 = vector.broadcast %eq3A_3393 : i32 to vector<16xi32>
      %eq3A_3395 = arith.cmpi eq, %iota3A, %eq3A_3394 : vector<16xi32>
      %jit3A_3396 = arith.constant 0.000000e+00 : f32
      %broadcast_in_dim3A_3397 = vector.broadcast %jit3A_3396 : f32 to vector<16xf32>
      %select_n3A_3398 = arith.select %eq3A_3392, %get3A_3142, %broadcast_in_dim3A_3397 : vector<16xi1>, vector<16xf32>
      %reduce_sum3A_3399 = arith.constant true
      %reduce_sum3A_3400 = vector.broadcast %reduce_sum3A_3399 : i1 to vector<16xi1>
      %reduce_sum3A_3401 = tpu.scan <sum>, %select_n3A_3398 masked %reduce_sum3A_3400 : vector<16xf32>, vector<16xi1> -> vector<16xf32>
      %reduce_sum3A_3402 = vector.extract %reduce_sum3A_3401[15] : f32 from vector<16xf32>
      %jit3A_3403 = arith.constant 0.000000e+00 : f32
      %broadcast_in_dim3A_3404 = vector.broadcast %reduce_sum3A_3402 : f32 to vector<16xf32>
      %broadcast_in_dim3A_3405 = vector.broadcast %jit3A_3403 : f32 to vector<16xf32>
      %select_n3A_3406 = arith.select %eq3A_3395, %broadcast_in_dim3A_3404, %broadcast_in_dim3A_3405 : vector<16xi1>, vector<16xf32>
      %add3A_3407 = arith.addf %add3A_3372, %select_n3A_3406 : vector<16xf32>
      %eq3A_3408 = arith.constant 7 : i32
      %eq3A_3409 = vector.broadcast %eq3A_3408 : i32 to vector<16xi32>
      %eq3A_3410 = arith.cmpi eq, %iota3A, %eq3A_3409 : vector<16xi32>
      %jit3A_3411 = arith.constant 1.000000e+00 : f32
      %jit3A_3412 = arith.constant 0.000000e+00 : f32
      %broadcast_in_dim3A_3413 = vector.broadcast %jit3A_3411 : f32 to vector<16xf32>
      %broadcast_in_dim3A_3414 = vector.broadcast %jit3A_3412 : f32 to vector<16xf32>
      %select_n3A_3415 = arith.select %eq3A_3392, %broadcast_in_dim3A_3413, %broadcast_in_dim3A_3414 : vector<16xi1>, vector<16xf32>
      %reduce_sum3A_3416 = arith.constant true
      %reduce_sum3A_3417 = vector.broadcast %reduce_sum3A_3416 : i1 to vector<16xi1>
      %reduce_sum3A_3418 = tpu.scan <sum>, %select_n3A_3415 masked %reduce_sum3A_3417 : vector<16xf32>, vector<16xi1> -> vector<16xf32>
      %reduce_sum3A_3419 = vector.extract %reduce_sum3A_3418[15] : f32 from vector<16xf32>
      %jit3A_3420 = arith.constant 0.000000e+00 : f32
      %broadcast_in_dim3A_3421 = vector.broadcast %reduce_sum3A_3419 : f32 to vector<16xf32>
      %broadcast_in_dim3A_3422 = vector.broadcast %jit3A_3420 : f32 to vector<16xf32>
      %select_n3A_3423 = arith.select %eq3A_3410, %broadcast_in_dim3A_3421, %broadcast_in_dim3A_3422 : vector<16xi1>, vector<16xf32>
      %add3A_3424 = arith.addf %add3A_3389, %select_n3A_3423 : vector<16xf32>
      %get3A_3425 = arith.constant 192 : index
      %get3A_3426 = tpu.vector_load %arg6[%get3A_3425] {strides = array<i32>} : memref<256xf32, #tpu.memory_space<vmem>>, vector<16xf32>,
      %get3A_3427 = arith.constant 192 : index
      %get3A_3428 = tpu.vector_load %arg7[%get3A_3427] {strides = array<i32>} : memref<256xi32, #tpu.memory_space<vmem>>, vector<16xi32>,
      %eq3A_3429 = arith.constant 0 : i32
      %eq3A_3430 = vector.broadcast %eq3A_3429 : i32 to vector<16xi32>
      %eq3A_3431 = arith.cmpi eq, %get3A_3428, %eq3A_3430 : vector<16xi32>
      %eq3A_3432 = arith.constant 0 : i32
      %eq3A_3433 = vector.broadcast %eq3A_3432 : i32 to vector<16xi32>
      %eq3A_3434 = arith.cmpi eq, %iota3A, %eq3A_3433 : vector<16xi32>
      %jit3A_3435 = arith.constant 0.000000e+00 : f32
      %broadcast_in_dim3A_3436 = vector.broadcast %jit3A_3435 : f32 to vector<16xf32>
      %select_n3A_3437 = arith.select %eq3A_3431, %get3A_3426, %broadcast_in_dim3A_3436 : vector<16xi1>, vector<16xf32>
      %reduce_sum3A_3438 = arith.constant true
      %reduce_sum3A_3439 = vector.broadcast %reduce_sum3A_3438 : i1 to vector<16xi1>
      %reduce_sum3A_3440 = tpu.scan <sum>, %select_n3A_3437 masked %reduce_sum3A_3439 : vector<16xf32>, vector<16xi1> -> vector<16xf32>
      %reduce_sum3A_3441 = vector.extract %reduce_sum3A_3440[15] : f32 from vector<16xf32>
      %jit3A_3442 = arith.constant 0.000000e+00 : f32
      %broadcast_in_dim3A_3443 = vector.broadcast %reduce_sum3A_3441 : f32 to vector<16xf32>
      %broadcast_in_dim3A_3444 = vector.broadcast %jit3A_3442 : f32 to vector<16xf32>
      %select_n3A_3445 = arith.select %eq3A_3434, %broadcast_in_dim3A_3443, %broadcast_in_dim3A_3444 : vector<16xi1>, vector<16xf32>
      %add3A_3446 = arith.addf %add3A_3407, %select_n3A_3445 : vector<16xf32>
      %eq3A_3447 = arith.constant 0 : i32
      %eq3A_3448 = vector.broadcast %eq3A_3447 : i32 to vector<16xi32>
      %eq3A_3449 = arith.cmpi eq, %iota3A, %eq3A_3448 : vector<16xi32>
      %jit3A_3450 = arith.constant 1.000000e+00 : f32
      %jit3A_3451 = arith.constant 0.000000e+00 : f32
      %broadcast_in_dim3A_3452 = vector.broadcast %jit3A_3450 : f32 to vector<16xf32>
      %broadcast_in_dim3A_3453 = vector.broadcast %jit3A_3451 : f32 to vector<16xf32>
      %select_n3A_3454 = arith.select %eq3A_3431, %broadcast_in_dim3A_3452, %broadcast_in_dim3A_3453 : vector<16xi1>, vector<16xf32>
      %reduce_sum3A_3455 = arith.constant true
      %reduce_sum3A_3456 = vector.broadcast %reduce_sum3A_3455 : i1 to vector<16xi1>
      %reduce_sum3A_3457 = tpu.scan <sum>, %select_n3A_3454 masked %reduce_sum3A_3456 : vector<16xf32>, vector<16xi1> -> vector<16xf32>
      %reduce_sum3A_3458 = vector.extract %reduce_sum3A_3457[15] : f32 from vector<16xf32>
      %jit3A_3459 = arith.constant 0.000000e+00 : f32
      %broadcast_in_dim3A_3460 = vector.broadcast %reduce_sum3A_3458 : f32 to vector<16xf32>
      %broadcast_in_dim3A_3461 = vector.broadcast %jit3A_3459 : f32 to vector<16xf32>
      %select_n3A_3462 = arith.select %eq3A_3449, %broadcast_in_dim3A_3460, %broadcast_in_dim3A_3461 : vector<16xi1>, vector<16xf32>
      %add3A_3463 = arith.addf %add3A_3424, %select_n3A_3462 : vector<16xf32>
      %eq3A_3464 = arith.constant 1 : i32
      %eq3A_3465 = vector.broadcast %eq3A_3464 : i32 to vector<16xi32>
      %eq3A_3466 = arith.cmpi eq, %get3A_3428, %eq3A_3465 : vector<16xi32>
      %eq3A_3467 = arith.constant 1 : i32
      %eq3A_3468 = vector.broadcast %eq3A_3467 : i32 to vector<16xi32>
      %eq3A_3469 = arith.cmpi eq, %iota3A, %eq3A_3468 : vector<16xi32>
      %jit3A_3470 = arith.constant 0.000000e+00 : f32
      %broadcast_in_dim3A_3471 = vector.broadcast %jit3A_3470 : f32 to vector<16xf32>
      %select_n3A_3472 = arith.select %eq3A_3466, %get3A_3426, %broadcast_in_dim3A_3471 : vector<16xi1>, vector<16xf32>
      %reduce_sum3A_3473 = arith.constant true
      %reduce_sum3A_3474 = vector.broadcast %reduce_sum3A_3473 : i1 to vector<16xi1>
      %reduce_sum3A_3475 = tpu.scan <sum>, %select_n3A_3472 masked %reduce_sum3A_3474 : vector<16xf32>, vector<16xi1> -> vector<16xf32>
      %reduce_sum3A_3476 = vector.extract %reduce_sum3A_3475[15] : f32 from vector<16xf32>
      %jit3A_3477 = arith.constant 0.000000e+00 : f32
      %broadcast_in_dim3A_3478 = vector.broadcast %reduce_sum3A_3476 : f32 to vector<16xf32>
      %broadcast_in_dim3A_3479 = vector.broadcast %jit3A_3477 : f32 to vector<16xf32>
      %select_n3A_3480 = arith.select %eq3A_3469, %broadcast_in_dim3A_3478, %broadcast_in_dim3A_3479 : vector<16xi1>, vector<16xf32>
      %add3A_3481 = arith.addf %add3A_3446, %select_n3A_3480 : vector<16xf32>
      %eq3A_3482 = arith.constant 1 : i32
      %eq3A_3483 = vector.broadcast %eq3A_3482 : i32 to vector<16xi32>
      %eq3A_3484 = arith.cmpi eq, %iota3A, %eq3A_3483 : vector<16xi32>
      %jit3A_3485 = arith.constant 1.000000e+00 : f32
      %jit3A_3486 = arith.constant 0.000000e+00 : f32
      %broadcast_in_dim3A_3487 = vector.broadcast %jit3A_3485 : f32 to vector<16xf32>
      %broadcast_in_dim3A_3488 = vector.broadcast %jit3A_3486 : f32 to vector<16xf32>
      %select_n3A_3489 = arith.select %eq3A_3466, %broadcast_in_dim3A_3487, %broadcast_in_dim3A_3488 : vector<16xi1>, vector<16xf32>
      %reduce_sum3A_3490 = arith.constant true
      %reduce_sum3A_3491 = vector.broadcast %reduce_sum3A_3490 : i1 to vector<16xi1>
      %reduce_sum3A_3492 = tpu.scan <sum>, %select_n3A_3489 masked %reduce_sum3A_3491 : vector<16xf32>, vector<16xi1> -> vector<16xf32>
      %reduce_sum3A_3493 = vector.extract %reduce_sum3A_3492[15] : f32 from vector<16xf32>
      %jit3A_3494 = arith.constant 0.000000e+00 : f32
      %broadcast_in_dim3A_3495 = vector.broadcast %reduce_sum3A_3493 : f32 to vector<16xf32>
      %broadcast_in_dim3A_3496 = vector.broadcast %jit3A_3494 : f32 to vector<16xf32>
      %select_n3A_3497 = arith.select %eq3A_3484, %broadcast_in_dim3A_3495, %broadcast_in_dim3A_3496 : vector<16xi1>, vector<16xf32>
      %add3A_3498 = arith.addf %add3A_3463, %select_n3A_3497 : vector<16xf32>
      %eq3A_3499 = arith.constant 2 : i32
      %eq3A_3500 = vector.broadcast %eq3A_3499 : i32 to vector<16xi32>
      %eq3A_3501 = arith.cmpi eq, %get3A_3428, %eq3A_3500 : vector<16xi32>
      %eq3A_3502 = arith.constant 2 : i32
      %eq3A_3503 = vector.broadcast %eq3A_3502 : i32 to vector<16xi32>
      %eq3A_3504 = arith.cmpi eq, %iota3A, %eq3A_3503 : vector<16xi32>
      %jit3A_3505 = arith.constant 0.000000e+00 : f32
      %broadcast_in_dim3A_3506 = vector.broadcast %jit3A_3505 : f32 to vector<16xf32>
      %select_n3A_3507 = arith.select %eq3A_3501, %get3A_3426, %broadcast_in_dim3A_3506 : vector<16xi1>, vector<16xf32>
      %reduce_sum3A_3508 = arith.constant true
      %reduce_sum3A_3509 = vector.broadcast %reduce_sum3A_3508 : i1 to vector<16xi1>
      %reduce_sum3A_3510 = tpu.scan <sum>, %select_n3A_3507 masked %reduce_sum3A_3509 : vector<16xf32>, vector<16xi1> -> vector<16xf32>
      %reduce_sum3A_3511 = vector.extract %reduce_sum3A_3510[15] : f32 from vector<16xf32>
      %jit3A_3512 = arith.constant 0.000000e+00 : f32
      %broadcast_in_dim3A_3513 = vector.broadcast %reduce_sum3A_3511 : f32 to vector<16xf32>
      %broadcast_in_dim3A_3514 = vector.broadcast %jit3A_3512 : f32 to vector<16xf32>
      %select_n3A_3515 = arith.select %eq3A_3504, %broadcast_in_dim3A_3513, %broadcast_in_dim3A_3514 : vector<16xi1>, vector<16xf32>
      %add3A_3516 = arith.addf %add3A_3481, %select_n3A_3515 : vector<16xf32>
      %eq3A_3517 = arith.constant 2 : i32
      %eq3A_3518 = vector.broadcast %eq3A_3517 : i32 to vector<16xi32>
      %eq3A_3519 = arith.cmpi eq, %iota3A, %eq3A_3518 : vector<16xi32>
      %jit3A_3520 = arith.constant 1.000000e+00 : f32
      %jit3A_3521 = arith.constant 0.000000e+00 : f32
      %broadcast_in_dim3A_3522 = vector.broadcast %jit3A_3520 : f32 to vector<16xf32>
      %broadcast_in_dim3A_3523 = vector.broadcast %jit3A_3521 : f32 to vector<16xf32>
      %select_n3A_3524 = arith.select %eq3A_3501, %broadcast_in_dim3A_3522, %broadcast_in_dim3A_3523 : vector<16xi1>, vector<16xf32>
      %reduce_sum3A_3525 = arith.constant true
      %reduce_sum3A_3526 = vector.broadcast %reduce_sum3A_3525 : i1 to vector<16xi1>
      %reduce_sum3A_3527 = tpu.scan <sum>, %select_n3A_3524 masked %reduce_sum3A_3526 : vector<16xf32>, vector<16xi1> -> vector<16xf32>
      %reduce_sum3A_3528 = vector.extract %reduce_sum3A_3527[15] : f32 from vector<16xf32>
      %jit3A_3529 = arith.constant 0.000000e+00 : f32
      %broadcast_in_dim3A_3530 = vector.broadcast %reduce_sum3A_3528 : f32 to vector<16xf32>
      %broadcast_in_dim3A_3531 = vector.broadcast %jit3A_3529 : f32 to vector<16xf32>
      %select_n3A_3532 = arith.select %eq3A_3519, %broadcast_in_dim3A_3530, %broadcast_in_dim3A_3531 : vector<16xi1>, vector<16xf32>
      %add3A_3533 = arith.addf %add3A_3498, %select_n3A_3532 : vector<16xf32>
      %eq3A_3534 = arith.constant 3 : i32
      %eq3A_3535 = vector.broadcast %eq3A_3534 : i32 to vector<16xi32>
      %eq3A_3536 = arith.cmpi eq, %get3A_3428, %eq3A_3535 : vector<16xi32>
      %eq3A_3537 = arith.constant 3 : i32
      %eq3A_3538 = vector.broadcast %eq3A_3537 : i32 to vector<16xi32>
      %eq3A_3539 = arith.cmpi eq, %iota3A, %eq3A_3538 : vector<16xi32>
      %jit3A_3540 = arith.constant 0.000000e+00 : f32
      %broadcast_in_dim3A_3541 = vector.broadcast %jit3A_3540 : f32 to vector<16xf32>
      %select_n3A_3542 = arith.select %eq3A_3536, %get3A_3426, %broadcast_in_dim3A_3541 : vector<16xi1>, vector<16xf32>
      %reduce_sum3A_3543 = arith.constant true
      %reduce_sum3A_3544 = vector.broadcast %reduce_sum3A_3543 : i1 to vector<16xi1>
      %reduce_sum3A_3545 = tpu.scan <sum>, %select_n3A_3542 masked %reduce_sum3A_3544 : vector<16xf32>, vector<16xi1> -> vector<16xf32>
      %reduce_sum3A_3546 = vector.extract %reduce_sum3A_3545[15] : f32 from vector<16xf32>
      %jit3A_3547 = arith.constant 0.000000e+00 : f32
      %broadcast_in_dim3A_3548 = vector.broadcast %reduce_sum3A_3546 : f32 to vector<16xf32>
      %broadcast_in_dim3A_3549 = vector.broadcast %jit3A_3547 : f32 to vector<16xf32>
      %select_n3A_3550 = arith.select %eq3A_3539, %broadcast_in_dim3A_3548, %broadcast_in_dim3A_3549 : vector<16xi1>, vector<16xf32>
      %add3A_3551 = arith.addf %add3A_3516, %select_n3A_3550 : vector<16xf32>
      %eq3A_3552 = arith.constant 3 : i32
      %eq3A_3553 = vector.broadcast %eq3A_3552 : i32 to vector<16xi32>
      %eq3A_3554 = arith.cmpi eq, %iota3A, %eq3A_3553 : vector<16xi32>
      %jit3A_3555 = arith.constant 1.000000e+00 : f32
      %jit3A_3556 = arith.constant 0.000000e+00 : f32
      %broadcast_in_dim3A_3557 = vector.broadcast %jit3A_3555 : f32 to vector<16xf32>
      %broadcast_in_dim3A_3558 = vector.broadcast %jit3A_3556 : f32 to vector<16xf32>
      %select_n3A_3559 = arith.select %eq3A_3536, %broadcast_in_dim3A_3557, %broadcast_in_dim3A_3558 : vector<16xi1>, vector<16xf32>
      %reduce_sum3A_3560 = arith.constant true
      %reduce_sum3A_3561 = vector.broadcast %reduce_sum3A_3560 : i1 to vector<16xi1>
      %reduce_sum3A_3562 = tpu.scan <sum>, %select_n3A_3559 masked %reduce_sum3A_3561 : vector<16xf32>, vector<16xi1> -> vector<16xf32>
      %reduce_sum3A_3563 = vector.extract %reduce_sum3A_3562[15] : f32 from vector<16xf32>
      %jit3A_3564 = arith.constant 0.000000e+00 : f32
      %broadcast_in_dim3A_3565 = vector.broadcast %reduce_sum3A_3563 : f32 to vector<16xf32>
      %broadcast_in_dim3A_3566 = vector.broadcast %jit3A_3564 : f32 to vector<16xf32>
      %select_n3A_3567 = arith.select %eq3A_3554, %broadcast_in_dim3A_3565, %broadcast_in_dim3A_3566 : vector<16xi1>, vector<16xf32>
      %add3A_3568 = arith.addf %add3A_3533, %select_n3A_3567 : vector<16xf32>
      %eq3A_3569 = arith.constant 4 : i32
      %eq3A_3570 = vector.broadcast %eq3A_3569 : i32 to vector<16xi32>
      %eq3A_3571 = arith.cmpi eq, %get3A_3428, %eq3A_3570 : vector<16xi32>
      %eq3A_3572 = arith.constant 4 : i32
      %eq3A_3573 = vector.broadcast %eq3A_3572 : i32 to vector<16xi32>
      %eq3A_3574 = arith.cmpi eq, %iota3A, %eq3A_3573 : vector<16xi32>
      %jit3A_3575 = arith.constant 0.000000e+00 : f32
      %broadcast_in_dim3A_3576 = vector.broadcast %jit3A_3575 : f32 to vector<16xf32>
      %select_n3A_3577 = arith.select %eq3A_3571, %get3A_3426, %broadcast_in_dim3A_3576 : vector<16xi1>, vector<16xf32>
      %reduce_sum3A_3578 = arith.constant true
      %reduce_sum3A_3579 = vector.broadcast %reduce_sum3A_3578 : i1 to vector<16xi1>
      %reduce_sum3A_3580 = tpu.scan <sum>, %select_n3A_3577 masked %reduce_sum3A_3579 : vector<16xf32>, vector<16xi1> -> vector<16xf32>
      %reduce_sum3A_3581 = vector.extract %reduce_sum3A_3580[15] : f32 from vector<16xf32>
      %jit3A_3582 = arith.constant 0.000000e+00 : f32
      %broadcast_in_dim3A_3583 = vector.broadcast %reduce_sum3A_3581 : f32 to vector<16xf32>
      %broadcast_in_dim3A_3584 = vector.broadcast %jit3A_3582 : f32 to vector<16xf32>
      %select_n3A_3585 = arith.select %eq3A_3574, %broadcast_in_dim3A_3583, %broadcast_in_dim3A_3584 : vector<16xi1>, vector<16xf32>
      %add3A_3586 = arith.addf %add3A_3551, %select_n3A_3585 : vector<16xf32>
      %eq3A_3587 = arith.constant 4 : i32
      %eq3A_3588 = vector.broadcast %eq3A_3587 : i32 to vector<16xi32>
      %eq3A_3589 = arith.cmpi eq, %iota3A, %eq3A_3588 : vector<16xi32>
      %jit3A_3590 = arith.constant 1.000000e+00 : f32
      %jit3A_3591 = arith.constant 0.000000e+00 : f32
      %broadcast_in_dim3A_3592 = vector.broadcast %jit3A_3590 : f32 to vector<16xf32>
      %broadcast_in_dim3A_3593 = vector.broadcast %jit3A_3591 : f32 to vector<16xf32>
      %select_n3A_3594 = arith.select %eq3A_3571, %broadcast_in_dim3A_3592, %broadcast_in_dim3A_3593 : vector<16xi1>, vector<16xf32>
      %reduce_sum3A_3595 = arith.constant true
      %reduce_sum3A_3596 = vector.broadcast %reduce_sum3A_3595 : i1 to vector<16xi1>
      %reduce_sum3A_3597 = tpu.scan <sum>, %select_n3A_3594 masked %reduce_sum3A_3596 : vector<16xf32>, vector<16xi1> -> vector<16xf32>
      %reduce_sum3A_3598 = vector.extract %reduce_sum3A_3597[15] : f32 from vector<16xf32>
      %jit3A_3599 = arith.constant 0.000000e+00 : f32
      %broadcast_in_dim3A_3600 = vector.broadcast %reduce_sum3A_3598 : f32 to vector<16xf32>
      %broadcast_in_dim3A_3601 = vector.broadcast %jit3A_3599 : f32 to vector<16xf32>
      %select_n3A_3602 = arith.select %eq3A_3589, %broadcast_in_dim3A_3600, %broadcast_in_dim3A_3601 : vector<16xi1>, vector<16xf32>
      %add3A_3603 = arith.addf %add3A_3568, %select_n3A_3602 : vector<16xf32>
      %eq3A_3604 = arith.constant 5 : i32
      %eq3A_3605 = vector.broadcast %eq3A_3604 : i32 to vector<16xi32>
      %eq3A_3606 = arith.cmpi eq, %get3A_3428, %eq3A_3605 : vector<16xi32>
      %eq3A_3607 = arith.constant 5 : i32
      %eq3A_3608 = vector.broadcast %eq3A_3607 : i32 to vector<16xi32>
      %eq3A_3609 = arith.cmpi eq, %iota3A, %eq3A_3608 : vector<16xi32>
      %jit3A_3610 = arith.constant 0.000000e+00 : f32
      %broadcast_in_dim3A_3611 = vector.broadcast %jit3A_3610 : f32 to vector<16xf32>
      %select_n3A_3612 = arith.select %eq3A_3606, %get3A_3426, %broadcast_in_dim3A_3611 : vector<16xi1>, vector<16xf32>
      %reduce_sum3A_3613 = arith.constant true
      %reduce_sum3A_3614 = vector.broadcast %reduce_sum3A_3613 : i1 to vector<16xi1>
      %reduce_sum3A_3615 = tpu.scan <sum>, %select_n3A_3612 masked %reduce_sum3A_3614 : vector<16xf32>, vector<16xi1> -> vector<16xf32>
      %reduce_sum3A_3616 = vector.extract %reduce_sum3A_3615[15] : f32 from vector<16xf32>
      %jit3A_3617 = arith.constant 0.000000e+00 : f32
      %broadcast_in_dim3A_3618 = vector.broadcast %reduce_sum3A_3616 : f32 to vector<16xf32>
      %broadcast_in_dim3A_3619 = vector.broadcast %jit3A_3617 : f32 to vector<16xf32>
      %select_n3A_3620 = arith.select %eq3A_3609, %broadcast_in_dim3A_3618, %broadcast_in_dim3A_3619 : vector<16xi1>, vector<16xf32>
      %add3A_3621 = arith.addf %add3A_3586, %select_n3A_3620 : vector<16xf32>
      %eq3A_3622 = arith.constant 5 : i32
      %eq3A_3623 = vector.broadcast %eq3A_3622 : i32 to vector<16xi32>
      %eq3A_3624 = arith.cmpi eq, %iota3A, %eq3A_3623 : vector<16xi32>
      %jit3A_3625 = arith.constant 1.000000e+00 : f32
      %jit3A_3626 = arith.constant 0.000000e+00 : f32
      %broadcast_in_dim3A_3627 = vector.broadcast %jit3A_3625 : f32 to vector<16xf32>
      %broadcast_in_dim3A_3628 = vector.broadcast %jit3A_3626 : f32 to vector<16xf32>
      %select_n3A_3629 = arith.select %eq3A_3606, %broadcast_in_dim3A_3627, %broadcast_in_dim3A_3628 : vector<16xi1>, vector<16xf32>
      %reduce_sum3A_3630 = arith.constant true
      %reduce_sum3A_3631 = vector.broadcast %reduce_sum3A_3630 : i1 to vector<16xi1>
      %reduce_sum3A_3632 = tpu.scan <sum>, %select_n3A_3629 masked %reduce_sum3A_3631 : vector<16xf32>, vector<16xi1> -> vector<16xf32>
      %reduce_sum3A_3633 = vector.extract %reduce_sum3A_3632[15] : f32 from vector<16xf32>
      %jit3A_3634 = arith.constant 0.000000e+00 : f32
      %broadcast_in_dim3A_3635 = vector.broadcast %reduce_sum3A_3633 : f32 to vector<16xf32>
      %broadcast_in_dim3A_3636 = vector.broadcast %jit3A_3634 : f32 to vector<16xf32>
      %select_n3A_3637 = arith.select %eq3A_3624, %broadcast_in_dim3A_3635, %broadcast_in_dim3A_3636 : vector<16xi1>, vector<16xf32>
      %add3A_3638 = arith.addf %add3A_3603, %select_n3A_3637 : vector<16xf32>
      %eq3A_3639 = arith.constant 6 : i32
      %eq3A_3640 = vector.broadcast %eq3A_3639 : i32 to vector<16xi32>
      %eq3A_3641 = arith.cmpi eq, %get3A_3428, %eq3A_3640 : vector<16xi32>
      %eq3A_3642 = arith.constant 6 : i32
      %eq3A_3643 = vector.broadcast %eq3A_3642 : i32 to vector<16xi32>
      %eq3A_3644 = arith.cmpi eq, %iota3A, %eq3A_3643 : vector<16xi32>
      %jit3A_3645 = arith.constant 0.000000e+00 : f32
      %broadcast_in_dim3A_3646 = vector.broadcast %jit3A_3645 : f32 to vector<16xf32>
      %select_n3A_3647 = arith.select %eq3A_3641, %get3A_3426, %broadcast_in_dim3A_3646 : vector<16xi1>, vector<16xf32>
      %reduce_sum3A_3648 = arith.constant true
      %reduce_sum3A_3649 = vector.broadcast %reduce_sum3A_3648 : i1 to vector<16xi1>
      %reduce_sum3A_3650 = tpu.scan <sum>, %select_n3A_3647 masked %reduce_sum3A_3649 : vector<16xf32>, vector<16xi1> -> vector<16xf32>
      %reduce_sum3A_3651 = vector.extract %reduce_sum3A_3650[15] : f32 from vector<16xf32>
      %jit3A_3652 = arith.constant 0.000000e+00 : f32
      %broadcast_in_dim3A_3653 = vector.broadcast %reduce_sum3A_3651 : f32 to vector<16xf32>
      %broadcast_in_dim3A_3654 = vector.broadcast %jit3A_3652 : f32 to vector<16xf32>
      %select_n3A_3655 = arith.select %eq3A_3644, %broadcast_in_dim3A_3653, %broadcast_in_dim3A_3654 : vector<16xi1>, vector<16xf32>
      %add3A_3656 = arith.addf %add3A_3621, %select_n3A_3655 : vector<16xf32>
      %eq3A_3657 = arith.constant 6 : i32
      %eq3A_3658 = vector.broadcast %eq3A_3657 : i32 to vector<16xi32>
      %eq3A_3659 = arith.cmpi eq, %iota3A, %eq3A_3658 : vector<16xi32>
      %jit3A_3660 = arith.constant 1.000000e+00 : f32
      %jit3A_3661 = arith.constant 0.000000e+00 : f32
      %broadcast_in_dim3A_3662 = vector.broadcast %jit3A_3660 : f32 to vector<16xf32>
      %broadcast_in_dim3A_3663 = vector.broadcast %jit3A_3661 : f32 to vector<16xf32>
      %select_n3A_3664 = arith.select %eq3A_3641, %broadcast_in_dim3A_3662, %broadcast_in_dim3A_3663 : vector<16xi1>, vector<16xf32>
      %reduce_sum3A_3665 = arith.constant true
      %reduce_sum3A_3666 = vector.broadcast %reduce_sum3A_3665 : i1 to vector<16xi1>
      %reduce_sum3A_3667 = tpu.scan <sum>, %select_n3A_3664 masked %reduce_sum3A_3666 : vector<16xf32>, vector<16xi1> -> vector<16xf32>
      %reduce_sum3A_3668 = vector.extract %reduce_sum3A_3667[15] : f32 from vector<16xf32>
      %jit3A_3669 = arith.constant 0.000000e+00 : f32
      %broadcast_in_dim3A_3670 = vector.broadcast %reduce_sum3A_3668 : f32 to vector<16xf32>
      %broadcast_in_dim3A_3671 = vector.broadcast %jit3A_3669 : f32 to vector<16xf32>
      %select_n3A_3672 = arith.select %eq3A_3659, %broadcast_in_dim3A_3670, %broadcast_in_dim3A_3671 : vector<16xi1>, vector<16xf32>
      %add3A_3673 = arith.addf %add3A_3638, %select_n3A_3672 : vector<16xf32>
      %eq3A_3674 = arith.constant 7 : i32
      %eq3A_3675 = vector.broadcast %eq3A_3674 : i32 to vector<16xi32>
      %eq3A_3676 = arith.cmpi eq, %get3A_3428, %eq3A_3675 : vector<16xi32>
      %eq3A_3677 = arith.constant 7 : i32
      %eq3A_3678 = vector.broadcast %eq3A_3677 : i32 to vector<16xi32>
      %eq3A_3679 = arith.cmpi eq, %iota3A, %eq3A_3678 : vector<16xi32>
      %jit3A_3680 = arith.constant 0.000000e+00 : f32
      %broadcast_in_dim3A_3681 = vector.broadcast %jit3A_3680 : f32 to vector<16xf32>
      %select_n3A_3682 = arith.select %eq3A_3676, %get3A_3426, %broadcast_in_dim3A_3681 : vector<16xi1>, vector<16xf32>
      %reduce_sum3A_3683 = arith.constant true
      %reduce_sum3A_3684 = vector.broadcast %reduce_sum3A_3683 : i1 to vector<16xi1>
      %reduce_sum3A_3685 = tpu.scan <sum>, %select_n3A_3682 masked %reduce_sum3A_3684 : vector<16xf32>, vector<16xi1> -> vector<16xf32>
      %reduce_sum3A_3686 = vector.extract %reduce_sum3A_3685[15] : f32 from vector<16xf32>
      %jit3A_3687 = arith.constant 0.000000e+00 : f32
      %broadcast_in_dim3A_3688 = vector.broadcast %reduce_sum3A_3686 : f32 to vector<16xf32>
      %broadcast_in_dim3A_3689 = vector.broadcast %jit3A_3687 : f32 to vector<16xf32>
      %select_n3A_3690 = arith.select %eq3A_3679, %broadcast_in_dim3A_3688, %broadcast_in_dim3A_3689 : vector<16xi1>, vector<16xf32>
      %add3A_3691 = arith.addf %add3A_3656, %select_n3A_3690 : vector<16xf32>
      %eq3A_3692 = arith.constant 7 : i32
      %eq3A_3693 = vector.broadcast %eq3A_3692 : i32 to vector<16xi32>
      %eq3A_3694 = arith.cmpi eq, %iota3A, %eq3A_3693 : vector<16xi32>
      %jit3A_3695 = arith.constant 1.000000e+00 : f32
      %jit3A_3696 = arith.constant 0.000000e+00 : f32
      %broadcast_in_dim3A_3697 = vector.broadcast %jit3A_3695 : f32 to vector<16xf32>
      %broadcast_in_dim3A_3698 = vector.broadcast %jit3A_3696 : f32 to vector<16xf32>
      %select_n3A_3699 = arith.select %eq3A_3676, %broadcast_in_dim3A_3697, %broadcast_in_dim3A_3698 : vector<16xi1>, vector<16xf32>
      %reduce_sum3A_3700 = arith.constant true
      %reduce_sum3A_3701 = vector.broadcast %reduce_sum3A_3700 : i1 to vector<16xi1>
      %reduce_sum3A_3702 = tpu.scan <sum>, %select_n3A_3699 masked %reduce_sum3A_3701 : vector<16xf32>, vector<16xi1> -> vector<16xf32>
      %reduce_sum3A_3703 = vector.extract %reduce_sum3A_3702[15] : f32 from vector<16xf32>
      %jit3A_3704 = arith.constant 0.000000e+00 : f32
      %broadcast_in_dim3A_3705 = vector.broadcast %reduce_sum3A_3703 : f32 to vector<16xf32>
      %broadcast_in_dim3A_3706 = vector.broadcast %jit3A_3704 : f32 to vector<16xf32>
      %select_n3A_3707 = arith.select %eq3A_3694, %broadcast_in_dim3A_3705, %broadcast_in_dim3A_3706 : vector<16xi1>, vector<16xf32>
      %add3A_3708 = arith.addf %add3A_3673, %select_n3A_3707 : vector<16xf32>
      %get3A_3709 = arith.constant 208 : index
      %get3A_3710 = tpu.vector_load %arg6[%get3A_3709] {strides = array<i32>} : memref<256xf32, #tpu.memory_space<vmem>>, vector<16xf32>,
      %get3A_3711 = arith.constant 208 : index
      %get3A_3712 = tpu.vector_load %arg7[%get3A_3711] {strides = array<i32>} : memref<256xi32, #tpu.memory_space<vmem>>, vector<16xi32>,
      %eq3A_3713 = arith.constant 0 : i32
      %eq3A_3714 = vector.broadcast %eq3A_3713 : i32 to vector<16xi32>
      %eq3A_3715 = arith.cmpi eq, %get3A_3712, %eq3A_3714 : vector<16xi32>
      %eq3A_3716 = arith.constant 0 : i32
      %eq3A_3717 = vector.broadcast %eq3A_3716 : i32 to vector<16xi32>
      %eq3A_3718 = arith.cmpi eq, %iota3A, %eq3A_3717 : vector<16xi32>
      %jit3A_3719 = arith.constant 0.000000e+00 : f32
      %broadcast_in_dim3A_3720 = vector.broadcast %jit3A_3719 : f32 to vector<16xf32>
      %select_n3A_3721 = arith.select %eq3A_3715, %get3A_3710, %broadcast_in_dim3A_3720 : vector<16xi1>, vector<16xf32>
      %reduce_sum3A_3722 = arith.constant true
      %reduce_sum3A_3723 = vector.broadcast %reduce_sum3A_3722 : i1 to vector<16xi1>
      %reduce_sum3A_3724 = tpu.scan <sum>, %select_n3A_3721 masked %reduce_sum3A_3723 : vector<16xf32>, vector<16xi1> -> vector<16xf32>
      %reduce_sum3A_3725 = vector.extract %reduce_sum3A_3724[15] : f32 from vector<16xf32>
      %jit3A_3726 = arith.constant 0.000000e+00 : f32
      %broadcast_in_dim3A_3727 = vector.broadcast %reduce_sum3A_3725 : f32 to vector<16xf32>
      %broadcast_in_dim3A_3728 = vector.broadcast %jit3A_3726 : f32 to vector<16xf32>
      %select_n3A_3729 = arith.select %eq3A_3718, %broadcast_in_dim3A_3727, %broadcast_in_dim3A_3728 : vector<16xi1>, vector<16xf32>
      %add3A_3730 = arith.addf %add3A_3691, %select_n3A_3729 : vector<16xf32>
      %eq3A_3731 = arith.constant 0 : i32
      %eq3A_3732 = vector.broadcast %eq3A_3731 : i32 to vector<16xi32>
      %eq3A_3733 = arith.cmpi eq, %iota3A, %eq3A_3732 : vector<16xi32>
      %jit3A_3734 = arith.constant 1.000000e+00 : f32
      %jit3A_3735 = arith.constant 0.000000e+00 : f32
      %broadcast_in_dim3A_3736 = vector.broadcast %jit3A_3734 : f32 to vector<16xf32>
      %broadcast_in_dim3A_3737 = vector.broadcast %jit3A_3735 : f32 to vector<16xf32>
      %select_n3A_3738 = arith.select %eq3A_3715, %broadcast_in_dim3A_3736, %broadcast_in_dim3A_3737 : vector<16xi1>, vector<16xf32>
      %reduce_sum3A_3739 = arith.constant true
      %reduce_sum3A_3740 = vector.broadcast %reduce_sum3A_3739 : i1 to vector<16xi1>
      %reduce_sum3A_3741 = tpu.scan <sum>, %select_n3A_3738 masked %reduce_sum3A_3740 : vector<16xf32>, vector<16xi1> -> vector<16xf32>
      %reduce_sum3A_3742 = vector.extract %reduce_sum3A_3741[15] : f32 from vector<16xf32>
      %jit3A_3743 = arith.constant 0.000000e+00 : f32
      %broadcast_in_dim3A_3744 = vector.broadcast %reduce_sum3A_3742 : f32 to vector<16xf32>
      %broadcast_in_dim3A_3745 = vector.broadcast %jit3A_3743 : f32 to vector<16xf32>
      %select_n3A_3746 = arith.select %eq3A_3733, %broadcast_in_dim3A_3744, %broadcast_in_dim3A_3745 : vector<16xi1>, vector<16xf32>
      %add3A_3747 = arith.addf %add3A_3708, %select_n3A_3746 : vector<16xf32>
      %eq3A_3748 = arith.constant 1 : i32
      %eq3A_3749 = vector.broadcast %eq3A_3748 : i32 to vector<16xi32>
      %eq3A_3750 = arith.cmpi eq, %get3A_3712, %eq3A_3749 : vector<16xi32>
      %eq3A_3751 = arith.constant 1 : i32
      %eq3A_3752 = vector.broadcast %eq3A_3751 : i32 to vector<16xi32>
      %eq3A_3753 = arith.cmpi eq, %iota3A, %eq3A_3752 : vector<16xi32>
      %jit3A_3754 = arith.constant 0.000000e+00 : f32
      %broadcast_in_dim3A_3755 = vector.broadcast %jit3A_3754 : f32 to vector<16xf32>
      %select_n3A_3756 = arith.select %eq3A_3750, %get3A_3710, %broadcast_in_dim3A_3755 : vector<16xi1>, vector<16xf32>
      %reduce_sum3A_3757 = arith.constant true
      %reduce_sum3A_3758 = vector.broadcast %reduce_sum3A_3757 : i1 to vector<16xi1>
      %reduce_sum3A_3759 = tpu.scan <sum>, %select_n3A_3756 masked %reduce_sum3A_3758 : vector<16xf32>, vector<16xi1> -> vector<16xf32>
      %reduce_sum3A_3760 = vector.extract %reduce_sum3A_3759[15] : f32 from vector<16xf32>
      %jit3A_3761 = arith.constant 0.000000e+00 : f32
      %broadcast_in_dim3A_3762 = vector.broadcast %reduce_sum3A_3760 : f32 to vector<16xf32>
      %broadcast_in_dim3A_3763 = vector.broadcast %jit3A_3761 : f32 to vector<16xf32>
      %select_n3A_3764 = arith.select %eq3A_3753, %broadcast_in_dim3A_3762, %broadcast_in_dim3A_3763 : vector<16xi1>, vector<16xf32>
      %add3A_3765 = arith.addf %add3A_3730, %select_n3A_3764 : vector<16xf32>
      %eq3A_3766 = arith.constant 1 : i32
      %eq3A_3767 = vector.broadcast %eq3A_3766 : i32 to vector<16xi32>
      %eq3A_3768 = arith.cmpi eq, %iota3A, %eq3A_3767 : vector<16xi32>
      %jit3A_3769 = arith.constant 1.000000e+00 : f32
      %jit3A_3770 = arith.constant 0.000000e+00 : f32
      %broadcast_in_dim3A_3771 = vector.broadcast %jit3A_3769 : f32 to vector<16xf32>
      %broadcast_in_dim3A_3772 = vector.broadcast %jit3A_3770 : f32 to vector<16xf32>
      %select_n3A_3773 = arith.select %eq3A_3750, %broadcast_in_dim3A_3771, %broadcast_in_dim3A_3772 : vector<16xi1>, vector<16xf32>
      %reduce_sum3A_3774 = arith.constant true
      %reduce_sum3A_3775 = vector.broadcast %reduce_sum3A_3774 : i1 to vector<16xi1>
      %reduce_sum3A_3776 = tpu.scan <sum>, %select_n3A_3773 masked %reduce_sum3A_3775 : vector<16xf32>, vector<16xi1> -> vector<16xf32>
      %reduce_sum3A_3777 = vector.extract %reduce_sum3A_3776[15] : f32 from vector<16xf32>
      %jit3A_3778 = arith.constant 0.000000e+00 : f32
      %broadcast_in_dim3A_3779 = vector.broadcast %reduce_sum3A_3777 : f32 to vector<16xf32>
      %broadcast_in_dim3A_3780 = vector.broadcast %jit3A_3778 : f32 to vector<16xf32>
      %select_n3A_3781 = arith.select %eq3A_3768, %broadcast_in_dim3A_3779, %broadcast_in_dim3A_3780 : vector<16xi1>, vector<16xf32>
      %add3A_3782 = arith.addf %add3A_3747, %select_n3A_3781 : vector<16xf32>
      %eq3A_3783 = arith.constant 2 : i32
      %eq3A_3784 = vector.broadcast %eq3A_3783 : i32 to vector<16xi32>
      %eq3A_3785 = arith.cmpi eq, %get3A_3712, %eq3A_3784 : vector<16xi32>
      %eq3A_3786 = arith.constant 2 : i32
      %eq3A_3787 = vector.broadcast %eq3A_3786 : i32 to vector<16xi32>
      %eq3A_3788 = arith.cmpi eq, %iota3A, %eq3A_3787 : vector<16xi32>
      %jit3A_3789 = arith.constant 0.000000e+00 : f32
      %broadcast_in_dim3A_3790 = vector.broadcast %jit3A_3789 : f32 to vector<16xf32>
      %select_n3A_3791 = arith.select %eq3A_3785, %get3A_3710, %broadcast_in_dim3A_3790 : vector<16xi1>, vector<16xf32>
      %reduce_sum3A_3792 = arith.constant true
      %reduce_sum3A_3793 = vector.broadcast %reduce_sum3A_3792 : i1 to vector<16xi1>
      %reduce_sum3A_3794 = tpu.scan <sum>, %select_n3A_3791 masked %reduce_sum3A_3793 : vector<16xf32>, vector<16xi1> -> vector<16xf32>
      %reduce_sum3A_3795 = vector.extract %reduce_sum3A_3794[15] : f32 from vector<16xf32>
      %jit3A_3796 = arith.constant 0.000000e+00 : f32
      %broadcast_in_dim3A_3797 = vector.broadcast %reduce_sum3A_3795 : f32 to vector<16xf32>
      %broadcast_in_dim3A_3798 = vector.broadcast %jit3A_3796 : f32 to vector<16xf32>
      %select_n3A_3799 = arith.select %eq3A_3788, %broadcast_in_dim3A_3797, %broadcast_in_dim3A_3798 : vector<16xi1>, vector<16xf32>
      %add3A_3800 = arith.addf %add3A_3765, %select_n3A_3799 : vector<16xf32>
      %eq3A_3801 = arith.constant 2 : i32
      %eq3A_3802 = vector.broadcast %eq3A_3801 : i32 to vector<16xi32>
      %eq3A_3803 = arith.cmpi eq, %iota3A, %eq3A_3802 : vector<16xi32>
      %jit3A_3804 = arith.constant 1.000000e+00 : f32
      %jit3A_3805 = arith.constant 0.000000e+00 : f32
      %broadcast_in_dim3A_3806 = vector.broadcast %jit3A_3804 : f32 to vector<16xf32>
      %broadcast_in_dim3A_3807 = vector.broadcast %jit3A_3805 : f32 to vector<16xf32>
      %select_n3A_3808 = arith.select %eq3A_3785, %broadcast_in_dim3A_3806, %broadcast_in_dim3A_3807 : vector<16xi1>, vector<16xf32>
      %reduce_sum3A_3809 = arith.constant true
      %reduce_sum3A_3810 = vector.broadcast %reduce_sum3A_3809 : i1 to vector<16xi1>
      %reduce_sum3A_3811 = tpu.scan <sum>, %select_n3A_3808 masked %reduce_sum3A_3810 : vector<16xf32>, vector<16xi1> -> vector<16xf32>
      %reduce_sum3A_3812 = vector.extract %reduce_sum3A_3811[15] : f32 from vector<16xf32>
      %jit3A_3813 = arith.constant 0.000000e+00 : f32
      %broadcast_in_dim3A_3814 = vector.broadcast %reduce_sum3A_3812 : f32 to vector<16xf32>
      %broadcast_in_dim3A_3815 = vector.broadcast %jit3A_3813 : f32 to vector<16xf32>
      %select_n3A_3816 = arith.select %eq3A_3803, %broadcast_in_dim3A_3814, %broadcast_in_dim3A_3815 : vector<16xi1>, vector<16xf32>
      %add3A_3817 = arith.addf %add3A_3782, %select_n3A_3816 : vector<16xf32>
      %eq3A_3818 = arith.constant 3 : i32
      %eq3A_3819 = vector.broadcast %eq3A_3818 : i32 to vector<16xi32>
      %eq3A_3820 = arith.cmpi eq, %get3A_3712, %eq3A_3819 : vector<16xi32>
      %eq3A_3821 = arith.constant 3 : i32
      %eq3A_3822 = vector.broadcast %eq3A_3821 : i32 to vector<16xi32>
      %eq3A_3823 = arith.cmpi eq, %iota3A, %eq3A_3822 : vector<16xi32>
      %jit3A_3824 = arith.constant 0.000000e+00 : f32
      %broadcast_in_dim3A_3825 = vector.broadcast %jit3A_3824 : f32 to vector<16xf32>
      %select_n3A_3826 = arith.select %eq3A_3820, %get3A_3710, %broadcast_in_dim3A_3825 : vector<16xi1>, vector<16xf32>
      %reduce_sum3A_3827 = arith.constant true
      %reduce_sum3A_3828 = vector.broadcast %reduce_sum3A_3827 : i1 to vector<16xi1>
      %reduce_sum3A_3829 = tpu.scan <sum>, %select_n3A_3826 masked %reduce_sum3A_3828 : vector<16xf32>, vector<16xi1> -> vector<16xf32>
      %reduce_sum3A_3830 = vector.extract %reduce_sum3A_3829[15] : f32 from vector<16xf32>
      %jit3A_3831 = arith.constant 0.000000e+00 : f32
      %broadcast_in_dim3A_3832 = vector.broadcast %reduce_sum3A_3830 : f32 to vector<16xf32>
      %broadcast_in_dim3A_3833 = vector.broadcast %jit3A_3831 : f32 to vector<16xf32>
      %select_n3A_3834 = arith.select %eq3A_3823, %broadcast_in_dim3A_3832, %broadcast_in_dim3A_3833 : vector<16xi1>, vector<16xf32>
      %add3A_3835 = arith.addf %add3A_3800, %select_n3A_3834 : vector<16xf32>
      %eq3A_3836 = arith.constant 3 : i32
      %eq3A_3837 = vector.broadcast %eq3A_3836 : i32 to vector<16xi32>
      %eq3A_3838 = arith.cmpi eq, %iota3A, %eq3A_3837 : vector<16xi32>
      %jit3A_3839 = arith.constant 1.000000e+00 : f32
      %jit3A_3840 = arith.constant 0.000000e+00 : f32
      %broadcast_in_dim3A_3841 = vector.broadcast %jit3A_3839 : f32 to vector<16xf32>
      %broadcast_in_dim3A_3842 = vector.broadcast %jit3A_3840 : f32 to vector<16xf32>
      %select_n3A_3843 = arith.select %eq3A_3820, %broadcast_in_dim3A_3841, %broadcast_in_dim3A_3842 : vector<16xi1>, vector<16xf32>
      %reduce_sum3A_3844 = arith.constant true
      %reduce_sum3A_3845 = vector.broadcast %reduce_sum3A_3844 : i1 to vector<16xi1>
      %reduce_sum3A_3846 = tpu.scan <sum>, %select_n3A_3843 masked %reduce_sum3A_3845 : vector<16xf32>, vector<16xi1> -> vector<16xf32>
      %reduce_sum3A_3847 = vector.extract %reduce_sum3A_3846[15] : f32 from vector<16xf32>
      %jit3A_3848 = arith.constant 0.000000e+00 : f32
      %broadcast_in_dim3A_3849 = vector.broadcast %reduce_sum3A_3847 : f32 to vector<16xf32>
      %broadcast_in_dim3A_3850 = vector.broadcast %jit3A_3848 : f32 to vector<16xf32>
      %select_n3A_3851 = arith.select %eq3A_3838, %broadcast_in_dim3A_3849, %broadcast_in_dim3A_3850 : vector<16xi1>, vector<16xf32>
      %add3A_3852 = arith.addf %add3A_3817, %select_n3A_3851 : vector<16xf32>
      %eq3A_3853 = arith.constant 4 : i32
      %eq3A_3854 = vector.broadcast %eq3A_3853 : i32 to vector<16xi32>
      %eq3A_3855 = arith.cmpi eq, %get3A_3712, %eq3A_3854 : vector<16xi32>
      %eq3A_3856 = arith.constant 4 : i32
      %eq3A_3857 = vector.broadcast %eq3A_3856 : i32 to vector<16xi32>
      %eq3A_3858 = arith.cmpi eq, %iota3A, %eq3A_3857 : vector<16xi32>
      %jit3A_3859 = arith.constant 0.000000e+00 : f32
      %broadcast_in_dim3A_3860 = vector.broadcast %jit3A_3859 : f32 to vector<16xf32>
      %select_n3A_3861 = arith.select %eq3A_3855, %get3A_3710, %broadcast_in_dim3A_3860 : vector<16xi1>, vector<16xf32>
      %reduce_sum3A_3862 = arith.constant true
      %reduce_sum3A_3863 = vector.broadcast %reduce_sum3A_3862 : i1 to vector<16xi1>
      %reduce_sum3A_3864 = tpu.scan <sum>, %select_n3A_3861 masked %reduce_sum3A_3863 : vector<16xf32>, vector<16xi1> -> vector<16xf32>
      %reduce_sum3A_3865 = vector.extract %reduce_sum3A_3864[15] : f32 from vector<16xf32>
      %jit3A_3866 = arith.constant 0.000000e+00 : f32
      %broadcast_in_dim3A_3867 = vector.broadcast %reduce_sum3A_3865 : f32 to vector<16xf32>
      %broadcast_in_dim3A_3868 = vector.broadcast %jit3A_3866 : f32 to vector<16xf32>
      %select_n3A_3869 = arith.select %eq3A_3858, %broadcast_in_dim3A_3867, %broadcast_in_dim3A_3868 : vector<16xi1>, vector<16xf32>
      %add3A_3870 = arith.addf %add3A_3835, %select_n3A_3869 : vector<16xf32>
      %eq3A_3871 = arith.constant 4 : i32
      %eq3A_3872 = vector.broadcast %eq3A_3871 : i32 to vector<16xi32>
      %eq3A_3873 = arith.cmpi eq, %iota3A, %eq3A_3872 : vector<16xi32>
      %jit3A_3874 = arith.constant 1.000000e+00 : f32
      %jit3A_3875 = arith.constant 0.000000e+00 : f32
      %broadcast_in_dim3A_3876 = vector.broadcast %jit3A_3874 : f32 to vector<16xf32>
      %broadcast_in_dim3A_3877 = vector.broadcast %jit3A_3875 : f32 to vector<16xf32>
      %select_n3A_3878 = arith.select %eq3A_3855, %broadcast_in_dim3A_3876, %broadcast_in_dim3A_3877 : vector<16xi1>, vector<16xf32>
      %reduce_sum3A_3879 = arith.constant true
      %reduce_sum3A_3880 = vector.broadcast %reduce_sum3A_3879 : i1 to vector<16xi1>
      %reduce_sum3A_3881 = tpu.scan <sum>, %select_n3A_3878 masked %reduce_sum3A_3880 : vector<16xf32>, vector<16xi1> -> vector<16xf32>
      %reduce_sum3A_3882 = vector.extract %reduce_sum3A_3881[15] : f32 from vector<16xf32>
      %jit3A_3883 = arith.constant 0.000000e+00 : f32
      %broadcast_in_dim3A_3884 = vector.broadcast %reduce_sum3A_3882 : f32 to vector<16xf32>
      %broadcast_in_dim3A_3885 = vector.broadcast %jit3A_3883 : f32 to vector<16xf32>
      %select_n3A_3886 = arith.select %eq3A_3873, %broadcast_in_dim3A_3884, %broadcast_in_dim3A_3885 : vector<16xi1>, vector<16xf32>
      %add3A_3887 = arith.addf %add3A_3852, %select_n3A_3886 : vector<16xf32>
      %eq3A_3888 = arith.constant 5 : i32
      %eq3A_3889 = vector.broadcast %eq3A_3888 : i32 to vector<16xi32>
      %eq3A_3890 = arith.cmpi eq, %get3A_3712, %eq3A_3889 : vector<16xi32>
      %eq3A_3891 = arith.constant 5 : i32
      %eq3A_3892 = vector.broadcast %eq3A_3891 : i32 to vector<16xi32>
      %eq3A_3893 = arith.cmpi eq, %iota3A, %eq3A_3892 : vector<16xi32>
      %jit3A_3894 = arith.constant 0.000000e+00 : f32
      %broadcast_in_dim3A_3895 = vector.broadcast %jit3A_3894 : f32 to vector<16xf32>
      %select_n3A_3896 = arith.select %eq3A_3890, %get3A_3710, %broadcast_in_dim3A_3895 : vector<16xi1>, vector<16xf32>
      %reduce_sum3A_3897 = arith.constant true
      %reduce_sum3A_3898 = vector.broadcast %reduce_sum3A_3897 : i1 to vector<16xi1>
      %reduce_sum3A_3899 = tpu.scan <sum>, %select_n3A_3896 masked %reduce_sum3A_3898 : vector<16xf32>, vector<16xi1> -> vector<16xf32>
      %reduce_sum3A_3900 = vector.extract %reduce_sum3A_3899[15] : f32 from vector<16xf32>
      %jit3A_3901 = arith.constant 0.000000e+00 : f32
      %broadcast_in_dim3A_3902 = vector.broadcast %reduce_sum3A_3900 : f32 to vector<16xf32>
      %broadcast_in_dim3A_3903 = vector.broadcast %jit3A_3901 : f32 to vector<16xf32>
      %select_n3A_3904 = arith.select %eq3A_3893, %broadcast_in_dim3A_3902, %broadcast_in_dim3A_3903 : vector<16xi1>, vector<16xf32>
      %add3A_3905 = arith.addf %add3A_3870, %select_n3A_3904 : vector<16xf32>
      %eq3A_3906 = arith.constant 5 : i32
      %eq3A_3907 = vector.broadcast %eq3A_3906 : i32 to vector<16xi32>
      %eq3A_3908 = arith.cmpi eq, %iota3A, %eq3A_3907 : vector<16xi32>
      %jit3A_3909 = arith.constant 1.000000e+00 : f32
      %jit3A_3910 = arith.constant 0.000000e+00 : f32
      %broadcast_in_dim3A_3911 = vector.broadcast %jit3A_3909 : f32 to vector<16xf32>
      %broadcast_in_dim3A_3912 = vector.broadcast %jit3A_3910 : f32 to vector<16xf32>
      %select_n3A_3913 = arith.select %eq3A_3890, %broadcast_in_dim3A_3911, %broadcast_in_dim3A_3912 : vector<16xi1>, vector<16xf32>
      %reduce_sum3A_3914 = arith.constant true
      %reduce_sum3A_3915 = vector.broadcast %reduce_sum3A_3914 : i1 to vector<16xi1>
      %reduce_sum3A_3916 = tpu.scan <sum>, %select_n3A_3913 masked %reduce_sum3A_3915 : vector<16xf32>, vector<16xi1> -> vector<16xf32>
      %reduce_sum3A_3917 = vector.extract %reduce_sum3A_3916[15] : f32 from vector<16xf32>
      %jit3A_3918 = arith.constant 0.000000e+00 : f32
      %broadcast_in_dim3A_3919 = vector.broadcast %reduce_sum3A_3917 : f32 to vector<16xf32>
      %broadcast_in_dim3A_3920 = vector.broadcast %jit3A_3918 : f32 to vector<16xf32>
      %select_n3A_3921 = arith.select %eq3A_3908, %broadcast_in_dim3A_3919, %broadcast_in_dim3A_3920 : vector<16xi1>, vector<16xf32>
      %add3A_3922 = arith.addf %add3A_3887, %select_n3A_3921 : vector<16xf32>
      %eq3A_3923 = arith.constant 6 : i32
      %eq3A_3924 = vector.broadcast %eq3A_3923 : i32 to vector<16xi32>
      %eq3A_3925 = arith.cmpi eq, %get3A_3712, %eq3A_3924 : vector<16xi32>
      %eq3A_3926 = arith.constant 6 : i32
      %eq3A_3927 = vector.broadcast %eq3A_3926 : i32 to vector<16xi32>
      %eq3A_3928 = arith.cmpi eq, %iota3A, %eq3A_3927 : vector<16xi32>
      %jit3A_3929 = arith.constant 0.000000e+00 : f32
      %broadcast_in_dim3A_3930 = vector.broadcast %jit3A_3929 : f32 to vector<16xf32>
      %select_n3A_3931 = arith.select %eq3A_3925, %get3A_3710, %broadcast_in_dim3A_3930 : vector<16xi1>, vector<16xf32>
      %reduce_sum3A_3932 = arith.constant true
      %reduce_sum3A_3933 = vector.broadcast %reduce_sum3A_3932 : i1 to vector<16xi1>
      %reduce_sum3A_3934 = tpu.scan <sum>, %select_n3A_3931 masked %reduce_sum3A_3933 : vector<16xf32>, vector<16xi1> -> vector<16xf32>
      %reduce_sum3A_3935 = vector.extract %reduce_sum3A_3934[15] : f32 from vector<16xf32>
      %jit3A_3936 = arith.constant 0.000000e+00 : f32
      %broadcast_in_dim3A_3937 = vector.broadcast %reduce_sum3A_3935 : f32 to vector<16xf32>
      %broadcast_in_dim3A_3938 = vector.broadcast %jit3A_3936 : f32 to vector<16xf32>
      %select_n3A_3939 = arith.select %eq3A_3928, %broadcast_in_dim3A_3937, %broadcast_in_dim3A_3938 : vector<16xi1>, vector<16xf32>
      %add3A_3940 = arith.addf %add3A_3905, %select_n3A_3939 : vector<16xf32>
      %eq3A_3941 = arith.constant 6 : i32
      %eq3A_3942 = vector.broadcast %eq3A_3941 : i32 to vector<16xi32>
      %eq3A_3943 = arith.cmpi eq, %iota3A, %eq3A_3942 : vector<16xi32>
      %jit3A_3944 = arith.constant 1.000000e+00 : f32
      %jit3A_3945 = arith.constant 0.000000e+00 : f32
      %broadcast_in_dim3A_3946 = vector.broadcast %jit3A_3944 : f32 to vector<16xf32>
      %broadcast_in_dim3A_3947 = vector.broadcast %jit3A_3945 : f32 to vector<16xf32>
      %select_n3A_3948 = arith.select %eq3A_3925, %broadcast_in_dim3A_3946, %broadcast_in_dim3A_3947 : vector<16xi1>, vector<16xf32>
      %reduce_sum3A_3949 = arith.constant true
      %reduce_sum3A_3950 = vector.broadcast %reduce_sum3A_3949 : i1 to vector<16xi1>
      %reduce_sum3A_3951 = tpu.scan <sum>, %select_n3A_3948 masked %reduce_sum3A_3950 : vector<16xf32>, vector<16xi1> -> vector<16xf32>
      %reduce_sum3A_3952 = vector.extract %reduce_sum3A_3951[15] : f32 from vector<16xf32>
      %jit3A_3953 = arith.constant 0.000000e+00 : f32
      %broadcast_in_dim3A_3954 = vector.broadcast %reduce_sum3A_3952 : f32 to vector<16xf32>
      %broadcast_in_dim3A_3955 = vector.broadcast %jit3A_3953 : f32 to vector<16xf32>
      %select_n3A_3956 = arith.select %eq3A_3943, %broadcast_in_dim3A_3954, %broadcast_in_dim3A_3955 : vector<16xi1>, vector<16xf32>
      %add3A_3957 = arith.addf %add3A_3922, %select_n3A_3956 : vector<16xf32>
      %eq3A_3958 = arith.constant 7 : i32
      %eq3A_3959 = vector.broadcast %eq3A_3958 : i32 to vector<16xi32>
      %eq3A_3960 = arith.cmpi eq, %get3A_3712, %eq3A_3959 : vector<16xi32>
      %eq3A_3961 = arith.constant 7 : i32
      %eq3A_3962 = vector.broadcast %eq3A_3961 : i32 to vector<16xi32>
      %eq3A_3963 = arith.cmpi eq, %iota3A, %eq3A_3962 : vector<16xi32>
      %jit3A_3964 = arith.constant 0.000000e+00 : f32
      %broadcast_in_dim3A_3965 = vector.broadcast %jit3A_3964 : f32 to vector<16xf32>
      %select_n3A_3966 = arith.select %eq3A_3960, %get3A_3710, %broadcast_in_dim3A_3965 : vector<16xi1>, vector<16xf32>
      %reduce_sum3A_3967 = arith.constant true
      %reduce_sum3A_3968 = vector.broadcast %reduce_sum3A_3967 : i1 to vector<16xi1>
      %reduce_sum3A_3969 = tpu.scan <sum>, %select_n3A_3966 masked %reduce_sum3A_3968 : vector<16xf32>, vector<16xi1> -> vector<16xf32>
      %reduce_sum3A_3970 = vector.extract %reduce_sum3A_3969[15] : f32 from vector<16xf32>
      %jit3A_3971 = arith.constant 0.000000e+00 : f32
      %broadcast_in_dim3A_3972 = vector.broadcast %reduce_sum3A_3970 : f32 to vector<16xf32>
      %broadcast_in_dim3A_3973 = vector.broadcast %jit3A_3971 : f32 to vector<16xf32>
      %select_n3A_3974 = arith.select %eq3A_3963, %broadcast_in_dim3A_3972, %broadcast_in_dim3A_3973 : vector<16xi1>, vector<16xf32>
      %add3A_3975 = arith.addf %add3A_3940, %select_n3A_3974 : vector<16xf32>
      %eq3A_3976 = arith.constant 7 : i32
      %eq3A_3977 = vector.broadcast %eq3A_3976 : i32 to vector<16xi32>
      %eq3A_3978 = arith.cmpi eq, %iota3A, %eq3A_3977 : vector<16xi32>
      %jit3A_3979 = arith.constant 1.000000e+00 : f32
      %jit3A_3980 = arith.constant 0.000000e+00 : f32
      %broadcast_in_dim3A_3981 = vector.broadcast %jit3A_3979 : f32 to vector<16xf32>
      %broadcast_in_dim3A_3982 = vector.broadcast %jit3A_3980 : f32 to vector<16xf32>
      %select_n3A_3983 = arith.select %eq3A_3960, %broadcast_in_dim3A_3981, %broadcast_in_dim3A_3982 : vector<16xi1>, vector<16xf32>
      %reduce_sum3A_3984 = arith.constant true
      %reduce_sum3A_3985 = vector.broadcast %reduce_sum3A_3984 : i1 to vector<16xi1>
      %reduce_sum3A_3986 = tpu.scan <sum>, %select_n3A_3983 masked %reduce_sum3A_3985 : vector<16xf32>, vector<16xi1> -> vector<16xf32>
      %reduce_sum3A_3987 = vector.extract %reduce_sum3A_3986[15] : f32 from vector<16xf32>
      %jit3A_3988 = arith.constant 0.000000e+00 : f32
      %broadcast_in_dim3A_3989 = vector.broadcast %reduce_sum3A_3987 : f32 to vector<16xf32>
      %broadcast_in_dim3A_3990 = vector.broadcast %jit3A_3988 : f32 to vector<16xf32>
      %select_n3A_3991 = arith.select %eq3A_3978, %broadcast_in_dim3A_3989, %broadcast_in_dim3A_3990 : vector<16xi1>, vector<16xf32>
      %add3A_3992 = arith.addf %add3A_3957, %select_n3A_3991 : vector<16xf32>
      %get3A_3993 = arith.constant 224 : index
      %get3A_3994 = tpu.vector_load %arg6[%get3A_3993] {strides = array<i32>} : memref<256xf32, #tpu.memory_space<vmem>>, vector<16xf32>,
      %get3A_3995 = arith.constant 224 : index
      %get3A_3996 = tpu.vector_load %arg7[%get3A_3995] {strides = array<i32>} : memref<256xi32, #tpu.memory_space<vmem>>, vector<16xi32>,
      %eq3A_3997 = arith.constant 0 : i32
      %eq3A_3998 = vector.broadcast %eq3A_3997 : i32 to vector<16xi32>
      %eq3A_3999 = arith.cmpi eq, %get3A_3996, %eq3A_3998 : vector<16xi32>
      %eq3A_4000 = arith.constant 0 : i32
      %eq3A_4001 = vector.broadcast %eq3A_4000 : i32 to vector<16xi32>
      %eq3A_4002 = arith.cmpi eq, %iota3A, %eq3A_4001 : vector<16xi32>
      %jit3A_4003 = arith.constant 0.000000e+00 : f32
      %broadcast_in_dim3A_4004 = vector.broadcast %jit3A_4003 : f32 to vector<16xf32>
      %select_n3A_4005 = arith.select %eq3A_3999, %get3A_3994, %broadcast_in_dim3A_4004 : vector<16xi1>, vector<16xf32>
      %reduce_sum3A_4006 = arith.constant true
      %reduce_sum3A_4007 = vector.broadcast %reduce_sum3A_4006 : i1 to vector<16xi1>
      %reduce_sum3A_4008 = tpu.scan <sum>, %select_n3A_4005 masked %reduce_sum3A_4007 : vector<16xf32>, vector<16xi1> -> vector<16xf32>
      %reduce_sum3A_4009 = vector.extract %reduce_sum3A_4008[15] : f32 from vector<16xf32>
      %jit3A_4010 = arith.constant 0.000000e+00 : f32
      %broadcast_in_dim3A_4011 = vector.broadcast %reduce_sum3A_4009 : f32 to vector<16xf32>
      %broadcast_in_dim3A_4012 = vector.broadcast %jit3A_4010 : f32 to vector<16xf32>
      %select_n3A_4013 = arith.select %eq3A_4002, %broadcast_in_dim3A_4011, %broadcast_in_dim3A_4012 : vector<16xi1>, vector<16xf32>
      %add3A_4014 = arith.addf %add3A_3975, %select_n3A_4013 : vector<16xf32>
      %eq3A_4015 = arith.constant 0 : i32
      %eq3A_4016 = vector.broadcast %eq3A_4015 : i32 to vector<16xi32>
      %eq3A_4017 = arith.cmpi eq, %iota3A, %eq3A_4016 : vector<16xi32>
      %jit3A_4018 = arith.constant 1.000000e+00 : f32
      %jit3A_4019 = arith.constant 0.000000e+00 : f32
      %broadcast_in_dim3A_4020 = vector.broadcast %jit3A_4018 : f32 to vector<16xf32>
      %broadcast_in_dim3A_4021 = vector.broadcast %jit3A_4019 : f32 to vector<16xf32>
      %select_n3A_4022 = arith.select %eq3A_3999, %broadcast_in_dim3A_4020, %broadcast_in_dim3A_4021 : vector<16xi1>, vector<16xf32>
      %reduce_sum3A_4023 = arith.constant true
      %reduce_sum3A_4024 = vector.broadcast %reduce_sum3A_4023 : i1 to vector<16xi1>
      %reduce_sum3A_4025 = tpu.scan <sum>, %select_n3A_4022 masked %reduce_sum3A_4024 : vector<16xf32>, vector<16xi1> -> vector<16xf32>
      %reduce_sum3A_4026 = vector.extract %reduce_sum3A_4025[15] : f32 from vector<16xf32>
      %jit3A_4027 = arith.constant 0.000000e+00 : f32
      %broadcast_in_dim3A_4028 = vector.broadcast %reduce_sum3A_4026 : f32 to vector<16xf32>
      %broadcast_in_dim3A_4029 = vector.broadcast %jit3A_4027 : f32 to vector<16xf32>
      %select_n3A_4030 = arith.select %eq3A_4017, %broadcast_in_dim3A_4028, %broadcast_in_dim3A_4029 : vector<16xi1>, vector<16xf32>
      %add3A_4031 = arith.addf %add3A_3992, %select_n3A_4030 : vector<16xf32>
      %eq3A_4032 = arith.constant 1 : i32
      %eq3A_4033 = vector.broadcast %eq3A_4032 : i32 to vector<16xi32>
      %eq3A_4034 = arith.cmpi eq, %get3A_3996, %eq3A_4033 : vector<16xi32>
      %eq3A_4035 = arith.constant 1 : i32
      %eq3A_4036 = vector.broadcast %eq3A_4035 : i32 to vector<16xi32>
      %eq3A_4037 = arith.cmpi eq, %iota3A, %eq3A_4036 : vector<16xi32>
      %jit3A_4038 = arith.constant 0.000000e+00 : f32
      %broadcast_in_dim3A_4039 = vector.broadcast %jit3A_4038 : f32 to vector<16xf32>
      %select_n3A_4040 = arith.select %eq3A_4034, %get3A_3994, %broadcast_in_dim3A_4039 : vector<16xi1>, vector<16xf32>
      %reduce_sum3A_4041 = arith.constant true
      %reduce_sum3A_4042 = vector.broadcast %reduce_sum3A_4041 : i1 to vector<16xi1>
      %reduce_sum3A_4043 = tpu.scan <sum>, %select_n3A_4040 masked %reduce_sum3A_4042 : vector<16xf32>, vector<16xi1> -> vector<16xf32>
      %reduce_sum3A_4044 = vector.extract %reduce_sum3A_4043[15] : f32 from vector<16xf32>
      %jit3A_4045 = arith.constant 0.000000e+00 : f32
      %broadcast_in_dim3A_4046 = vector.broadcast %reduce_sum3A_4044 : f32 to vector<16xf32>
      %broadcast_in_dim3A_4047 = vector.broadcast %jit3A_4045 : f32 to vector<16xf32>
      %select_n3A_4048 = arith.select %eq3A_4037, %broadcast_in_dim3A_4046, %broadcast_in_dim3A_4047 : vector<16xi1>, vector<16xf32>
      %add3A_4049 = arith.addf %add3A_4014, %select_n3A_4048 : vector<16xf32>
      %eq3A_4050 = arith.constant 1 : i32
      %eq3A_4051 = vector.broadcast %eq3A_4050 : i32 to vector<16xi32>
      %eq3A_4052 = arith.cmpi eq, %iota3A, %eq3A_4051 : vector<16xi32>
      %jit3A_4053 = arith.constant 1.000000e+00 : f32
      %jit3A_4054 = arith.constant 0.000000e+00 : f32
      %broadcast_in_dim3A_4055 = vector.broadcast %jit3A_4053 : f32 to vector<16xf32>
      %broadcast_in_dim3A_4056 = vector.broadcast %jit3A_4054 : f32 to vector<16xf32>
      %select_n3A_4057 = arith.select %eq3A_4034, %broadcast_in_dim3A_4055, %broadcast_in_dim3A_4056 : vector<16xi1>, vector<16xf32>
      %reduce_sum3A_4058 = arith.constant true
      %reduce_sum3A_4059 = vector.broadcast %reduce_sum3A_4058 : i1 to vector<16xi1>
      %reduce_sum3A_4060 = tpu.scan <sum>, %select_n3A_4057 masked %reduce_sum3A_4059 : vector<16xf32>, vector<16xi1> -> vector<16xf32>
      %reduce_sum3A_4061 = vector.extract %reduce_sum3A_4060[15] : f32 from vector<16xf32>
      %jit3A_4062 = arith.constant 0.000000e+00 : f32
      %broadcast_in_dim3A_4063 = vector.broadcast %reduce_sum3A_4061 : f32 to vector<16xf32>
      %broadcast_in_dim3A_4064 = vector.broadcast %jit3A_4062 : f32 to vector<16xf32>
      %select_n3A_4065 = arith.select %eq3A_4052, %broadcast_in_dim3A_4063, %broadcast_in_dim3A_4064 : vector<16xi1>, vector<16xf32>
      %add3A_4066 = arith.addf %add3A_4031, %select_n3A_4065 : vector<16xf32>
      %eq3A_4067 = arith.constant 2 : i32
      %eq3A_4068 = vector.broadcast %eq3A_4067 : i32 to vector<16xi32>
      %eq3A_4069 = arith.cmpi eq, %get3A_3996, %eq3A_4068 : vector<16xi32>
      %eq3A_4070 = arith.constant 2 : i32
      %eq3A_4071 = vector.broadcast %eq3A_4070 : i32 to vector<16xi32>
      %eq3A_4072 = arith.cmpi eq, %iota3A, %eq3A_4071 : vector<16xi32>
      %jit3A_4073 = arith.constant 0.000000e+00 : f32
      %broadcast_in_dim3A_4074 = vector.broadcast %jit3A_4073 : f32 to vector<16xf32>
      %select_n3A_4075 = arith.select %eq3A_4069, %get3A_3994, %broadcast_in_dim3A_4074 : vector<16xi1>, vector<16xf32>
      %reduce_sum3A_4076 = arith.constant true
      %reduce_sum3A_4077 = vector.broadcast %reduce_sum3A_4076 : i1 to vector<16xi1>
      %reduce_sum3A_4078 = tpu.scan <sum>, %select_n3A_4075 masked %reduce_sum3A_4077 : vector<16xf32>, vector<16xi1> -> vector<16xf32>
      %reduce_sum3A_4079 = vector.extract %reduce_sum3A_4078[15] : f32 from vector<16xf32>
      %jit3A_4080 = arith.constant 0.000000e+00 : f32
      %broadcast_in_dim3A_4081 = vector.broadcast %reduce_sum3A_4079 : f32 to vector<16xf32>
      %broadcast_in_dim3A_4082 = vector.broadcast %jit3A_4080 : f32 to vector<16xf32>
      %select_n3A_4083 = arith.select %eq3A_4072, %broadcast_in_dim3A_4081, %broadcast_in_dim3A_4082 : vector<16xi1>, vector<16xf32>
      %add3A_4084 = arith.addf %add3A_4049, %select_n3A_4083 : vector<16xf32>
      %eq3A_4085 = arith.constant 2 : i32
      %eq3A_4086 = vector.broadcast %eq3A_4085 : i32 to vector<16xi32>
      %eq3A_4087 = arith.cmpi eq, %iota3A, %eq3A_4086 : vector<16xi32>
      %jit3A_4088 = arith.constant 1.000000e+00 : f32
      %jit3A_4089 = arith.constant 0.000000e+00 : f32
      %broadcast_in_dim3A_4090 = vector.broadcast %jit3A_4088 : f32 to vector<16xf32>
      %broadcast_in_dim3A_4091 = vector.broadcast %jit3A_4089 : f32 to vector<16xf32>
      %select_n3A_4092 = arith.select %eq3A_4069, %broadcast_in_dim3A_4090, %broadcast_in_dim3A_4091 : vector<16xi1>, vector<16xf32>
      %reduce_sum3A_4093 = arith.constant true
      %reduce_sum3A_4094 = vector.broadcast %reduce_sum3A_4093 : i1 to vector<16xi1>
      %reduce_sum3A_4095 = tpu.scan <sum>, %select_n3A_4092 masked %reduce_sum3A_4094 : vector<16xf32>, vector<16xi1> -> vector<16xf32>
      %reduce_sum3A_4096 = vector.extract %reduce_sum3A_4095[15] : f32 from vector<16xf32>
      %jit3A_4097 = arith.constant 0.000000e+00 : f32
      %broadcast_in_dim3A_4098 = vector.broadcast %reduce_sum3A_4096 : f32 to vector<16xf32>
      %broadcast_in_dim3A_4099 = vector.broadcast %jit3A_4097 : f32 to vector<16xf32>
      %select_n3A_4100 = arith.select %eq3A_4087, %broadcast_in_dim3A_4098, %broadcast_in_dim3A_4099 : vector<16xi1>, vector<16xf32>
      %add3A_4101 = arith.addf %add3A_4066, %select_n3A_4100 : vector<16xf32>
      %eq3A_4102 = arith.constant 3 : i32
      %eq3A_4103 = vector.broadcast %eq3A_4102 : i32 to vector<16xi32>
      %eq3A_4104 = arith.cmpi eq, %get3A_3996, %eq3A_4103 : vector<16xi32>
      %eq3A_4105 = arith.constant 3 : i32
      %eq3A_4106 = vector.broadcast %eq3A_4105 : i32 to vector<16xi32>
      %eq3A_4107 = arith.cmpi eq, %iota3A, %eq3A_4106 : vector<16xi32>
      %jit3A_4108 = arith.constant 0.000000e+00 : f32
      %broadcast_in_dim3A_4109 = vector.broadcast %jit3A_4108 : f32 to vector<16xf32>
      %select_n3A_4110 = arith.select %eq3A_4104, %get3A_3994, %broadcast_in_dim3A_4109 : vector<16xi1>, vector<16xf32>
      %reduce_sum3A_4111 = arith.constant true
      %reduce_sum3A_4112 = vector.broadcast %reduce_sum3A_4111 : i1 to vector<16xi1>
      %reduce_sum3A_4113 = tpu.scan <sum>, %select_n3A_4110 masked %reduce_sum3A_4112 : vector<16xf32>, vector<16xi1> -> vector<16xf32>
      %reduce_sum3A_4114 = vector.extract %reduce_sum3A_4113[15] : f32 from vector<16xf32>
      %jit3A_4115 = arith.constant 0.000000e+00 : f32
      %broadcast_in_dim3A_4116 = vector.broadcast %reduce_sum3A_4114 : f32 to vector<16xf32>
      %broadcast_in_dim3A_4117 = vector.broadcast %jit3A_4115 : f32 to vector<16xf32>
      %select_n3A_4118 = arith.select %eq3A_4107, %broadcast_in_dim3A_4116, %broadcast_in_dim3A_4117 : vector<16xi1>, vector<16xf32>
      %add3A_4119 = arith.addf %add3A_4084, %select_n3A_4118 : vector<16xf32>
      %eq3A_4120 = arith.constant 3 : i32
      %eq3A_4121 = vector.broadcast %eq3A_4120 : i32 to vector<16xi32>
      %eq3A_4122 = arith.cmpi eq, %iota3A, %eq3A_4121 : vector<16xi32>
      %jit3A_4123 = arith.constant 1.000000e+00 : f32
      %jit3A_4124 = arith.constant 0.000000e+00 : f32
      %broadcast_in_dim3A_4125 = vector.broadcast %jit3A_4123 : f32 to vector<16xf32>
      %broadcast_in_dim3A_4126 = vector.broadcast %jit3A_4124 : f32 to vector<16xf32>
      %select_n3A_4127 = arith.select %eq3A_4104, %broadcast_in_dim3A_4125, %broadcast_in_dim3A_4126 : vector<16xi1>, vector<16xf32>
      %reduce_sum3A_4128 = arith.constant true
      %reduce_sum3A_4129 = vector.broadcast %reduce_sum3A_4128 : i1 to vector<16xi1>
      %reduce_sum3A_4130 = tpu.scan <sum>, %select_n3A_4127 masked %reduce_sum3A_4129 : vector<16xf32>, vector<16xi1> -> vector<16xf32>
      %reduce_sum3A_4131 = vector.extract %reduce_sum3A_4130[15] : f32 from vector<16xf32>
      %jit3A_4132 = arith.constant 0.000000e+00 : f32
      %broadcast_in_dim3A_4133 = vector.broadcast %reduce_sum3A_4131 : f32 to vector<16xf32>
      %broadcast_in_dim3A_4134 = vector.broadcast %jit3A_4132 : f32 to vector<16xf32>
      %select_n3A_4135 = arith.select %eq3A_4122, %broadcast_in_dim3A_4133, %broadcast_in_dim3A_4134 : vector<16xi1>, vector<16xf32>
      %add3A_4136 = arith.addf %add3A_4101, %select_n3A_4135 : vector<16xf32>
      %eq3A_4137 = arith.constant 4 : i32
      %eq3A_4138 = vector.broadcast %eq3A_4137 : i32 to vector<16xi32>
      %eq3A_4139 = arith.cmpi eq, %get3A_3996, %eq3A_4138 : vector<16xi32>
      %eq3A_4140 = arith.constant 4 : i32
      %eq3A_4141 = vector.broadcast %eq3A_4140 : i32 to vector<16xi32>
      %eq3A_4142 = arith.cmpi eq, %iota3A, %eq3A_4141 : vector<16xi32>
      %jit3A_4143 = arith.constant 0.000000e+00 : f32
      %broadcast_in_dim3A_4144 = vector.broadcast %jit3A_4143 : f32 to vector<16xf32>
      %select_n3A_4145 = arith.select %eq3A_4139, %get3A_3994, %broadcast_in_dim3A_4144 : vector<16xi1>, vector<16xf32>
      %reduce_sum3A_4146 = arith.constant true
      %reduce_sum3A_4147 = vector.broadcast %reduce_sum3A_4146 : i1 to vector<16xi1>
      %reduce_sum3A_4148 = tpu.scan <sum>, %select_n3A_4145 masked %reduce_sum3A_4147 : vector<16xf32>, vector<16xi1> -> vector<16xf32>
      %reduce_sum3A_4149 = vector.extract %reduce_sum3A_4148[15] : f32 from vector<16xf32>
      %jit3A_4150 = arith.constant 0.000000e+00 : f32
      %broadcast_in_dim3A_4151 = vector.broadcast %reduce_sum3A_4149 : f32 to vector<16xf32>
      %broadcast_in_dim3A_4152 = vector.broadcast %jit3A_4150 : f32 to vector<16xf32>
      %select_n3A_4153 = arith.select %eq3A_4142, %broadcast_in_dim3A_4151, %broadcast_in_dim3A_4152 : vector<16xi1>, vector<16xf32>
      %add3A_4154 = arith.addf %add3A_4119, %select_n3A_4153 : vector<16xf32>
      %eq3A_4155 = arith.constant 4 : i32
      %eq3A_4156 = vector.broadcast %eq3A_4155 : i32 to vector<16xi32>
      %eq3A_4157 = arith.cmpi eq, %iota3A, %eq3A_4156 : vector<16xi32>
      %jit3A_4158 = arith.constant 1.000000e+00 : f32
      %jit3A_4159 = arith.constant 0.000000e+00 : f32
      %broadcast_in_dim3A_4160 = vector.broadcast %jit3A_4158 : f32 to vector<16xf32>
      %broadcast_in_dim3A_4161 = vector.broadcast %jit3A_4159 : f32 to vector<16xf32>
      %select_n3A_4162 = arith.select %eq3A_4139, %broadcast_in_dim3A_4160, %broadcast_in_dim3A_4161 : vector<16xi1>, vector<16xf32>
      %reduce_sum3A_4163 = arith.constant true
      %reduce_sum3A_4164 = vector.broadcast %reduce_sum3A_4163 : i1 to vector<16xi1>
      %reduce_sum3A_4165 = tpu.scan <sum>, %select_n3A_4162 masked %reduce_sum3A_4164 : vector<16xf32>, vector<16xi1> -> vector<16xf32>
      %reduce_sum3A_4166 = vector.extract %reduce_sum3A_4165[15] : f32 from vector<16xf32>
      %jit3A_4167 = arith.constant 0.000000e+00 : f32
      %broadcast_in_dim3A_4168 = vector.broadcast %reduce_sum3A_4166 : f32 to vector<16xf32>
      %broadcast_in_dim3A_4169 = vector.broadcast %jit3A_4167 : f32 to vector<16xf32>
      %select_n3A_4170 = arith.select %eq3A_4157, %broadcast_in_dim3A_4168, %broadcast_in_dim3A_4169 : vector<16xi1>, vector<16xf32>
      %add3A_4171 = arith.addf %add3A_4136, %select_n3A_4170 : vector<16xf32>
      %eq3A_4172 = arith.constant 5 : i32
      %eq3A_4173 = vector.broadcast %eq3A_4172 : i32 to vector<16xi32>
      %eq3A_4174 = arith.cmpi eq, %get3A_3996, %eq3A_4173 : vector<16xi32>
      %eq3A_4175 = arith.constant 5 : i32
      %eq3A_4176 = vector.broadcast %eq3A_4175 : i32 to vector<16xi32>
      %eq3A_4177 = arith.cmpi eq, %iota3A, %eq3A_4176 : vector<16xi32>
      %jit3A_4178 = arith.constant 0.000000e+00 : f32
      %broadcast_in_dim3A_4179 = vector.broadcast %jit3A_4178 : f32 to vector<16xf32>
      %select_n3A_4180 = arith.select %eq3A_4174, %get3A_3994, %broadcast_in_dim3A_4179 : vector<16xi1>, vector<16xf32>
      %reduce_sum3A_4181 = arith.constant true
      %reduce_sum3A_4182 = vector.broadcast %reduce_sum3A_4181 : i1 to vector<16xi1>
      %reduce_sum3A_4183 = tpu.scan <sum>, %select_n3A_4180 masked %reduce_sum3A_4182 : vector<16xf32>, vector<16xi1> -> vector<16xf32>
      %reduce_sum3A_4184 = vector.extract %reduce_sum3A_4183[15] : f32 from vector<16xf32>
      %jit3A_4185 = arith.constant 0.000000e+00 : f32
      %broadcast_in_dim3A_4186 = vector.broadcast %reduce_sum3A_4184 : f32 to vector<16xf32>
      %broadcast_in_dim3A_4187 = vector.broadcast %jit3A_4185 : f32 to vector<16xf32>
      %select_n3A_4188 = arith.select %eq3A_4177, %broadcast_in_dim3A_4186, %broadcast_in_dim3A_4187 : vector<16xi1>, vector<16xf32>
      %add3A_4189 = arith.addf %add3A_4154, %select_n3A_4188 : vector<16xf32>
      %eq3A_4190 = arith.constant 5 : i32
      %eq3A_4191 = vector.broadcast %eq3A_4190 : i32 to vector<16xi32>
      %eq3A_4192 = arith.cmpi eq, %iota3A, %eq3A_4191 : vector<16xi32>
      %jit3A_4193 = arith.constant 1.000000e+00 : f32
      %jit3A_4194 = arith.constant 0.000000e+00 : f32
      %broadcast_in_dim3A_4195 = vector.broadcast %jit3A_4193 : f32 to vector<16xf32>
      %broadcast_in_dim3A_4196 = vector.broadcast %jit3A_4194 : f32 to vector<16xf32>
      %select_n3A_4197 = arith.select %eq3A_4174, %broadcast_in_dim3A_4195, %broadcast_in_dim3A_4196 : vector<16xi1>, vector<16xf32>
      %reduce_sum3A_4198 = arith.constant true
      %reduce_sum3A_4199 = vector.broadcast %reduce_sum3A_4198 : i1 to vector<16xi1>
      %reduce_sum3A_4200 = tpu.scan <sum>, %select_n3A_4197 masked %reduce_sum3A_4199 : vector<16xf32>, vector<16xi1> -> vector<16xf32>
      %reduce_sum3A_4201 = vector.extract %reduce_sum3A_4200[15] : f32 from vector<16xf32>
      %jit3A_4202 = arith.constant 0.000000e+00 : f32
      %broadcast_in_dim3A_4203 = vector.broadcast %reduce_sum3A_4201 : f32 to vector<16xf32>
      %broadcast_in_dim3A_4204 = vector.broadcast %jit3A_4202 : f32 to vector<16xf32>
      %select_n3A_4205 = arith.select %eq3A_4192, %broadcast_in_dim3A_4203, %broadcast_in_dim3A_4204 : vector<16xi1>, vector<16xf32>
      %add3A_4206 = arith.addf %add3A_4171, %select_n3A_4205 : vector<16xf32>
      %eq3A_4207 = arith.constant 6 : i32
      %eq3A_4208 = vector.broadcast %eq3A_4207 : i32 to vector<16xi32>
      %eq3A_4209 = arith.cmpi eq, %get3A_3996, %eq3A_4208 : vector<16xi32>
      %eq3A_4210 = arith.constant 6 : i32
      %eq3A_4211 = vector.broadcast %eq3A_4210 : i32 to vector<16xi32>
      %eq3A_4212 = arith.cmpi eq, %iota3A, %eq3A_4211 : vector<16xi32>
      %jit3A_4213 = arith.constant 0.000000e+00 : f32
      %broadcast_in_dim3A_4214 = vector.broadcast %jit3A_4213 : f32 to vector<16xf32>
      %select_n3A_4215 = arith.select %eq3A_4209, %get3A_3994, %broadcast_in_dim3A_4214 : vector<16xi1>, vector<16xf32>
      %reduce_sum3A_4216 = arith.constant true
      %reduce_sum3A_4217 = vector.broadcast %reduce_sum3A_4216 : i1 to vector<16xi1>
      %reduce_sum3A_4218 = tpu.scan <sum>, %select_n3A_4215 masked %reduce_sum3A_4217 : vector<16xf32>, vector<16xi1> -> vector<16xf32>
      %reduce_sum3A_4219 = vector.extract %reduce_sum3A_4218[15] : f32 from vector<16xf32>
      %jit3A_4220 = arith.constant 0.000000e+00 : f32
      %broadcast_in_dim3A_4221 = vector.broadcast %reduce_sum3A_4219 : f32 to vector<16xf32>
      %broadcast_in_dim3A_4222 = vector.broadcast %jit3A_4220 : f32 to vector<16xf32>
      %select_n3A_4223 = arith.select %eq3A_4212, %broadcast_in_dim3A_4221, %broadcast_in_dim3A_4222 : vector<16xi1>, vector<16xf32>
      %add3A_4224 = arith.addf %add3A_4189, %select_n3A_4223 : vector<16xf32>
      %eq3A_4225 = arith.constant 6 : i32
      %eq3A_4226 = vector.broadcast %eq3A_4225 : i32 to vector<16xi32>
      %eq3A_4227 = arith.cmpi eq, %iota3A, %eq3A_4226 : vector<16xi32>
      %jit3A_4228 = arith.constant 1.000000e+00 : f32
      %jit3A_4229 = arith.constant 0.000000e+00 : f32
      %broadcast_in_dim3A_4230 = vector.broadcast %jit3A_4228 : f32 to vector<16xf32>
      %broadcast_in_dim3A_4231 = vector.broadcast %jit3A_4229 : f32 to vector<16xf32>
      %select_n3A_4232 = arith.select %eq3A_4209, %broadcast_in_dim3A_4230, %broadcast_in_dim3A_4231 : vector<16xi1>, vector<16xf32>
      %reduce_sum3A_4233 = arith.constant true
      %reduce_sum3A_4234 = vector.broadcast %reduce_sum3A_4233 : i1 to vector<16xi1>
      %reduce_sum3A_4235 = tpu.scan <sum>, %select_n3A_4232 masked %reduce_sum3A_4234 : vector<16xf32>, vector<16xi1> -> vector<16xf32>
      %reduce_sum3A_4236 = vector.extract %reduce_sum3A_4235[15] : f32 from vector<16xf32>
      %jit3A_4237 = arith.constant 0.000000e+00 : f32
      %broadcast_in_dim3A_4238 = vector.broadcast %reduce_sum3A_4236 : f32 to vector<16xf32>
      %broadcast_in_dim3A_4239 = vector.broadcast %jit3A_4237 : f32 to vector<16xf32>
      %select_n3A_4240 = arith.select %eq3A_4227, %broadcast_in_dim3A_4238, %broadcast_in_dim3A_4239 : vector<16xi1>, vector<16xf32>
      %add3A_4241 = arith.addf %add3A_4206, %select_n3A_4240 : vector<16xf32>
      %eq3A_4242 = arith.constant 7 : i32
      %eq3A_4243 = vector.broadcast %eq3A_4242 : i32 to vector<16xi32>
      %eq3A_4244 = arith.cmpi eq, %get3A_3996, %eq3A_4243 : vector<16xi32>
      %eq3A_4245 = arith.constant 7 : i32
      %eq3A_4246 = vector.broadcast %eq3A_4245 : i32 to vector<16xi32>
      %eq3A_4247 = arith.cmpi eq, %iota3A, %eq3A_4246 : vector<16xi32>
      %jit3A_4248 = arith.constant 0.000000e+00 : f32
      %broadcast_in_dim3A_4249 = vector.broadcast %jit3A_4248 : f32 to vector<16xf32>
      %select_n3A_4250 = arith.select %eq3A_4244, %get3A_3994, %broadcast_in_dim3A_4249 : vector<16xi1>, vector<16xf32>
      %reduce_sum3A_4251 = arith.constant true
      %reduce_sum3A_4252 = vector.broadcast %reduce_sum3A_4251 : i1 to vector<16xi1>
      %reduce_sum3A_4253 = tpu.scan <sum>, %select_n3A_4250 masked %reduce_sum3A_4252 : vector<16xf32>, vector<16xi1> -> vector<16xf32>
      %reduce_sum3A_4254 = vector.extract %reduce_sum3A_4253[15] : f32 from vector<16xf32>
      %jit3A_4255 = arith.constant 0.000000e+00 : f32
      %broadcast_in_dim3A_4256 = vector.broadcast %reduce_sum3A_4254 : f32 to vector<16xf32>
      %broadcast_in_dim3A_4257 = vector.broadcast %jit3A_4255 : f32 to vector<16xf32>
      %select_n3A_4258 = arith.select %eq3A_4247, %broadcast_in_dim3A_4256, %broadcast_in_dim3A_4257 : vector<16xi1>, vector<16xf32>
      %add3A_4259 = arith.addf %add3A_4224, %select_n3A_4258 : vector<16xf32>
      %eq3A_4260 = arith.constant 7 : i32
      %eq3A_4261 = vector.broadcast %eq3A_4260 : i32 to vector<16xi32>
      %eq3A_4262 = arith.cmpi eq, %iota3A, %eq3A_4261 : vector<16xi32>
      %jit3A_4263 = arith.constant 1.000000e+00 : f32
      %jit3A_4264 = arith.constant 0.000000e+00 : f32
      %broadcast_in_dim3A_4265 = vector.broadcast %jit3A_4263 : f32 to vector<16xf32>
      %broadcast_in_dim3A_4266 = vector.broadcast %jit3A_4264 : f32 to vector<16xf32>
      %select_n3A_4267 = arith.select %eq3A_4244, %broadcast_in_dim3A_4265, %broadcast_in_dim3A_4266 : vector<16xi1>, vector<16xf32>
      %reduce_sum3A_4268 = arith.constant true
      %reduce_sum3A_4269 = vector.broadcast %reduce_sum3A_4268 : i1 to vector<16xi1>
      %reduce_sum3A_4270 = tpu.scan <sum>, %select_n3A_4267 masked %reduce_sum3A_4269 : vector<16xf32>, vector<16xi1> -> vector<16xf32>
      %reduce_sum3A_4271 = vector.extract %reduce_sum3A_4270[15] : f32 from vector<16xf32>
      %jit3A_4272 = arith.constant 0.000000e+00 : f32
      %broadcast_in_dim3A_4273 = vector.broadcast %reduce_sum3A_4271 : f32 to vector<16xf32>
      %broadcast_in_dim3A_4274 = vector.broadcast %jit3A_4272 : f32 to vector<16xf32>
      %select_n3A_4275 = arith.select %eq3A_4262, %broadcast_in_dim3A_4273, %broadcast_in_dim3A_4274 : vector<16xi1>, vector<16xf32>
      %add3A_4276 = arith.addf %add3A_4241, %select_n3A_4275 : vector<16xf32>
      %get3A_4277 = arith.constant 240 : index
      %get3A_4278 = tpu.vector_load %arg6[%get3A_4277] {strides = array<i32>} : memref<256xf32, #tpu.memory_space<vmem>>, vector<16xf32>,
      %get3A_4279 = arith.constant 240 : index
      %get3A_4280 = tpu.vector_load %arg7[%get3A_4279] {strides = array<i32>} : memref<256xi32, #tpu.memory_space<vmem>>, vector<16xi32>,
      %eq3A_4281 = arith.constant 0 : i32
      %eq3A_4282 = vector.broadcast %eq3A_4281 : i32 to vector<16xi32>
      %eq3A_4283 = arith.cmpi eq, %get3A_4280, %eq3A_4282 : vector<16xi32>
      %eq3A_4284 = arith.constant 0 : i32
      %eq3A_4285 = vector.broadcast %eq3A_4284 : i32 to vector<16xi32>
      %eq3A_4286 = arith.cmpi eq, %iota3A, %eq3A_4285 : vector<16xi32>
      %jit3A_4287 = arith.constant 0.000000e+00 : f32
      %broadcast_in_dim3A_4288 = vector.broadcast %jit3A_4287 : f32 to vector<16xf32>
      %select_n3A_4289 = arith.select %eq3A_4283, %get3A_4278, %broadcast_in_dim3A_4288 : vector<16xi1>, vector<16xf32>
      %reduce_sum3A_4290 = arith.constant true
      %reduce_sum3A_4291 = vector.broadcast %reduce_sum3A_4290 : i1 to vector<16xi1>
      %reduce_sum3A_4292 = tpu.scan <sum>, %select_n3A_4289 masked %reduce_sum3A_4291 : vector<16xf32>, vector<16xi1> -> vector<16xf32>
      %reduce_sum3A_4293 = vector.extract %reduce_sum3A_4292[15] : f32 from vector<16xf32>
      %jit3A_4294 = arith.constant 0.000000e+00 : f32
      %broadcast_in_dim3A_4295 = vector.broadcast %reduce_sum3A_4293 : f32 to vector<16xf32>
      %broadcast_in_dim3A_4296 = vector.broadcast %jit3A_4294 : f32 to vector<16xf32>
      %select_n3A_4297 = arith.select %eq3A_4286, %broadcast_in_dim3A_4295, %broadcast_in_dim3A_4296 : vector<16xi1>, vector<16xf32>
      %add3A_4298 = arith.addf %add3A_4259, %select_n3A_4297 : vector<16xf32>
      %eq3A_4299 = arith.constant 0 : i32
      %eq3A_4300 = vector.broadcast %eq3A_4299 : i32 to vector<16xi32>
      %eq3A_4301 = arith.cmpi eq, %iota3A, %eq3A_4300 : vector<16xi32>
      %jit3A_4302 = arith.constant 1.000000e+00 : f32
      %jit3A_4303 = arith.constant 0.000000e+00 : f32
      %broadcast_in_dim3A_4304 = vector.broadcast %jit3A_4302 : f32 to vector<16xf32>
      %broadcast_in_dim3A_4305 = vector.broadcast %jit3A_4303 : f32 to vector<16xf32>
      %select_n3A_4306 = arith.select %eq3A_4283, %broadcast_in_dim3A_4304, %broadcast_in_dim3A_4305 : vector<16xi1>, vector<16xf32>
      %reduce_sum3A_4307 = arith.constant true
      %reduce_sum3A_4308 = vector.broadcast %reduce_sum3A_4307 : i1 to vector<16xi1>
      %reduce_sum3A_4309 = tpu.scan <sum>, %select_n3A_4306 masked %reduce_sum3A_4308 : vector<16xf32>, vector<16xi1> -> vector<16xf32>
      %reduce_sum3A_4310 = vector.extract %reduce_sum3A_4309[15] : f32 from vector<16xf32>
      %jit3A_4311 = arith.constant 0.000000e+00 : f32
      %broadcast_in_dim3A_4312 = vector.broadcast %reduce_sum3A_4310 : f32 to vector<16xf32>
      %broadcast_in_dim3A_4313 = vector.broadcast %jit3A_4311 : f32 to vector<16xf32>
      %select_n3A_4314 = arith.select %eq3A_4301, %broadcast_in_dim3A_4312, %broadcast_in_dim3A_4313 : vector<16xi1>, vector<16xf32>
      %add3A_4315 = arith.addf %add3A_4276, %select_n3A_4314 : vector<16xf32>
      %eq3A_4316 = arith.constant 1 : i32
      %eq3A_4317 = vector.broadcast %eq3A_4316 : i32 to vector<16xi32>
      %eq3A_4318 = arith.cmpi eq, %get3A_4280, %eq3A_4317 : vector<16xi32>
      %eq3A_4319 = arith.constant 1 : i32
      %eq3A_4320 = vector.broadcast %eq3A_4319 : i32 to vector<16xi32>
      %eq3A_4321 = arith.cmpi eq, %iota3A, %eq3A_4320 : vector<16xi32>
      %jit3A_4322 = arith.constant 0.000000e+00 : f32
      %broadcast_in_dim3A_4323 = vector.broadcast %jit3A_4322 : f32 to vector<16xf32>
      %select_n3A_4324 = arith.select %eq3A_4318, %get3A_4278, %broadcast_in_dim3A_4323 : vector<16xi1>, vector<16xf32>
      %reduce_sum3A_4325 = arith.constant true
      %reduce_sum3A_4326 = vector.broadcast %reduce_sum3A_4325 : i1 to vector<16xi1>
      %reduce_sum3A_4327 = tpu.scan <sum>, %select_n3A_4324 masked %reduce_sum3A_4326 : vector<16xf32>, vector<16xi1> -> vector<16xf32>
      %reduce_sum3A_4328 = vector.extract %reduce_sum3A_4327[15] : f32 from vector<16xf32>
      %jit3A_4329 = arith.constant 0.000000e+00 : f32
      %broadcast_in_dim3A_4330 = vector.broadcast %reduce_sum3A_4328 : f32 to vector<16xf32>
      %broadcast_in_dim3A_4331 = vector.broadcast %jit3A_4329 : f32 to vector<16xf32>
      %select_n3A_4332 = arith.select %eq3A_4321, %broadcast_in_dim3A_4330, %broadcast_in_dim3A_4331 : vector<16xi1>, vector<16xf32>
      %add3A_4333 = arith.addf %add3A_4298, %select_n3A_4332 : vector<16xf32>
      %eq3A_4334 = arith.constant 1 : i32
      %eq3A_4335 = vector.broadcast %eq3A_4334 : i32 to vector<16xi32>
      %eq3A_4336 = arith.cmpi eq, %iota3A, %eq3A_4335 : vector<16xi32>
      %jit3A_4337 = arith.constant 1.000000e+00 : f32
      %jit3A_4338 = arith.constant 0.000000e+00 : f32
      %broadcast_in_dim3A_4339 = vector.broadcast %jit3A_4337 : f32 to vector<16xf32>
      %broadcast_in_dim3A_4340 = vector.broadcast %jit3A_4338 : f32 to vector<16xf32>
      %select_n3A_4341 = arith.select %eq3A_4318, %broadcast_in_dim3A_4339, %broadcast_in_dim3A_4340 : vector<16xi1>, vector<16xf32>
      %reduce_sum3A_4342 = arith.constant true
      %reduce_sum3A_4343 = vector.broadcast %reduce_sum3A_4342 : i1 to vector<16xi1>
      %reduce_sum3A_4344 = tpu.scan <sum>, %select_n3A_4341 masked %reduce_sum3A_4343 : vector<16xf32>, vector<16xi1> -> vector<16xf32>
      %reduce_sum3A_4345 = vector.extract %reduce_sum3A_4344[15] : f32 from vector<16xf32>
      %jit3A_4346 = arith.constant 0.000000e+00 : f32
      %broadcast_in_dim3A_4347 = vector.broadcast %reduce_sum3A_4345 : f32 to vector<16xf32>
      %broadcast_in_dim3A_4348 = vector.broadcast %jit3A_4346 : f32 to vector<16xf32>
      %select_n3A_4349 = arith.select %eq3A_4336, %broadcast_in_dim3A_4347, %broadcast_in_dim3A_4348 : vector<16xi1>, vector<16xf32>
      %add3A_4350 = arith.addf %add3A_4315, %select_n3A_4349 : vector<16xf32>
      %eq3A_4351 = arith.constant 2 : i32
      %eq3A_4352 = vector.broadcast %eq3A_4351 : i32 to vector<16xi32>
      %eq3A_4353 = arith.cmpi eq, %get3A_4280, %eq3A_4352 : vector<16xi32>
      %eq3A_4354 = arith.constant 2 : i32
      %eq3A_4355 = vector.broadcast %eq3A_4354 : i32 to vector<16xi32>
      %eq3A_4356 = arith.cmpi eq, %iota3A, %eq3A_4355 : vector<16xi32>
      %jit3A_4357 = arith.constant 0.000000e+00 : f32
      %broadcast_in_dim3A_4358 = vector.broadcast %jit3A_4357 : f32 to vector<16xf32>
      %select_n3A_4359 = arith.select %eq3A_4353, %get3A_4278, %broadcast_in_dim3A_4358 : vector<16xi1>, vector<16xf32>
      %reduce_sum3A_4360 = arith.constant true
      %reduce_sum3A_4361 = vector.broadcast %reduce_sum3A_4360 : i1 to vector<16xi1>
      %reduce_sum3A_4362 = tpu.scan <sum>, %select_n3A_4359 masked %reduce_sum3A_4361 : vector<16xf32>, vector<16xi1> -> vector<16xf32>
      %reduce_sum3A_4363 = vector.extract %reduce_sum3A_4362[15] : f32 from vector<16xf32>
      %jit3A_4364 = arith.constant 0.000000e+00 : f32
      %broadcast_in_dim3A_4365 = vector.broadcast %reduce_sum3A_4363 : f32 to vector<16xf32>
      %broadcast_in_dim3A_4366 = vector.broadcast %jit3A_4364 : f32 to vector<16xf32>
      %select_n3A_4367 = arith.select %eq3A_4356, %broadcast_in_dim3A_4365, %broadcast_in_dim3A_4366 : vector<16xi1>, vector<16xf32>
      %add3A_4368 = arith.addf %add3A_4333, %select_n3A_4367 : vector<16xf32>
      %eq3A_4369 = arith.constant 2 : i32
      %eq3A_4370 = vector.broadcast %eq3A_4369 : i32 to vector<16xi32>
      %eq3A_4371 = arith.cmpi eq, %iota3A, %eq3A_4370 : vector<16xi32>
      %jit3A_4372 = arith.constant 1.000000e+00 : f32
      %jit3A_4373 = arith.constant 0.000000e+00 : f32
      %broadcast_in_dim3A_4374 = vector.broadcast %jit3A_4372 : f32 to vector<16xf32>
      %broadcast_in_dim3A_4375 = vector.broadcast %jit3A_4373 : f32 to vector<16xf32>
      %select_n3A_4376 = arith.select %eq3A_4353, %broadcast_in_dim3A_4374, %broadcast_in_dim3A_4375 : vector<16xi1>, vector<16xf32>
      %reduce_sum3A_4377 = arith.constant true
      %reduce_sum3A_4378 = vector.broadcast %reduce_sum3A_4377 : i1 to vector<16xi1>
      %reduce_sum3A_4379 = tpu.scan <sum>, %select_n3A_4376 masked %reduce_sum3A_4378 : vector<16xf32>, vector<16xi1> -> vector<16xf32>
      %reduce_sum3A_4380 = vector.extract %reduce_sum3A_4379[15] : f32 from vector<16xf32>
      %jit3A_4381 = arith.constant 0.000000e+00 : f32
      %broadcast_in_dim3A_4382 = vector.broadcast %reduce_sum3A_4380 : f32 to vector<16xf32>
      %broadcast_in_dim3A_4383 = vector.broadcast %jit3A_4381 : f32 to vector<16xf32>
      %select_n3A_4384 = arith.select %eq3A_4371, %broadcast_in_dim3A_4382, %broadcast_in_dim3A_4383 : vector<16xi1>, vector<16xf32>
      %add3A_4385 = arith.addf %add3A_4350, %select_n3A_4384 : vector<16xf32>
      %eq3A_4386 = arith.constant 3 : i32
      %eq3A_4387 = vector.broadcast %eq3A_4386 : i32 to vector<16xi32>
      %eq3A_4388 = arith.cmpi eq, %get3A_4280, %eq3A_4387 : vector<16xi32>
      %eq3A_4389 = arith.constant 3 : i32
      %eq3A_4390 = vector.broadcast %eq3A_4389 : i32 to vector<16xi32>
      %eq3A_4391 = arith.cmpi eq, %iota3A, %eq3A_4390 : vector<16xi32>
      %jit3A_4392 = arith.constant 0.000000e+00 : f32
      %broadcast_in_dim3A_4393 = vector.broadcast %jit3A_4392 : f32 to vector<16xf32>
      %select_n3A_4394 = arith.select %eq3A_4388, %get3A_4278, %broadcast_in_dim3A_4393 : vector<16xi1>, vector<16xf32>
      %reduce_sum3A_4395 = arith.constant true
      %reduce_sum3A_4396 = vector.broadcast %reduce_sum3A_4395 : i1 to vector<16xi1>
      %reduce_sum3A_4397 = tpu.scan <sum>, %select_n3A_4394 masked %reduce_sum3A_4396 : vector<16xf32>, vector<16xi1> -> vector<16xf32>
      %reduce_sum3A_4398 = vector.extract %reduce_sum3A_4397[15] : f32 from vector<16xf32>
      %jit3A_4399 = arith.constant 0.000000e+00 : f32
      %broadcast_in_dim3A_4400 = vector.broadcast %reduce_sum3A_4398 : f32 to vector<16xf32>
      %broadcast_in_dim3A_4401 = vector.broadcast %jit3A_4399 : f32 to vector<16xf32>
      %select_n3A_4402 = arith.select %eq3A_4391, %broadcast_in_dim3A_4400, %broadcast_in_dim3A_4401 : vector<16xi1>, vector<16xf32>
      %add3A_4403 = arith.addf %add3A_4368, %select_n3A_4402 : vector<16xf32>
      %eq3A_4404 = arith.constant 3 : i32
      %eq3A_4405 = vector.broadcast %eq3A_4404 : i32 to vector<16xi32>
      %eq3A_4406 = arith.cmpi eq, %iota3A, %eq3A_4405 : vector<16xi32>
      %jit3A_4407 = arith.constant 1.000000e+00 : f32
      %jit3A_4408 = arith.constant 0.000000e+00 : f32
      %broadcast_in_dim3A_4409 = vector.broadcast %jit3A_4407 : f32 to vector<16xf32>
      %broadcast_in_dim3A_4410 = vector.broadcast %jit3A_4408 : f32 to vector<16xf32>
      %select_n3A_4411 = arith.select %eq3A_4388, %broadcast_in_dim3A_4409, %broadcast_in_dim3A_4410 : vector<16xi1>, vector<16xf32>
      %reduce_sum3A_4412 = arith.constant true
      %reduce_sum3A_4413 = vector.broadcast %reduce_sum3A_4412 : i1 to vector<16xi1>
      %reduce_sum3A_4414 = tpu.scan <sum>, %select_n3A_4411 masked %reduce_sum3A_4413 : vector<16xf32>, vector<16xi1> -> vector<16xf32>
      %reduce_sum3A_4415 = vector.extract %reduce_sum3A_4414[15] : f32 from vector<16xf32>
      %jit3A_4416 = arith.constant 0.000000e+00 : f32
      %broadcast_in_dim3A_4417 = vector.broadcast %reduce_sum3A_4415 : f32 to vector<16xf32>
      %broadcast_in_dim3A_4418 = vector.broadcast %jit3A_4416 : f32 to vector<16xf32>
      %select_n3A_4419 = arith.select %eq3A_4406, %broadcast_in_dim3A_4417, %broadcast_in_dim3A_4418 : vector<16xi1>, vector<16xf32>
      %add3A_4420 = arith.addf %add3A_4385, %select_n3A_4419 : vector<16xf32>
      %eq3A_4421 = arith.constant 4 : i32
      %eq3A_4422 = vector.broadcast %eq3A_4421 : i32 to vector<16xi32>
      %eq3A_4423 = arith.cmpi eq, %get3A_4280, %eq3A_4422 : vector<16xi32>
      %eq3A_4424 = arith.constant 4 : i32
      %eq3A_4425 = vector.broadcast %eq3A_4424 : i32 to vector<16xi32>
      %eq3A_4426 = arith.cmpi eq, %iota3A, %eq3A_4425 : vector<16xi32>
      %jit3A_4427 = arith.constant 0.000000e+00 : f32
      %broadcast_in_dim3A_4428 = vector.broadcast %jit3A_4427 : f32 to vector<16xf32>
      %select_n3A_4429 = arith.select %eq3A_4423, %get3A_4278, %broadcast_in_dim3A_4428 : vector<16xi1>, vector<16xf32>
      %reduce_sum3A_4430 = arith.constant true
      %reduce_sum3A_4431 = vector.broadcast %reduce_sum3A_4430 : i1 to vector<16xi1>
      %reduce_sum3A_4432 = tpu.scan <sum>, %select_n3A_4429 masked %reduce_sum3A_4431 : vector<16xf32>, vector<16xi1> -> vector<16xf32>
      %reduce_sum3A_4433 = vector.extract %reduce_sum3A_4432[15] : f32 from vector<16xf32>
      %jit3A_4434 = arith.constant 0.000000e+00 : f32
      %broadcast_in_dim3A_4435 = vector.broadcast %reduce_sum3A_4433 : f32 to vector<16xf32>
      %broadcast_in_dim3A_4436 = vector.broadcast %jit3A_4434 : f32 to vector<16xf32>
      %select_n3A_4437 = arith.select %eq3A_4426, %broadcast_in_dim3A_4435, %broadcast_in_dim3A_4436 : vector<16xi1>, vector<16xf32>
      %add3A_4438 = arith.addf %add3A_4403, %select_n3A_4437 : vector<16xf32>
      %eq3A_4439 = arith.constant 4 : i32
      %eq3A_4440 = vector.broadcast %eq3A_4439 : i32 to vector<16xi32>
      %eq3A_4441 = arith.cmpi eq, %iota3A, %eq3A_4440 : vector<16xi32>
      %jit3A_4442 = arith.constant 1.000000e+00 : f32
      %jit3A_4443 = arith.constant 0.000000e+00 : f32
      %broadcast_in_dim3A_4444 = vector.broadcast %jit3A_4442 : f32 to vector<16xf32>
      %broadcast_in_dim3A_4445 = vector.broadcast %jit3A_4443 : f32 to vector<16xf32>
      %select_n3A_4446 = arith.select %eq3A_4423, %broadcast_in_dim3A_4444, %broadcast_in_dim3A_4445 : vector<16xi1>, vector<16xf32>
      %reduce_sum3A_4447 = arith.constant true
      %reduce_sum3A_4448 = vector.broadcast %reduce_sum3A_4447 : i1 to vector<16xi1>
      %reduce_sum3A_4449 = tpu.scan <sum>, %select_n3A_4446 masked %reduce_sum3A_4448 : vector<16xf32>, vector<16xi1> -> vector<16xf32>
      %reduce_sum3A_4450 = vector.extract %reduce_sum3A_4449[15] : f32 from vector<16xf32>
      %jit3A_4451 = arith.constant 0.000000e+00 : f32
      %broadcast_in_dim3A_4452 = vector.broadcast %reduce_sum3A_4450 : f32 to vector<16xf32>
      %broadcast_in_dim3A_4453 = vector.broadcast %jit3A_4451 : f32 to vector<16xf32>
      %select_n3A_4454 = arith.select %eq3A_4441, %broadcast_in_dim3A_4452, %broadcast_in_dim3A_4453 : vector<16xi1>, vector<16xf32>
      %add3A_4455 = arith.addf %add3A_4420, %select_n3A_4454 : vector<16xf32>
      %eq3A_4456 = arith.constant 5 : i32
      %eq3A_4457 = vector.broadcast %eq3A_4456 : i32 to vector<16xi32>
      %eq3A_4458 = arith.cmpi eq, %get3A_4280, %eq3A_4457 : vector<16xi32>
      %eq3A_4459 = arith.constant 5 : i32
      %eq3A_4460 = vector.broadcast %eq3A_4459 : i32 to vector<16xi32>
      %eq3A_4461 = arith.cmpi eq, %iota3A, %eq3A_4460 : vector<16xi32>
      %jit3A_4462 = arith.constant 0.000000e+00 : f32
      %broadcast_in_dim3A_4463 = vector.broadcast %jit3A_4462 : f32 to vector<16xf32>
      %select_n3A_4464 = arith.select %eq3A_4458, %get3A_4278, %broadcast_in_dim3A_4463 : vector<16xi1>, vector<16xf32>
      %reduce_sum3A_4465 = arith.constant true
      %reduce_sum3A_4466 = vector.broadcast %reduce_sum3A_4465 : i1 to vector<16xi1>
      %reduce_sum3A_4467 = tpu.scan <sum>, %select_n3A_4464 masked %reduce_sum3A_4466 : vector<16xf32>, vector<16xi1> -> vector<16xf32>
      %reduce_sum3A_4468 = vector.extract %reduce_sum3A_4467[15] : f32 from vector<16xf32>
      %jit3A_4469 = arith.constant 0.000000e+00 : f32
      %broadcast_in_dim3A_4470 = vector.broadcast %reduce_sum3A_4468 : f32 to vector<16xf32>
      %broadcast_in_dim3A_4471 = vector.broadcast %jit3A_4469 : f32 to vector<16xf32>
      %select_n3A_4472 = arith.select %eq3A_4461, %broadcast_in_dim3A_4470, %broadcast_in_dim3A_4471 : vector<16xi1>, vector<16xf32>
      %add3A_4473 = arith.addf %add3A_4438, %select_n3A_4472 : vector<16xf32>
      %eq3A_4474 = arith.constant 5 : i32
      %eq3A_4475 = vector.broadcast %eq3A_4474 : i32 to vector<16xi32>
      %eq3A_4476 = arith.cmpi eq, %iota3A, %eq3A_4475 : vector<16xi32>
      %jit3A_4477 = arith.constant 1.000000e+00 : f32
      %jit3A_4478 = arith.constant 0.000000e+00 : f32
      %broadcast_in_dim3A_4479 = vector.broadcast %jit3A_4477 : f32 to vector<16xf32>
      %broadcast_in_dim3A_4480 = vector.broadcast %jit3A_4478 : f32 to vector<16xf32>
      %select_n3A_4481 = arith.select %eq3A_4458, %broadcast_in_dim3A_4479, %broadcast_in_dim3A_4480 : vector<16xi1>, vector<16xf32>
      %reduce_sum3A_4482 = arith.constant true
      %reduce_sum3A_4483 = vector.broadcast %reduce_sum3A_4482 : i1 to vector<16xi1>
      %reduce_sum3A_4484 = tpu.scan <sum>, %select_n3A_4481 masked %reduce_sum3A_4483 : vector<16xf32>, vector<16xi1> -> vector<16xf32>
      %reduce_sum3A_4485 = vector.extract %reduce_sum3A_4484[15] : f32 from vector<16xf32>
      %jit3A_4486 = arith.constant 0.000000e+00 : f32
      %broadcast_in_dim3A_4487 = vector.broadcast %reduce_sum3A_4485 : f32 to vector<16xf32>
      %broadcast_in_dim3A_4488 = vector.broadcast %jit3A_4486 : f32 to vector<16xf32>
      %select_n3A_4489 = arith.select %eq3A_4476, %broadcast_in_dim3A_4487, %broadcast_in_dim3A_4488 : vector<16xi1>, vector<16xf32>
      %add3A_4490 = arith.addf %add3A_4455, %select_n3A_4489 : vector<16xf32>
      %eq3A_4491 = arith.constant 6 : i32
      %eq3A_4492 = vector.broadcast %eq3A_4491 : i32 to vector<16xi32>
      %eq3A_4493 = arith.cmpi eq, %get3A_4280, %eq3A_4492 : vector<16xi32>
      %eq3A_4494 = arith.constant 6 : i32
      %eq3A_4495 = vector.broadcast %eq3A_4494 : i32 to vector<16xi32>
      %eq3A_4496 = arith.cmpi eq, %iota3A, %eq3A_4495 : vector<16xi32>
      %jit3A_4497 = arith.constant 0.000000e+00 : f32
      %broadcast_in_dim3A_4498 = vector.broadcast %jit3A_4497 : f32 to vector<16xf32>
      %select_n3A_4499 = arith.select %eq3A_4493, %get3A_4278, %broadcast_in_dim3A_4498 : vector<16xi1>, vector<16xf32>
      %reduce_sum3A_4500 = arith.constant true
      %reduce_sum3A_4501 = vector.broadcast %reduce_sum3A_4500 : i1 to vector<16xi1>
      %reduce_sum3A_4502 = tpu.scan <sum>, %select_n3A_4499 masked %reduce_sum3A_4501 : vector<16xf32>, vector<16xi1> -> vector<16xf32>
      %reduce_sum3A_4503 = vector.extract %reduce_sum3A_4502[15] : f32 from vector<16xf32>
      %jit3A_4504 = arith.constant 0.000000e+00 : f32
      %broadcast_in_dim3A_4505 = vector.broadcast %reduce_sum3A_4503 : f32 to vector<16xf32>
      %broadcast_in_dim3A_4506 = vector.broadcast %jit3A_4504 : f32 to vector<16xf32>
      %select_n3A_4507 = arith.select %eq3A_4496, %broadcast_in_dim3A_4505, %broadcast_in_dim3A_4506 : vector<16xi1>, vector<16xf32>
      %add3A_4508 = arith.addf %add3A_4473, %select_n3A_4507 : vector<16xf32>
      %eq3A_4509 = arith.constant 6 : i32
      %eq3A_4510 = vector.broadcast %eq3A_4509 : i32 to vector<16xi32>
      %eq3A_4511 = arith.cmpi eq, %iota3A, %eq3A_4510 : vector<16xi32>
      %jit3A_4512 = arith.constant 1.000000e+00 : f32
      %jit3A_4513 = arith.constant 0.000000e+00 : f32
      %broadcast_in_dim3A_4514 = vector.broadcast %jit3A_4512 : f32 to vector<16xf32>
      %broadcast_in_dim3A_4515 = vector.broadcast %jit3A_4513 : f32 to vector<16xf32>
      %select_n3A_4516 = arith.select %eq3A_4493, %broadcast_in_dim3A_4514, %broadcast_in_dim3A_4515 : vector<16xi1>, vector<16xf32>
      %reduce_sum3A_4517 = arith.constant true
      %reduce_sum3A_4518 = vector.broadcast %reduce_sum3A_4517 : i1 to vector<16xi1>
      %reduce_sum3A_4519 = tpu.scan <sum>, %select_n3A_4516 masked %reduce_sum3A_4518 : vector<16xf32>, vector<16xi1> -> vector<16xf32>
      %reduce_sum3A_4520 = vector.extract %reduce_sum3A_4519[15] : f32 from vector<16xf32>
      %jit3A_4521 = arith.constant 0.000000e+00 : f32
      %broadcast_in_dim3A_4522 = vector.broadcast %reduce_sum3A_4520 : f32 to vector<16xf32>
      %broadcast_in_dim3A_4523 = vector.broadcast %jit3A_4521 : f32 to vector<16xf32>
      %select_n3A_4524 = arith.select %eq3A_4511, %broadcast_in_dim3A_4522, %broadcast_in_dim3A_4523 : vector<16xi1>, vector<16xf32>
      %add3A_4525 = arith.addf %add3A_4490, %select_n3A_4524 : vector<16xf32>
      %eq3A_4526 = arith.constant 7 : i32
      %eq3A_4527 = vector.broadcast %eq3A_4526 : i32 to vector<16xi32>
      %eq3A_4528 = arith.cmpi eq, %get3A_4280, %eq3A_4527 : vector<16xi32>
      %eq3A_4529 = arith.constant 7 : i32
      %eq3A_4530 = vector.broadcast %eq3A_4529 : i32 to vector<16xi32>
      %eq3A_4531 = arith.cmpi eq, %iota3A, %eq3A_4530 : vector<16xi32>
      %jit3A_4532 = arith.constant 0.000000e+00 : f32
      %broadcast_in_dim3A_4533 = vector.broadcast %jit3A_4532 : f32 to vector<16xf32>
      %select_n3A_4534 = arith.select %eq3A_4528, %get3A_4278, %broadcast_in_dim3A_4533 : vector<16xi1>, vector<16xf32>
      %reduce_sum3A_4535 = arith.constant true
      %reduce_sum3A_4536 = vector.broadcast %reduce_sum3A_4535 : i1 to vector<16xi1>
      %reduce_sum3A_4537 = tpu.scan <sum>, %select_n3A_4534 masked %reduce_sum3A_4536 : vector<16xf32>, vector<16xi1> -> vector<16xf32>
      %reduce_sum3A_4538 = vector.extract %reduce_sum3A_4537[15] : f32 from vector<16xf32>
      %jit3A_4539 = arith.constant 0.000000e+00 : f32
      %broadcast_in_dim3A_4540 = vector.broadcast %reduce_sum3A_4538 : f32 to vector<16xf32>
      %broadcast_in_dim3A_4541 = vector.broadcast %jit3A_4539 : f32 to vector<16xf32>
      %select_n3A_4542 = arith.select %eq3A_4531, %broadcast_in_dim3A_4540, %broadcast_in_dim3A_4541 : vector<16xi1>, vector<16xf32>
      %add3A_4543 = arith.addf %add3A_4508, %select_n3A_4542 : vector<16xf32>
      %eq3A_4544 = arith.constant 7 : i32
      %eq3A_4545 = vector.broadcast %eq3A_4544 : i32 to vector<16xi32>
      %eq3A_4546 = arith.cmpi eq, %iota3A, %eq3A_4545 : vector<16xi32>
      %jit3A_4547 = arith.constant 1.000000e+00 : f32
      %jit3A_4548 = arith.constant 0.000000e+00 : f32
      %broadcast_in_dim3A_4549 = vector.broadcast %jit3A_4547 : f32 to vector<16xf32>
      %broadcast_in_dim3A_4550 = vector.broadcast %jit3A_4548 : f32 to vector<16xf32>
      %select_n3A_4551 = arith.select %eq3A_4528, %broadcast_in_dim3A_4549, %broadcast_in_dim3A_4550 : vector<16xi1>, vector<16xf32>
      %reduce_sum3A_4552 = arith.constant true
      %reduce_sum3A_4553 = vector.broadcast %reduce_sum3A_4552 : i1 to vector<16xi1>
      %reduce_sum3A_4554 = tpu.scan <sum>, %select_n3A_4551 masked %reduce_sum3A_4553 : vector<16xf32>, vector<16xi1> -> vector<16xf32>
      %reduce_sum3A_4555 = vector.extract %reduce_sum3A_4554[15] : f32 from vector<16xf32>
      %jit3A_4556 = arith.constant 0.000000e+00 : f32
      %broadcast_in_dim3A_4557 = vector.broadcast %reduce_sum3A_4555 : f32 to vector<16xf32>
      %broadcast_in_dim3A_4558 = vector.broadcast %jit3A_4556 : f32 to vector<16xf32>
      %select_n3A_4559 = arith.select %eq3A_4546, %broadcast_in_dim3A_4557, %broadcast_in_dim3A_4558 : vector<16xi1>, vector<16xf32>
      %add3A_4560 = arith.addf %add3A_4525, %select_n3A_4559 : vector<16xf32>
      %swap3A = arith.constant 0 : i32
      %swap3A_4561 = arith.index_cast %swap3A : i32 to index
      %swap3A_4562 = arith.constant 0 : index
      %swap3A_4563 = tpu.vector_load %arg8[%swap3A_4561, %swap3A_4562] {strides = array<i32>} : memref<1x16xf32, #tpu.memory_space<vmem>>, vector<16xf32>,
      tpu.vector_store %arg8[%swap3A_4561, %swap3A_4562], %add3A_4543 {strides = array<i32>} : memref<1x16xf32, #tpu.memory_space<vmem>>, vector<16xf32>,
      %broadcast_in_dim3A_4564 = arith.constant 0 : i32
      %broadcast_in_dim3A_4565 = vector.broadcast %broadcast_in_dim3A_4564 : i32 to vector<16xi32>
      %swap3A_4566 = arith.constant 0 : index
      %swap3A_4567 = tpu.vector_load %arg9[%swap3A_4566] {strides = array<i32>} : memref<16xi32, #tpu.memory_space<vmem>>, vector<16xi32>,
      tpu.vector_store %arg9[%swap3A_4566], %broadcast_in_dim3A_4565 {strides = array<i32>} : memref<16xi32, #tpu.memory_space<vmem>>, vector<16xi32>,
      "tpu.region"() ({
        %run_scoped3A = tpu.sem_alloc : memref<!tpu.dma_semaphore, #tpu.memory_space<semaphore_mem>>
        %dma_start3A = arith.constant 0 : i32
        %dma_start3A_4579 = tpu.memref_slice %arg9[%dma_start3A] : memref<16xi32, #tpu.memory_space<vmem>> -> memref<1xi32, #tpu.memory_space<vmem>>
        %dma_start3A_4580 = arith.constant 0 : i32
        %dma_start3A_4581 = arith.constant 0 : i32
        %dma_start3A_4582 = tpu.memref_slice %arg10[%dma_start3A_4580, %dma_start3A_4581] : memref<2x16xf32, #tpu.memory_space<vmem_shared>> -> memref<2x16xf32, #tpu.memory_space<vmem_shared>>
        tpu.enqueue_indirect_dma source(%arg8 : memref<1x16xf32, #tpu.memory_space<vmem>>) target(%dma_start3A_4582 : memref<2x16xf32, #tpu.memory_space<vmem_shared>>) offsets(%dma_start3A_4579 : memref<1xi32, #tpu.memory_space<vmem>>) semaphore(%run_scoped3A : memref<!tpu.dma_semaphore, #tpu.memory_space<semaphore_mem>>) {add = true}
        %dma_wait3A = arith.constant 0 : i32
        %dma_wait3A_4583 = tpu.memref_slice %arg9[%dma_wait3A] : memref<16xi32, #tpu.memory_space<vmem>> -> memref<1xi32, #tpu.memory_space<vmem>>
        %dma_wait3A_4584 = arith.constant 0 : i32
        %dma_wait3A_4585 = arith.constant 0 : i32
        %dma_wait3A_4586 = tpu.memref_slice %arg10[%dma_wait3A_4584, %dma_wait3A_4585] : memref<2x16xf32, #tpu.memory_space<vmem_shared>> -> memref<2x16xf32, #tpu.memory_space<vmem_shared>>
        tpu.wait_indirect_dma semaphore(%run_scoped3A : memref<!tpu.dma_semaphore, #tpu.memory_space<semaphore_mem>>) src(%arg8 : memref<1x16xf32, #tpu.memory_space<vmem>>) dst(%dma_wait3A_4586 : memref<2x16xf32, #tpu.memory_space<vmem_shared>>)
        tpu.yield
      }) : () -> ()
      %swap3A_4568 = arith.constant 0 : i32
      %swap3A_4569 = arith.index_cast %swap3A_4568 : i32 to index
      %swap3A_4570 = arith.constant 0 : index
      %swap3A_4571 = tpu.vector_load %arg8[%swap3A_4569, %swap3A_4570] {strides = array<i32>} : memref<1x16xf32, #tpu.memory_space<vmem>>, vector<16xf32>,
      tpu.vector_store %arg8[%swap3A_4569, %swap3A_4570], %add3A_4560 {strides = array<i32>} : memref<1x16xf32, #tpu.memory_space<vmem>>, vector<16xf32>,
      %broadcast_in_dim3A_4572 = arith.constant 0 : i32
      %broadcast_in_dim3A_4573 = vector.broadcast %broadcast_in_dim3A_4572 : i32 to vector<16xi32>
      %add3A_4574 = arith.constant 1 : i32
      %add3A_4575 = vector.broadcast %add3A_4574 : i32 to vector<16xi32>
      %add3A_4576 = arith.addi %broadcast_in_dim3A_4573, %add3A_4575 : vector<16xi32>
      %swap3A_4577 = arith.constant 0 : index
      %swap3A_4578 = tpu.vector_load %arg9[%swap3A_4577] {strides = array<i32>} : memref<16xi32, #tpu.memory_space<vmem>>, vector<16xi32>,
      tpu.vector_store %arg9[%swap3A_4577], %add3A_4576 {strides = array<i32>} : memref<16xi32, #tpu.memory_space<vmem>>, vector<16xi32>,
      "tpu.region"() ({
        %run_scoped3A = tpu.sem_alloc : memref<!tpu.dma_semaphore, #tpu.memory_space<semaphore_mem>>
        %dma_start3A = arith.constant 0 : i32
        %dma_start3A_4579 = tpu.memref_slice %arg9[%dma_start3A] : memref<16xi32, #tpu.memory_space<vmem>> -> memref<1xi32, #tpu.memory_space<vmem>>
        %dma_start3A_4580 = arith.constant 0 : i32
        %dma_start3A_4581 = arith.constant 0 : i32
        %dma_start3A_4582 = tpu.memref_slice %arg10[%dma_start3A_4580, %dma_start3A_4581] : memref<2x16xf32, #tpu.memory_space<vmem_shared>> -> memref<2x16xf32, #tpu.memory_space<vmem_shared>>
        tpu.enqueue_indirect_dma source(%arg8 : memref<1x16xf32, #tpu.memory_space<vmem>>) target(%dma_start3A_4582 : memref<2x16xf32, #tpu.memory_space<vmem_shared>>) offsets(%dma_start3A_4579 : memref<1xi32, #tpu.memory_space<vmem>>) semaphore(%run_scoped3A : memref<!tpu.dma_semaphore, #tpu.memory_space<semaphore_mem>>) {add = true}
        %dma_wait3A = arith.constant 0 : i32
        %dma_wait3A_4583 = tpu.memref_slice %arg9[%dma_wait3A] : memref<16xi32, #tpu.memory_space<vmem>> -> memref<1xi32, #tpu.memory_space<vmem>>
        %dma_wait3A_4584 = arith.constant 0 : i32
        %dma_wait3A_4585 = arith.constant 0 : i32
        %dma_wait3A_4586 = tpu.memref_slice %arg10[%dma_wait3A_4584, %dma_wait3A_4585] : memref<2x16xf32, #tpu.memory_space<vmem_shared>> -> memref<2x16xf32, #tpu.memory_space<vmem_shared>>
        tpu.wait_indirect_dma semaphore(%run_scoped3A : memref<!tpu.dma_semaphore, #tpu.memory_space<semaphore_mem>>) src(%arg8 : memref<1x16xf32, #tpu.memory_space<vmem>>) dst(%dma_wait3A_4586 : memref<2x16xf32, #tpu.memory_space<vmem_shared>>)
        tpu.yield
      }) : () -> ()
    } else {
    }
    %barrier3A_9 = arith.constant 0 : index
    tpu.barrier barrier_id(%barrier3A_9)
    %eq3A_10 = arith.constant 0 : i32
    %eq3A_11 = arith.cmpi eq, %arg0, %eq3A_10 : i32
    %eq3A_12 = arith.constant 0 : i32
    %eq3A_13 = arith.cmpi eq, %arg1, %eq3A_12 : i32
    %and3A_14 = arith.andi %eq3A_11, %eq3A_13 : i1
    %convert_element_type3A_15 = arith.extui %and3A_14 : i1 to i32
    %cond3A_16 = arith.constant 0 : i32
    %cond3A_17 = arith.cmpi ne, %convert_element_type3A_15, %cond3A_16 : i32
    scf.if %cond3A_17 {
      "tpu.region"() ({
        %run_scoped3A = tpu.sem_alloc : memref<!tpu.dma_semaphore, #tpu.memory_space<semaphore_mem>>
        tpu.enqueue_dma source(%arg10 : memref<2x16xf32, #tpu.memory_space<vmem_shared>>) target(%arg11 : memref<2x16xf32, #tpu.memory_space<vmem>>) target_semaphore(%run_scoped3A : memref<!tpu.dma_semaphore, #tpu.memory_space<semaphore_mem>>)
        tpu.wait_dma2 semaphore(%run_scoped3A : memref<!tpu.dma_semaphore, #tpu.memory_space<semaphore_mem>>) src(%arg10 : memref<2x16xf32, #tpu.memory_space<vmem_shared>>) dst(%arg11 : memref<2x16xf32, #tpu.memory_space<vmem>>)
        tpu.yield
      }) : () -> ()
      "tpu.region"() ({
        %run_scoped3A = tpu.sem_alloc : memref<!tpu.dma_semaphore, #tpu.memory_space<semaphore_mem>>
        tpu.enqueue_dma source(%arg4 : memref<16xf32, #tpu.memory_space<hbm>>) target(%arg12 : memref<16xf32, #tpu.memory_space<vmem>>) target_semaphore(%run_scoped3A : memref<!tpu.dma_semaphore, #tpu.memory_space<semaphore_mem>>)
        tpu.wait_dma2 semaphore(%run_scoped3A : memref<!tpu.dma_semaphore, #tpu.memory_space<semaphore_mem>>) src(%arg4 : memref<16xf32, #tpu.memory_space<hbm>>) dst(%arg12 : memref<16xf32, #tpu.memory_space<vmem>>)
        tpu.yield
      }) : () -> ()
      %get3A = arith.constant 0 : i32
      %get3A_18 = arith.index_cast %get3A : i32 to index
      %get3A_19 = arith.constant 0 : index
      %get3A_20 = tpu.vector_load %arg11[%get3A_18, %get3A_19] {strides = array<i32>} : memref<2x16xf32, #tpu.memory_space<vmem>>, vector<16xf32>,
      %get3A_21 = arith.constant 1 : i32
      %get3A_22 = arith.index_cast %get3A_21 : i32 to index
      %get3A_23 = arith.constant 0 : index
      %get3A_24 = tpu.vector_load %arg11[%get3A_22, %get3A_23] {strides = array<i32>} : memref<2x16xf32, #tpu.memory_space<vmem>>, vector<16xf32>,
      %max3A = arith.constant 1.000000e+00 : f32
      %max3A_25 = vector.broadcast %max3A : f32 to vector<16xf32>
      %max3A_26 = arith.maximumf %get3A_24, %max3A_25 : vector<16xf32>
      %div3A = arith.divf %get3A_20, %max3A_26 : vector<16xf32>
      %get3A_27 = arith.constant 0 : index
      %get3A_28 = tpu.vector_load %arg12[%get3A_27] {strides = array<i32>} : memref<16xf32, #tpu.memory_space<vmem>>, vector<16xf32>,
      %mul3A = arith.constant 1.000000e-01 : f32
      %mul3A_29 = vector.broadcast %mul3A : f32 to vector<16xf32>
      %mul3A_30 = arith.mulf %mul3A_29, %div3A : vector<16xf32>
      %exp3A = math.exp %mul3A_30 : vector<16xf32>
      %mul3A_31 = arith.mulf %get3A_28, %exp3A : vector<16xf32>
      %broadcast_in_dim3A = arith.constant 0.000000e+00 : f32
      %broadcast_in_dim3A_32 = vector.broadcast %broadcast_in_dim3A : f32 to vector<16xf32>
      %mul3A_33 = arith.mulf %mul3A_31, %div3A : vector<16xf32>
      %reduce_sum3A = arith.constant true
      %reduce_sum3A_34 = vector.broadcast %reduce_sum3A : i1 to vector<16xi1>
      %reduce_sum3A_35 = tpu.scan <sum>, %mul3A_33 masked %reduce_sum3A_34 : vector<16xf32>, vector<16xi1> -> vector<16xf32>
      %reduce_sum3A_36 = vector.extract %reduce_sum3A_35[15] : f32 from vector<16xf32>
      %add3A = vector.broadcast %reduce_sum3A_36 : f32 to vector<16xf32>
      %add3A_37 = arith.addf %broadcast_in_dim3A_32, %add3A : vector<16xf32>
      %reduce_sum3A_38 = arith.constant true
      %reduce_sum3A_39 = vector.broadcast %reduce_sum3A_38 : i1 to vector<16xi1>
      %reduce_sum3A_40 = tpu.scan <sum>, %mul3A_31 masked %reduce_sum3A_39 : vector<16xf32>, vector<16xi1> -> vector<16xf32>
      %reduce_sum3A_41 = vector.extract %reduce_sum3A_40[15] : f32 from vector<16xf32>
      %add3A_42 = vector.broadcast %reduce_sum3A_41 : f32 to vector<16xf32>
      %add3A_43 = arith.addf %broadcast_in_dim3A_32, %add3A_42 : vector<16xf32>
      %div3A_44 = arith.divf %add3A_37, %add3A_43 : vector<16xf32>
      %swap3A = arith.constant 0 : index
      %swap3A_45 = tpu.vector_load %arg13[%swap3A] {strides = array<i32>} : memref<16xf32, #tpu.memory_space<vmem>>, vector<16xf32>,
      tpu.vector_store %arg13[%swap3A], %div3A_44 {strides = array<i32>} : memref<16xf32, #tpu.memory_space<vmem>>, vector<16xf32>,
      "tpu.region"() ({
        %run_scoped3A = tpu.sem_alloc : memref<!tpu.dma_semaphore, #tpu.memory_space<semaphore_mem>>
        tpu.enqueue_dma source(%arg13 : memref<16xf32, #tpu.memory_space<vmem>>) target(%arg5 : memref<16xf32, #tpu.memory_space<hbm>>) target_semaphore(%run_scoped3A : memref<!tpu.dma_semaphore, #tpu.memory_space<semaphore_mem>>)
        tpu.wait_dma2 semaphore(%run_scoped3A : memref<!tpu.dma_semaphore, #tpu.memory_space<semaphore_mem>>) src(%arg13 : memref<16xf32, #tpu.memory_space<vmem>>) dst(%arg5 : memref<16xf32, #tpu.memory_space<hbm>>)
        tpu.yield
      }) : () -> ()
    } else {
    }
    return
  }
}

module attributes {stable_mosaic.version = 14 : i64} {
  func.func @_sample_loss_body(%arg0: i32, %arg1: memref<1024x64xf32, #tpu.memory_space<vmem>>, %arg2: memref<4096x64xf32, #tpu.memory_space<vmem>>, %arg3: memref<1024x64xf32, #tpu.memory_space<vmem>>, %arg4: memref<1024xf32, #tpu.memory_space<vmem>>, %arg5: memref<8x128xf32, #tpu.memory_space<vmem>>) attributes {dimension_semantics = [#tpu.dimension_semantics<arbitrary>], iteration_bounds = array<i64: 4>, scalar_prefetch = 0 : i64, scratch_operands = 1 : i64, tpu.core_type = #tpu.core_type<tc>, window_params = [{transform_indices = @transform_0, window_bounds = array<i64: 1024, 64>}, {pipeline_mode = #tpu.pipeline_mode<synchronous>, transform_indices = @transform_1, window_bounds = array<i64: 4096, 64>}, {transform_indices = @transform_2, window_bounds = array<i64: 1024, 64>}, {transform_indices = @transform_3, window_bounds = array<i64: 1024>}]} {
    %get3A = arith.constant 0 : index
    %get3A_0 = arith.constant 0 : index
    %get3A_1 = vector.load %arg1[%get3A, %get3A_0] : memref<1024x64xf32, #tpu.memory_space<vmem>>, vector<1024x64xf32>
    %mul3A = arith.constant 1.44269502 : f32
    %mul3A_2 = vector.broadcast %mul3A : f32 to vector<1024x64xf32>
    %mul3A_3 = arith.mulf %get3A_1, %mul3A_2 : vector<1024x64xf32>
    %eq3A = arith.constant 0 : i32
    %eq3A_4 = arith.cmpi eq, %arg0, %eq3A : i32
    %convert_element_type3A = arith.extui %eq3A_4 : i1 to i32
    %cond3A = arith.constant 0 : i32
    %cond3A_5 = arith.cmpi ne, %convert_element_type3A, %cond3A : i32
    scf.if %cond3A_5 {
      %get3A_155 = arith.constant 0 : index
      %get3A_156 = arith.constant 0 : index
      %get3A_157 = vector.load %arg2[%get3A_155, %get3A_156] : memref<4096x64xf32, #tpu.memory_space<vmem>>, vector<4096x64xf32>
      %broadcast_in_dim3A_158 = arith.constant 0.000000e+00 : f32
      %broadcast_in_dim3A_159 = vector.broadcast %broadcast_in_dim3A_158 : f32 to vector<8x128xf32>
      %mul3A_160 = arith.mulf %get3A_157, %get3A_157 : vector<4096x64xf32>
      %reduce_sum3A_161 = arith.constant dense<0.000000e+00> : vector<4096xf32>
      %reduce_sum3A_162 = vector.multi_reduction <add>, %mul3A_160, %reduce_sum3A_161 [1] : vector<4096x64xf32> to vector<4096xf32>
      %reduce_max3A = vector.shape_cast %reduce_sum3A_162 : vector<4096xf32> to vector<1x4096xf32>
      %reduce_max3A_163 = arith.constant dense<0xFF800000> : vector<1xf32>
      %reduce_max3A_164 = vector.multi_reduction <maximumf>, %reduce_max3A, %reduce_max3A_163 [1] : vector<1x4096xf32> to vector<1xf32>
      %reduce_max3A_165 = vector.shape_cast %reduce_max3A_164 : vector<1xf32> to vector<1x1xf32>
      %reduce_max3A_166 = vector.extract %reduce_max3A_165[0, 0] : f32 from vector<1x1xf32>
      %add3A_167 = vector.broadcast %reduce_max3A_166 : f32 to vector<8x128xf32>
      %add3A_168 = arith.addf %broadcast_in_dim3A_159, %add3A_167 : vector<8x128xf32>
      %swap3A_169 = arith.constant 0 : index
      %swap3A_170 = arith.constant 0 : index
      %swap3A_171 = vector.load %arg5[%swap3A_169, %swap3A_170] : memref<8x128xf32, #tpu.memory_space<vmem>>, vector<8x128xf32>
      tpu.vector_store %arg5[%swap3A_169, %swap3A_170], %add3A_168 {strides = array<i32>} : memref<8x128xf32, #tpu.memory_space<vmem>>, vector<8x128xf32>,
    } else {
    }
    %mul3A_6 = arith.mulf %mul3A_3, %mul3A_3 : vector<1024x64xf32>
    %reduce_sum3A = arith.constant dense<0.000000e+00> : vector<1024xf32>
    %reduce_sum3A_7 = vector.multi_reduction <add>, %mul3A_6, %reduce_sum3A [1] : vector<1024x64xf32> to vector<1024xf32>
    %broadcast_in_dim3A = vector.shape_cast %reduce_sum3A_7 : vector<1024xf32> to vector<1024x1xf32>
    %get3A_8 = arith.constant 0 : index
    %get3A_9 = arith.constant 0 : index
    %get3A_10 = vector.load %arg5[%get3A_8, %get3A_9] : memref<8x128xf32, #tpu.memory_space<vmem>>, vector<1x1xf32>
    %mul3A_11 = vector.broadcast %get3A_10 : vector<1x1xf32> to vector<1024x1xf32>
    %mul3A_12 = arith.mulf %broadcast_in_dim3A, %mul3A_11 : vector<1024x1xf32>
    %sqrt3A = math.sqrt %mul3A_12 : vector<1024x1xf32>
    %broadcast_in_dim3A_13 = arith.constant 0.000000e+00 : f32
    %broadcast_in_dim3A_14 = vector.broadcast %broadcast_in_dim3A_13 : f32 to vector<1024x128xf32>
    %get3A_15 = arith.constant 0 : index
    %get3A_16 = arith.constant 0 : index
    %get3A_17 = vector.load %arg2[%get3A_15, %get3A_16] : memref<4096x64xf32, #tpu.memory_space<vmem>>, vector<512x64xf32>
    %dot_general3A = arith.constant dense<0.000000e+00> : vector<1024x512xf32>
    %dot_general3A_18 = tpu.matmul %mul3A_3, %get3A_17, %dot_general3A {dimension_numbers = #tpu.dot_dimension_numbers<[1], [1], [0], [0], [0, 0, 1, 0], [], []>, transpose_lhs_hint = false} : vector<1024x64xf32>, vector<512x64xf32>, vector<1024x512xf32> -> vector<1024x512xf32>
    %sub3A = vector.broadcast %sqrt3A : vector<1024x1xf32> to vector<1024x512xf32>
    %sub3A_19 = arith.subf %dot_general3A_18, %sub3A : vector<1024x512xf32>
    %exp23A = math.exp2 %sub3A_19 : vector<1024x512xf32>
    %slice3A = vector.extract_strided_slice %exp23A {offsets = [0, 0], sizes = [1024, 128], strides = [1, 1]} : vector<1024x512xf32> to vector<1024x128xf32>
    %slice3A_20 = vector.extract_strided_slice %exp23A {offsets = [0, 128], sizes = [1024, 128], strides = [1, 1]} : vector<1024x512xf32> to vector<1024x128xf32>
    %add3A = arith.addf %slice3A, %slice3A_20 : vector<1024x128xf32>
    %slice3A_21 = vector.extract_strided_slice %exp23A {offsets = [0, 256], sizes = [1024, 128], strides = [1, 1]} : vector<1024x512xf32> to vector<1024x128xf32>
    %slice3A_22 = vector.extract_strided_slice %exp23A {offsets = [0, 384], sizes = [1024, 128], strides = [1, 1]} : vector<1024x512xf32> to vector<1024x128xf32>
    %add3A_23 = arith.addf %slice3A_21, %slice3A_22 : vector<1024x128xf32>
    %add3A_24 = arith.addf %add3A, %add3A_23 : vector<1024x128xf32>
    %add3A_25 = arith.addf %broadcast_in_dim3A_14, %add3A_24 : vector<1024x128xf32>
    %get3A_26 = arith.constant 512 : index
    %get3A_27 = arith.constant 0 : index
    %get3A_28 = vector.load %arg2[%get3A_26, %get3A_27] : memref<4096x64xf32, #tpu.memory_space<vmem>>, vector<512x64xf32>
    %dot_general3A_29 = arith.constant dense<0.000000e+00> : vector<1024x512xf32>
    %dot_general3A_30 = tpu.matmul %mul3A_3, %get3A_28, %dot_general3A_29 {dimension_numbers = #tpu.dot_dimension_numbers<[1], [1], [0], [0], [0, 0, 1, 0], [], []>, transpose_lhs_hint = false} : vector<1024x64xf32>, vector<512x64xf32>, vector<1024x512xf32> -> vector<1024x512xf32>
    %sub3A_31 = vector.broadcast %sqrt3A : vector<1024x1xf32> to vector<1024x512xf32>
    %sub3A_32 = arith.subf %dot_general3A_30, %sub3A_31 : vector<1024x512xf32>
    %exp23A_33 = math.exp2 %sub3A_32 : vector<1024x512xf32>
    %slice3A_34 = vector.extract_strided_slice %exp23A_33 {offsets = [0, 0], sizes = [1024, 128], strides = [1, 1]} : vector<1024x512xf32> to vector<1024x128xf32>
    %slice3A_35 = vector.extract_strided_slice %exp23A_33 {offsets = [0, 128], sizes = [1024, 128], strides = [1, 1]} : vector<1024x512xf32> to vector<1024x128xf32>
    %add3A_36 = arith.addf %slice3A_34, %slice3A_35 : vector<1024x128xf32>
    %slice3A_37 = vector.extract_strided_slice %exp23A_33 {offsets = [0, 256], sizes = [1024, 128], strides = [1, 1]} : vector<1024x512xf32> to vector<1024x128xf32>
    %slice3A_38 = vector.extract_strided_slice %exp23A_33 {offsets = [0, 384], sizes = [1024, 128], strides = [1, 1]} : vector<1024x512xf32> to vector<1024x128xf32>
    %add3A_39 = arith.addf %slice3A_37, %slice3A_38 : vector<1024x128xf32>
    %add3A_40 = arith.addf %add3A_36, %add3A_39 : vector<1024x128xf32>
    %add3A_41 = arith.addf %add3A_25, %add3A_40 : vector<1024x128xf32>
    %get3A_42 = arith.constant 1024 : index
    %get3A_43 = arith.constant 0 : index
    %get3A_44 = vector.load %arg2[%get3A_42, %get3A_43] : memref<4096x64xf32, #tpu.memory_space<vmem>>, vector<512x64xf32>
    %dot_general3A_45 = arith.constant dense<0.000000e+00> : vector<1024x512xf32>
    %dot_general3A_46 = tpu.matmul %mul3A_3, %get3A_44, %dot_general3A_45 {dimension_numbers = #tpu.dot_dimension_numbers<[1], [1], [0], [0], [0, 0, 1, 0], [], []>, transpose_lhs_hint = false} : vector<1024x64xf32>, vector<512x64xf32>, vector<1024x512xf32> -> vector<1024x512xf32>
    %sub3A_47 = vector.broadcast %sqrt3A : vector<1024x1xf32> to vector<1024x512xf32>
    %sub3A_48 = arith.subf %dot_general3A_46, %sub3A_47 : vector<1024x512xf32>
    %exp23A_49 = math.exp2 %sub3A_48 : vector<1024x512xf32>
    %slice3A_50 = vector.extract_strided_slice %exp23A_49 {offsets = [0, 0], sizes = [1024, 128], strides = [1, 1]} : vector<1024x512xf32> to vector<1024x128xf32>
    %slice3A_51 = vector.extract_strided_slice %exp23A_49 {offsets = [0, 128], sizes = [1024, 128], strides = [1, 1]} : vector<1024x512xf32> to vector<1024x128xf32>
    %add3A_52 = arith.addf %slice3A_50, %slice3A_51 : vector<1024x128xf32>
    %slice3A_53 = vector.extract_strided_slice %exp23A_49 {offsets = [0, 256], sizes = [1024, 128], strides = [1, 1]} : vector<1024x512xf32> to vector<1024x128xf32>
    %slice3A_54 = vector.extract_strided_slice %exp23A_49 {offsets = [0, 384], sizes = [1024, 128], strides = [1, 1]} : vector<1024x512xf32> to vector<1024x128xf32>
    %add3A_55 = arith.addf %slice3A_53, %slice3A_54 : vector<1024x128xf32>
    %add3A_56 = arith.addf %add3A_52, %add3A_55 : vector<1024x128xf32>
    %add3A_57 = arith.addf %add3A_41, %add3A_56 : vector<1024x128xf32>
    %get3A_58 = arith.constant 1536 : index
    %get3A_59 = arith.constant 0 : index
    %get3A_60 = vector.load %arg2[%get3A_58, %get3A_59] : memref<4096x64xf32, #tpu.memory_space<vmem>>, vector<512x64xf32>
    %dot_general3A_61 = arith.constant dense<0.000000e+00> : vector<1024x512xf32>
    %dot_general3A_62 = tpu.matmul %mul3A_3, %get3A_60, %dot_general3A_61 {dimension_numbers = #tpu.dot_dimension_numbers<[1], [1], [0], [0], [0, 0, 1, 0], [], []>, transpose_lhs_hint = false} : vector<1024x64xf32>, vector<512x64xf32>, vector<1024x512xf32> -> vector<1024x512xf32>
    %sub3A_63 = vector.broadcast %sqrt3A : vector<1024x1xf32> to vector<1024x512xf32>
    %sub3A_64 = arith.subf %dot_general3A_62, %sub3A_63 : vector<1024x512xf32>
    %exp23A_65 = math.exp2 %sub3A_64 : vector<1024x512xf32>
    %slice3A_66 = vector.extract_strided_slice %exp23A_65 {offsets = [0, 0], sizes = [1024, 128], strides = [1, 1]} : vector<1024x512xf32> to vector<1024x128xf32>
    %slice3A_67 = vector.extract_strided_slice %exp23A_65 {offsets = [0, 128], sizes = [1024, 128], strides = [1, 1]} : vector<1024x512xf32> to vector<1024x128xf32>
    %add3A_68 = arith.addf %slice3A_66, %slice3A_67 : vector<1024x128xf32>
    %slice3A_69 = vector.extract_strided_slice %exp23A_65 {offsets = [0, 256], sizes = [1024, 128], strides = [1, 1]} : vector<1024x512xf32> to vector<1024x128xf32>
    %slice3A_70 = vector.extract_strided_slice %exp23A_65 {offsets = [0, 384], sizes = [1024, 128], strides = [1, 1]} : vector<1024x512xf32> to vector<1024x128xf32>
    %add3A_71 = arith.addf %slice3A_69, %slice3A_70 : vector<1024x128xf32>
    %add3A_72 = arith.addf %add3A_68, %add3A_71 : vector<1024x128xf32>
    %add3A_73 = arith.addf %add3A_57, %add3A_72 : vector<1024x128xf32>
    %get3A_74 = arith.constant 2048 : index
    %get3A_75 = arith.constant 0 : index
    %get3A_76 = vector.load %arg2[%get3A_74, %get3A_75] : memref<4096x64xf32, #tpu.memory_space<vmem>>, vector<512x64xf32>
    %dot_general3A_77 = arith.constant dense<0.000000e+00> : vector<1024x512xf32>
    %dot_general3A_78 = tpu.matmul %mul3A_3, %get3A_76, %dot_general3A_77 {dimension_numbers = #tpu.dot_dimension_numbers<[1], [1], [0], [0], [0, 0, 1, 0], [], []>, transpose_lhs_hint = false} : vector<1024x64xf32>, vector<512x64xf32>, vector<1024x512xf32> -> vector<1024x512xf32>
    %sub3A_79 = vector.broadcast %sqrt3A : vector<1024x1xf32> to vector<1024x512xf32>
    %sub3A_80 = arith.subf %dot_general3A_78, %sub3A_79 : vector<1024x512xf32>
    %exp23A_81 = math.exp2 %sub3A_80 : vector<1024x512xf32>
    %slice3A_82 = vector.extract_strided_slice %exp23A_81 {offsets = [0, 0], sizes = [1024, 128], strides = [1, 1]} : vector<1024x512xf32> to vector<1024x128xf32>
    %slice3A_83 = vector.extract_strided_slice %exp23A_81 {offsets = [0, 128], sizes = [1024, 128], strides = [1, 1]} : vector<1024x512xf32> to vector<1024x128xf32>
    %add3A_84 = arith.addf %slice3A_82, %slice3A_83 : vector<1024x128xf32>
    %slice3A_85 = vector.extract_strided_slice %exp23A_81 {offsets = [0, 256], sizes = [1024, 128], strides = [1, 1]} : vector<1024x512xf32> to vector<1024x128xf32>
    %slice3A_86 = vector.extract_strided_slice %exp23A_81 {offsets = [0, 384], sizes = [1024, 128], strides = [1, 1]} : vector<1024x512xf32> to vector<1024x128xf32>
    %add3A_87 = arith.addf %slice3A_85, %slice3A_86 : vector<1024x128xf32>
    %add3A_88 = arith.addf %add3A_84, %add3A_87 : vector<1024x128xf32>
    %add3A_89 = arith.addf %add3A_73, %add3A_88 : vector<1024x128xf32>
    %get3A_90 = arith.constant 2560 : index
    %get3A_91 = arith.constant 0 : index
    %get3A_92 = vector.load %arg2[%get3A_90, %get3A_91] : memref<4096x64xf32, #tpu.memory_space<vmem>>, vector<512x64xf32>
    %dot_general3A_93 = arith.constant dense<0.000000e+00> : vector<1024x512xf32>
    %dot_general3A_94 = tpu.matmul %mul3A_3, %get3A_92, %dot_general3A_93 {dimension_numbers = #tpu.dot_dimension_numbers<[1], [1], [0], [0], [0, 0, 1, 0], [], []>, transpose_lhs_hint = false} : vector<1024x64xf32>, vector<512x64xf32>, vector<1024x512xf32> -> vector<1024x512xf32>
    %sub3A_95 = vector.broadcast %sqrt3A : vector<1024x1xf32> to vector<1024x512xf32>
    %sub3A_96 = arith.subf %dot_general3A_94, %sub3A_95 : vector<1024x512xf32>
    %exp23A_97 = math.exp2 %sub3A_96 : vector<1024x512xf32>
    %slice3A_98 = vector.extract_strided_slice %exp23A_97 {offsets = [0, 0], sizes = [1024, 128], strides = [1, 1]} : vector<1024x512xf32> to vector<1024x128xf32>
    %slice3A_99 = vector.extract_strided_slice %exp23A_97 {offsets = [0, 128], sizes = [1024, 128], strides = [1, 1]} : vector<1024x512xf32> to vector<1024x128xf32>
    %add3A_100 = arith.addf %slice3A_98, %slice3A_99 : vector<1024x128xf32>
    %slice3A_101 = vector.extract_strided_slice %exp23A_97 {offsets = [0, 256], sizes = [1024, 128], strides = [1, 1]} : vector<1024x512xf32> to vector<1024x128xf32>
    %slice3A_102 = vector.extract_strided_slice %exp23A_97 {offsets = [0, 384], sizes = [1024, 128], strides = [1, 1]} : vector<1024x512xf32> to vector<1024x128xf32>
    %add3A_103 = arith.addf %slice3A_101, %slice3A_102 : vector<1024x128xf32>
    %add3A_104 = arith.addf %add3A_100, %add3A_103 : vector<1024x128xf32>
    %add3A_105 = arith.addf %add3A_89, %add3A_104 : vector<1024x128xf32>
    %get3A_106 = arith.constant 3072 : index
    %get3A_107 = arith.constant 0 : index
    %get3A_108 = vector.load %arg2[%get3A_106, %get3A_107] : memref<4096x64xf32, #tpu.memory_space<vmem>>, vector<512x64xf32>
    %dot_general3A_109 = arith.constant dense<0.000000e+00> : vector<1024x512xf32>
    %dot_general3A_110 = tpu.matmul %mul3A_3, %get3A_108, %dot_general3A_109 {dimension_numbers = #tpu.dot_dimension_numbers<[1], [1], [0], [0], [0, 0, 1, 0], [], []>, transpose_lhs_hint = false} : vector<1024x64xf32>, vector<512x64xf32>, vector<1024x512xf32> -> vector<1024x512xf32>
    %sub3A_111 = vector.broadcast %sqrt3A : vector<1024x1xf32> to vector<1024x512xf32>
    %sub3A_112 = arith.subf %dot_general3A_110, %sub3A_111 : vector<1024x512xf32>
    %exp23A_113 = math.exp2 %sub3A_112 : vector<1024x512xf32>
    %slice3A_114 = vector.extract_strided_slice %exp23A_113 {offsets = [0, 0], sizes = [1024, 128], strides = [1, 1]} : vector<1024x512xf32> to vector<1024x128xf32>
    %slice3A_115 = vector.extract_strided_slice %exp23A_113 {offsets = [0, 128], sizes = [1024, 128], strides = [1, 1]} : vector<1024x512xf32> to vector<1024x128xf32>
    %add3A_116 = arith.addf %slice3A_114, %slice3A_115 : vector<1024x128xf32>
    %slice3A_117 = vector.extract_strided_slice %exp23A_113 {offsets = [0, 256], sizes = [1024, 128], strides = [1, 1]} : vector<1024x512xf32> to vector<1024x128xf32>
    %slice3A_118 = vector.extract_strided_slice %exp23A_113 {offsets = [0, 384], sizes = [1024, 128], strides = [1, 1]} : vector<1024x512xf32> to vector<1024x128xf32>
    %add3A_119 = arith.addf %slice3A_117, %slice3A_118 : vector<1024x128xf32>
    %add3A_120 = arith.addf %add3A_116, %add3A_119 : vector<1024x128xf32>
    %add3A_121 = arith.addf %add3A_105, %add3A_120 : vector<1024x128xf32>
    %get3A_122 = arith.constant 3584 : index
    %get3A_123 = arith.constant 0 : index
    %get3A_124 = vector.load %arg2[%get3A_122, %get3A_123] : memref<4096x64xf32, #tpu.memory_space<vmem>>, vector<512x64xf32>
    %dot_general3A_125 = arith.constant dense<0.000000e+00> : vector<1024x512xf32>
    %dot_general3A_126 = tpu.matmul %mul3A_3, %get3A_124, %dot_general3A_125 {dimension_numbers = #tpu.dot_dimension_numbers<[1], [1], [0], [0], [0, 0, 1, 0], [], []>, transpose_lhs_hint = false} : vector<1024x64xf32>, vector<512x64xf32>, vector<1024x512xf32> -> vector<1024x512xf32>
    %sub3A_127 = vector.broadcast %sqrt3A : vector<1024x1xf32> to vector<1024x512xf32>
    %sub3A_128 = arith.subf %dot_general3A_126, %sub3A_127 : vector<1024x512xf32>
    %exp23A_129 = math.exp2 %sub3A_128 : vector<1024x512xf32>
    %slice3A_130 = vector.extract_strided_slice %exp23A_129 {offsets = [0, 0], sizes = [1024, 128], strides = [1, 1]} : vector<1024x512xf32> to vector<1024x128xf32>
    %slice3A_131 = vector.extract_strided_slice %exp23A_129 {offsets = [0, 128], sizes = [1024, 128], strides = [1, 1]} : vector<1024x512xf32> to vector<1024x128xf32>
    %add3A_132 = arith.addf %slice3A_130, %slice3A_131 : vector<1024x128xf32>
    %slice3A_133 = vector.extract_strided_slice %exp23A_129 {offsets = [0, 256], sizes = [1024, 128], strides = [1, 1]} : vector<1024x512xf32> to vector<1024x128xf32>
    %slice3A_134 = vector.extract_strided_slice %exp23A_129 {offsets = [0, 384], sizes = [1024, 128], strides = [1, 1]} : vector<1024x512xf32> to vector<1024x128xf32>
    %add3A_135 = arith.addf %slice3A_133, %slice3A_134 : vector<1024x128xf32>
    %add3A_136 = arith.addf %add3A_132, %add3A_135 : vector<1024x128xf32>
    %add3A_137 = arith.addf %add3A_121, %add3A_136 : vector<1024x128xf32>
    %reduce_sum3A_138 = arith.constant dense<0.000000e+00> : vector<1024xf32>
    %reduce_sum3A_139 = vector.multi_reduction <add>, %add3A_137, %reduce_sum3A_138 [1] : vector<1024x128xf32> to vector<1024xf32>
    %get3A_140 = arith.constant 0 : index
    %get3A_141 = arith.constant 0 : index
    %get3A_142 = vector.load %arg3[%get3A_140, %get3A_141] : memref<1024x64xf32, #tpu.memory_space<vmem>>, vector<1024x64xf32>
    %mul3A_143 = arith.mulf %mul3A_3, %get3A_142 : vector<1024x64xf32>
    %reduce_sum3A_144 = arith.constant dense<0.000000e+00> : vector<1024xf32>
    %reduce_sum3A_145 = vector.multi_reduction <add>, %mul3A_143, %reduce_sum3A_144 [1] : vector<1024x64xf32> to vector<1024xf32>
    %squeeze3A = vector.shape_cast %sqrt3A : vector<1024x1xf32> to vector<1024xf32>
    %log3A = math.log %reduce_sum3A_139 : vector<1024xf32>
    %log3A_146 = arith.constant 2.000000e+00 : f32
    %log3A_147 = math.log %log3A_146 : f32
    %div3A = vector.broadcast %log3A_147 : f32 to vector<1024xf32>
    %div3A_148 = arith.divf %log3A, %div3A : vector<1024xf32>
    %add3A_149 = arith.addf %squeeze3A, %div3A_148 : vector<1024xf32>
    %sub3A_150 = arith.subf %add3A_149, %reduce_sum3A_145 : vector<1024xf32>
    %mul3A_151 = arith.constant 0.693147182 : f32
    %mul3A_152 = vector.broadcast %mul3A_151 : f32 to vector<1024xf32>
    %mul3A_153 = arith.mulf %mul3A_152, %sub3A_150 : vector<1024xf32>
    %swap3A = arith.constant 0 : index
    %swap3A_154 = vector.load %arg4[%swap3A] : memref<1024xf32, #tpu.memory_space<vmem>>, vector<1024xf32>
    tpu.vector_store %arg4[%swap3A], %mul3A_153 {strides = array<i32>} : memref<1024xf32, #tpu.memory_space<vmem>>, vector<1024xf32>,
    return
  }
  func.func @transform_0(%arg0: i32) -> (i32, i32) {
    %c0_i32 = arith.constant 0 : i32
    %c0_i32_0 = arith.constant 0 : i32
    return %arg0, %c0_i32 : i32, i32
  }
  func.func @transform_1(%arg0: i32) -> (i32, i32) {
    %c0_i32 = arith.constant 0 : i32
    %c0_i32_0 = arith.constant 0 : i32
    %c0_i32_1 = arith.constant 0 : i32
    return %c0_i32, %c0_i32_0 : i32, i32
  }
  func.func @transform_2(%arg0: i32) -> (i32, i32) {
    %c0_i32 = arith.constant 0 : i32
    %c0_i32_0 = arith.constant 0 : i32
    return %arg0, %c0_i32 : i32, i32
  }
  func.func @transform_3(%arg0: i32) -> i32 {
    %c0_i32 = arith.constant 0 : i32
    return %arg0 : i32
  }
}

</mosaic_0001>

<sc_bundles>
// kernel: kernel.4.cloned.1.call-start
scs
__scs_entry_jumppad:
0x0: {  	(pc) =	sbr.rel $0x88, $3  }
0x1: {  	(tag) =	ssettag $0x0;
	lr =	simm.s32 $0x1  }
0x2: {  	[smem:$0x3F9D] =	sst lr;
	_ =	strace $0xD0000000  }
0x3: {  	_ = 	snop  }
0x4: {  	_ = 	snop  }
0x5: {  	_ = 	snop  }
0x6: {  	_ = 	snop  }
0x7: {  	_ = 	snop  }
__scs_overlays_trampoline_lowered:
0x8: {  	[smem:$0x3FAC] =	sst s0  }
0x9: {  	[smem:$0x3FAD] =	sst s1  }
0xa: {  	[smem:$0x3FAE] =	sst s2  }
0xb: {  	[smem:$0x3FAF] =	sst s3  }
0xc: {  	[smem:$0x3FB0] =	sst s4  }
0xd: {  	[smem:$0x3FB1] =	sst s5  }
0xe: {  	[smem:$0x3FB2] =	sst s6  }
0xf: {  	[smem:$0x3FB3] =	sst s7  }
0x10: {  	[smem:$0x3FB4] =	sst s8  }
0x11: {  	[smem:$0x3FB5] =	sst s9;
	s0 =	simm.s32 @!p0 $0x0  }
0x12: {  	s1 =	sld [smem:$0x3F9B];
	s0 =	simm.s32 @p0 $0x1  }
0x13: {  	[smem:$0x3FB6] =	sst s0;
	s0 =	simm.s32 @!p1 $0x0  }
0x14: {  	s2 =	sld [smem:$0x3F9A];
	s0 =	simm.s32 @p1 $0x1  }
0x15: {  	[smem:$0x3FB7] =	sst s0;
	s0 =	simm.s32 @!p2 $0x0  }
0x16: {  	s3 =	sld [smem:$0x3FDB];
	s0 =	simm.s32 @p2 $0x1  }
0x17: {  	s4 =	simm.s32 $0x1BF5;
	[smem:$0x3FB9] =	sst s0  }
0x18: {  	s0 =	sld [smem:$0x3F9C];
	_ =	swait.ge [sflag:s4], $0x0  }
0x19: {  	s7 =	sld [smem:$0x3F9D]  }
0x1a: {  	s8 =	sadd.s32 $0xFFFFE003, lr  }
0x1b: {  	s9 =	sadd.s32 $0xFFFFFEF7, lr;
	s5 =	simm.s32 $0xFFFFFFFF;
	p2 =	slt.u32 s8, $0xFFFFF086  }
0x1c: {  	p1 =	slt.u32 s9, $0xF7A;
	s5 =	simm.s32 @!p2 $0x0  }
0x1d: {  	s5 =	simm.s32 @p1 $0x1;
	p0 =	seq.s32 s7, s2  }
0x1e: {  	s7 =	smul.u32 @!p0 $0xF7A, s2;
	p2 =	seq.s32 @!p0 s5, $0x0  }
0x1f: {  	s9 =	smul.u32 $0xF7A, s1;
	s8 =	simm.s32 @!p0 $0x1BF5;
	p2 =	por !p2, p0  }
0x20: {  	[sflag:s8] =	ssyncset.s32 @!p0 $0xFFFFF086;
	s6 =	sadd.s32 @!p0 s3, s7;
	s7 =	simm.s32 @!p0 $0x108  }
0x21: {  	s3 =	sadd.s32 s3, s9;
	s6 =	sadd.s32 @!p0 $0x88, s6;
	s7 =	simm.s32 @p2 $0x1082  }
0x22: {  	[simem:s7], [sflag:s8] =	dma.local @!p0 [hbm:s6], $0xF7A  }
0x23: {  	s9 =	sor.u32 $0xD0000000, s2;
	s6 =	simm.s32 $0x108;
	_ =	swait.ge @!p0 [sflag:s8], $0x0  }
0x24: {  	s3 =	sadd.s32 $0x88, s3;
	s6 =	simm.s32 @!p1 $0x1082;
	[sflag:s4] =	ssyncset.s32 $0xFFFFF086  }
0x25: {  	[simem:s6], [sflag:s4] =	dma.local [hbm:s3], $0xF7A  }
0x26: {  	[smem:$0x3F9D] =	sst s1;
	(tag) =	ssettag s2;
	_ =	strace s9  }
0x27: {  	s1 =	sld [smem:$0x3FAD]  }
0x28: {  	s2 =	sld [smem:$0x3FAE]  }
0x29: {  	s4 =	sld [smem:$0x3FB0]  }
0x2a: {  	p0 =	seq.s32 s5, $0x0;
	s5 =	sld [smem:$0x3FB1]  }
0x2b: {  	s6 =	sld [smem:$0x3FB2]  }
0x2c: {  	s7 =	sld [smem:$0x3FB3]  }
0x2d: {  	s3 =	simm.s32 $0x108;
	s8 =	sld [smem:$0x3FB4]  }
0x2e: {  	s3 =	simm.s32 @!p0 $0x1082;
	s9 =	sld [smem:$0x3FB5]  }
0x2f: {  	lr =	sadd.s32 s0, s3;
	s0 =	sld [smem:$0x3FAC]  }
0x30: {  	s3 =	sld [smem:$0x3FAF]  }
0x31: {  	[smem:$0x3FB8] =	sst s10  }
0x32: {  	s10 =	sld [smem:$0x3FB6];
	_ =	sdelay $0x3  }
0x33: {  	p0 =	seq.s32 s10, $0x1;
	s10 =	sld [smem:$0x3FB8];
	_ =	sdelay $0x3  }
0x34: {  	[smem:$0x3FB8] =	sst s10  }
0x35: {  	s10 =	sld [smem:$0x3FB7];
	_ =	sdelay $0x3  }
0x36: {  	p1 =	seq.s32 s10, $0x1;
	s10 =	sld [smem:$0x3FB8];
	_ =	sdelay $0x3  }
0x37: {  	[smem:$0x3FB8] =	sst s10  }
0x38: {  	s10 =	sld [smem:$0x3FB9]  }
0x39: {  	_ = 	snop;
	(pc) =	sbr.ind lr, $3  }
0x3a: {  	_ = 	snop  }
0x3b: {  	_ = 	snop  }
0x3c: {  	p2 =	seq.s32 s10, $0x1;
	s10 =	sld [smem:$0x3FB8]  }
0x3d: {  	_ =	shalt  }
0x3e: {  	_ =	shalt  }
0x3f: {  	_ =	shalt  }
0x40: {  	_ =	shalt  }
0x41: {  	_ =	shalt  }
0x42: {  	_ =	shalt  }
0x43: {  	_ =	shalt  }
0x44: {  	_ =	shalt  }
0x45: {  	_ =	shalt  }
0x46: {  	_ =	shalt  }
0x47: {  	_ =	shalt  }
0x48: {  	_ =	shalt  }
0x49: {  	_ =	shalt  }
0x4a: {  	_ =	shalt  }
0x4b: {  	_ =	shalt  }
0x4c: {  	_ =	shalt  }
0x4d: {  	_ =	shalt  }
0x4e: {  	_ =	shalt  }
0x4f: {  	_ =	shalt  }
0x50: {  	_ =	shalt  }
0x51: {  	_ =	shalt  }
0x52: {  	_ =	shalt  }
0x53: {  	_ =	shalt  }
0x54: {  	_ =	shalt  }
0x55: {  	_ =	shalt  }
0x56: {  	_ =	shalt  }
0x57: {  	_ =	shalt  }
0x58: {  	_ =	shalt  }
0x59: {  	_ =	shalt  }
0x5a: {  	_ =	shalt  }
0x5b: {  	_ =	shalt  }
0x5c: {  	_ =	shalt  }
0x5d: {  	_ =	shalt  }
0x5e: {  	_ =	shalt  }
0x5f: {  	_ =	shalt  }
0x60: {  	_ =	shalt  }
0x61: {  	_ =	shalt  }
0x62: {  	_ =	shalt  }
0x63: {  	_ =	shalt  }
0x64: {  	_ =	shalt  }
0x65: {  	_ =	shalt  }
0x66: {  	_ =	shalt  }
0x67: {  	_ =	shalt  }
0x68: {  	_ =	shalt  }
0x69: {  	_ =	shalt  }
0x6a: {  	_ =	shalt  }
0x6b: {  	_ =	shalt  }
0x6c: {  	_ =	shalt  }
0x6d: {  	_ =	shalt  }
0x6e: {  	_ =	shalt  }
0x6f: {  	_ =	shalt  }
0x70: {  	_ =	shalt  }
0x71: {  	_ =	shalt  }
0x72: {  	_ =	shalt  }
0x73: {  	_ =	shalt  }
0x74: {  	_ =	shalt  }
0x75: {  	_ =	shalt  }
0x76: {  	_ =	shalt  }
0x77: {  	_ =	shalt  }
0x78: {  	_ =	shalt  }
0x79: {  	_ =	shalt  }
0x7a: {  	_ =	shalt  }
0x7b: {  	_ =	shalt  }
0x7c: {  	_ =	shalt  }
0x7d: {  	_ =	shalt  }
0x7e: {  	_ =	shalt  }
0x7f: {  	_ =	shalt  }
0x80: {  	_ =	shalt  }
0x81: {  	_ =	shalt  }
0x82: {  	_ =	shalt  }
0x83: {  	_ =	shalt  }
0x84: {  	_ =	shalt  }
0x85: {  	_ =	shalt  }
0x86: {  	_ =	shalt  }
0x87: {  	_ =	shalt  }
.Lfunc_end0:
.L_simem_size_0:
called_computation_lowered:
.L_overlay_start_0:
0x88: {  	s2 =	sld [smem:$0x3FD9]  }
0x89: {  	s3 =	sld [smem:$0x3FFE];
	_ =	sdelay $0x1  }
0x8a: {  	s1 =	srdreg.scid  }
0x8b: {  	s0 =	sand.u32 $0x1, s1  }
0x8c: {  	s17 =	sshll.u32 s0, $0xA;
	s2 =	sadd.s32 s3, s2  }
0x8d: {  	s2 =	sadd.s32 s2, s17  }
0x8e: {  	[smem:$0x3FC4] =	sst s2  }
0x8f: {  	_ = 	snop  }
0x90: {  	s2 =	sld [smem:$0x3FC7]  }
0x91: {  	s18 =	sld [smem:$0x3FD0];
	(tm) =	ssettm $0x1  }
0x92: {  	s4 =	sld [smem:$0x3FFB];
	_ =	sdelay $0x3  }
0x93: {  	_ =	strace s4  }
0x94: {  	s4 =	sld [smem:$0x3FFC];
	_ =	sdelay $0x3  }
0x95: {  	_ =	strace s4  }
0x96: {  	s4 =	sld [smem:$0x3FFD];
	_ =	sdelay $0x3  }
0x97: {  	_ =	strace s4  }
0x98: {  	_ =	strace $0x8FFFFFFF  }
0x99: {  	s19 =	sld [smem:$0x3FDB];
	_ =	sdelay $0x1  }
0x9a: {  	s5 =	simm.s32 $_scs_section_size  }
0x9b: {  	s6 =	simm.s32 $_size__tile_overlayer_lowered;
	s7 =	simm.s32 $_tile_overlayer_lowered  }
0x9c: {  	s22 =	simm.s32 $0x1BFF;
	s21 =	sshll.u32 s7, $0x1;
	s4 =	sadd.s32 s5, s19  }
0x9d: {  	s8 =	simm.s32 $0x0;
	s20 =	sshll.u32 s6, $0x1;
	s6 =	sadd.s32 s21, s4  }
0x9e: {  	[timem:s8], [sflag:s22] =	dma.local [hbm:s6], s20  }
0x9f: {  	_ =	swait.ge [sflag:s22], s20  }
0xa0: {  	s5 =	ssub.s32 $0x0, s20;
	[sflag:s22] =	ssyncset.done $0x0  }
0xa1: {  	[sflag:s22] =	ssyncadd.s32 s5;
	_ =	sdelay $0x1  }
0xa2: {  	s23 =	simm.s32 $0x1B8B  }
0xa3: {  	_ =	swait.ge [sflag:s23], $0x1  }
0xa4: {  	[sflag:s23] =	ssyncset.done $0x0  }
0xa5: {  	s25 =	simm.s32 $0x1B8E;
	s24 =	sld [smem:$0x3FFE];
	[sflag:s23] =	ssyncadd.s32 $0xFFFFFFFF  }
0xa6: {  	s26 =	simm.s32 $execute0_lowered;
	[smem:$0x3FD2] =	sst s25  }
0xa7: {  	s6 =	sshll.u32 s26, $0x1;
	_ =	strace $0x80000046;
	[dreg:$0x1] =	wrdreg $0xFFFFFFFF  }
0xa8: {  	s28 =	simm.s32 $_size_execute0_lowered;
	s4 =	sadd.s32 s4, s6;
	[dreg:$0x0] =	wrdreg $0x0  }
0xa9: {  	s6 =	sshll.u32 s28, $0x1;
	[dreg:$0x2] =	wrdreg s4  }
0xaa: {  	[dreg:$0x3] =	wrdreg s6  }
0xab: {  	[dreg:$0x4] =	wrdreg $0xC0  }
0xac: {  	_ =	task [dreg:s8], $0x5FFFF  }
0xad: {  	[dreg:$0x1] =	wrdreg $0xFFFFFFFF  }
0xae: {  	[dreg:$0x0] =	wrdreg $0x60  }
0xaf: {  	[dreg:$0x2] =	wrdreg s24  }
0xb0: {  	[dreg:$0x3] =	wrdreg s2  }
0xb1: {  	[dreg:$0x4] =	wrdreg s18  }
0xb2: {  	[dreg:$0x5] =	wrdreg $0x3000  }
0xb3: {  	[dreg:$0x6] =	wrdreg $0x9  }
0xb4: {  	_ =	task.clear_ibuf [dreg:s8], $0x7FFFF;
	_ =	strace $0x90000046  }
0xb5: {  	s29 =	simm.s32 $0x9;
	_ =	strace $0x80000048  }
0xb6: {  	_ =	swait.ge [sflag:s29], $0x1  }
0xb7: {  	[sflag:s29] =	ssyncadd.s32 $0xFFFFFFFF  }
0xb8: {  	_ =	strace $0x90000048  }
0xb9: {  	_ =	sfence  }
0xba: {  	s30 =	sld [smem:$0x0];
	_ =	sdelay $0x2  }
0xbb: {  	s31 =	sshll.u32 s1, $0xD;
	s1 =	sshrl.u32 s1, $0x2  }
0xbc: {  	s3 =	sand.u32 $0x4000, s31;
	s1 =	sadd.s32 s1, s30  }
0xbd: {  	s0 =	sor.u32 s3, s0;
	s1 =	sshll.u32 s1, $0x11  }
0xbe: {  	s0 =	sor.u32 s1, s0  }
0xbf: {  	s0 =	sadd.s32 $0x8F2B, s0  }
0xc0: {  	[sflag:s0] =	ssyncadd.remote.s32 $0x1  }
0xc1: {  	_ =	sfence.sel $0xFFFF  }
0xc2: {  	[dreg:$0x0] =	wrdreg $0xFFFFFFFF;
	(pc) =	sbr.abs _section_cstart, $3  }
0xc3: {  	[dreg:$0x1] =	wrdreg $0xFFFFFFFF  }
0xc4: {  	_ =	task.clear_ibuf [dreg:s8], $0x2FFFF;
	_ =	strace $0x9FFFFFFF  }
0xc5: {  	(tm) =	ssettm $0x7FFFFFFF  }
tec
execute0_lowered:
.L_overlay_start_1:
0x0: {  	(tag) =	ssettag $0x1  }
0x1: {  	s5 =	rddreg [dreg:$0x0]  }
0x2: {  	s7 =	rddreg [dreg:$0x1]  }
0x3: {  	s1 =	rddreg [dreg:$0x2]  }
0x4: {  	s3 =	rddreg [dreg:$0x3]  }
0x5: {  	s0 =	rddreg [dreg:$0x4];
	s6 =	srdreg.scid;
	s4 =	simm.s32 $0x0  }
0x6: {  	s2 =	stileid.u32;
	s9 =	sand.u32 $0x1, s6;
	[smem:$0x7FF] =	sst s4  }
0x7: {  	s8 =	sshll.u32 s2, $0x5;
	s6 =	ssub.s32 $0x2, s9;
	_ =	strace $0x80000047  }
.Ltmp0:
0x8: {  	s10 =	sadd.s32 s8, s5;
	s5 =	sadd.s32 $0xC00, s5;
	(pc) =	sbr.rel .LBB2_1-.Ltmp0, $4  }
0x9: {  	v0 =	vimm.s32 $0x0;
	vm0 =	vmmov $0x1;
	s12 =	sor.u32 s2, s9;
	s7 =	sadd.s32 s7, s8;
	p1 =	sne.s32 s9, $0x0  }
0xa: {  	v1 =	vimm.f32 $0.0e+00;
	v2 =	vimm.s32 $0x1;
	vm1 =	vcmask $0x704;
	s9 =	simm.s32 $0x1;
	s11 =	sshrl.u32 s6, $0x1;
	p0 =	sne.s32 s12, $0x0  }
0xb: {  	vm2 =	vcmask $0xB08;
	vm3 =	vcmask $0xF0C;
	vm4 =	vcmask $0x1310;
	s12 =	simm.s32 $0x200;
	s11 =	ssub.s32 s6, s11;
	s6 =	sadd.s32 $0xA00, s10  }
0xc: {  	vm5 =	vcmask $0x1714;
	vm6 =	vcmask $0x1B18;
	vm7 =	vcmask $0x1F1C;
	s10 =	simm.s32 $0x100;
	s8 =	smax.u32 s11, $0x1;
	s11 =	simm.s32 $0x280  }
.LBB2_3:
0xd: {  	[bflag:$0x0] =	sbarrier.arrive $0xFFFF  }
0xe: {  	[tilespmem:s14], [sflag:$0x1] =	stream.linear.gather @!p0 [spmem:s3], $0x100, $0x38;
	[tilespmem:$0x508] =	vst v63  }
0xf: {  	_ =	swait.ge @!p0 [sflag:s13], $0x100  }
0x10: {  	[sflag:s13] =	ssyncset.done @!p0 $0x0  }
0x11: {  	s15 =	simm.s32 @!p0 $0x408;
	s14 =	simm.s32 @!p0 $0x0;
	[sflag:s13] =	ssyncadd.s32 @!p0 $0xFFFFFF00  }
0x12: {  	[tilespmem:s15], [sflag:$0x1] =	stream.linear.gather @!p0 [hbm4b:s5+s14], $0x80, $0x38;
	[tilespmem:$0x508] =	vst v63  }
0x13: {  	_ =	swait.ge @!p0 [sflag:s13], $0x80  }
0x14: {  	[sflag:s13] =	ssyncset.done @!p0 $0x0  }
0x15: {  	[sflag:s13] =	ssyncadd.s32 @!p0 $0xFFFFFF80  }
0x16: {  	v3 =	vld @!p0 [tilespmem:$0x388];
	_ =	sdelay $0x4  }
0x17: {  	v3 =	vmax.f32 @!p0 v3, $1.000000000e+00  }
0x18: {  	(erf) = vrcp.f32 @!p0 v3;
	_ =	sdelay $0x4  }
0x19: {  	v3 =	vld @!p0 [tilespmem:$0x308];
	_ =	sdelay $0x3  }
0x1a: {  	v4 =	vpop @!p0 (erf)  }
0x1b: {  	v3 =	vmul.f32 @!p0 v4, v3;
	_ =	sdelay $0x1  }
0x1c: {  	v4 =	vmul.f32 @!p0 $1.000000010e-01, v3;
	_ =	sdelay $0x1  }
0x1d: {  	v4 =	vmul.f32 @!p0 $1.442695020e+00, v4;
	_ =	sdelay $0x1  }
0x1e: {  	(erf) = vpow2.f32 @!p0 v4;
	_ =	sdelay $0x4  }
0x1f: {  	v4 =	vld @!p0 [tilespmem:$0x408];
	_ =	sdelay $0x3  }
0x20: {  	v5 =	vpop @!p0 (erf)  }
0x21: {  	v4 =	vmul.f32 @!p0 v5, v4;
	_ =	sdelay $0x1  }
0x22: {  	v3 =	vmul.f32 @!p0 v4, v3;
	_ =	sdelay $0x1  }
0x23: {  	(xrf2) =	vadd.scan.msk.f32 @!p0 $0xffff, v3  }
0x24: {  	(xrf2) =	vadd.scan.msk.f32 @!p0 $0xffff, v4;
	_ =	sdelay $0x8  }
0x25: {  	v3, _, _ =	vpop @!p0 (xrf2)  }
0x26: {  	v4, _, _ =	vpop @!p0 (xrf2)  }
0x27: {  	v4 =	vadd.f32 @!p0 $0.0e+00, v4;
	_ =	sdelay $0x1  }
0x28: {  	v4 =	vbroadcast @!p0 v4, $0xF;
	_ =	sdelay $0x1  }
0x29: {  	(erf) = vrcp.f32 @!p0 v4;
	_ =	sdelay $0x5  }
0x2a: {  	v3 =	vadd.f32 @!p0 $0.0e+00, v3;
	_ =	sdelay $0x1  }
0x2b: {  	v3 =	vbroadcast @!p0 v3, $0xF  }
0x2c: {  	v4 =	vpop @!p0 (erf)  }
0x2d: {  	s8 =	sadd.s32 $0xFFFFFFFF, s8;
	v3 =	vmul.f32 @!p0 v4, v3  }
0x2e: {  	p2 =	sne.s32 s8, $0x0  }
.Ltmp1:
0x2f: {  	s15 =	simm.s32 @!p0 $0x488;
	[tilespmem:$0x488] =	vst @!p0 v3;
	(pc) =	sbr.rel @!p2 .LBB2_4-.Ltmp1, $4  }
0x30: {  	[hbm4b:s1+s14] =	stream.linear.scatter @!p0 [tilespmem:s15], [sflag:$0x1], $0x80, $0x38;
	[tilespmem:$0x508] =	vst v63  }
0x31: {  	_ =	swait.ge @!p0 [sflag:s13], $0x80  }
0x32: {  	[sflag:s13] =	ssyncset.done @!p0 $0x0  }
0x33: {  	[sflag:s13] =	ssyncadd.s32 @!p0 $0xFFFFFF80  }
.LBB2_1:
0x34: {  	v3 =	vimm.f32 @!p0 $0.0e+00  }
0x35: {  	[tilespmem:$0x308] =	vst @!p0 v3  }
0x36: {  	s14 =	simm.s32 @!p0 $0x308;
	s13 =	simm.s32 @!p0 $0x1;
	[tilespmem:$0x388] =	vst @!p0 v3  }
0x37: {  	[spmem:s3] =	stream.linear.scatter @!p0 [tilespmem:s14], [sflag:$0x1], $0x100, $0x38;
	[tilespmem:$0x508] =	vst v63  }
.Ltmp2:
0x38: {  	_ =	swait.ge @!p0 [sflag:s13], $0x100;
	(pc) =	sbr.rel @p1 .LBB2_3-.Ltmp2, $3  }
0x39: {  	[sflag:s13] =	ssyncset.done @!p0 $0x0  }
0x3a: {  	[sflag:s13] =	ssyncadd.s32 @!p0 $0xFFFFFF00  }
0x3b: {  	[bflag:$0x0] =	sbarrier.arrive $0xFFFF;
	_ =	sdelay $0x1  }
0x3c: {  	[tilespmem:s4], [sflag:$0x1] =	stream.linear.gather [hbm4b:s6+s4], $0x100, $0x38;
	[tilespmem:$0x508] =	vst v63  }
0x3d: {  	_ =	swait.ge [sflag:s9], $0x100  }
0x3e: {  	[sflag:s9] =	ssyncset.done $0x0  }
0x3f: {  	[sflag:s9] =	ssyncadd.s32 $0xFFFFFF00  }
0x40: {  	[tilespmem:s10], [sflag:$0x1] =	stream.linear.gather [hbm4b:s7+s4], $0x100, $0x38;
	[tilespmem:$0x508] =	vst v63  }
0x41: {  	_ =	swait.ge [sflag:s9], $0x100  }
0x42: {  	[sflag:s9] =	ssyncset.done $0x0  }
0x43: {  	[sflag:s9] =	ssyncadd.s32 $0xFFFFFF00  }
0x44: {  	v5 =	vld [tilespmem:$0x100]  }
0x45: {  	v6 =	vld [tilespmem:$0x0];
	_ =	sdelay $0x3  }
0x46: {  	vm8 =	veq.s32 v5, $0x0  }
0x47: {  	v3 =	vnsel vm8, $0x0, v6  }
0x48: {  	(xrf2) =	vadd.scan.msk.f32 $0xffff, v3  }
0x49: {  	v3 =	vsel vm8, $0x3F800000, v1  }
0x4a: {  	vm8 =	veq.s32 v5, $0x1;
	(xrf2) =	vadd.scan.msk.f32 $0xffff, v3  }
0x4b: {  	v3 =	vnsel vm8, $0x0, v6  }
0x4c: {  	(xrf2) =	vadd.scan.msk.f32 $0xffff, v3;
	v3 =	vsel vm8, $0x3F800000, v1;
	vm8 =	veq.s32 v5, $0x2  }
0x4d: {  	(xrf2) =	vadd.scan.msk.f32 $0xffff, v3;
	v3 =	vnsel vm8, $0x0, v6  }
0x4e: {  	(xrf2) =	vadd.scan.msk.f32 $0xffff, v3;
	v3 =	vsel vm8, $0x3F800000, v1;
	vm8 =	veq.s32 v5, $0x3  }
0x4f: {  	(xrf2) =	vadd.scan.msk.f32 $0xffff, v3;
	v3 =	vnsel vm8, $0x0, v6  }
0x50: {  	(xrf2) =	vadd.scan.msk.f32 $0xffff, v3;
	v3 =	vsel vm8, $0x3F800000, v1;
	vm8 =	veq.s32 v5, $0x4  }
0x51: {  	(xrf2) =	vadd.scan.msk.f32 $0xffff, v3;
	v3 =	vnsel vm8, $0x0, v6  }
0x52: {  	v4, _, _ =	vpop (xrf2);
	(xrf2) =	vadd.scan.msk.f32 $0xffff, v3;
	v3 =	vsel vm8, $0x3F800000, v1;
	vm8 =	veq.s32 v5, $0x5  }
0x53: {  	(xrf2) =	vadd.scan.msk.f32 $0xffff, v3;
	v3 =	vnsel vm8, $0x0, v6;
	v8 =	vsel vm8, $0x3F800000, v1;
	vm8 =	veq.s32 v5, $0x6  }
0x54: {  	v7 =	vbroadcast v4, $0xF;
	v4 =	vld [tilespmem:$0x110];
	v9, _, _ =	vpop (xrf2);
	v45 =	vnsel vm8, $0x0, v6  }
0x55: {  	v9 =	vbroadcast v9, $0xF;
	v46 =	vsel vm8, $0x3F800000, v1;
	vm8 =	veq.s32 v5, $0x7  }
0x56: {  	(xrf2) =	vadd.scan.msk.f32 $0xffff, v3;
	v3 =	vld [tilespmem:$0x10];
	v10, _, _ =	vpop (xrf2);
	v7 =	vnsel vm0, $0x0, v7;
	v6 =	vnsel vm8, $0x0, v6  }
0x57: {  	v48, _, _ =	vpop (xrf2);
	v51 =	vsel vm8, $0x3F800000, v1;
	v10 =	vbroadcast v10, $0xF;
	v49 =	vnsel vm0, $0x0, v9  }
0x58: {  	(xrf2) =	vadd.scan.msk.f32 $0xffff, v8;
	v47 =	vadd.f32 $0.0e+00, v7;
	v50, _, _ =	vpop (xrf2);
	v7 =	vbroadcast v48, $0xF;
	v8 =	vadd.f32 $0.0e+00, v49  }
0x59: {  	(xrf2) =	vadd.scan.msk.f32 $0xffff, v45;
	v11, _, _ =	vpop (xrf2);
	v10 =	vnsel vm1, $0x0, v10;
	v9 =	vbroadcast v50, $0xF;
	vm8 =	veq.s32 v4, $0x0  }
0x5a: {  	(xrf2) =	vadd.scan.msk.f32 $0xffff, v46;
	v7 =	vnsel vm1, $0x0, v7;
	v5 =	vadd.f32 v47, v10;
	v60 =	vbroadcast v11, $0xF  }
0x5b: {  	(xrf2) =	vadd.scan.msk.f32 $0xffff, v6;
	v12, _, _ =	vpop (xrf2);
	v52 =	vnsel vm8, $0x0, v3;
	v53 =	vsel vm8, $0x3F800000, v1;
	vm8 =	veq.s32 v4, $0x1  }
0x5c: {  	(xrf2) =	vadd.scan.msk.f32 $0xffff, v51;
	v7 =	vadd.f32 v8, v7;
	v9 =	vnsel vm2, $0x0, v9;
	v12 =	vbroadcast v12, $0xF  }
0x5d: {  	v13, _, _ =	vpop (xrf2);
	(xrf2) =	vadd.scan.msk.f32 $0xffff, v52;
	v54 =	vnsel vm8, $0x0, v3;
	v55 =	vsel vm8, $0x3F800000, v1;
	vm8 =	veq.s32 v4, $0x2  }
0x5e: {  	v5 =	vadd.f32 v5, v9;
	v9 =	vnsel vm2, $0x0, v60;
	v13 =	vbroadcast v13, $0xF;
	(xrf2) =	vadd.scan.msk.f32 $0xffff, v53  }
0x5f: {  	v57 =	vnsel vm8, $0x0, v3;
	v59 =	vsel vm8, $0x3F800000, v1;
	vm8 =	veq.s32 v4, $0x3;
	v14, _, _ =	vpop (xrf2);
	(xrf2) =	vadd.scan.msk.f32 $0xffff, v54  }
0x60: {  	v7 =	vadd.f32 v7, v9;
	v21 =	vnsel vm3, $0x0, v12;
	v62 =	vnsel vm8, $0x0, v3;
	v56, _, _ =	vpop (xrf2);
	(xrf2) =	vadd.scan.msk.f32 $0xffff, v55  }
0x61: {  	v63 =	vsel vm8, $0x3F800000, v1;
	vm8 =	veq.s32 v4, $0x4;
	v5 =	vadd.f32 v5, v21;
	v58, _, _ =	vpop (xrf2);
	(xrf2) =	vadd.scan.msk.f32 $0xffff, v57  }
0x62: {  	v23 =	vnsel vm3, $0x0, v13;
	v19 =	vnsel vm8, $0x0, v3;
	v22 =	vbroadcast v14, $0xF;
	v61, _, _ =	vpop (xrf2);
	(xrf2) =	vadd.scan.msk.f32 $0xffff, v59  }
0x63: {  	v6 =	vadd.f32 v7, v23;
	v48 =	vsel vm8, $0x3F800000, v1;
	vm8 =	veq.s32 v4, $0x5;
	v15, _, _ =	vpop (xrf2);
	(xrf2) =	vadd.scan.msk.f32 $0xffff, v62  }
0x64: {  	v8 =	vbroadcast v56, $0xF;
	v49 =	vnsel vm8, $0x0, v3;
	v52 =	vsel vm8, $0x3F800000, v1;
	v16, _, _ =	vpop (xrf2);
	(xrf2) =	vadd.scan.msk.f32 $0xffff, v63  }
0x65: {  	vm8 =	veq.s32 v4, $0x6;
	v25 =	vnsel vm4, $0x0, v22;
	v10 =	vbroadcast v58, $0xF;
	v20, _, _ =	vpop (xrf2);
	(xrf2) =	vadd.scan.msk.f32 $0xffff, v19  }
0x66: {  	v55 =	vnsel vm8, $0x0, v3;
	v57 =	vsel vm8, $0x3F800000, v1;
	vm8 =	veq.s32 v4, $0x7;
	v24, _, _ =	vpop (xrf2)  }
0x67: {  	v5 =	vadd.f32 v5, v25;
	v27 =	vnsel vm4, $0x0, v8;
	v28 =	vbroadcast v61, $0xF;
	v26, _, _ =	vpop (xrf2)  }
0x68: {  	v3 =	vnsel vm8, $0x0, v3;
	v30 =	vnsel vm5, $0x0, v10;
	v31 =	vbroadcast v15, $0xF;
	v29, _, _ =	vpop (xrf2)  }
0x69: {  	v6 =	vadd.f32 v6, v27;
	v5 =	vadd.f32 v5, v30;
	v34 =	vbroadcast v16, $0xF;
	v32, _, _ =	vpop (xrf2)  }
0x6a: {  	v33 =	vnsel vm5, $0x0, v28;
	v36 =	vnsel vm6, $0x0, v31;
	v9 =	vbroadcast v20, $0xF;
	v35, _, _ =	vpop (xrf2)  }
0x6b: {  	v6 =	vadd.f32 v6, v33;
	v5 =	vadd.f32 v5, v36;
	v38 =	vnsel vm6, $0x0, v34;
	v37, _, _ =	vpop (xrf2)  }
0x6c: {  	v39 =	vbroadcast v24, $0xF;
	v41 =	vnsel vm7, $0x0, v9;
	v44 =	vbroadcast v26, $0xF;
	v40, _, _ =	vpop (xrf2)  }
0x6d: {  	v6 =	vadd.f32 v6, v38;
	v5 =	vadd.f32 v5, v41;
	v46 =	vbroadcast v29, $0xF;
	v42, _, _ =	vpop (xrf2)  }
0x6e: {  	v43 =	vnsel vm7, $0x0, v39;
	v8 =	vnsel vm0, $0x0, v44;
	v14 =	vbroadcast v32, $0xF;
	v45, _, _ =	vpop (xrf2)  }
0x6f: {  	v6 =	vadd.f32 v6, v43;
	v5 =	vadd.f32 v5, v8;
	v7 =	vnsel vm0, $0x0, v46;
	v47, _, _ =	vpop (xrf2)  }
0x70: {  	v51 =	vbroadcast v35, $0xF;
	v50 =	vnsel vm1, $0x0, v14;
	v54 =	vbroadcast v37, $0xF;
	(xrf2) =	vadd.scan.msk.f32 $0xffff, v48  }
0x71: {  	v63 =	vsel vm8, $0x3F800000, v1;
	v6 =	vadd.f32 v6, v7;
	v5 =	vadd.f32 v5, v50;
	v56 =	vld [tilespmem:$0x120]  }
0x72: {  	v53 =	vnsel vm1, $0x0, v51;
	v59 =	vnsel vm2, $0x0, v54;
	v61 =	vbroadcast v42, $0xF;
	(xrf2) =	vadd.scan.msk.f32 $0xffff, v49;
	v58 =	vld [tilespmem:$0x20]  }
0x73: {  	v13 =	vbroadcast v40, $0xF;
	v5 =	vadd.f32 v5, v59;
	v12 =	vbroadcast v47, $0xF;
	(xrf2) =	vadd.scan.msk.f32 $0xffff, v52  }
0x74: {  	v6 =	vadd.f32 v6, v53;
	v62 =	vbroadcast v45, $0xF;
	v8 =	vnsel vm3, $0x0, v61;
	(xrf2) =	vadd.scan.msk.f32 $0xffff, v55  }
0x75: {  	v60 =	vnsel vm2, $0x0, v13;
	v5 =	vadd.f32 v5, v8;
	v9 =	vnsel vm4, $0x0, v12;
	(xrf2) =	vadd.scan.msk.f32 $0xffff, v57  }
0x76: {  	(xrf2) =	vadd.scan.msk.f32 $0xffff, v3;
	v3 =	vadd.f32 v6, v60;
	v6 =	vnsel vm3, $0x0, v62;
	vm8 =	veq.s32 v56, $0x0  }
0x77: {  	v15 =	vnsel vm8, $0x0, v58;
	v16 =	vsel vm8, $0x3F800000, v1;
	vm8 =	veq.s32 v56, $0x1  }
0x78: {  	v19 =	vnsel vm8, $0x0, v58;
	v20 =	vsel vm8, $0x3F800000, v1;
	vm8 =	veq.s32 v56, $0x2  }
0x79: {  	v22 =	vnsel vm8, $0x0, v58;
	v27 =	vsel vm8, $0x3F800000, v1;
	vm8 =	veq.s32 v56, $0x3  }
0x7a: {  	v5 =	vadd.f32 v5, v9;
	v3 =	vadd.f32 v3, v6;
	v13, _, _ =	vpop (xrf2);
	v29 =	vnsel vm8, $0x0, v58  }
0x7b: {  	(xrf2) =	vadd.scan.msk.f32 $0xffff, v63;
	v30 =	vsel vm8, $0x3F800000, v1;
	vm8 =	veq.s32 v56, $0x4;
	v7 =	vbroadcast v13, $0xF  }
0x7c: {  	v42 =	vld [tilespmem:$0x130];
	v17, _, _ =	vpop (xrf2);
	v33 =	vnsel vm8, $0x0, v58;
	v34 =	vsel vm8, $0x3F800000, v1;
	vm8 =	veq.s32 v56, $0x5  }
0x7d: {  	v6 =	vbroadcast v17, $0xF;
	v18, _, _ =	vpop (xrf2);
	v36 =	vnsel vm8, $0x0, v58;
	v41 =	vsel vm8, $0x3F800000, v1  }
0x7e: {  	v45 =	vld [tilespmem:$0x30];
	vm8 =	veq.s32 v56, $0x6;
	v7 =	vnsel vm4, $0x0, v7;
	v8 =	vbroadcast v18, $0xF  }
0x7f: {  	(xrf2) =	vadd.scan.msk.f32 $0xffff, v15;
	v21, _, _ =	vpop (xrf2);
	v44 =	vnsel vm8, $0x0, v58;
	v46 =	vsel vm8, $0x3F800000, v1;
	vm8 =	veq.s32 v56, $0x7  }
0x80: {  	(xrf2) =	vadd.scan.msk.f32 $0xffff, v16;
	v3 =	vadd.f32 v3, v7;
	v6 =	vnsel vm5, $0x0, v6;
	v7 =	vbroadcast v21, $0xF  }
0x81: {  	v24, _, _ =	vpop (xrf2);
	v4 =	vnsel vm8, $0x0, v58;
	v49 =	vsel vm8, $0x3F800000, v1;
	vm8 =	veq.s32 v42, $0x0  }
0x82: {  	v5 =	vadd.f32 v5, v6;
	v23 =	vnsel vm5, $0x0, v8;
	v25 =	vbroadcast v24, $0xF  }
0x83: {  	(xrf2) =	vadd.scan.msk.f32 $0xffff, v19;
	v26, _, _ =	vpop (xrf2);
	v51 =	vnsel vm8, $0x0, v45;
	v56 =	vsel vm8, $0x3F800000, v1;
	vm8 =	veq.s32 v42, $0x1  }
0x84: {  	v3 =	vadd.f32 v3, v23;
	v7 =	vnsel vm6, $0x0, v7;
	v8 =	vbroadcast v26, $0xF  }
0x85: {  	(xrf2) =	vadd.scan.msk.f32 $0xffff, v20;
	v28, _, _ =	vpop (xrf2);
	v58 =	vnsel vm8, $0x0, v45;
	v59 =	vsel vm8, $0x3F800000, v1;
	vm8 =	veq.s32 v42, $0x2  }
0x86: {  	(xrf2) =	vadd.scan.msk.f32 $0xffff, v22;
	v5 =	vadd.f32 v5, v7;
	v6 =	vnsel vm6, $0x0, v25;
	v7 =	vbroadcast v28, $0xF  }
0x87: {  	(xrf2) =	vadd.scan.msk.f32 $0xffff, v27;
	v12 =	vnsel vm8, $0x0, v45;
	v13 =	vsel vm8, $0x3F800000, v1;
	vm8 =	veq.s32 v42, $0x3  }
0x88: {  	v8 =	vnsel vm7, $0x0, v8;
	v3 =	vadd.f32 v3, v6;
	v15 =	vnsel vm8, $0x0, v45  }
0x89: {  	(xrf2) =	vadd.scan.msk.f32 $0xffff, v29;
	v31, _, _ =	vpop (xrf2);
	v20 =	vsel vm8, $0x3F800000, v1;
	vm8 =	veq.s32 v42, $0x4;
	v5 =	vadd.f32 v5, v8  }
0x8a: {  	(xrf2) =	vadd.scan.msk.f32 $0xffff, v30;
	v7 =	vnsel vm7, $0x0, v7;
	v6 =	vbroadcast v31, $0xF;
	v32, _, _ =	vpop (xrf2);
	v22 =	vnsel vm8, $0x0, v45  }
0x8b: {  	v23 =	vsel vm8, $0x3F800000, v1;
	vm8 =	veq.s32 v42, $0x5;
	v8 =	vbroadcast v32, $0xF  }
0x8c: {  	(xrf2) =	vadd.scan.msk.f32 $0xffff, v33;
	v26 =	vnsel vm8, $0x0, v45;
	v27 =	vsel vm8, $0x3F800000, v1;
	vm8 =	veq.s32 v42, $0x6  }
0x8d: {  	v3 =	vadd.f32 v3, v7;
	v32 =	vld [tilespmem:$0x140];
	v6 =	vnsel vm0, $0x0, v6;
	v35, _, _ =	vpop (xrf2);
	v29 =	vnsel vm8, $0x0, v45  }
0x8e: {  	(xrf2) =	vadd.scan.msk.f32 $0xffff, v34;
	v5 =	vadd.f32 v5, v6;
	v37 =	vnsel vm0, $0x0, v8;
	v7 =	vbroadcast v35, $0xF  }
0x8f: {  	v35 =	vsel vm8, $0x3F800000, v1;
	vm8 =	veq.s32 v42, $0x7;
	v38, _, _ =	vpop (xrf2);
	(xrf2) =	vadd.scan.msk.f32 $0xffff, v36;
	v3 =	vadd.f32 v3, v37  }
0x90: {  	v36 =	vld [tilespmem:$0x40];
	v9 =	vnsel vm8, $0x0, v45;
	v39 =	vbroadcast v38, $0xF;
	v40, _, _ =	vpop (xrf2);
	v7 =	vnsel vm1, $0x0, v7  }
0x91: {  	(xrf2) =	vadd.scan.msk.f32 $0xffff, v41;
	v38 =	vsel vm8, $0x3F800000, v1;
	v8 =	vbroadcast v40, $0xF;
	v5 =	vadd.f32 v5, v7;
	v43, _, _ =	vpop (xrf2)  }
0x92: {  	(xrf2) =	vadd.scan.msk.f32 $0xffff, v44;
	vm8 =	veq.s32 v32, $0x0;
	v6 =	vnsel vm1, $0x0, v39;
	v7 =	vbroadcast v43, $0xF  }
0x93: {  	v47, _, _ =	vpop (xrf2);
	(xrf2) =	vadd.scan.msk.f32 $0xffff, v46;
	v42 =	vsel vm8, $0x3F800000, v1;
	v8 =	vnsel vm2, $0x0, v8;
	v3 =	vadd.f32 v3, v6  }
0x94: {  	v6 =	vbroadcast v47, $0xF;
	v5 =	vadd.f32 v5, v8;
	v7 =	vnsel vm2, $0x0, v7;
	v48, _, _ =	vpop (xrf2)  }
0x95: {  	v41 =	vnsel vm8, $0x0, v36;
	vm8 =	veq.s32 v32, $0x1;
	v8 =	vbroadcast v48, $0xF  }
0x96: {  	(xrf2) =	vadd.scan.msk.f32 $0xffff, v4;
	v3 =	vadd.f32 v3, v7;
	v6 =	vnsel vm3, $0x0, v6;
	v50, _, _ =	vpop (xrf2);
	v44 =	vnsel vm8, $0x0, v36  }
0x97: {  	(xrf2) =	vadd.scan.msk.f32 $0xffff, v49;
	v49 =	vsel vm8, $0x3F800000, v1;
	vm8 =	veq.s32 v32, $0x2;
	v7 =	vbroadcast v50, $0xF  }
0x98: {  	v5 =	vadd.f32 v5, v6;
	v52 =	vnsel vm3, $0x0, v8;
	v53, _, _ =	vpop (xrf2);
	(xrf2) =	vadd.scan.msk.f32 $0xffff, v51;
	v51 =	vnsel vm8, $0x0, v36  }
0x99: {  	v3 =	vadd.f32 v3, v52;
	v54 =	vbroadcast v53, $0xF;
	v7 =	vnsel vm4, $0x0, v7;
	v55, _, _ =	vpop (xrf2)  }
0x9a: {  	v52 =	vsel vm8, $0x3F800000, v1;
	vm8 =	veq.s32 v32, $0x3;
	(xrf2) =	vadd.scan.msk.f32 $0xffff, v56;
	v6 =	vbroadcast v55, $0xF  }
0x9b: {  	v5 =	vadd.f32 v5, v7;
	v56 =	vsel vm8, $0x3F800000, v1;
	v4 =	vnsel vm4, $0x0, v54;
	v57, _, _ =	vpop (xrf2);
	(xrf2) =	vadd.scan.msk.f32 $0xffff, v58  }
0x9c: {  	v55 =	vnsel vm8, $0x0, v36;
	v7 =	vbroadcast v57, $0xF;
	v61, _, _ =	vpop (xrf2);
	(xrf2) =	vadd.scan.msk.f32 $0xffff, v59;
	v6 =	vnsel vm5, $0x0, v6  }
0x9d: {  	vm8 =	veq.s32 v32, $0x4;
	v3 =	vadd.f32 v3, v4;
	v63, _, _ =	vpop (xrf2);
	v60 =	vadd.f32 v5, v6  }
0x9e: {  	(xrf2) =	vadd.scan.msk.f32 $0xffff, v12;
	v62 =	vnsel vm5, $0x0, v7;
	v5 =	vbroadcast v61, $0xF;
	v7 =	vbroadcast v63, $0xF  }
0x9f: {  	v58 =	vnsel vm8, $0x0, v36;
	v63 =	vsel vm8, $0x3F800000, v1;
	vm8 =	veq.s32 v32, $0x5  }
0xa0: {  	v3 =	vadd.f32 v3, v62;
	v14, _, _ =	vpop (xrf2);
	(xrf2) =	vadd.scan.msk.f32 $0xffff, v13;
	v5 =	vnsel vm6, $0x0, v5;
	v16 =	vnsel vm6, $0x0, v7  }
0xa1: {  	v6 =	vbroadcast v14, $0xF;
	v17, _, _ =	vpop (xrf2);
	(xrf2) =	vadd.scan.msk.f32 $0xffff, v15;
	v14 =	vnsel vm8, $0x0, v36;
	v15 =	vsel vm8, $0x3F800000, v1  }
0xa2: {  	vm8 =	veq.s32 v32, $0x6;
	v4 =	vadd.f32 v60, v5;
	v18 =	vbroadcast v17, $0xF  }
0xa3: {  	v3 =	vadd.f32 v3, v16;
	v19, _, _ =	vpop (xrf2);
	v6 =	vnsel vm7, $0x0, v6;
	(xrf2) =	vadd.scan.msk.f32 $0xffff, v20;
	v20 =	vsel vm8, $0x3F800000, v1  }
0xa4: {  	v7 =	vbroadcast v19, $0xF;
	v4 =	vadd.f32 v4, v6;
	v5 =	vnsel vm7, $0x0, v18;
	v21, _, _ =	vpop (xrf2)  }
0xa5: {  	v18 =	vnsel vm8, $0x0, v36;
	v19 =	vld [tilespmem:$0x150];
	vm8 =	veq.s32 v32, $0x7;
	(xrf2) =	vadd.scan.msk.f32 $0xffff, v22;
	v6 =	vbroadcast v21, $0xF;
	v24, _, _ =	vpop (xrf2)  }
0xa6: {  	v3 =	vadd.f32 v3, v5;
	v7 =	vnsel vm0, $0x0, v7;
	(xrf2) =	vadd.scan.msk.f32 $0xffff, v23;
	v21 =	vld [tilespmem:$0x50];
	v5 =	vbroadcast v24, $0xF;
	v25, _, _ =	vpop (xrf2)  }
0xa7: {  	v4 =	vadd.f32 v4, v7;
	(xrf2) =	vadd.scan.msk.f32 $0xffff, v26;
	v6 =	vnsel vm0, $0x0, v6;
	v7 =	vbroadcast v25, $0xF  }
0xa8: {  	v23 =	vnsel vm8, $0x0, v36;
	v28, _, _ =	vpop (xrf2);
	v3 =	vadd.f32 v3, v6;
	v5 =	vnsel vm1, $0x0, v5  }
0xa9: {  	(xrf2) =	vadd.scan.msk.f32 $0xffff, v27;
	v6 =	vbroadcast v28, $0xF;
	v28 =	vsel vm8, $0x3F800000, v1;
	v30 =	vnsel vm1, $0x0, v7  }
0xaa: {  	vm8 =	veq.s32 v19, $0x0;
	v4 =	vadd.f32 v4, v5;
	v31, _, _ =	vpop (xrf2);
	(xrf2) =	vadd.scan.msk.f32 $0xffff, v29;
	v3 =	vadd.f32 v3, v30  }
0xab: {  	v33 =	vbroadcast v31, $0xF;
	v34, _, _ =	vpop (xrf2);
	v6 =	vnsel vm2, $0x0, v6;
	v30 =	vnsel vm8, $0x0, v21  }
0xac: {  	(xrf2) =	vadd.scan.msk.f32 $0xffff, v35;
	v31 =	vsel vm8, $0x3F800000, v1;
	vm8 =	veq.s32 v19, $0x1;
	v7 =	vbroadcast v34, $0xF  }
0xad: {  	v4 =	vadd.f32 v4, v6;
	v34 =	vnsel vm8, $0x0, v21;
	v35 =	vsel vm8, $0x3F800000, v1;
	v37, _, _ =	vpop (xrf2)  }
0xae: {  	vm8 =	veq.s32 v19, $0x2;
	v5 =	vnsel vm2, $0x0, v33;
	(xrf2) =	vadd.scan.msk.f32 $0xffff, v9;
	v6 =	vbroadcast v37, $0xF  }
0xaf: {  	v7 =	vnsel vm3, $0x0, v7;
	v3 =	vadd.f32 v3, v5;
	v37 =	vnsel vm8, $0x0, v21;
	v39, _, _ =	vpop (xrf2);
	(xrf2) =	vadd.scan.msk.f32 $0xffff, v38  }
0xb0: {  	v4 =	vadd.f32 v4, v7;
	v6 =	vnsel vm3, $0x0, v6;
	v5 =	vbroadcast v39, $0xF;
	v40, _, _ =	vpop (xrf2);
	(xrf2) =	vadd.scan.msk.f32 $0xffff, v41  }
0xb1: {  	v7 =	vbroadcast v40, $0xF;
	v3 =	vadd.f32 v3, v6;
	v43, _, _ =	vpop (xrf2);
	(xrf2) =	vadd.scan.msk.f32 $0xffff, v42;
	v42 =	vsel vm8, $0x3F800000, v1  }
0xb2: {  	vm8 =	veq.s32 v19, $0x3;
	v5 =	vnsel vm4, $0x0, v5;
	v6 =	vbroadcast v43, $0xF  }
0xb3: {  	v46, _, _ =	vpop (xrf2);
	(xrf2) =	vadd.scan.msk.f32 $0xffff, v44;
	v44 =	vnsel vm8, $0x0, v21;
	v4 =	vadd.f32 v4, v5;
	v45 =	vnsel vm4, $0x0, v7  }
0xb4: {  	v47 =	vbroadcast v46, $0xF;
	v3 =	vadd.f32 v3, v45;
	v48, _, _ =	vpop (xrf2);
	v6 =	vnsel vm5, $0x0, v6  }
0xb5: {  	(xrf2) =	vadd.scan.msk.f32 $0xffff, v49;
	v45 =	vsel vm8, $0x3F800000, v1;
	vm8 =	veq.s32 v19, $0x4;
	v7 =	vbroadcast v48, $0xF  }
0xb6: {  	v4 =	vadd.f32 v4, v6;
	v5 =	vnsel vm5, $0x0, v47;
	v50, _, _ =	vpop (xrf2);
	(xrf2) =	vadd.scan.msk.f32 $0xffff, v51;
	v48 =	vnsel vm8, $0x0, v21  }
0xb7: {  	v49 =	vsel vm8, $0x3F800000, v1;
	vm8 =	veq.s32 v19, $0x5;
	v6 =	vbroadcast v50, $0xF  }
0xb8: {  	v3 =	vadd.f32 v3, v5;
	v51 =	vnsel vm8, $0x0, v21;
	v53, _, _ =	vpop (xrf2);
	(xrf2) =	vadd.scan.msk.f32 $0xffff, v52  }
0xb9: {  	v7 =	vnsel vm6, $0x0, v7;
	v6 =	vnsel vm6, $0x0, v6;
	v5 =	vbroadcast v53, $0xF;
	v54, _, _ =	vpop (xrf2)  }
0xba: {  	v4 =	vadd.f32 v4, v7;
	(xrf2) =	vadd.scan.msk.f32 $0xffff, v55;
	v3 =	vadd.f32 v3, v6;
	v7 =	vbroadcast v54, $0xF;
	v57, _, _ =	vpop (xrf2)  }
0xbb: {  	v5 =	vnsel vm7, $0x0, v5;
	(xrf2) =	vadd.scan.msk.f32 $0xffff, v56;
	v56 =	vsel vm8, $0x3F800000, v1;
	v6 =	vbroadcast v57, $0xF  }
0xbc: {  	vm8 =	veq.s32 v19, $0x6;
	v4 =	vadd.f32 v4, v5;
	v60, _, _ =	vpop (xrf2);
	v59 =	vnsel vm7, $0x0, v7  }
0xbd: {  	(xrf2) =	vadd.scan.msk.f32 $0xffff, v58;
	v57 =	vld [tilespmem:$0x160];
	v61 =	vbroadcast v60, $0xF;
	v62, _, _ =	vpop (xrf2);
	v3 =	vadd.f32 v3, v59;
	v6 =	vnsel vm0, $0x0, v6  }
0xbe: {  	(xrf2) =	vadd.scan.msk.f32 $0xffff, v63;
	v60 =	vld [tilespmem:$0x60];
	v7 =	vbroadcast v62, $0xF;
	v59 =	vnsel vm8, $0x0, v21;
	v4 =	vadd.f32 v4, v6  }
0xbf: {  	v5 =	vnsel vm0, $0x0, v61;
	v13, _, _ =	vpop (xrf2);
	v61 =	vsel vm8, $0x3F800000, v1;
	vm8 =	veq.s32 v19, $0x7  }
0xc0: {  	(xrf2) =	vadd.scan.msk.f32 $0xffff, v14;
	v7 =	vnsel vm1, $0x0, v7;
	v6 =	vbroadcast v13, $0xF;
	v3 =	vadd.f32 v3, v5;
	v16, _, _ =	vpop (xrf2)  }
0xc1: {  	(xrf2) =	vadd.scan.msk.f32 $0xffff, v15;
	v8 =	vnsel vm8, $0x0, v21;
	v13 =	vsel vm8, $0x3F800000, v1;
	v5 =	vbroadcast v16, $0xF  }
0xc2: {  	v4 =	vadd.f32 v4, v7;
	vm8 =	veq.s32 v57, $0x0;
	v6 =	vnsel vm1, $0x0, v6;
	v17, _, _ =	vpop (xrf2)  }
0xc3: {  	(xrf2) =	vadd.scan.msk.f32 $0xffff, v18;
	v15 =	vnsel vm8, $0x0, v60;
	v7 =	vbroadcast v17, $0xF;
	v5 =	vnsel vm2, $0x0, v5  }
0xc4: {  	v3 =	vadd.f32 v3, v6;
	v22, _, _ =	vpop (xrf2);
	(xrf2) =	vadd.scan.msk.f32 $0xffff, v20;
	v4 =	vadd.f32 v4, v5;
	v20 =	vsel vm8, $0x3F800000, v1  }
0xc5: {  	vm8 =	veq.s32 v57, $0x1;
	v24 =	vnsel vm2, $0x0, v7;
	v6 =	vbroadcast v22, $0xF  }
0xc6: {  	v25, _, _ =	vpop (xrf2);
	(xrf2) =	vadd.scan.msk.f32 $0xffff, v23;
	v22 =	vnsel vm8, $0x0, v60;
	v23 =	vsel vm8, $0x3F800000, v1;
	vm8 =	veq.s32 v57, $0x2  }
0xc7: {  	v3 =	vadd.f32 v3, v24;
	v26 =	vbroadcast v25, $0xF;
	v27, _, _ =	vpop (xrf2);
	(xrf2) =	vadd.scan.msk.f32 $0xffff, v28;
	v6 =	vnsel vm3, $0x0, v6  }
0xc8: {  	v7 =	vbroadcast v27, $0xF;
	v29, _, _ =	vpop (xrf2);
	v27 =	vsel vm8, $0x3F800000, v1;
	v4 =	vadd.f32 v4, v6  }
0xc9: {  	(xrf2) =	vadd.scan.msk.f32 $0xffff, v30;
	v5 =	vnsel vm3, $0x0, v26;
	v6 =	vbroadcast v29, $0xF;
	v26 =	vnsel vm8, $0x0, v60  }
0xca: {  	vm8 =	veq.s32 v57, $0x3;
	v7 =	vnsel vm4, $0x0, v7;
	v3 =	vadd.f32 v3, v5;
	v32, _, _ =	vpop (xrf2);
	(xrf2) =	vadd.scan.msk.f32 $0xffff, v31  }
0xcb: {  	v29 =	vnsel vm8, $0x0, v60;
	v4 =	vadd.f32 v4, v7;
	v5 =	vbroadcast v32, $0xF;
	v33, _, _ =	vpop (xrf2)  }
0xcc: {  	v6 =	vnsel vm4, $0x0, v6;
	(xrf2) =	vadd.scan.msk.f32 $0xffff, v34;
	v34 =	vsel vm8, $0x3F800000, v1;
	v7 =	vbroadcast v33, $0xF  }
0xcd: {  	vm8 =	veq.s32 v57, $0x4;
	v3 =	vadd.f32 v3, v6;
	v5 =	vnsel vm5, $0x0, v5;
	v36, _, _ =	vpop (xrf2);
	(xrf2) =	vadd.scan.msk.f32 $0xffff, v35  }
0xce: {  	v4 =	vadd.f32 v4, v5;
	v38 =	vnsel vm5, $0x0, v7;
	v6 =	vbroadcast v36, $0xF  }
0xcf: {  	v36 =	vnsel vm8, $0x0, v60;
	v39, _, _ =	vpop (xrf2);
	(xrf2) =	vadd.scan.msk.f32 $0xffff, v37;
	v3 =	vadd.f32 v3, v38;
	v37 =	vsel vm8, $0x3F800000, v1  }
0xd0: {  	vm8 =	veq.s32 v57, $0x5;
	v40 =	vbroadcast v39, $0xF;
	v41, _, _ =	vpop (xrf2);
	v6 =	vnsel vm6, $0x0, v6;
	(xrf2) =	vadd.scan.msk.f32 $0xffff, v42  }
0xd1: {  	v7 =	vbroadcast v41, $0xF;
	v4 =	vadd.f32 v4, v6;
	v43, _, _ =	vpop (xrf2);
	v41 =	vsel vm8, $0x3F800000, v1  }
0xd2: {  	(xrf2) =	vadd.scan.msk.f32 $0xffff, v44;
	v5 =	vnsel vm6, $0x0, v40;
	v6 =	vbroadcast v43, $0xF;
	v40 =	vnsel vm8, $0x0, v60  }
0xd3: {  	v46, _, _ =	vpop (xrf2);
	(xrf2) =	vadd.scan.msk.f32 $0xffff, v45;
	vm8 =	veq.s32 v57, $0x6;
	v7 =	vnsel vm7, $0x0, v7;
	v3 =	vadd.f32 v3, v5  }
0xd4: {  	v5 =	vbroadcast v46, $0xF;
	v43 =	vnsel vm8, $0x0, v60;
	v46 =	vld [tilespmem:$0x170];
	v6 =	vnsel vm7, $0x0, v6;
	v47, _, _ =	vpop (xrf2)  }
0xd5: {  	v4 =	vadd.f32 v4, v7;
	(xrf2) =	vadd.scan.msk.f32 $0xffff, v48;
	v7 =	vbroadcast v47, $0xF;
	v3 =	vadd.f32 v3, v6  }
0xd6: {  	v5 =	vnsel vm0, $0x0, v5;
	v50, _, _ =	vpop (xrf2);
	(xrf2) =	vadd.scan.msk.f32 $0xffff, v49;
	v49 =	vsel vm8, $0x3F800000, v1;
	vm8 =	veq.s32 v57, $0x7  }
0xd7: {  	v4 =	vadd.f32 v4, v5;
	v6 =	vbroadcast v50, $0xF;
	v50 =	vld [tilespmem:$0x70];
	v52 =	vnsel vm0, $0x0, v7;
	v53, _, _ =	vpop (xrf2)  }
0xd8: {  	v9 =	vnsel vm8, $0x0, v60;
	(xrf2) =	vadd.scan.msk.f32 $0xffff, v51;
	v3 =	vadd.f32 v3, v52;
	v54 =	vbroadcast v53, $0xF  }
0xd9: {  	v6 =	vnsel vm1, $0x0, v6;
	v52 =	vsel vm8, $0x3F800000, v1;
	vm8 =	veq.s32 v46, $0x0;
	v55, _, _ =	vpop (xrf2)  }
0xda: {  	(xrf2) =	vadd.scan.msk.f32 $0xffff, v56;
	v4 =	vadd.f32 v4, v6;
	v56 =	vsel vm8, $0x3F800000, v1;
	v58, _, _ =	vpop (xrf2)  }
0xdb: {  	v7 =	vbroadcast v55, $0xF;
	v5 =	vnsel vm1, $0x0, v54;
	(xrf2) =	vadd.scan.msk.f32 $0xffff, v59;
	v6 =	vbroadcast v58, $0xF  }
0xdc: {  	v3 =	vadd.f32 v3, v5;
	v62, _, _ =	vpop (xrf2);
	(xrf2) =	vadd.scan.msk.f32 $0xffff, v61;
	v55 =	vnsel vm8, $0x0, v50;
	vm8 =	veq.s32 v46, $0x1  }
0xdd: {  	v7 =	vnsel vm2, $0x0, v7;
	v5 =	vbroadcast v62, $0xF;
	v63, _, _ =	vpop (xrf2);
	v58 =	vnsel vm8, $0x0, v50  }
0xde: {  	(xrf2) =	vadd.scan.msk.f32 $0xffff, v8;
	v4 =	vadd.f32 v4, v7;
	v6 =	vnsel vm2, $0x0, v6;
	v7 =	vbroadcast v63, $0xF  }
0xdf: {  	v63 =	vsel vm8, $0x3F800000, v1;
	vm8 =	veq.s32 v46, $0x2;
	v5 =	vnsel vm3, $0x0, v5  }
0xe0: {  	v3 =	vadd.f32 v3, v6;
	v14, _, _ =	vpop (xrf2);
	(xrf2) =	vadd.scan.msk.f32 $0xffff, v13;
	v13 =	vnsel vm8, $0x0, v50;
	v4 =	vadd.f32 v4, v5  }
0xe1: {  	v16 =	vnsel vm3, $0x0, v7;
	v6 =	vbroadcast v14, $0xF;
	v17, _, _ =	vpop (xrf2);
	(xrf2) =	vadd.scan.msk.f32 $0xffff, v15;
	v14 =	vsel vm8, $0x3F800000, v1  }
0xe2: {  	vm8 =	veq.s32 v46, $0x3;
	v3 =	vadd.f32 v3, v16;
	v18 =	vbroadcast v17, $0xF;
	v19, _, _ =	vpop (xrf2)  }
0xe3: {  	v17 =	vnsel vm8, $0x0, v50;
	v6 =	vnsel vm4, $0x0, v6;
	(xrf2) =	vadd.scan.msk.f32 $0xffff, v20;
	v7 =	vbroadcast v19, $0xF  }
0xe4: {  	v4 =	vadd.f32 v4, v6;
	v5 =	vnsel vm4, $0x0, v18;
	v18 =	vsel vm8, $0x3F800000, v1;
	v21, _, _ =	vpop (xrf2);
	(xrf2) =	vadd.scan.msk.f32 $0xffff, v22  }
0xe5: {  	vm8 =	veq.s32 v46, $0x4;
	v7 =	vnsel vm5, $0x0, v7;
	v6 =	vbroadcast v21, $0xF;
	v24, _, _ =	vpop (xrf2);
	(xrf2) =	vadd.scan.msk.f32 $0xffff, v23  }
0xe6: {  	v3 =	vadd.f32 v3, v5;
	v20 =	vnsel vm8, $0x0, v50;
	v4 =	vadd.f32 v4, v7;
	v25, _, _ =	vpop (xrf2)  }
0xe7: {  	v5 =	vbroadcast v24, $0xF;
	(xrf2) =	vadd.scan.msk.f32 $0xffff, v26;
	v6 =	vnsel vm5, $0x0, v6;
	v7 =	vbroadcast v25, $0xF  }
0xe8: {  	v28, _, _ =	vpop (xrf2);
	(xrf2) =	vadd.scan.msk.f32 $0xffff, v27;
	v25 =	vsel vm8, $0x3F800000, v1;
	vm8 =	veq.s32 v46, $0x5;
	v3 =	vadd.f32 v3, v6  }
0xe9: {  	v5 =	vnsel vm6, $0x0, v5;
	v6 =	vbroadcast v28, $0xF;
	v27 =	vnsel vm8, $0x0, v50  }
0xea: {  	v28 =	vsel vm8, $0x3F800000, v1;
	vm8 =	veq.s32 v46, $0x6;
	v30 =	vnsel vm6, $0x0, v7;
	v31, _, _ =	vpop (xrf2);
	(xrf2) =	vadd.scan.msk.f32 $0xffff, v29  }
0xeb: {  	v4 =	vadd.f32 v4, v5;
	v3 =	vadd.f32 v3, v30;
	v32 =	vbroadcast v31, $0xF;
	v33, _, _ =	vpop (xrf2);
	(xrf2) =	vadd.scan.msk.f32 $0xffff, v34  }
0xec: {  	v6 =	vnsel vm7, $0x0, v6;
	v31 =	vnsel vm8, $0x0, v50;
	v7 =	vbroadcast v33, $0xF  }
0xed: {  	v33 =	vsel vm8, $0x3F800000, v1;
	vm8 =	veq.s32 v46, $0x7;
	v5 =	vnsel vm7, $0x0, v32;
	v35, _, _ =	vpop (xrf2);
	(xrf2) =	vadd.scan.msk.f32 $0xffff, v36;
	v32 =	vld [tilespmem:$0x180]  }
0xee: {  	v34 =	vld [tilespmem:$0x80];
	v4 =	vadd.f32 v4, v6;
	v36 =	vnsel vm8, $0x0, v50;
	v6 =	vbroadcast v35, $0xF;
	v38, _, _ =	vpop (xrf2)  }
0xef: {  	v7 =	vnsel vm0, $0x0, v7;
	v3 =	vadd.f32 v3, v5;
	(xrf2) =	vadd.scan.msk.f32 $0xffff, v37;
	v5 =	vbroadcast v38, $0xF;
	v39, _, _ =	vpop (xrf2)  }
0xf0: {  	v4 =	vadd.f32 v4, v7;
	v6 =	vnsel vm0, $0x0, v6;
	(xrf2) =	vadd.scan.msk.f32 $0xffff, v40;
	v7 =	vbroadcast v39, $0xF  }
0xf1: {  	v3 =	vadd.f32 v3, v6;
	v42, _, _ =	vpop (xrf2);
	(xrf2) =	vadd.scan.msk.f32 $0xffff, v41;
	v41 =	vsel vm8, $0x3F800000, v1;
	v5 =	vnsel vm1, $0x0, v5  }
0xf2: {  	v6 =	vbroadcast v42, $0xF;
	v45, _, _ =	vpop (xrf2);
	vm8 =	veq.s32 v32, $0x0;
	v4 =	vadd.f32 v4, v5  }
0xf3: {  	(xrf2) =	vadd.scan.msk.f32 $0xffff, v43;
	v44 =	vnsel vm1, $0x0, v7;
	v47 =	vbroadcast v45, $0xF;
	v43 =	vnsel vm8, $0x0, v34  }
0xf4: {  	v3 =	vadd.f32 v3, v44;
	v48, _, _ =	vpop (xrf2);
	v6 =	vnsel vm2, $0x0, v6;
	v44 =	vsel vm8, $0x3F800000, v1  }
0xf5: {  	(xrf2) =	vadd.scan.msk.f32 $0xffff, v49;
	vm8 =	veq.s32 v32, $0x1;
	v7 =	vbroadcast v48, $0xF;
	v4 =	vadd.f32 v4, v6;
	v51, _, _ =	vpop (xrf2)  }
0xf6: {  	v5 =	vnsel vm2, $0x0, v47;
	(xrf2) =	vadd.scan.msk.f32 $0xffff, v9;
	v47 =	vnsel vm8, $0x0, v34;
	v6 =	vbroadcast v51, $0xF  }
0xf7: {  	v48 =	vsel vm8, $0x3F800000, v1;
	vm8 =	veq.s32 v32, $0x2;
	v3 =	vadd.f32 v3, v5;
	v53, _, _ =	vpop (xrf2);
	(xrf2) =	vadd.scan.msk.f32 $0xffff, v52  }
0xf8: {  	v7 =	vnsel vm3, $0x0, v7;
	v6 =	vnsel vm3, $0x0, v6;
	v5 =	vbroadcast v53, $0xF  }
0xf9: {  	v50 =	vnsel vm8, $0x0, v34;
	v4 =	vadd.f32 v4, v7;
	v54, _, _ =	vpop (xrf2);
	(xrf2) =	vadd.scan.msk.f32 $0xffff, v55;
	v3 =	vadd.f32 v3, v6  }
0xfa: {  	v55 =	vsel vm8, $0x3F800000, v1;
	v7 =	vbroadcast v54, $0xF;
	v5 =	vnsel vm4, $0x0, v5;
	v57, _, _ =	vpop (xrf2)  }
0xfb: {  	vm8 =	veq.s32 v32, $0x3;
	(xrf2) =	vadd.scan.msk.f32 $0xffff, v56;
	v4 =	vadd.f32 v4, v5;
	v6 =	vbroadcast v57, $0xF  }
0xfc: {  	v60, _, _ =	vpop (xrf2);
	(xrf2) =	vadd.scan.msk.f32 $0xffff, v58;
	v57 =	vnsel vm8, $0x0, v34;
	v58 =	vsel vm8, $0x3F800000, v1;
	v59 =	vnsel vm4, $0x0, v7  }
0xfd: {  	vm8 =	veq.s32 v32, $0x4;
	v61 =	vbroadcast v60, $0xF;
	v62, _, _ =	vpop (xrf2);
	(xrf2) =	vadd.scan.msk.f32 $0xffff, v63;
	v3 =	vadd.f32 v3, v59  }
0xfe: {  	v6 =	vnsel vm5, $0x0, v6;
	v7 =	vbroadcast v62, $0xF;
	v62 =	vsel vm8, $0x3F800000, v1  }
0xff: {  	v4 =	vadd.f32 v4, v6;
	v5 =	vnsel vm5, $0x0, v61;
	v12, _, _ =	vpop (xrf2);
	(xrf2) =	vadd.scan.msk.f32 $0xffff, v13;
	v61 =	vnsel vm8, $0x0, v34  }
0x100: {  	vm8 =	veq.s32 v32, $0x5;
	v7 =	vnsel vm6, $0x0, v7;
	v6 =	vbroadcast v12, $0xF;
	v15, _, _ =	vpop (xrf2);
	(xrf2) =	vadd.scan.msk.f32 $0xffff, v14  }
0x101: {  	v3 =	vadd.f32 v3, v5;
	v12 =	vnsel vm8, $0x0, v34;
	v5 =	vbroadcast v15, $0xF;
	v16, _, _ =	vpop (xrf2)  }
0x102: {  	v4 =	vadd.f32 v4, v7;
	v6 =	vnsel vm6, $0x0, v6;
	(xrf2) =	vadd.scan.msk.f32 $0xffff, v17;
	v7 =	vbroadcast v16, $0xF  }
0x103: {  	v17 =	vsel vm8, $0x3F800000, v1;
	v3 =	vadd.f32 v3, v6;
	v5 =	vnsel vm7, $0x0, v5;
	v19, _, _ =	vpop (xrf2);
	(xrf2) =	vadd.scan.msk.f32 $0xffff, v18  }
0x104: {  	vm8 =	veq.s32 v32, $0x6;
	v4 =	vadd.f32 v4, v5;
	v21 =	vnsel vm7, $0x0, v7  }
0x105: {  	v18 =	vld [tilespmem:$0x190];
	v6 =	vbroadcast v19, $0xF;
	v22, _, _ =	vpop (xrf2);
	(xrf2) =	vadd.scan.msk.f32 $0xffff, v20;
	v20 =	vnsel vm8, $0x0, v34;
	v3 =	vadd.f32 v3, v21  }
0x106: {  	v23 =	vbroadcast v22, $0xF;
	v24, _, _ =	vpop (xrf2);
	(xrf2) =	vadd.scan.msk.f32 $0xffff, v25;
	v22 =	vsel vm8, $0x3F800000, v1;
	vm8 =	veq.s32 v32, $0x7  }
0x107: {  	v21 =	vld [tilespmem:$0x90];
	v6 =	vnsel vm0, $0x0, v6;
	v7 =	vbroadcast v24, $0xF;
	v26, _, _ =	vpop (xrf2);
	(xrf2) =	vadd.scan.msk.f32 $0xffff, v27;
	v8 =	vnsel vm8, $0x0, v34  }
0x108: {  	v25 =	vsel vm8, $0x3F800000, v1;
	v4 =	vadd.f32 v4, v6;
	v5 =	vnsel vm0, $0x0, v23  }
0x109: {  	v6 =	vbroadcast v26, $0xF;
	v7 =	vnsel vm1, $0x0, v7;
	v3 =	vadd.f32 v3, v5;
	v29, _, _ =	vpop (xrf2);
	(xrf2) =	vadd.scan.msk.f32 $0xffff, v28  }
0x10a: {  	vm8 =	veq.s32 v18, $0x0;
	v4 =	vadd.f32 v4, v7;
	v5 =	vbroadcast v29, $0xF;
	v30, _, _ =	vpop (xrf2)  }
0x10b: {  	v6 =	vnsel vm1, $0x0, v6;
	(xrf2) =	vadd.scan.msk.f32 $0xffff, v31;
	v32 =	vsel vm8, $0x3F800000, v1;
	v7 =	vbroadcast v30, $0xF  }
0x10c: {  	v27 =	vnsel vm8, $0x0, v21;
	vm8 =	veq.s32 v18, $0x1;
	v5 =	vnsel vm2, $0x0, v5;
	v35, _, _ =	vpop (xrf2);
	(xrf2) =	vadd.scan.msk.f32 $0xffff, v33  }
0x10d: {  	v3 =	vadd.f32 v3, v6;
	v34 =	vnsel vm8, $0x0, v21;
	v4 =	vadd.f32 v4, v5;
	v38, _, _ =	vpop (xrf2);
	(xrf2) =	vadd.scan.msk.f32 $0xffff, v36  }
0x10e: {  	v37 =	vnsel vm2, $0x0, v7;
	v6 =	vbroadcast v35, $0xF;
	v35 =	vsel vm8, $0x3F800000, v1  }
0x10f: {  	vm8 =	veq.s32 v18, $0x2;
	v3 =	vadd.f32 v3, v37;
	v39 =	vbroadcast v38, $0xF;
	v40, _, _ =	vpop (xrf2);
	(xrf2) =	vadd.scan.msk.f32 $0xffff, v41  }
0x110: {  	v6 =	vnsel vm3, $0x0, v6;
	v38 =	vnsel vm8, $0x0, v21;
	v7 =	vbroadcast v40, $0xF;
	v42, _, _ =	vpop (xrf2);
	(xrf2) =	vadd.scan.msk.f32 $0xffff, v43  }
0x111: {  	v4 =	vadd.f32 v4, v6;
	v5 =	vnsel vm3, $0x0, v39;
	v6 =	vbroadcast v42, $0xF;
	v45, _, _ =	vpop (xrf2);
	(xrf2) =	vadd.scan.msk.f32 $0xffff, v44  }
0x112: {  	v39 =	vsel vm8, $0x3F800000, v1;
	vm8 =	veq.s32 v18, $0x3;
	v7 =	vnsel vm4, $0x0, v7  }
0x113: {  	v3 =	vadd.f32 v3, v5;
	v5 =	vbroadcast v45, $0xF;
	v41 =	vnsel vm8, $0x0, v21;
	v46, _, _ =	vpop (xrf2)  }
0x114: {  	v4 =	vadd.f32 v4, v7;
	v6 =	vnsel vm4, $0x0, v6;
	(xrf2) =	vadd.scan.msk.f32 $0xffff, v47;
	v7 =	vbroadcast v46, $0xF  }
0x115: {  	v3 =	vadd.f32 v3, v6;
	v5 =	vnsel vm5, $0x0, v5;
	v49, _, _ =	vpop (xrf2);
	(xrf2) =	vadd.scan.msk.f32 $0xffff, v48;
	v46 =	vsel vm8, $0x3F800000, v1  }
0x116: {  	vm8 =	veq.s32 v18, $0x4;
	v4 =	vadd.f32 v4, v5;
	v6 =	vbroadcast v49, $0xF;
	v52, _, _ =	vpop (xrf2);
	(xrf2) =	vadd.scan.msk.f32 $0xffff, v50  }
0x117: {  	v48 =	vnsel vm8, $0x0, v21;
	v49 =	vsel vm8, $0x3F800000, v1;
	vm8 =	veq.s32 v18, $0x5;
	v54, _, _ =	vpop (xrf2);
	(xrf2) =	vadd.scan.msk.f32 $0xffff, v55  }
0x118: {  	v51 =	vnsel vm5, $0x0, v7;
	v53 =	vbroadcast v52, $0xF;
	v6 =	vnsel vm6, $0x0, v6  }
0x119: {  	v3 =	vadd.f32 v3, v51;
	v52 =	vnsel vm8, $0x0, v21;
	v4 =	vadd.f32 v4, v6;
	v56, _, _ =	vpop (xrf2);
	(xrf2) =	vadd.scan.msk.f32 $0xffff, v57  }
0x11a: {  	v7 =	vbroadcast v54, $0xF;
	v5 =	vnsel vm6, $0x0, v53;
	v53 =	vsel vm8, $0x3F800000, v1;
	v59, _, _ =	vpop (xrf2);
	(xrf2) =	vadd.scan.msk.f32 $0xffff, v58  }
0x11b: {  	vm8 =	veq.s32 v18, $0x6;
	v6 =	vbroadcast v56, $0xF;
	v3 =	vadd.f32 v3, v5;
	v60, _, _ =	vpop (xrf2);
	(xrf2) =	vadd.scan.msk.f32 $0xffff, v61  }
0x11c: {  	v55 =	vnsel vm8, $0x0, v21;
	v58 =	vld [tilespmem:$0x1A0];
	v7 =	vnsel vm7, $0x0, v7;
	v5 =	vbroadcast v59, $0xF  }
0x11d: {  	v4 =	vadd.f32 v4, v7;
	v6 =	vnsel vm7, $0x0, v6;
	v7 =	vbroadcast v60, $0xF  }
0x11e: {  	v61 =	vsel vm8, $0x3F800000, v1;
	vm8 =	veq.s32 v18, $0x7;
	v3 =	vadd.f32 v3, v6;
	v63, _, _ =	vpop (xrf2);
	(xrf2) =	vadd.scan.msk.f32 $0xffff, v62;
	v62 =	vld [tilespmem:$0xA0]  }
0x11f: {  	v9 =	vnsel vm8, $0x0, v21;
	v5 =	vnsel vm0, $0x0, v5;
	v13 =	vnsel vm0, $0x0, v7;
	v14, _, _ =	vpop (xrf2);
	(xrf2) =	vadd.scan.msk.f32 $0xffff, v12  }
0x120: {  	v4 =	vadd.f32 v4, v5;
	v6 =	vbroadcast v63, $0xF;
	v3 =	vadd.f32 v3, v13;
	v16, _, _ =	vpop (xrf2);
	(xrf2) =	vadd.scan.msk.f32 $0xffff, v17  }
0x121: {  	v15 =	vbroadcast v14, $0xF;
	v13 =	vsel vm8, $0x3F800000, v1;
	vm8 =	veq.s32 v58, $0x0;
	v19, _, _ =	vpop (xrf2);
	(xrf2) =	vadd.scan.msk.f32 $0xffff, v20  }
0x122: {  	v6 =	vnsel vm1, $0x0, v6;
	v17 =	vsel vm8, $0x3F800000, v1;
	v7 =	vbroadcast v16, $0xF  }
0x123: {  	v4 =	vadd.f32 v4, v6;
	v5 =	vnsel vm1, $0x0, v15;
	v16 =	vnsel vm8, $0x0, v62;
	v23, _, _ =	vpop (xrf2);
	(xrf2) =	vadd.scan.msk.f32 $0xffff, v22  }
0x124: {  	vm8 =	veq.s32 v58, $0x1;
	v7 =	vnsel vm2, $0x0, v7;
	v6 =	vbroadcast v19, $0xF;
	v24, _, _ =	vpop (xrf2);
	(xrf2) =	vadd.scan.msk.f32 $0xffff, v8  }
0x125: {  	v3 =	vadd.f32 v3, v5;
	v19 =	vnsel vm8, $0x0, v62;
	v4 =	vadd.f32 v4, v7;
	v26, _, _ =	vpop (xrf2);
	(xrf2) =	vadd.scan.msk.f32 $0xffff, v25  }
0x126: {  	v5 =	vbroadcast v23, $0xF;
	v6 =	vnsel vm2, $0x0, v6;
	v7 =	vbroadcast v24, $0xF  }
0x127: {  	v24 =	vsel vm8, $0x3F800000, v1;
	vm8 =	veq.s32 v58, $0x2;
	v3 =	vadd.f32 v3, v6  }
0x128: {  	v5 =	vnsel vm3, $0x0, v5;
	v6 =	vbroadcast v26, $0xF;
	v26 =	vnsel vm8, $0x0, v62;
	v29, _, _ =	vpop (xrf2);
	(xrf2) =	vadd.scan.msk.f32 $0xffff, v27  }
0x129: {  	v4 =	vadd.f32 v4, v5;
	v28 =	vnsel vm3, $0x0, v7;
	v27 =	vsel vm8, $0x3F800000, v1;
	v31, _, _ =	vpop (xrf2);
	(xrf2) =	vadd.scan.msk.f32 $0xffff, v32  }
0x12a: {  	vm8 =	veq.s32 v58, $0x3;
	v30 =	vbroadcast v29, $0xF;
	v6 =	vnsel vm4, $0x0, v6;
	v33, _, _ =	vpop (xrf2);
	(xrf2) =	vadd.scan.msk.f32 $0xffff, v34  }
0x12b: {  	v3 =	vadd.f32 v3, v28;
	v7 =	vbroadcast v31, $0xF;
	v4 =	vadd.f32 v4, v6;
	v36, _, _ =	vpop (xrf2);
	(xrf2) =	vadd.scan.msk.f32 $0xffff, v35  }
0x12c: {  	v31 =	vsel vm8, $0x3F800000, v1;
	v5 =	vnsel vm4, $0x0, v30;
	v30 =	vnsel vm8, $0x0, v62  }
0x12d: {  	vm8 =	veq.s32 v58, $0x4;
	v7 =	vnsel vm5, $0x0, v7;
	v6 =	vbroadcast v33, $0xF;
	v37, _, _ =	vpop (xrf2);
	(xrf2) =	vadd.scan.msk.f32 $0xffff, v38  }
0x12e: {  	v3 =	vadd.f32 v3, v5;
	v33 =	vnsel vm8, $0x0, v62;
	v4 =	vadd.f32 v4, v7;
	v40, _, _ =	vpop (xrf2);
	(xrf2) =	vadd.scan.msk.f32 $0xffff, v39  }
0x12f: {  	v6 =	vnsel vm5, $0x0, v6;
	v5 =	vbroadcast v36, $0xF;
	v38 =	vsel vm8, $0x3F800000, v1;
	v43, _, _ =	vpop (xrf2);
	(xrf2) =	vadd.scan.msk.f32 $0xffff, v41  }
0x130: {  	vm8 =	veq.s32 v58, $0x5;
	v7 =	vbroadcast v37, $0xF;
	v3 =	vadd.f32 v3, v6  }
0x131: {  	v5 =	vnsel vm6, $0x0, v5;
	v6 =	vbroadcast v40, $0xF;
	v40 =	vnsel vm8, $0x0, v62  }
0x132: {  	v41 =	vsel vm8, $0x3F800000, v1;
	vm8 =	veq.s32 v58, $0x6;
	v42 =	vnsel vm6, $0x0, v7;
	v45, _, _ =	vpop (xrf2);
	(xrf2) =	vadd.scan.msk.f32 $0xffff, v46  }
0x133: {  	v4 =	vadd.f32 v4, v5;
	v44 =	vbroadcast v43, $0xF;
	v3 =	vadd.f32 v3, v42;
	v47, _, _ =	vpop (xrf2);
	(xrf2) =	vadd.scan.msk.f32 $0xffff, v48  }
0x134: {  	v6 =	vnsel vm7, $0x0, v6;
	v46 =	vsel vm8, $0x3F800000, v1;
	v7 =	vbroadcast v45, $0xF;
	v50, _, _ =	vpop (xrf2);
	(xrf2) =	vadd.scan.msk.f32 $0xffff, v49  }
0x135: {  	v4 =	vadd.f32 v4, v6;
	v5 =	vnsel vm7, $0x0, v44;
	v45 =	vld [tilespmem:$0x1B0];
	v6 =	vbroadcast v47, $0xF;
	v51, _, _ =	vpop (xrf2);
	(xrf2) =	vadd.scan.msk.f32 $0xffff, v52  }
0x136: {  	v3 =	vadd.f32 v3, v5;
	v7 =	vnsel vm0, $0x0, v7;
	v5 =	vbroadcast v50, $0xF  }
0x137: {  	v44 =	vnsel vm8, $0x0, v62;
	vm8 =	veq.s32 v58, $0x7;
	v4 =	vadd.f32 v4, v7;
	v54, _, _ =	vpop (xrf2);
	(xrf2) =	vadd.scan.msk.f32 $0xffff, v53  }
0x138: {  	v47 =	vld [tilespmem:$0xB0];
	v49 =	vnsel vm8, $0x0, v62;
	v6 =	vnsel vm0, $0x0, v6;
	v5 =	vnsel vm1, $0x0, v5;
	v57, _, _ =	vpop (xrf2);
	(xrf2) =	vadd.scan.msk.f32 $0xffff, v55  }
0x139: {  	v3 =	vadd.f32 v3, v6;
	v7 =	vbroadcast v51, $0xF;
	v4 =	vadd.f32 v4, v5;
	v60, _, _ =	vpop (xrf2);
	(xrf2) =	vadd.scan.msk.f32 $0xffff, v61  }
0x13a: {  	v6 =	vbroadcast v54, $0xF;
	v54 =	vsel vm8, $0x3F800000, v1;
	vm8 =	veq.s32 v45, $0x0  }
0x13b: {  	v56 =	vnsel vm1, $0x0, v7;
	v59 =	vbroadcast v57, $0xF;
	v57 =	vsel vm8, $0x3F800000, v1  }
0x13c: {  	v3 =	vadd.f32 v3, v56;
	v6 =	vnsel vm2, $0x0, v6;
	v7 =	vbroadcast v60, $0xF;
	v63, _, _ =	vpop (xrf2);
	(xrf2) =	vadd.scan.msk.f32 $0xffff, v9  }
0x13d: {  	v56 =	vnsel vm8, $0x0, v47;
	vm8 =	veq.s32 v45, $0x1;
	v4 =	vadd.f32 v4, v6;
	v14, _, _ =	vpop (xrf2);
	(xrf2) =	vadd.scan.msk.f32 $0xffff, v13  }
0x13e: {  	v5 =	vnsel vm2, $0x0, v59;
	v60 =	vnsel vm8, $0x0, v47;
	v61 =	vsel vm8, $0x3F800000, v1;
	v15, _, _ =	vpop (xrf2);
	(xrf2) =	vadd.scan.msk.f32 $0xffff, v16  }
0x13f: {  	vm8 =	veq.s32 v45, $0x2;
	v7 =	vnsel vm3, $0x0, v7;
	v6 =	vbroadcast v63, $0xF;
	v18, _, _ =	vpop (xrf2);
	(xrf2) =	vadd.scan.msk.f32 $0xffff, v17  }
0x140: {  	v3 =	vadd.f32 v3, v5;
	v63 =	vnsel vm8, $0x0, v47;
	v5 =	vbroadcast v14, $0xF  }
0x141: {  	v4 =	vadd.f32 v4, v7;
	v6 =	vnsel vm3, $0x0, v6;
	v7 =	vbroadcast v15, $0xF;
	v21, _, _ =	vpop (xrf2);
	(xrf2) =	vadd.scan.msk.f32 $0xffff, v19  }
0x142: {  	v5 =	vnsel vm4, $0x0, v5;
	v15 =	vsel vm8, $0x3F800000, v1;
	vm8 =	veq.s32 v45, $0x3;
	v23, _, _ =	vpop (xrf2);
	(xrf2) =	vadd.scan.msk.f32 $0xffff, v24  }
0x143: {  	v3 =	vadd.f32 v3, v6;
	v4 =	vadd.f32 v4, v5;
	v17 =	vnsel vm8, $0x0, v47;
	v25, _, _ =	vpop (xrf2);
	(xrf2) =	vadd.scan.msk.f32 $0xffff, v26  }
0x144: {  	v20 =	vnsel vm4, $0x0, v7;
	v6 =	vbroadcast v18, $0xF;
	v18 =	vsel vm8, $0x3F800000, v1  }
0x145: {  	vm8 =	veq.s32 v45, $0x4;
	v3 =	vadd.f32 v3, v20;
	v22 =	vbroadcast v21, $0xF  }
0x146: {  	v21 =	vnsel vm8, $0x0, v47;
	v6 =	vnsel vm5, $0x0, v6;
	v7 =	vbroadcast v23, $0xF;
	v28, _, _ =	vpop (xrf2);
	(xrf2) =	vadd.scan.msk.f32 $0xffff, v27  }
0x147: {  	v4 =	vadd.f32 v4, v6;
	v5 =	vnsel vm5, $0x0, v22;
	v6 =	vbroadcast v25, $0xF;
	v29, _, _ =	vpop (xrf2);
	(xrf2) =	vadd.scan.msk.f32 $0xffff, v30  }
0x148: {  	v22 =	vsel vm8, $0x3F800000, v1;
	vm8 =	veq.s32 v45, $0x5;
	v7 =	vnsel vm6, $0x0, v7;
	v32, _, _ =	vpop (xrf2);
	(xrf2) =	vadd.scan.msk.f32 $0xffff, v31  }
0x149: {  	v3 =	vadd.f32 v3, v5;
	v24 =	vnsel vm8, $0x0, v47;
	v5 =	vbroadcast v28, $0xF;
	v35, _, _ =	vpop (xrf2);
	(xrf2) =	vadd.scan.msk.f32 $0xffff, v33  }
0x14a: {  	v4 =	vadd.f32 v4, v7;
	v6 =	vnsel vm6, $0x0, v6;
	v7 =	vbroadcast v29, $0xF  }
0x14b: {  	v30 =	vld [tilespmem:$0x1C0];
	v3 =	vadd.f32 v3, v6;
	v29 =	vsel vm8, $0x3F800000, v1;
	v5 =	vnsel vm7, $0x0, v5;
	v37, _, _ =	vpop (xrf2);
	(xrf2) =	vadd.scan.msk.f32 $0xffff, v38  }
0x14c: {  	vm8 =	veq.s32 v45, $0x6;
	v4 =	vadd.f32 v4, v5;
	v34 =	vnsel vm7, $0x0, v7;
	v39, _, _ =	vpop (xrf2);
	(xrf2) =	vadd.scan.msk.f32 $0xffff, v40  }
0x14d: {  	v6 =	vbroadcast v32, $0xF;
	v32 =	vnsel vm8, $0x0, v47;
	v3 =	vadd.f32 v3, v34;
	v42, _, _ =	vpop (xrf2);
	(xrf2) =	vadd.scan.msk.f32 $0xffff, v41  }
0x14e: {  	v33 =	vld [tilespmem:$0xC0];
	v34 =	vsel vm8, $0x3F800000, v1;
	vm8 =	veq.s32 v45, $0x7;
	v36 =	vbroadcast v35, $0xF  }
0x14f: {  	v6 =	vnsel vm0, $0x0, v6;
	v8 =	vnsel vm8, $0x0, v47;
	v7 =	vbroadcast v37, $0xF  }
0x150: {  	v4 =	vadd.f32 v4, v6;
	v37 =	vsel vm8, $0x3F800000, v1;
	vm8 =	veq.s32 v30, $0x0;
	v43, _, _ =	vpop (xrf2);
	(xrf2) =	vadd.scan.msk.f32 $0xffff, v44  }
0x151: {  	v5 =	vnsel vm0, $0x0, v36;
	v6 =	vbroadcast v39, $0xF;
	v7 =	vnsel vm1, $0x0, v7;
	v48, _, _ =	vpop (xrf2);
	(xrf2) =	vadd.scan.msk.f32 $0xffff, v46  }
0x152: {  	v3 =	vadd.f32 v3, v5;
	v5 =	vbroadcast v42, $0xF;
	v4 =	vadd.f32 v4, v7;
	v51, _, _ =	vpop (xrf2);
	(xrf2) =	vadd.scan.msk.f32 $0xffff, v49  }
0x153: {  	v6 =	vnsel vm1, $0x0, v6;
	v39 =	vnsel vm8, $0x0, v33;
	v44 =	vsel vm8, $0x3F800000, v1;
	v53, _, _ =	vpop (xrf2);
	(xrf2) =	vadd.scan.msk.f32 $0xffff, v54  }
0x154: {  	vm8 =	veq.s32 v30, $0x1;
	v7 =	vbroadcast v43, $0xF;
	v3 =	vadd.f32 v3, v6  }
0x155: {  	v5 =	vnsel vm2, $0x0, v5;
	v46 =	vnsel vm8, $0x0, v33;
	v47 =	vsel vm8, $0x3F800000, v1;
	v55, _, _ =	vpop (xrf2);
	(xrf2) =	vadd.scan.msk.f32 $0xffff, v56  }
0x156: {  	vm8 =	veq.s32 v30, $0x2;
	v6 =	vbroadcast v48, $0xF;
	v50 =	vnsel vm2, $0x0, v7;
	v58, _, _ =	vpop (xrf2);
	(xrf2) =	vadd.scan.msk.f32 $0xffff, v57  }
0x157: {  	v4 =	vadd.f32 v4, v5;
	v3 =	vadd.f32 v3, v50;
	v52 =	vbroadcast v51, $0xF;
	v59, _, _ =	vpop (xrf2);
	(xrf2) =	vadd.scan.msk.f32 $0xffff, v60  }
0x158: {  	v6 =	vnsel vm3, $0x0, v6;
	v50 =	vnsel vm8, $0x0, v33;
	v51 =	vsel vm8, $0x3F800000, v1  }
0x159: {  	vm8 =	veq.s32 v30, $0x3;
	v4 =	vadd.f32 v4, v6;
	v7 =	vbroadcast v53, $0xF  }
0x15a: {  	v5 =	vnsel vm3, $0x0, v52;
	v53 =	vnsel vm8, $0x0, v33;
	v6 =	vbroadcast v55, $0xF;
	v62, _, _ =	vpop (xrf2);
	(xrf2) =	vadd.scan.msk.f32 $0xffff, v61  }
0x15b: {  	v3 =	vadd.f32 v3, v5;
	v7 =	vnsel vm4, $0x0, v7;
	v5 =	vbroadcast v58, $0xF;
	v12, _, _ =	vpop (xrf2);
	(xrf2) =	vadd.scan.msk.f32 $0xffff, v63  }
0x15c: {  	v58 =	vsel vm8, $0x3F800000, v1;
	vm8 =	veq.s32 v30, $0x4;
	v4 =	vadd.f32 v4, v7;
	v14, _, _ =	vpop (xrf2);
	(xrf2) =	vadd.scan.msk.f32 $0xffff, v15  }
0x15d: {  	v6 =	vnsel vm4, $0x0, v6;
	v7 =	vbroadcast v59, $0xF;
	v60 =	vnsel vm8, $0x0, v33;
	v16, _, _ =	vpop (xrf2);
	(xrf2) =	vadd.scan.msk.f32 $0xffff, v17  }
0x15e: {  	v3 =	vadd.f32 v3, v6;
	v5 =	vnsel vm5, $0x0, v5;
	v6 =	vbroadcast v62, $0xF  }
0x15f: {  	v61 =	vsel vm8, $0x3F800000, v1;
	vm8 =	veq.s32 v30, $0x5;
	v4 =	vadd.f32 v4, v5;
	v19, _, _ =	vpop (xrf2);
	(xrf2) =	vadd.scan.msk.f32 $0xffff, v18  }
0x160: {  	v11 =	vnsel vm5, $0x0, v7;
	v13 =	vbroadcast v12, $0xF;
	v6 =	vnsel vm6, $0x0, v6;
	v20, _, _ =	vpop (xrf2);
	(xrf2) =	vadd.scan.msk.f32 $0xffff, v21  }
0x161: {  	v3 =	vadd.f32 v3, v11;
	v7 =	vbroadcast v14, $0xF;
	v4 =	vadd.f32 v4, v6;
	v23, _, _ =	vpop (xrf2);
	(xrf2) =	vadd.scan.msk.f32 $0xffff, v22  }
0x162: {  	v5 =	vnsel vm6, $0x0, v13;
	v13 =	vnsel vm8, $0x0, v33;
	v14 =	vsel vm8, $0x3F800000, v1  }
0x163: {  	vm8 =	veq.s32 v30, $0x6;
	v7 =	vnsel vm7, $0x0, v7;
	v6 =	vbroadcast v16, $0xF  }
0x164: {  	v3 =	vadd.f32 v3, v5;
	v16 =	vnsel vm8, $0x0, v33;
	v4 =	vadd.f32 v4, v7;
	v26, _, _ =	vpop (xrf2);
	(xrf2) =	vadd.scan.msk.f32 $0xffff, v24  }
0x165: {  	v5 =	vbroadcast v19, $0xF;
	v19 =	vld [tilespmem:$0x1D0];
	v6 =	vnsel vm7, $0x0, v6;
	v7 =	vbroadcast v20, $0xF;
	v28, _, _ =	vpop (xrf2);
	(xrf2) =	vadd.scan.msk.f32 $0xffff, v29  }
0x166: {  	v22 =	vsel vm8, $0x3F800000, v1;
	vm8 =	veq.s32 v30, $0x7;
	v3 =	vadd.f32 v3, v6;
	v31, _, _ =	vpop (xrf2);
	(xrf2) =	vadd.scan.msk.f32 $0xffff, v32  }
0x167: {  	v5 =	vnsel vm0, $0x0, v5;
	v6 =	vbroadcast v23, $0xF;
	v23 =	vld [tilespmem:$0xD0];
	v25 =	vnsel vm0, $0x0, v7;
	v35, _, _ =	vpop (xrf2);
	(xrf2) =	vadd.scan.msk.f32 $0xffff, v34  }
0x168: {  	v9 =	vnsel vm8, $0x0, v33;
	v4 =	vadd.f32 v4, v5;
	v3 =	vadd.f32 v3, v25  }
0x169: {  	v27 =	vbroadcast v26, $0xF;
	v6 =	vnsel vm1, $0x0, v6;
	v7 =	vbroadcast v28, $0xF;
	v36, _, _ =	vpop (xrf2);
	(xrf2) =	vadd.scan.msk.f32 $0xffff, v8  }
0x16a: {  	v25 =	vsel vm8, $0x3F800000, v1;
	v4 =	vadd.f32 v4, v6;
	vm8 =	veq.s32 v19, $0x0;
	v38, _, _ =	vpop (xrf2);
	(xrf2) =	vadd.scan.msk.f32 $0xffff, v37  }
0x16b: {  	v5 =	vnsel vm1, $0x0, v27;
	v29 =	vsel vm8, $0x3F800000, v1;
	v7 =	vnsel vm2, $0x0, v7;
	v41, _, _ =	vpop (xrf2);
	(xrf2) =	vadd.scan.msk.f32 $0xffff, v39  }
0x16c: {  	v6 =	vbroadcast v31, $0xF;
	v28 =	vnsel vm8, $0x0, v23;
	vm8 =	veq.s32 v19, $0x1  }
0x16d: {  	v3 =	vadd.f32 v3, v5;
	v4 =	vadd.f32 v4, v7;
	v31 =	vnsel vm8, $0x0, v23  }
0x16e: {  	v6 =	vnsel vm2, $0x0, v6;
	v5 =	vbroadcast v35, $0xF;
	v7 =	vbroadcast v36, $0xF;
	v43, _, _ =	vpop (xrf2);
	(xrf2) =	vadd.scan.msk.f32 $0xffff, v44  }
0x16f: {  	v3 =	vadd.f32 v3, v6;
	v36 =	vsel vm8, $0x3F800000, v1;
	vm8 =	veq.s32 v19, $0x2;
	v45, _, _ =	vpop (xrf2);
	(xrf2) =	vadd.scan.msk.f32 $0xffff, v46  }
0x170: {  	v5 =	vnsel vm3, $0x0, v5;
	v6 =	vbroadcast v38, $0xF;
	v38 =	vnsel vm8, $0x0, v23;
	v48, _, _ =	vpop (xrf2);
	(xrf2) =	vadd.scan.msk.f32 $0xffff, v47  }
0x171: {  	v39 =	vsel vm8, $0x3F800000, v1;
	vm8 =	veq.s32 v19, $0x3;
	v4 =	vadd.f32 v4, v5;
	v49, _, _ =	vpop (xrf2);
	(xrf2) =	vadd.scan.msk.f32 $0xffff, v50  }
0x172: {  	v40 =	vnsel vm3, $0x0, v7;
	v42 =	vbroadcast v41, $0xF;
	v6 =	vnsel vm4, $0x0, v6  }
0x173: {  	v3 =	vadd.f32 v3, v40;
	v7 =	vbroadcast v43, $0xF;
	v4 =	vadd.f32 v4, v6;
	v52, _, _ =	vpop (xrf2);
	(xrf2) =	vadd.scan.msk.f32 $0xffff, v51  }
0x174: {  	v5 =	vnsel vm4, $0x0, v42;
	v42 =	vnsel vm8, $0x0, v23;
	v6 =	vbroadcast v45, $0xF;
	v55, _, _ =	vpop (xrf2);
	(xrf2) =	vadd.scan.msk.f32 $0xffff, v53  }
0x175: {  	v43 =	vsel vm8, $0x3F800000, v1;
	vm8 =	veq.s32 v19, $0x4;
	v3 =	vadd.f32 v3, v5;
	v57, _, _ =	vpop (xrf2);
	(xrf2) =	vadd.scan.msk.f32 $0xffff, v58  }
0x176: {  	v7 =	vnsel vm5, $0x0, v7;
	v6 =	vnsel vm5, $0x0, v6;
	v5 =	vbroadcast v48, $0xF  }
0x177: {  	v45 =	vnsel vm8, $0x0, v23;
	v4 =	vadd.f32 v4, v7;
	v3 =	vadd.f32 v3, v6  }
0x178: {  	v50 =	vsel vm8, $0x3F800000, v1;
	v7 =	vbroadcast v49, $0xF;
	v5 =	vnsel vm6, $0x0, v5;
	v59, _, _ =	vpop (xrf2);
	(xrf2) =	vadd.scan.msk.f32 $0xffff, v60  }
0x179: {  	vm8 =	veq.s32 v19, $0x5;
	v4 =	vadd.f32 v4, v5;
	v6 =	vbroadcast v52, $0xF;
	v62, _, _ =	vpop (xrf2);
	(xrf2) =	vadd.scan.msk.f32 $0xffff, v61  }
0x17a: {  	v52 =	vnsel vm8, $0x0, v23;
	v54 =	vnsel vm6, $0x0, v7;
	v56 =	vbroadcast v55, $0xF;
	v63, _, _ =	vpop (xrf2);
	(xrf2) =	vadd.scan.msk.f32 $0xffff, v13  }
0x17b: {  	v55 =	vsel vm8, $0x3F800000, v1;
	vm8 =	veq.s32 v19, $0x6;
	v7 =	vbroadcast v57, $0xF;
	v15, _, _ =	vpop (xrf2);
	(xrf2) =	vadd.scan.msk.f32 $0xffff, v14  }
0x17c: {  	v3 =	vadd.f32 v3, v54;
	v6 =	vnsel vm7, $0x0, v6;
	v57 =	vnsel vm8, $0x0, v23  }
0x17d: {  	v4 =	vadd.f32 v4, v6;
	v5 =	vnsel vm7, $0x0, v56;
	v7 =	vnsel vm0, $0x0, v7;
	v18, _, _ =	vpop (xrf2);
	(xrf2) =	vadd.scan.msk.f32 $0xffff, v16  }
0x17e: {  	v6 =	vbroadcast v59, $0xF;
	v3 =	vadd.f32 v3, v5;
	v59 =	vsel vm8, $0x3F800000, v1;
	v21, _, _ =	vpop (xrf2);
	(xrf2) =	vadd.scan.msk.f32 $0xffff, v22  }
0x17f: {  	vm8 =	veq.s32 v19, $0x7;
	v4 =	vadd.f32 v4, v7;
	v5 =	vbroadcast v62, $0xF;
	v24, _, _ =	vpop (xrf2);
	(xrf2) =	vadd.scan.msk.f32 $0xffff, v9  }
0x180: {  	v61 =	vnsel vm8, $0x0, v23;
	v6 =	vnsel vm0, $0x0, v6;
	v7 =	vbroadcast v63, $0xF  }
0x181: {  	v3 =	vadd.f32 v3, v6;
	v5 =	vnsel vm1, $0x0, v5;
	v6 =	vbroadcast v15, $0xF  }
0x182: {  	v4 =	vadd.f32 v4, v5;
	v17 =	vnsel vm1, $0x0, v7;
	v20 =	vbroadcast v18, $0xF;
	v26, _, _ =	vpop (xrf2);
	(xrf2) =	vadd.scan.msk.f32 $0xffff, v25  }
0x183: {  	v3 =	vadd.f32 v3, v17;
	v6 =	vnsel vm2, $0x0, v6;
	v7 =	vbroadcast v21, $0xF;
	v9 =	vld [tilespmem:$0x1E0];
	v27, _, _ =	vpop (xrf2);
	(xrf2) =	vadd.scan.msk.f32 $0xffff, v28  }
0x184: {  	v58 =	vld [tilespmem:$0xE0];
	v4 =	vadd.f32 v4, v6;
	v5 =	vnsel vm2, $0x0, v20;
	v6 =	vbroadcast v24, $0xF;
	v30, _, _ =	vpop (xrf2);
	(xrf2) =	vadd.scan.msk.f32 $0xffff, v29  }
0x185: {  	v7 =	vnsel vm3, $0x0, v7;
	v3 =	vadd.f32 v3, v5;
	v5 =	vbroadcast v26, $0xF;
	v33, _, _ =	vpop (xrf2);
	(xrf2) =	vadd.scan.msk.f32 $0xffff, v31  }
0x186: {  	v4 =	vadd.f32 v4, v7;
	v6 =	vnsel vm3, $0x0, v6;
	v7 =	vbroadcast v27, $0xF  }
0x187: {  	v15 =	vsel vm8, $0x3F800000, v1;
	v3 =	vadd.f32 v3, v6;
	v5 =	vnsel vm4, $0x0, v5;
	v35, _, _ =	vpop (xrf2);
	(xrf2) =	vadd.scan.msk.f32 $0xffff, v36  }
0x188: {  	vm8 =	veq.s32 v9, $0x0;
	v4 =	vadd.f32 v4, v5;
	v32 =	vnsel vm4, $0x0, v7;
	v37, _, _ =	vpop (xrf2);
	(xrf2) =	vadd.scan.msk.f32 $0xffff, v38  }
0x189: {  	v16 =	vnsel vm8, $0x0, v58;
	v20 =	vsel vm8, $0x3F800000, v1;
	vm8 =	veq.s32 v9, $0x1;
	v40, _, _ =	vpop (xrf2);
	(xrf2) =	vadd.scan.msk.f32 $0xffff, v39  }
0x18a: {  	v6 =	vbroadcast v30, $0xF;
	v3 =	vadd.f32 v3, v32;
	v22 =	vnsel vm8, $0x0, v58  }
0x18b: {  	v24 =	vsel vm8, $0x3F800000, v1;
	vm8 =	veq.s32 v9, $0x2;
	v34 =	vbroadcast v33, $0xF  }
0x18c: {  	v6 =	vnsel vm5, $0x0, v6;
	v26 =	vnsel vm8, $0x0, v58;
	v29 =	vsel vm8, $0x3F800000, v1;
	v41, _, _ =	vpop (xrf2);
	(xrf2) =	vadd.scan.msk.f32 $0xffff, v42  }
0x18d: {  	vm8 =	veq.s32 v9, $0x3;
	v7 =	vbroadcast v35, $0xF;
	v4 =	vadd.f32 v4, v6;
	v44, _, _ =	vpop (xrf2);
	(xrf2) =	vadd.scan.msk.f32 $0xffff, v43  }
0x18e: {  	v32 =	vnsel vm8, $0x0, v58;
	v36 =	vsel vm8, $0x3F800000, v1;
	vm8 =	veq.s32 v9, $0x4;
	v47, _, _ =	vpop (xrf2);
	(xrf2) =	vadd.scan.msk.f32 $0xffff, v45  }
0x18f: {  	v5 =	vnsel vm5, $0x0, v34;
	v6 =	vbroadcast v37, $0xF;
	v37 =	vnsel vm8, $0x0, v58;
	v49, _, _ =	vpop (xrf2);
	(xrf2) =	vadd.scan.msk.f32 $0xffff, v50  }
0x190: {  	v7 =	vnsel vm6, $0x0, v7;
	v3 =	vadd.f32 v3, v5;
	v5 =	vbroadcast v40, $0xF  }
0x191: {  	v4 =	vadd.f32 v4, v7;
	v6 =	vnsel vm6, $0x0, v6;
	v7 =	vbroadcast v41, $0xF;
	v51, _, _ =	vpop (xrf2);
	(xrf2) =	vadd.scan.msk.f32 $0xffff, v52  }
0x192: {  	v3 =	vadd.f32 v3, v6;
	v5 =	vnsel vm7, $0x0, v5;
	v41 =	vsel vm8, $0x3F800000, v1;
	v54, _, _ =	vpop (xrf2);
	(xrf2) =	vadd.scan.msk.f32 $0xffff, v55  }
0x193: {  	vm8 =	veq.s32 v9, $0x5;
	v4 =	vadd.f32 v4, v5;
	v6 =	vbroadcast v44, $0xF;
	v56, _, _ =	vpop (xrf2);
	(xrf2) =	vadd.scan.msk.f32 $0xffff, v57  }
0x194: {  	v46 =	vnsel vm7, $0x0, v7;
	v45 =	vnsel vm8, $0x0, v58;
	v48 =	vbroadcast v47, $0xF  }
0x195: {  	v3 =	vadd.f32 v3, v46;
	v6 =	vnsel vm0, $0x0, v6;
	v47 =	vsel vm8, $0x3F800000, v1  }
0x196: {  	vm8 =	veq.s32 v9, $0x6;
	v7 =	vbroadcast v49, $0xF;
	v5 =	vnsel vm0, $0x0, v48;
	v60, _, _ =	vpop (xrf2);
	(xrf2) =	vadd.scan.msk.f32 $0xffff, v59  }
0x197: {  	v4 =	vadd.f32 v4, v6;
	v52 =	vnsel vm8, $0x0, v58;
	v3 =	vadd.f32 v3, v5;
	v63, _, _ =	vpop (xrf2);
	(xrf2) =	vadd.scan.msk.f32 $0xffff, v61  }
0x198: {  	v6 =	vbroadcast v51, $0xF;
	v51 =	vld [tilespmem:$0x1F0];
	v53 =	vnsel vm1, $0x0, v7;
	v5 =	vbroadcast v54, $0xF;
	v14, _, _ =	vpop (xrf2);
	(xrf2) =	vadd.scan.msk.f32 $0xffff, v15  }
0x199: {  	v57 =	vsel vm8, $0x3F800000, v1;
	vm8 =	veq.s32 v9, $0x7;
	v4 =	vadd.f32 v4, v53;
	v18, _, _ =	vpop (xrf2);
	(xrf2) =	vadd.scan.msk.f32 $0xffff, v16  }
0x19a: {  	v6 =	vnsel vm1, $0x0, v6;
	v10 =	vbroadcast v56, $0xF;
	v53 =	vld [tilespmem:$0xF0];
	v9 =	vnsel vm8, $0x0, v58  }
0x19b: {  	v58 =	vsel vm8, $0x3F800000, v1;
	v3 =	vadd.f32 v3, v6;
	v5 =	vnsel vm2, $0x0, v5;
	v21, _, _ =	vpop (xrf2);
	(xrf2) =	vadd.scan.msk.f32 $0xffff, v20  }
0x19c: {  	v4 =	vadd.f32 v4, v5;
	v62 =	vnsel vm2, $0x0, v10;
	v6 =	vbroadcast v60, $0xF;
	v23, _, _ =	vpop (xrf2);
	(xrf2) =	vadd.scan.msk.f32 $0xffff, v22  }
0x19d: {  	v13 =	vbroadcast v63, $0xF;
	v3 =	vadd.f32 v3, v62;
	vm8 =	veq.s32 v51, $0x0;
	v25, _, _ =	vpop (xrf2);
	(xrf2) =	vadd.scan.msk.f32 $0xffff, v24  }
0x19e: {  	v6 =	vnsel vm3, $0x0, v6;
	v61 =	vsel vm8, $0x3F800000, v1;
	v8 =	vbroadcast v14, $0xF  }
0x19f: {  	v17 =	vnsel vm3, $0x0, v13;
	v60 =	vnsel vm8, $0x0, v53;
	vm8 =	veq.s32 v51, $0x1  }
0x1a0: {  	v4 =	vadd.f32 v4, v6;
	v3 =	vadd.f32 v3, v17;
	v63 =	vnsel vm8, $0x0, v53;
	v28, _, _ =	vpop (xrf2);
	(xrf2) =	vadd.scan.msk.f32 $0xffff, v26  }
0x1a1: {  	v14 =	vsel vm8, $0x3F800000, v1;
	vm8 =	veq.s32 v51, $0x2;
	v19 =	vnsel vm4, $0x0, v8;
	v30, _, _ =	vpop (xrf2);
	(xrf2) =	vadd.scan.msk.f32 $0xffff, v29  }
0x1a2: {  	v6 =	vbroadcast v18, $0xF;
	v15 =	vnsel vm8, $0x0, v53;
	v16 =	vsel vm8, $0x3F800000, v1;
	v34, _, _ =	vpop (xrf2);
	(xrf2) =	vadd.scan.msk.f32 $0xffff, v32  }
0x1a3: {  	vm8 =	veq.s32 v51, $0x3;
	v4 =	vadd.f32 v4, v19;
	v5 =	vbroadcast v21, $0xF;
	v35, _, _ =	vpop (xrf2);
	(xrf2) =	vadd.scan.msk.f32 $0xffff, v36  }
0x1a4: {  	v19 =	vnsel vm8, $0x0, v53;
	v20 =	vsel vm8, $0x3F800000, v1;
	vm8 =	veq.s32 v51, $0x4  }
0x1a5: {  	v6 =	vnsel vm4, $0x0, v6;
	v22 =	vnsel vm8, $0x0, v53;
	v38, _, _ =	vpop (xrf2);
	(xrf2) =	vadd.scan.msk.f32 $0xffff, v37  }
0x1a6: {  	v3 =	vadd.f32 v3, v6;
	v5 =	vnsel vm5, $0x0, v5;
	v6 =	vbroadcast v23, $0xF;
	v40, _, _ =	vpop (xrf2)  }
0x1a7: {  	v27 =	vbroadcast v25, $0xF;
	v25 =	vsel vm8, $0x3F800000, v1;
	vm8 =	veq.s32 v51, $0x5;
	v42, _, _ =	vpop (xrf2);
	(xrf2) =	vadd.scan.msk.f32 $0xffff, v41  }
0x1a8: {  	v4 =	vadd.f32 v4, v5;
	v6 =	vnsel vm5, $0x0, v6;
	v8 =	vbroadcast v28, $0xF  }
0x1a9: {  	v5 =	vnsel vm6, $0x0, v27;
	v31 =	vbroadcast v30, $0xF;
	v3 =	vadd.f32 v3, v6  }
0x1aa: {  	v4 =	vadd.f32 v4, v5;
	v33 =	vnsel vm6, $0x0, v8;
	v6 =	vbroadcast v34, $0xF;
	v44, _, _ =	vpop (xrf2);
	(xrf2) =	vadd.scan.msk.f32 $0xffff, v45  }
0x1ab: {  	v7 =	vnsel vm7, $0x0, v31;
	v3 =	vadd.f32 v3, v33;
	v8 =	vbroadcast v35, $0xF;
	v46, _, _ =	vpop (xrf2);
	(xrf2) =	vadd.scan.msk.f32 $0xffff, v47  }
0x1ac: {  	v4 =	vadd.f32 v4, v7;
	v6 =	vnsel vm7, $0x0, v6;
	v5 =	vbroadcast v38, $0xF;
	v50, _, _ =	vpop (xrf2)  }
0x1ad: {  	v3 =	vadd.f32 v3, v6;
	v39 =	vnsel vm0, $0x0, v8;
	v6 =	vbroadcast v40, $0xF;
	v54, _, _ =	vpop (xrf2);
	(xrf2) =	vadd.scan.msk.f32 $0xffff, v52  }
0x1ae: {  	v4 =	vadd.f32 v4, v39;
	v5 =	vnsel vm0, $0x0, v5;
	v43 =	vbroadcast v42, $0xF;
	(xrf2) =	vadd.scan.msk.f32 $0xffff, v57  }
0x1af: {  	v3 =	vadd.f32 v3, v5;
	v6 =	vnsel vm1, $0x0, v6;
	v7 =	vbroadcast v44, $0xF;
	v56, _, _ =	vpop (xrf2);
	(xrf2) =	vadd.scan.msk.f32 $0xffff, v9  }
0x1b0: {  	v4 =	vadd.f32 v4, v6;
	v5 =	vnsel vm1, $0x0, v43;
	v48 =	vbroadcast v46, $0xF;
	(xrf2) =	vadd.scan.msk.f32 $0xffff, v58  }
0x1b1: {  	v3 =	vadd.f32 v3, v5;
	v49 =	vnsel vm2, $0x0, v7;
	v7 =	vbroadcast v50, $0xF;
	v59, _, _ =	vpop (xrf2);
	(xrf2) =	vadd.scan.msk.f32 $0xffff, v60  }
0x1b2: {  	v6 =	vnsel vm2, $0x0, v48;
	v4 =	vadd.f32 v4, v49;
	v5 =	vbroadcast v54, $0xF;
	(xrf2) =	vadd.scan.msk.f32 $0xffff, v61  }
0x1b3: {  	v3 =	vadd.f32 v3, v6;
	v55 =	vnsel vm3, $0x0, v7;
	v7 =	vbroadcast v56, $0xF;
	(xrf2) =	vadd.scan.msk.f32 $0xffff, v63  }
0x1b4: {  	v28 =	vnsel vm8, $0x0, v53;
	v5 =	vnsel vm3, $0x0, v5;
	v9 =	vbroadcast v59, $0xF;
	v62, _, _ =	vpop (xrf2);
	(xrf2) =	vadd.scan.msk.f32 $0xffff, v14  }
0x1b5: {  	v4 =	vadd.f32 v4, v55;
	v7 =	vnsel vm4, $0x0, v7;
	v3 =	vadd.f32 v3, v5;
	v13, _, _ =	vpop (xrf2);
	(xrf2) =	vadd.scan.msk.f32 $0xffff, v15  }
0x1b6: {  	v12 =	vnsel vm4, $0x0, v9;
	v5 =	vbroadcast v62, $0xF;
	v9 =	vbroadcast v13, $0xF;
	(xrf2) =	vadd.scan.msk.f32 $0xffff, v16  }
0x1b7: {  	v30 =	vsel vm8, $0x3F800000, v1;
	vm8 =	veq.s32 v51, $0x6;
	v4 =	vadd.f32 v4, v7;
	v18, _, _ =	vpop (xrf2);
	(xrf2) =	vadd.scan.msk.f32 $0xffff, v19  }
0x1b8: {  	v5 =	vnsel vm5, $0x0, v5;
	v17 =	vnsel vm5, $0x0, v9;
	v9 =	vbroadcast v18, $0xF;
	v21, _, _ =	vpop (xrf2);
	(xrf2) =	vadd.scan.msk.f32 $0xffff, v20  }
0x1b9: {  	v32 =	vnsel vm8, $0x0, v53;
	v34 =	vsel vm8, $0x3F800000, v1;
	v4 =	vadd.f32 v4, v5;
	v24, _, _ =	vpop (xrf2);
	(xrf2) =	vadd.scan.msk.f32 $0xffff, v22  }
0x1ba: {  	vm8 =	veq.s32 v51, $0x7;
	v23 =	vnsel vm6, $0x0, v9;
	v26 =	vbroadcast v24, $0xF;
	v27, _, _ =	vpop (xrf2);
	(xrf2) =	vadd.scan.msk.f32 $0xffff, v25  }
0x1bb: {  	v37 =	vnsel vm8, $0x0, v53;
	v4 =	vadd.f32 v4, v23;
	v29, _, _ =	vpop (xrf2);
	(xrf2) =	vadd.scan.msk.f32 $0xffff, v28  }
0x1bc: {  	v3 =	vadd.f32 v3, v12;
	v7 =	vnsel vm7, $0x0, v26;
	v10 =	vbroadcast v29, $0xF;
	v31, _, _ =	vpop (xrf2);
	(xrf2) =	vadd.scan.msk.f32 $0xffff, v30  }
0x1bd: {  	v46 =	vsel vm8, $0x3F800000, v1;
	v5 =	vbroadcast v21, $0xF;
	v4 =	vadd.f32 v4, v7;
	v33, _, _ =	vpop (xrf2);
	(xrf2) =	vadd.scan.msk.f32 $0xffff, v32  }
0x1be: {  	v3 =	vadd.f32 v3, v17;
	v35, _, _ =	vpop (xrf2);
	(xrf2) =	vadd.scan.msk.f32 $0xffff, v34;
	v36 =	vnsel vm0, $0x0, v10;
	v7 =	vbroadcast v33, $0xF  }
0x1bf: {  	v5 =	vnsel vm6, $0x0, v5;
	v9 =	vbroadcast v27, $0xF;
	v4 =	vadd.f32 v4, v36;
	v38, _, _ =	vpop (xrf2);
	(xrf2) =	vadd.scan.msk.f32 $0xffff, v37  }
0x1c0: {  	v3 =	vadd.f32 v3, v5;
	v39, _, _ =	vpop (xrf2);
	v40 =	vnsel vm1, $0x0, v7;
	v6 =	vbroadcast v38, $0xF  }
0x1c1: {  	v9 =	vnsel vm7, $0x0, v9;
	v42 =	vbroadcast v31, $0xF;
	v41, _, _ =	vpop (xrf2);
	v4 =	vadd.f32 v4, v40  }
0x1c2: {  	v3 =	vadd.f32 v3, v9;
	v43, _, _ =	vpop (xrf2);
	v6 =	vnsel vm2, $0x0, v6;
	v7 =	vbroadcast v41, $0xF  }
0x1c3: {  	v11 =	vnsel vm0, $0x0, v42;
	v8 =	vbroadcast v35, $0xF;
	v44, _, _ =	vpop (xrf2);
	v4 =	vadd.f32 v4, v6  }
0x1c4: {  	v3 =	vadd.f32 v3, v11;
	(xrf2) =	vadd.scan.msk.f32 $0xffff, v46;
	v45, _, _ =	vpop (xrf2);
	v7 =	vnsel vm3, $0x0, v7;
	v9 =	vbroadcast v44, $0xF  }
0x1c5: {  	v8 =	vnsel vm1, $0x0, v8;
	v10 =	vbroadcast v39, $0xF;
	v4 =	vadd.f32 v4, v7;
	v47, _, _ =	vpop (xrf2)  }
0x1c6: {  	v3 =	vadd.f32 v3, v8;
	v48, _, _ =	vpop (xrf2);
	v9 =	vnsel vm4, $0x0, v9;
	v7 =	vbroadcast v47, $0xF  }
0x1c7: {  	v5 =	vbroadcast v43, $0xF;
	v51 =	vnsel vm2, $0x0, v10;
	v49, _, _ =	vpop (xrf2);
	v4 =	vadd.f32 v4, v9  }
0x1c8: {  	v3 =	vadd.f32 v3, v51;
	v50, _, _ =	vpop (xrf2);
	v7 =	vnsel vm5, $0x0, v7;
	v52 =	vbroadcast v49, $0xF  }
0x1c9: {  	v5 =	vnsel vm3, $0x0, v5;
	v6 =	vbroadcast v45, $0xF;
	v53, _, _ =	vpop (xrf2);
	v4 =	vadd.f32 v4, v7  }
0x1ca: {  	v3 =	vadd.f32 v3, v5;
	v54 =	vnsel vm6, $0x0, v52;
	v55 =	vbroadcast v53, $0xF  }
0x1cb: {  	v56 =	vnsel vm4, $0x0, v6;
	v57 =	vbroadcast v48, $0xF;
	v4 =	vadd.f32 v4, v54  }
0x1cc: {  	v3 =	vadd.f32 v3, v56;
	v58 =	vnsel vm7, $0x0, v55  }
0x1cd: {  	v59 =	vnsel vm5, $0x0, v57;
	v60 =	vbroadcast v50, $0xF;
	v4 =	vadd.f32 v4, v58  }
0x1ce: {  	[tilespmem:$0x280] =	vst v0;
	v3 =	vadd.f32 v3, v59;
	v61, _, _ =	vpop (xrf2)  }
0x1cf: {  	v62 =	vnsel vm6, $0x0, v60;
	v5 =	vbroadcast v61, $0xF;
	[tilespmem:$0x200] =	vst v4  }
0x1d0: {  	v3 =	vadd.f32 v3, v62;
	[spmem:s3] =	stream.indirect.scatter.add.f32 [tilespmem:s12], [sflag:$0x1], $0x10, s11, s9, $0xb8;
	[tilespmem:$0x508] =	vst v63  }
0x1d1: {  	v63 =	vnsel vm7, $0x0, v5;
	_ =	swait.ge [sflag:s9], $0x10  }
0x1d2: {  	v3 =	vadd.f32 v3, v63;
	[sflag:s9] =	ssyncset.done $0x0  }
0x1d3: {  	[sflag:s9] =	ssyncadd.s32 $0xFFFFFFF0  }
0x1d4: {  	[tilespmem:$0x200] =	vst v3  }
.Ltmp3:
0x1d5: {  	[tilespmem:$0x280] =	vst v2;
	(pc) =	sbr.rel .LBB2_3-.Ltmp3, $4  }
0x1d6: {  	[spmem:s3] =	stream.indirect.scatter.add.f32 [tilespmem:s12], [sflag:$0x1], $0x10, s11, s9, $0xb8;
	[tilespmem:$0x508] =	vst v63  }
0x1d7: {  	_ =	swait.ge [sflag:s9], $0x10  }
0x1d8: {  	[sflag:s9] =	ssyncset.done $0x0  }
0x1d9: {  	[sflag:s9] =	ssyncadd.s32 $0xFFFFFFF0  }
.LBB2_4:
0x1da: {  	_ =	sfence.sel $0x180000  }
0x1db: {  	[bflag:$0x0] =	sbarrier.arrive $0xFFFF  }
0x1dc: {  	p0 =	sne.s32 s2, $0x0;
	_ =	strace $0x90000047  }
0x1dd: {  	s0 =	sadd.s32 @!p0 $0x100000, s0;
	[bflag:$0x2] =	sbarrier.arrive $0xFFFF  }
0x1de: {  	[sflag:s0] =	ssyncadd.tile.s32 @!p0 $0x1;
	_ =	shalt  }
.Lfunc_end2:
_tile_overlayer_lowered:
.L_overlay_start_2:
0x1df: {  	(tag) =	ssettag $0x2  }
0x1e0: {  	s0 =	rddreg [dreg:$0x0];
	s2 =	stileid.u32  }
0x1e1: {  	s1 =	rddreg [dreg:$0x1];
	p0 =	sne.s32 s2, $0x0  }
0x1e2: {  	s3 =	rddreg [dreg:$0x2];
	[bflag:$0x3] =	sbarrier.arrive $0xFFFF;
	s2 =	simm.s32 @!p0 $0x1C01  }
0x1e3: {  	[timem:s3], [sflag:s2] =	dma.local @!p0 [hbm:s0], s1  }
0x1e4: {  	s0 =	simm.s32 @!p0 $0x1  }
0x1e5: {  	_ =	swait.ge @!p0 [sflag:s0], s1  }
0x1e6: {  	s1 =	ssub.s32 @!p0 $0x0, s1;
	[sflag:s0] =	ssyncset.done @!p0 $0x0  }
0x1e7: {  	[sflag:s0] =	ssyncadd.s32 @!p0 s1  }
0x1e8: {  	[bflag:$0x3] =	sbarrier.arrive $0xFFFF  }
0x1e9: {  	_ =	shalt  }

</sc_bundles>
